<compile_context>
chip_gen: v7x
topology: tpu7x:2x2x1
jax: 0.10.2.dev20260603
libtpu: 0.0.44.dev20260713+nightly
codegen_flags: <defaults>
</compile_context>

<pallas_src>
import functools

import jax
import jax.numpy as jnp
from jax import lax
from jax.experimental import pallas as pl
from jax.experimental.pallas import tpu as pltpu
from jax.experimental.pallas import tpu_sc as plsc

N = 10000
E = 320000
H = 128
NUM_LAYERS = 3
NUM_GRAPHS = 64

NTILES = 16
EDGES_PER_TILE = E // NTILES
CHUNK = 80
NCHUNK = EDGES_PER_TILE // CHUNK
GROUP = 25
NGROUP = NCHUNK // GROUP
NSLOT = 4
NQUAD = GROUP // NSLOT
ROWS_PER_TILE = 624
REM_ROWS = N - NTILES * ROWS_PER_TILE
REM_BASE = NTILES * ROWS_PER_TILE

BZ = 2000
BM = 2000
BF = 2000


def _gin_message_pass(x2n, src_t, srcn_t, dst_t):
    mesh = plsc.VectorSubcoreMesh(core_axis_name="c", subcore_axis_name="s")

    @functools.partial(
        pl.kernel,
        mesh=mesh,
        out_type=jax.ShapeDtypeStruct((2 * N, H), jnp.float32),
        scratch_types=[
            pltpu.VMEM((GROUP, CHUNK), jnp.int32),
            pltpu.VMEM((GROUP, CHUNK), jnp.int32),
            pltpu.VMEM((CHUNK, H), jnp.float32),
            pltpu.VMEM((CHUNK, H), jnp.float32),
            pltpu.VMEM((CHUNK, H), jnp.float32),
            pltpu.VMEM((CHUNK, H), jnp.float32),
            pltpu.VMEM_SHARED((N, H), jnp.float32),
            pltpu.SemaphoreType.DMA,
            pltpu.SemaphoreType.DMA,
            pltpu.SemaphoreType.DMA,
            pltpu.SemaphoreType.DMA,
            pltpu.SemaphoreType.DMA,
            pltpu.SemaphoreType.DMA,
            pltpu.SemaphoreType.DMA,
            pltpu.SemaphoreType.DMA,
        ],
    )
    def k(x_hbm, src_hbm, srcn_hbm, dst_hbm, h_hbm, src_v, dst_v, rows0_v,
          rows1_v, rows2_v, rows3_v, h_sh, sem_g0, sem_g1, sem_g2, sem_g3,
          sem_s0, sem_s1, sem_s2, sem_s3):
        c = lax.axis_index("c")
        s = lax.axis_index("s")

        row0 = c * N + s * ROWS_PER_TILE
        pltpu.sync_copy(x_hbm.at[pl.ds(row0, ROWS_PER_TILE)],
                        h_sh.at[pl.ds(s * ROWS_PER_TILE, ROWS_PER_TILE)])

        @pl.when(s == 0)
        def _():
            pltpu.sync_copy(x_hbm.at[pl.ds(c * N + REM_BASE, REM_ROWS)],
                            h_sh.at[pl.ds(REM_BASE, REM_ROWS)])

        plsc.subcore_barrier()

        def group(g, carry):
            @pl.when(c == 0)
            def _():
                pltpu.sync_copy(src_hbm.at[s, g], src_v)

            @pl.when(c != 0)
            def _():
                pltpu.sync_copy(srcn_hbm.at[s, g], src_v)

            pltpu.sync_copy(dst_hbm.at[s, g], dst_v)

            rows = (rows0_v, rows1_v, rows2_v, rows3_v)
            sems_g = (sem_g0, sem_g1, sem_g2, sem_g3)
            sems_s = (sem_s0, sem_s1, sem_s2, sem_s3)

            def drain_scatter(b):
                pltpu.make_async_copy(x_hbm.at[pl.ds(0, CHUNK)], rows[b],
                                      sems_s[b]).wait()

            def step(o, carry2):
                gs = []
                for b in range(NSLOT):
                    @pl.when(o > 0)
                    def _(b=b):
                        drain_scatter(b)
                    gs.append(pltpu.async_copy(
                        x_hbm.at[src_v.at[NSLOT * o + b]], rows[b],
                        sems_g[b]))
                for b in range(NSLOT):
                    gs[b].wait()
                    pltpu.async_copy(rows[b], h_sh.at[dst_v.at[NSLOT * o + b]],
                                     sems_s[b], add=True)
                return carry2

            lax.fori_loop(0, NQUAD, step, 0)
            for b in range(NSLOT):
                drain_scatter(b)
            jt = NSLOT * NQUAD
            pltpu.async_copy(x_hbm.at[src_v.at[jt]], rows0_v, sem_g0).wait()
            pltpu.async_copy(rows0_v, h_sh.at[dst_v.at[jt]], sem_s0,
                             add=True).wait()
            return carry

        lax.fori_loop(0, NGROUP, group, 0)
        plsc.subcore_barrier()

        pltpu.sync_copy(h_sh.at[pl.ds(s * ROWS_PER_TILE, ROWS_PER_TILE)],
                        h_hbm.at[pl.ds(row0, ROWS_PER_TILE)])

        @pl.when(s == 0)
        def _():
            pltpu.sync_copy(h_sh.at[pl.ds(REM_BASE, REM_ROWS)],
                            h_hbm.at[pl.ds(c * N + REM_BASE, REM_ROWS)])

    return k(x2n, src_t, srcn_t, dst_t)


def _init_body(z_ref, emb_ref, out_ref):
    c = pl.program_id(0)
    z2 = z_ref[...]
    mask = z2 == (c + 1)
    e0 = emb_ref[0, :][None, :]
    e1 = emb_ref[1, :][None, :]
    out_ref[...] = jnp.where(mask, e1, e0)


def _init_x(z_col, emb2):
    nblk = N // BZ
    return pl.pallas_call(
        _init_body,
        grid=(2, nblk),
        in_specs=[
            pl.BlockSpec((BZ, 1), lambda c, i: (i, 0)),
            pl.BlockSpec((2, H), lambda c, i: (0, 0)),
        ],
        out_specs=pl.BlockSpec((BZ, H), lambda c, i: (c * nblk + i, 0)),
        out_shape=jax.ShapeDtypeStruct((2 * N, H), jnp.float32),
    )(z_col, emb2)


def _mlp_body(h_ref, w1_ref, b1_ref, w2_ref, b2_ref, g_ref, be_ref, out_ref):
    t = jnp.dot(h_ref[...], w1_ref[...], preferred_element_type=jnp.float32)
    t = jnp.maximum(t + b1_ref[...], 0.0)
    t = jnp.dot(t, w2_ref[...], preferred_element_type=jnp.float32)
    t = jnp.maximum(t + b2_ref[...], 0.0)
    mu = jnp.mean(t, axis=1, keepdims=True)
    var = jnp.mean((t - mu) * (t - mu), axis=1, keepdims=True)
    out_ref[...] = (t - mu) / jnp.sqrt(var + 1e-5) * g_ref[...] + be_ref[...]


def _mlp_ln(h, w1, b1, w2, b2, g, be):
    nblk = (2 * N) // BM
    full = lambda c=None: pl.BlockSpec((H, H), lambda i: (0, 0))
    row = lambda: pl.BlockSpec((1, H), lambda i: (0, 0))
    return pl.pallas_call(
        _mlp_body,
        grid=(nblk,),
        in_specs=[
            pl.BlockSpec((BM, H), lambda i: (i, 0)),
            full(), row(), full(), row(), row(), row(),
        ],
        out_specs=pl.BlockSpec((BM, H), lambda i: (i, 0)),
        out_shape=jax.ShapeDtypeStruct((2 * N, H), jnp.float32),
    )(h, w1, b1, w2, b2, g, be)


def _final_body(x1_ref, x2_ref, x3_ref, w0_ref, b0_ref, batch_ref, wa_ref,
                ba_ref, wb_ref, bb_ref, out_ref, sums_s, cnts_s):
    c = pl.program_id(0)
    i = pl.program_id(1)
    nblk = pl.num_programs(1)

    @pl.when((c == 0) & (i == 0))
    def _():
        sums_s[...] = jnp.zeros_like(sums_s)
        cnts_s[...] = jnp.zeros_like(cnts_s)

    y = jnp.dot(x1_ref[...], w0_ref[0], preferred_element_type=jnp.float32)
    y += jnp.dot(x2_ref[...], w0_ref[1], preferred_element_type=jnp.float32)
    y += jnp.dot(x3_ref[...], w0_ref[2], preferred_element_type=jnp.float32)
    y = jnp.maximum(y + b0_ref[...], 0.0)

    b2 = batch_ref[...]
    oh = (lax.broadcasted_iota(jnp.int32, (BF, NUM_GRAPHS), 1)
          == b2).astype(jnp.float32)
    sums_s[...] += lax.dot_general(
        oh, y, (((0,), (0,)), ((), ())),
        preferred_element_type=jnp.float32)

    @pl.when(c == 0)
    def _():
        cnts_s[...] += lax.dot_general(
            oh, jnp.ones((BF, 1), jnp.float32), (((0,), (0,)), ((), ())),
            preferred_element_type=jnp.float32)

    @pl.when((c == 1) & (i == nblk - 1))
    def _():
        mean = sums_s[...] / jnp.maximum(cnts_s[...], 1.0)
        hh = jnp.dot(mean, wa_ref[...], preferred_element_type=jnp.float32)
        hh = jnp.maximum(hh + ba_ref[...], 0.0)
        out = jnp.dot(hh, wb_ref[...], preferred_element_type=jnp.float32)
        out_ref[...] = out + bb_ref[...]


def _final(x1, x2, x3, w0, b0, batch_col, wa, ba, wb, bb):
    nblk = N // BF
    return pl.pallas_call(
        _final_body,
        grid=(2, nblk),
        in_specs=[
            pl.BlockSpec((BF, H), lambda c, i: (c * nblk + i, 0)),
            pl.BlockSpec((BF, H), lambda c, i: (c * nblk + i, 0)),
            pl.BlockSpec((BF, H), lambda c, i: (c * nblk + i, 0)),
            pl.BlockSpec((NUM_LAYERS, H, H), lambda c, i: (0, 0, 0)),
            pl.BlockSpec((1, H), lambda c, i: (0, 0)),
            pl.BlockSpec((BF, 1), lambda c, i: (i, 0)),
            pl.BlockSpec((H, H), lambda c, i: (0, 0)),
            pl.BlockSpec((1, H), lambda c, i: (0, 0)),
            pl.BlockSpec((H, 1), lambda c, i: (0, 0)),
            pl.BlockSpec((1, 1), lambda c, i: (0, 0)),
        ],
        out_specs=pl.BlockSpec((NUM_GRAPHS, 1), lambda c, i: (0, 0)),
        out_shape=jax.ShapeDtypeStruct((NUM_GRAPHS, 1), jnp.float32),
        scratch_shapes=[
            pltpu.VMEM((NUM_GRAPHS, H), jnp.float32),
            pltpu.VMEM((NUM_GRAPHS, H), jnp.float32),
        ],
    )(x1, x2, x3, w0, b0, batch_col, wa, ba, wb, bb)


def kernel(z, edge_index, batch, z_emb, convW1, convb1, convW2, convb2,
           convg, convbe, lin0_W, lin0_b, linA_W, linA_b, linB_W, linB_b):
    src = edge_index[0]
    dst = edge_index[1]
    src_t = src.reshape(NTILES, NGROUP, GROUP, CHUNK)
    srcn_t = (src + N).reshape(NTILES, NGROUP, GROUP, CHUNK)
    dst_t = dst.reshape(NTILES, NGROUP, GROUP, CHUNK)

    x = _init_x(z.reshape(N, 1), z_emb[:2])

    xs = []
    for i in range(NUM_LAYERS):
        h = _gin_message_pass(x, src_t, srcn_t, dst_t)
        x = _mlp_ln(h, convW1[i], convb1[i].reshape(1, H),
                    convW2[i], convb2[i].reshape(1, H),
                    convg[i].reshape(1, H), convbe[i].reshape(1, H))
        xs.append(x)

    return _final(xs[0], xs[1], xs[2],
                  lin0_W.reshape(NUM_LAYERS, H, H), lin0_b.reshape(1, H),
                  batch.reshape(N, 1),
                  linA_W, linA_b.reshape(1, H),
                  linB_W, linB_b.reshape(1, 1))

# --- scband reference (transcript-rebuilt; emitter-appended) ---
"""Pipeline reference for scband-plabeling-zogin-41351945126322 (READ-ONLY COPY).

The authoritative reference and input builder live on the scoring server;
editing this copy changes nothing except your own understanding.
"""

import jax, jax.numpy as jnp
import numpy as np

N = 10000
E = 320000
H = 128
NUM_LAYERS = 3
MAX_Z = 1000
NUM_GRAPHS = 64


def _glorot(key, shape, fan_in):
    return jax.random.normal(key, shape, dtype=jnp.float32) * (1.0 / np.sqrt(fan_in))


def setup_inputs(seed: int = 0) -> dict:
    key = jax.random.key(seed)
    ks = jax.random.split(key, 20)
    inp = {}
    inp["z"] = jax.random.randint(ks[0], (N,), 0, 3, dtype=jnp.int32)
    inp["edge_index"] = jax.random.randint(ks[1], (2, E), 0, N, dtype=jnp.int32)
    inp["batch"] = jnp.sort(jax.random.randint(ks[2], (N,), 0, NUM_GRAPHS, dtype=jnp.int32))
    # learned parameters
    inp["z_emb"] = jax.random.normal(ks[3], (MAX_Z, H), dtype=jnp.float32)
    inp["convW1"] = _glorot(ks[4], (NUM_LAYERS, H, H), H)
    inp["convb1"] = jnp.zeros((NUM_LAYERS, H), dtype=jnp.float32)
    inp["convW2"] = _glorot(ks[5], (NUM_LAYERS, H, H), H)
    inp["convb2"] = jnp.zeros((NUM_LAYERS, H), dtype=jnp.float32)
    inp["convg"] = jnp.ones((NUM_LAYERS, H), dtype=jnp.float32)
    inp["convbe"] = jnp.zeros((NUM_LAYERS, H), dtype=jnp.float32)
    inp["lin0_W"] = _glorot(ks[6], (NUM_LAYERS * H, H), NUM_LAYERS * H)
    inp["lin0_b"] = jnp.zeros((H,), dtype=jnp.float32)
    inp["linA_W"] = _glorot(ks[7], (H, H), H)
    inp["linA_b"] = jnp.zeros((H,), dtype=jnp.float32)
    inp["linB_W"] = _glorot(ks[8], (H, 1), H)
    inp["linB_b"] = jnp.zeros((1,), dtype=jnp.float32)
    return inp


def _layer_norm(x, g, b):
    mu = jnp.mean(x, axis=-1, keepdims=True)
    var = jnp.var(x, axis=-1, keepdims=True)
    return (x - mu) / jnp.sqrt(var + 1e-5) * g + b


def reference(z, edge_index, batch, z_emb, convW1, convb1, convW2, convb2, convg, convbe, lin0_W, lin0_b, linA_W, linA_b, linB_W, linB_b):
    # label trick: ([[1],[2]] == z) -> {0,1} indices into z_embedding, x has leading dim 2
    lab = (jnp.array([[1], [2]], dtype=z.dtype) == z[None, :]).astype(jnp.int32)  # [2, N]
    x = z_emb[lab]  # [2, N, H]
    src = edge_index[0]
    dst = edge_index[1]
    xs = []
    for i in range(NUM_LAYERS):
        # GINConv: out = nn((1 + eps) * x + sum_{j in N(i)} x_j), eps = 0
        msg = x[:, src, :]                              # gather along node dim
        agg = jnp.zeros_like(x).at[:, dst, :].add(msg)  # scatter-add
        h = x + agg
        h = jnp.maximum(h @ convW1[i] + convb1[i], 0.0)
        h = jnp.maximum(h @ convW2[i] + convb2[i], 0.0)
        x = _layer_norm(h, convg[i], convbe[i])
        xs.append(x)
    x = jnp.concatenate(xs, axis=-1)                    # JK concat: [2, N, 3H]
    x = jnp.maximum(x @ lin0_W + lin0_b, 0.0)           # lin0 (dropout = identity in eval)
    x = x.sum(axis=0)                                   # [N, H]
    # global_mean_pool
    sums = jax.ops.segment_sum(x, batch, num_segments=NUM_GRAPHS)
    cnts = jax.ops.segment_sum(jnp.ones((x.shape[0],), x.dtype), batch, num_segments=NUM_GRAPHS)
    mean = sums / jnp.maximum(cnts, 1.0)[:, None]
    h = jnp.maximum(mean @ linA_W + linA_b, 0.0)
    out = h @ linB_W + linB_b                           # [NUM_GRAPHS, 1]
    return out

if __name__ == "__main__":
    import jax
    _d = setup_inputs()
    print(jax.jit(kernel)(*tuple(_d.values())))

</pallas_src>

<mosaic_0001>
#map = affine_map<(d0, d1) -> (0, 0)>
#map1 = affine_map<(d0, d1) -> (0, 0, 0, 0)>
module attributes {stable_mosaic.version = 14 : i64} {
  func.func @k(%arg0: i32, %arg1: i32, %arg2: memref<20000x128xf32, #tpu.memory_space<hbm>>, %arg3: memref<16x10x25x80xi32, #tpu.memory_space<hbm>>, %arg4: memref<16x10x25x80xi32, #tpu.memory_space<hbm>>, %arg5: memref<16x10x25x80xi32, #tpu.memory_space<hbm>>, %arg6: memref<20000x128xf32, #tpu.memory_space<hbm>>, %arg7: memref<25x80xi32, #tpu.memory_space<vmem>>, %arg8: memref<25x80xi32, #tpu.memory_space<vmem>>, %arg9: memref<80x128xf32, #tpu.memory_space<vmem>>, %arg10: memref<80x128xf32, #tpu.memory_space<vmem>>, %arg11: memref<80x128xf32, #tpu.memory_space<vmem>>, %arg12: memref<80x128xf32, #tpu.memory_space<vmem>>, %arg13: memref<10000x128xf32, #tpu.memory_space<vmem_shared>>, %arg14: memref<!tpu.dma_semaphore, #tpu.memory_space<semaphore_mem>>, %arg15: memref<!tpu.dma_semaphore, #tpu.memory_space<semaphore_mem>>, %arg16: memref<!tpu.dma_semaphore, #tpu.memory_space<semaphore_mem>>, %arg17: memref<!tpu.dma_semaphore, #tpu.memory_space<semaphore_mem>>, %arg18: memref<!tpu.dma_semaphore, #tpu.memory_space<semaphore_mem>>, %arg19: memref<!tpu.dma_semaphore, #tpu.memory_space<semaphore_mem>>, %arg20: memref<!tpu.dma_semaphore, #tpu.memory_space<semaphore_mem>>, %arg21: memref<!tpu.dma_semaphore, #tpu.memory_space<semaphore_mem>>) attributes {dimension_semantics = [#tpu.dimension_semantics<core_parallel>, #tpu.dimension_semantics<subcore_parallel>], iteration_bounds = array<i64: 2, 16>, scalar_prefetch = 0 : i64, scratch_operands = 15 : i64, tpu.core_type = #tpu.core_type<sc_vector_subcore>, window_params = [{transform_indices = #map}, {transform_indices = #map1}, {transform_indices = #map1}, {transform_indices = #map1}, {transform_indices = #map}]} {
    %mul3A = arith.constant 10000 : i32
    %mul3A_0 = arith.muli %arg0, %mul3A : i32
    %mul3A_1 = arith.constant 624 : i32
    %mul3A_2 = arith.muli %arg1, %mul3A_1 : i32
    %add3A = arith.addi %mul3A_0, %mul3A_2 : i32
    %mul3A_3 = arith.constant 624 : i32
    %mul3A_4 = arith.muli %arg1, %mul3A_3 : i32
    "tpu.region"() ({
      %run_scoped3A = tpu.sem_alloc : memref<!tpu.dma_semaphore, #tpu.memory_space<semaphore_mem>>
      %dma_start3A = arith.constant 0 : i32
      %dma_start3A_20 = tpu.memref_slice %arg13[%mul3A_4, %dma_start3A] : memref<10000x128xf32, #tpu.memory_space<vmem_shared>> -> memref<624x128xf32, #tpu.memory_space<vmem_shared>>
      %dma_start3A_21 = arith.constant 0 : i32
      %dma_start3A_22 = tpu.memref_slice %arg2[%add3A, %dma_start3A_21] : memref<20000x128xf32, #tpu.memory_space<hbm>> -> memref<624x128xf32, #tpu.memory_space<hbm>>
      tpu.enqueue_dma source(%dma_start3A_22 : memref<624x128xf32, #tpu.memory_space<hbm>>) target(%dma_start3A_20 : memref<624x128xf32, #tpu.memory_space<vmem_shared>>) target_semaphore(%run_scoped3A : memref<!tpu.dma_semaphore, #tpu.memory_space<semaphore_mem>>)
      %dma_wait3A = arith.constant 0 : i32
      %dma_wait3A_23 = tpu.memref_slice %arg13[%mul3A_4, %dma_wait3A] : memref<10000x128xf32, #tpu.memory_space<vmem_shared>> -> memref<624x128xf32, #tpu.memory_space<vmem_shared>>
      %dma_wait3A_24 = arith.constant 0 : i32
      %dma_wait3A_25 = tpu.memref_slice %arg2[%add3A, %dma_wait3A_24] : memref<20000x128xf32, #tpu.memory_space<hbm>> -> memref<624x128xf32, #tpu.memory_space<hbm>>
      tpu.wait_dma2 semaphore(%run_scoped3A : memref<!tpu.dma_semaphore, #tpu.memory_space<semaphore_mem>>) src(%dma_wait3A_25 : memref<624x128xf32, #tpu.memory_space<hbm>>) dst(%dma_wait3A_23 : memref<624x128xf32, #tpu.memory_space<vmem_shared>>)
      tpu.yield
    }) : () -> ()
    %eq3A = arith.constant 0 : i32
    %eq3A_5 = arith.cmpi eq, %arg1, %eq3A : i32
    %convert_element_type3A = arith.extui %eq3A_5 : i1 to i32
    %cond3A = arith.constant 0 : i32
    %cond3A_6 = arith.cmpi ne, %convert_element_type3A, %cond3A : i32
    scf.if %cond3A_6 {
      %mul3A_20 = arith.constant 10000 : i32
      %mul3A_21 = arith.muli %arg0, %mul3A_20 : i32
      %add3A_22 = arith.constant 9984 : i32
      %add3A_23 = arith.addi %mul3A_21, %add3A_22 : i32
      "tpu.region"() ({
        %run_scoped3A = tpu.sem_alloc : memref<!tpu.dma_semaphore, #tpu.memory_space<semaphore_mem>>
        %dma_start3A = arith.constant 9984 : i32
        %dma_start3A_24 = arith.constant 0 : i32
        %dma_start3A_25 = tpu.memref_slice %arg13[%dma_start3A, %dma_start3A_24] : memref<10000x128xf32, #tpu.memory_space<vmem_shared>> -> memref<16x128xf32, #tpu.memory_space<vmem_shared>>
        %dma_start3A_26 = arith.constant 0 : i32
        %dma_start3A_27 = tpu.memref_slice %arg2[%add3A_23, %dma_start3A_26] : memref<20000x128xf32, #tpu.memory_space<hbm>> -> memref<16x128xf32, #tpu.memory_space<hbm>>
        tpu.enqueue_dma source(%dma_start3A_27 : memref<16x128xf32, #tpu.memory_space<hbm>>) target(%dma_start3A_25 : memref<16x128xf32, #tpu.memory_space<vmem_shared>>) target_semaphore(%run_scoped3A : memref<!tpu.dma_semaphore, #tpu.memory_space<semaphore_mem>>)
        %dma_wait3A = arith.constant 9984 : i32
        %dma_wait3A_28 = arith.constant 0 : i32
        %dma_wait3A_29 = tpu.memref_slice %arg13[%dma_wait3A, %dma_wait3A_28] : memref<10000x128xf32, #tpu.memory_space<vmem_shared>> -> memref<16x128xf32, #tpu.memory_space<vmem_shared>>
        %dma_wait3A_30 = arith.constant 0 : i32
        %dma_wait3A_31 = tpu.memref_slice %arg2[%add3A_23, %dma_wait3A_30] : memref<20000x128xf32, #tpu.memory_space<hbm>> -> memref<16x128xf32, #tpu.memory_space<hbm>>
        tpu.wait_dma2 semaphore(%run_scoped3A : memref<!tpu.dma_semaphore, #tpu.memory_space<semaphore_mem>>) src(%dma_wait3A_31 : memref<16x128xf32, #tpu.memory_space<hbm>>) dst(%dma_wait3A_29 : memref<16x128xf32, #tpu.memory_space<vmem_shared>>)
        tpu.yield
      }) : () -> ()
    } else {
    }
    %barrier3A = arith.constant 0 : index
    tpu.barrier barrier_id(%barrier3A)
    %scan3A = arith.constant 0 : i32
    %scan3A_7 = arith.constant 0 : i32
    %scan3A_8 = arith.constant 10 : i32
    %scan3A_9 = arith.addi %scan3A_7, %scan3A_8 : i32
    %scan3A_10 = arith.constant 1 : i32
    scf.for %scan3A_20 = %scan3A_7 to %scan3A_9 step %scan3A_10  : i32 {
      %eq3A_21 = arith.constant 0 : i32
      %eq3A_22 = arith.cmpi eq, %arg0, %eq3A_21 : i32
      %convert_element_type3A_23 = arith.extui %eq3A_22 : i1 to i32
      %cond3A_24 = arith.constant 0 : i32
      %cond3A_25 = arith.cmpi ne, %convert_element_type3A_23, %cond3A_24 : i32
      scf.if %cond3A_25 {
        "tpu.region"() ({
          %run_scoped3A = tpu.sem_alloc : memref<!tpu.dma_semaphore, #tpu.memory_space<semaphore_mem>>
          %dma_start3A_86 = arith.constant 0 : i32
          %dma_start3A_87 = arith.constant 0 : i32
          %dma_start3A_88 = tpu.memref_slice %arg3[%arg1, %scan3A_20, %dma_start3A_86, %dma_start3A_87] : memref<16x10x25x80xi32, #tpu.memory_space<hbm>> -> memref<1x1x25x80xi32, #tpu.memory_space<hbm>>
          %dma_start3A_89 = tpu.memref_squeeze %dma_start3A_88 : memref<1x1x25x80xi32, #tpu.memory_space<hbm>> -> memref<25x80xi32, #tpu.memory_space<hbm>>
          %dma_start3A_90 = arith.constant 0 : i32
          %dma_start3A_91 = arith.constant 0 : i32
          %dma_start3A_92 = tpu.memref_slice %arg3[%arg1, %scan3A_20, %dma_start3A_90, %dma_start3A_91] : memref<16x10x25x80xi32, #tpu.memory_space<hbm>> -> memref<1x1x25x80xi32, #tpu.memory_space<hbm>>
          %dma_start3A_93 = tpu.memref_squeeze %dma_start3A_92 : memref<1x1x25x80xi32, #tpu.memory_space<hbm>> -> memref<25x80xi32, #tpu.memory_space<hbm>>
          tpu.enqueue_dma source(%dma_start3A_93 : memref<25x80xi32, #tpu.memory_space<hbm>>) target(%arg7 : memref<25x80xi32, #tpu.memory_space<vmem>>) target_semaphore(%run_scoped3A : memref<!tpu.dma_semaphore, #tpu.memory_space<semaphore_mem>>)
          %dma_wait3A_94 = arith.constant 0 : i32
          %dma_wait3A_95 = arith.constant 0 : i32
          %dma_wait3A_96 = tpu.memref_slice %arg3[%arg1, %scan3A_20, %dma_wait3A_94, %dma_wait3A_95] : memref<16x10x25x80xi32, #tpu.memory_space<hbm>> -> memref<1x1x25x80xi32, #tpu.memory_space<hbm>>
          %dma_wait3A_97 = tpu.memref_squeeze %dma_wait3A_96 : memref<1x1x25x80xi32, #tpu.memory_space<hbm>> -> memref<25x80xi32, #tpu.memory_space<hbm>>
          %dma_wait3A_98 = arith.constant 0 : i32
          %dma_wait3A_99 = arith.constant 0 : i32
          %dma_wait3A_100 = tpu.memref_slice %arg3[%arg1, %scan3A_20, %dma_wait3A_98, %dma_wait3A_99] : memref<16x10x25x80xi32, #tpu.memory_space<hbm>> -> memref<1x1x25x80xi32, #tpu.memory_space<hbm>>
          %dma_wait3A_101 = tpu.memref_squeeze %dma_wait3A_100 : memref<1x1x25x80xi32, #tpu.memory_space<hbm>> -> memref<25x80xi32, #tpu.memory_space<hbm>>
          tpu.wait_dma2 semaphore(%run_scoped3A : memref<!tpu.dma_semaphore, #tpu.memory_space<semaphore_mem>>) src(%dma_wait3A_101 : memref<25x80xi32, #tpu.memory_space<hbm>>) dst(%arg7 : memref<25x80xi32, #tpu.memory_space<vmem>>)
          tpu.yield
        }) : () -> ()
      } else {
      }
      %ne3A = arith.constant 0 : i32
      %ne3A_26 = arith.cmpi ne, %arg0, %ne3A : i32
      %convert_element_type3A_27 = arith.extui %ne3A_26 : i1 to i32
      %cond3A_28 = arith.constant 0 : i32
      %cond3A_29 = arith.cmpi ne, %convert_element_type3A_27, %cond3A_28 : i32
      scf.if %cond3A_29 {
        "tpu.region"() ({
          %run_scoped3A = tpu.sem_alloc : memref<!tpu.dma_semaphore, #tpu.memory_space<semaphore_mem>>
          %dma_start3A_86 = arith.constant 0 : i32
          %dma_start3A_87 = arith.constant 0 : i32
          %dma_start3A_88 = tpu.memref_slice %arg4[%arg1, %scan3A_20, %dma_start3A_86, %dma_start3A_87] : memref<16x10x25x80xi32, #tpu.memory_space<hbm>> -> memref<1x1x25x80xi32, #tpu.memory_space<hbm>>
          %dma_start3A_89 = tpu.memref_squeeze %dma_start3A_88 : memref<1x1x25x80xi32, #tpu.memory_space<hbm>> -> memref<25x80xi32, #tpu.memory_space<hbm>>
          %dma_start3A_90 = arith.constant 0 : i32
          %dma_start3A_91 = arith.constant 0 : i32
          %dma_start3A_92 = tpu.memref_slice %arg4[%arg1, %scan3A_20, %dma_start3A_90, %dma_start3A_91] : memref<16x10x25x80xi32, #tpu.memory_space<hbm>> -> memref<1x1x25x80xi32, #tpu.memory_space<hbm>>
          %dma_start3A_93 = tpu.memref_squeeze %dma_start3A_92 : memref<1x1x25x80xi32, #tpu.memory_space<hbm>> -> memref<25x80xi32, #tpu.memory_space<hbm>>
          tpu.enqueue_dma source(%dma_start3A_93 : memref<25x80xi32, #tpu.memory_space<hbm>>) target(%arg7 : memref<25x80xi32, #tpu.memory_space<vmem>>) target_semaphore(%run_scoped3A : memref<!tpu.dma_semaphore, #tpu.memory_space<semaphore_mem>>)
          %dma_wait3A_94 = arith.constant 0 : i32
          %dma_wait3A_95 = arith.constant 0 : i32
          %dma_wait3A_96 = tpu.memref_slice %arg4[%arg1, %scan3A_20, %dma_wait3A_94, %dma_wait3A_95] : memref<16x10x25x80xi32, #tpu.memory_space<hbm>> -> memref<1x1x25x80xi32, #tpu.memory_space<hbm>>
          %dma_wait3A_97 = tpu.memref_squeeze %dma_wait3A_96 : memref<1x1x25x80xi32, #tpu.memory_space<hbm>> -> memref<25x80xi32, #tpu.memory_space<hbm>>
          %dma_wait3A_98 = arith.constant 0 : i32
          %dma_wait3A_99 = arith.constant 0 : i32
          %dma_wait3A_100 = tpu.memref_slice %arg4[%arg1, %scan3A_20, %dma_wait3A_98, %dma_wait3A_99] : memref<16x10x25x80xi32, #tpu.memory_space<hbm>> -> memref<1x1x25x80xi32, #tpu.memory_space<hbm>>
          %dma_wait3A_101 = tpu.memref_squeeze %dma_wait3A_100 : memref<1x1x25x80xi32, #tpu.memory_space<hbm>> -> memref<25x80xi32, #tpu.memory_space<hbm>>
          tpu.wait_dma2 semaphore(%run_scoped3A : memref<!tpu.dma_semaphore, #tpu.memory_space<semaphore_mem>>) src(%dma_wait3A_101 : memref<25x80xi32, #tpu.memory_space<hbm>>) dst(%arg7 : memref<25x80xi32, #tpu.memory_space<vmem>>)
          tpu.yield
        }) : () -> ()
      } else {
      }
      "tpu.region"() ({
        %run_scoped3A = tpu.sem_alloc : memref<!tpu.dma_semaphore, #tpu.memory_space<semaphore_mem>>
        %dma_start3A_86 = arith.constant 0 : i32
        %dma_start3A_87 = arith.constant 0 : i32
        %dma_start3A_88 = tpu.memref_slice %arg5[%arg1, %scan3A_20, %dma_start3A_86, %dma_start3A_87] : memref<16x10x25x80xi32, #tpu.memory_space<hbm>> -> memref<1x1x25x80xi32, #tpu.memory_space<hbm>>
        %dma_start3A_89 = tpu.memref_squeeze %dma_start3A_88 : memref<1x1x25x80xi32, #tpu.memory_space<hbm>> -> memref<25x80xi32, #tpu.memory_space<hbm>>
        %dma_start3A_90 = arith.constant 0 : i32
        %dma_start3A_91 = arith.constant 0 : i32
        %dma_start3A_92 = tpu.memref_slice %arg5[%arg1, %scan3A_20, %dma_start3A_90, %dma_start3A_91] : memref<16x10x25x80xi32, #tpu.memory_space<hbm>> -> memref<1x1x25x80xi32, #tpu.memory_space<hbm>>
        %dma_start3A_93 = tpu.memref_squeeze %dma_start3A_92 : memref<1x1x25x80xi32, #tpu.memory_space<hbm>> -> memref<25x80xi32, #tpu.memory_space<hbm>>
        tpu.enqueue_dma source(%dma_start3A_93 : memref<25x80xi32, #tpu.memory_space<hbm>>) target(%arg8 : memref<25x80xi32, #tpu.memory_space<vmem>>) target_semaphore(%run_scoped3A : memref<!tpu.dma_semaphore, #tpu.memory_space<semaphore_mem>>)
        %dma_wait3A_94 = arith.constant 0 : i32
        %dma_wait3A_95 = arith.constant 0 : i32
        %dma_wait3A_96 = tpu.memref_slice %arg5[%arg1, %scan3A_20, %dma_wait3A_94, %dma_wait3A_95] : memref<16x10x25x80xi32, #tpu.memory_space<hbm>> -> memref<1x1x25x80xi32, #tpu.memory_space<hbm>>
        %dma_wait3A_97 = tpu.memref_squeeze %dma_wait3A_96 : memref<1x1x25x80xi32, #tpu.memory_space<hbm>> -> memref<25x80xi32, #tpu.memory_space<hbm>>
        %dma_wait3A_98 = arith.constant 0 : i32
        %dma_wait3A_99 = arith.constant 0 : i32
        %dma_wait3A_100 = tpu.memref_slice %arg5[%arg1, %scan3A_20, %dma_wait3A_98, %dma_wait3A_99] : memref<16x10x25x80xi32, #tpu.memory_space<hbm>> -> memref<1x1x25x80xi32, #tpu.memory_space<hbm>>
        %dma_wait3A_101 = tpu.memref_squeeze %dma_wait3A_100 : memref<1x1x25x80xi32, #tpu.memory_space<hbm>> -> memref<25x80xi32, #tpu.memory_space<hbm>>
        tpu.wait_dma2 semaphore(%run_scoped3A : memref<!tpu.dma_semaphore, #tpu.memory_space<semaphore_mem>>) src(%dma_wait3A_101 : memref<25x80xi32, #tpu.memory_space<hbm>>) dst(%arg8 : memref<25x80xi32, #tpu.memory_space<vmem>>)
        tpu.yield
      }) : () -> ()
      %scan3A_30 = arith.constant 0 : i32
      %scan3A_31 = arith.constant 0 : i32
      %scan3A_32 = arith.constant 6 : i32
      %scan3A_33 = arith.addi %scan3A_31, %scan3A_32 : i32
      %scan3A_34 = arith.constant 1 : i32
      scf.for %scan3A_86 = %scan3A_31 to %scan3A_33 step %scan3A_34  : i32 {
        %gt3A = arith.constant 0 : i32
        %gt3A_87 = arith.cmpi sgt, %scan3A_86, %gt3A : i32
        %convert_element_type3A_88 = arith.extui %gt3A_87 : i1 to i32
        %cond3A_89 = arith.constant 0 : i32
        %cond3A_90 = arith.cmpi ne, %convert_element_type3A_88, %cond3A_89 : i32
        scf.if %cond3A_90 {
          %dma_wait3A_210 = arith.constant 0 : i32
          %dma_wait3A_211 = arith.constant 0 : i32
          %dma_wait3A_212 = tpu.memref_slice %arg2[%dma_wait3A_210, %dma_wait3A_211] : memref<20000x128xf32, #tpu.memory_space<hbm>> -> memref<80x128xf32, #tpu.memory_space<hbm>>
          %dma_wait3A_213 = arith.constant 0 : i32
          %dma_wait3A_214 = arith.constant 0 : i32
          %dma_wait3A_215 = tpu.memref_slice %arg2[%dma_wait3A_213, %dma_wait3A_214] : memref<20000x128xf32, #tpu.memory_space<hbm>> -> memref<80x128xf32, #tpu.memory_space<hbm>>
          tpu.wait_dma2 semaphore(%arg18 : memref<!tpu.dma_semaphore, #tpu.memory_space<semaphore_mem>>) src(%dma_wait3A_215 : memref<80x128xf32, #tpu.memory_space<hbm>>) dst(%arg9 : memref<80x128xf32, #tpu.memory_space<vmem>>)
        } else {
        }
        %mul3A_91 = arith.constant 4 : i32
        %mul3A_92 = arith.muli %mul3A_91, %scan3A_86 : i32
        %add3A_93 = arith.constant 0 : i32
        %add3A_94 = arith.addi %mul3A_92, %add3A_93 : i32
        %dma_start3A_95 = arith.constant 0 : i32
        %dma_start3A_96 = tpu.memref_slice %arg7[%add3A_94, %dma_start3A_95] : memref<25x80xi32, #tpu.memory_space<vmem>> -> memref<1x80xi32, #tpu.memory_space<vmem>>
        %dma_start3A_97 = tpu.memref_squeeze %dma_start3A_96 : memref<1x80xi32, #tpu.memory_space<vmem>> -> memref<80xi32, #tpu.memory_space<vmem>>
        %dma_start3A_98 = arith.constant 0 : i32
        %dma_start3A_99 = arith.constant 0 : i32
        %dma_start3A_100 = tpu.memref_slice %arg2[%dma_start3A_98, %dma_start3A_99] : memref<20000x128xf32, #tpu.memory_space<hbm>> -> memref<20000x128xf32, #tpu.memory_space<hbm>>
        tpu.enqueue_indirect_dma source(%dma_start3A_100 : memref<20000x128xf32, #tpu.memory_space<hbm>>) target(%arg9 : memref<80x128xf32, #tpu.memory_space<vmem>>) offsets(%dma_start3A_97 : memref<80xi32, #tpu.memory_space<vmem>>) semaphore(%arg14 : memref<!tpu.dma_semaphore, #tpu.memory_space<semaphore_mem>>)
        %gt3A_101 = arith.constant 0 : i32
        %gt3A_102 = arith.cmpi sgt, %scan3A_86, %gt3A_101 : i32
        %convert_element_type3A_103 = arith.extui %gt3A_102 : i1 to i32
        %cond3A_104 = arith.constant 0 : i32
        %cond3A_105 = arith.cmpi ne, %convert_element_type3A_103, %cond3A_104 : i32
        scf.if %cond3A_105 {
          %dma_wait3A_210 = arith.constant 0 : i32
          %dma_wait3A_211 = arith.constant 0 : i32
          %dma_wait3A_212 = tpu.memref_slice %arg2[%dma_wait3A_210, %dma_wait3A_211] : memref<20000x128xf32, #tpu.memory_space<hbm>> -> memref<80x128xf32, #tpu.memory_space<hbm>>
          %dma_wait3A_213 = arith.constant 0 : i32
          %dma_wait3A_214 = arith.constant 0 : i32
          %dma_wait3A_215 = tpu.memref_slice %arg2[%dma_wait3A_213, %dma_wait3A_214] : memref<20000x128xf32, #tpu.memory_space<hbm>> -> memref<80x128xf32, #tpu.memory_space<hbm>>
          tpu.wait_dma2 semaphore(%arg19 : memref<!tpu.dma_semaphore, #tpu.memory_space<semaphore_mem>>) src(%dma_wait3A_215 : memref<80x128xf32, #tpu.memory_space<hbm>>) dst(%arg10 : memref<80x128xf32, #tpu.memory_space<vmem>>)
        } else {
        }
        %mul3A_106 = arith.constant 4 : i32
        %mul3A_107 = arith.muli %mul3A_106, %scan3A_86 : i32
        %add3A_108 = arith.constant 1 : i32
        %add3A_109 = arith.addi %mul3A_107, %add3A_108 : i32
        %dma_start3A_110 = arith.constant 0 : i32
        %dma_start3A_111 = tpu.memref_slice %arg7[%add3A_109, %dma_start3A_110] : memref<25x80xi32, #tpu.memory_space<vmem>> -> memref<1x80xi32, #tpu.memory_space<vmem>>
        %dma_start3A_112 = tpu.memref_squeeze %dma_start3A_111 : memref<1x80xi32, #tpu.memory_space<vmem>> -> memref<80xi32, #tpu.memory_space<vmem>>
        %dma_start3A_113 = arith.constant 0 : i32
        %dma_start3A_114 = arith.constant 0 : i32
        %dma_start3A_115 = tpu.memref_slice %arg2[%dma_start3A_113, %dma_start3A_114] : memref<20000x128xf32, #tpu.memory_space<hbm>> -> memref<20000x128xf32, #tpu.memory_space<hbm>>
        tpu.enqueue_indirect_dma source(%dma_start3A_115 : memref<20000x128xf32, #tpu.memory_space<hbm>>) target(%arg10 : memref<80x128xf32, #tpu.memory_space<vmem>>) offsets(%dma_start3A_112 : memref<80xi32, #tpu.memory_space<vmem>>) semaphore(%arg15 : memref<!tpu.dma_semaphore, #tpu.memory_space<semaphore_mem>>)
        %gt3A_116 = arith.constant 0 : i32
        %gt3A_117 = arith.cmpi sgt, %scan3A_86, %gt3A_116 : i32
        %convert_element_type3A_118 = arith.extui %gt3A_117 : i1 to i32
        %cond3A_119 = arith.constant 0 : i32
        %cond3A_120 = arith.cmpi ne, %convert_element_type3A_118, %cond3A_119 : i32
        scf.if %cond3A_120 {
          %dma_wait3A_210 = arith.constant 0 : i32
          %dma_wait3A_211 = arith.constant 0 : i32
          %dma_wait3A_212 = tpu.memref_slice %arg2[%dma_wait3A_210, %dma_wait3A_211] : memref<20000x128xf32, #tpu.memory_space<hbm>> -> memref<80x128xf32, #tpu.memory_space<hbm>>
          %dma_wait3A_213 = arith.constant 0 : i32
          %dma_wait3A_214 = arith.constant 0 : i32
          %dma_wait3A_215 = tpu.memref_slice %arg2[%dma_wait3A_213, %dma_wait3A_214] : memref<20000x128xf32, #tpu.memory_space<hbm>> -> memref<80x128xf32, #tpu.memory_space<hbm>>
          tpu.wait_dma2 semaphore(%arg20 : memref<!tpu.dma_semaphore, #tpu.memory_space<semaphore_mem>>) src(%dma_wait3A_215 : memref<80x128xf32, #tpu.memory_space<hbm>>) dst(%arg11 : memref<80x128xf32, #tpu.memory_space<vmem>>)
        } else {
        }
        %mul3A_121 = arith.constant 4 : i32
        %mul3A_122 = arith.muli %mul3A_121, %scan3A_86 : i32
        %add3A_123 = arith.constant 2 : i32
        %add3A_124 = arith.addi %mul3A_122, %add3A_123 : i32
        %dma_start3A_125 = arith.constant 0 : i32
        %dma_start3A_126 = tpu.memref_slice %arg7[%add3A_124, %dma_start3A_125] : memref<25x80xi32, #tpu.memory_space<vmem>> -> memref<1x80xi32, #tpu.memory_space<vmem>>
        %dma_start3A_127 = tpu.memref_squeeze %dma_start3A_126 : memref<1x80xi32, #tpu.memory_space<vmem>> -> memref<80xi32, #tpu.memory_space<vmem>>
        %dma_start3A_128 = arith.constant 0 : i32
        %dma_start3A_129 = arith.constant 0 : i32
        %dma_start3A_130 = tpu.memref_slice %arg2[%dma_start3A_128, %dma_start3A_129] : memref<20000x128xf32, #tpu.memory_space<hbm>> -> memref<20000x128xf32, #tpu.memory_space<hbm>>
        tpu.enqueue_indirect_dma source(%dma_start3A_130 : memref<20000x128xf32, #tpu.memory_space<hbm>>) target(%arg11 : memref<80x128xf32, #tpu.memory_space<vmem>>) offsets(%dma_start3A_127 : memref<80xi32, #tpu.memory_space<vmem>>) semaphore(%arg16 : memref<!tpu.dma_semaphore, #tpu.memory_space<semaphore_mem>>)
        %gt3A_131 = arith.constant 0 : i32
        %gt3A_132 = arith.cmpi sgt, %scan3A_86, %gt3A_131 : i32
        %convert_element_type3A_133 = arith.extui %gt3A_132 : i1 to i32
        %cond3A_134 = arith.constant 0 : i32
        %cond3A_135 = arith.cmpi ne, %convert_element_type3A_133, %cond3A_134 : i32
        scf.if %cond3A_135 {
          %dma_wait3A_210 = arith.constant 0 : i32
          %dma_wait3A_211 = arith.constant 0 : i32
          %dma_wait3A_212 = tpu.memref_slice %arg2[%dma_wait3A_210, %dma_wait3A_211] : memref<20000x128xf32, #tpu.memory_space<hbm>> -> memref<80x128xf32, #tpu.memory_space<hbm>>
          %dma_wait3A_213 = arith.constant 0 : i32
          %dma_wait3A_214 = arith.constant 0 : i32
          %dma_wait3A_215 = tpu.memref_slice %arg2[%dma_wait3A_213, %dma_wait3A_214] : memref<20000x128xf32, #tpu.memory_space<hbm>> -> memref<80x128xf32, #tpu.memory_space<hbm>>
          tpu.wait_dma2 semaphore(%arg21 : memref<!tpu.dma_semaphore, #tpu.memory_space<semaphore_mem>>) src(%dma_wait3A_215 : memref<80x128xf32, #tpu.memory_space<hbm>>) dst(%arg12 : memref<80x128xf32, #tpu.memory_space<vmem>>)
        } else {
        }
        %mul3A_136 = arith.constant 4 : i32
        %mul3A_137 = arith.muli %mul3A_136, %scan3A_86 : i32
        %add3A_138 = arith.constant 3 : i32
        %add3A_139 = arith.addi %mul3A_137, %add3A_138 : i32
        %dma_start3A_140 = arith.constant 0 : i32
        %dma_start3A_141 = tpu.memref_slice %arg7[%add3A_139, %dma_start3A_140] : memref<25x80xi32, #tpu.memory_space<vmem>> -> memref<1x80xi32, #tpu.memory_space<vmem>>
        %dma_start3A_142 = tpu.memref_squeeze %dma_start3A_141 : memref<1x80xi32, #tpu.memory_space<vmem>> -> memref<80xi32, #tpu.memory_space<vmem>>
        %dma_start3A_143 = arith.constant 0 : i32
        %dma_start3A_144 = arith.constant 0 : i32
        %dma_start3A_145 = tpu.memref_slice %arg2[%dma_start3A_143, %dma_start3A_144] : memref<20000x128xf32, #tpu.memory_space<hbm>> -> memref<20000x128xf32, #tpu.memory_space<hbm>>
        tpu.enqueue_indirect_dma source(%dma_start3A_145 : memref<20000x128xf32, #tpu.memory_space<hbm>>) target(%arg12 : memref<80x128xf32, #tpu.memory_space<vmem>>) offsets(%dma_start3A_142 : memref<80xi32, #tpu.memory_space<vmem>>) semaphore(%arg17 : memref<!tpu.dma_semaphore, #tpu.memory_space<semaphore_mem>>)
        %dma_wait3A_146 = arith.constant 0 : i32
        %dma_wait3A_147 = tpu.memref_slice %arg7[%add3A_94, %dma_wait3A_146] : memref<25x80xi32, #tpu.memory_space<vmem>> -> memref<1x80xi32, #tpu.memory_space<vmem>>
        %dma_wait3A_148 = tpu.memref_squeeze %dma_wait3A_147 : memref<1x80xi32, #tpu.memory_space<vmem>> -> memref<80xi32, #tpu.memory_space<vmem>>
        %dma_wait3A_149 = arith.constant 0 : i32
        %dma_wait3A_150 = arith.constant 0 : i32
        %dma_wait3A_151 = tpu.memref_slice %arg2[%dma_wait3A_149, %dma_wait3A_150] : memref<20000x128xf32, #tpu.memory_space<hbm>> -> memref<20000x128xf32, #tpu.memory_space<hbm>>
        tpu.wait_indirect_dma semaphore(%arg14 : memref<!tpu.dma_semaphore, #tpu.memory_space<semaphore_mem>>) src(%dma_wait3A_151 : memref<20000x128xf32, #tpu.memory_space<hbm>>) dst(%arg9 : memref<80x128xf32, #tpu.memory_space<vmem>>)
        %mul3A_152 = arith.constant 4 : i32
        %mul3A_153 = arith.muli %mul3A_152, %scan3A_86 : i32
        %add3A_154 = arith.constant 0 : i32
        %add3A_155 = arith.addi %mul3A_153, %add3A_154 : i32
        %dma_start3A_156 = arith.constant 0 : i32
        %dma_start3A_157 = tpu.memref_slice %arg8[%add3A_155, %dma_start3A_156] : memref<25x80xi32, #tpu.memory_space<vmem>> -> memref<1x80xi32, #tpu.memory_space<vmem>>
        %dma_start3A_158 = tpu.memref_squeeze %dma_start3A_157 : memref<1x80xi32, #tpu.memory_space<vmem>> -> memref<80xi32, #tpu.memory_space<vmem>>
        %dma_start3A_159 = arith.constant 0 : i32
        %dma_start3A_160 = arith.constant 0 : i32
        %dma_start3A_161 = tpu.memref_slice %arg13[%dma_start3A_159, %dma_start3A_160] : memref<10000x128xf32, #tpu.memory_space<vmem_shared>> -> memref<10000x128xf32, #tpu.memory_space<vmem_shared>>
        tpu.enqueue_indirect_dma source(%arg9 : memref<80x128xf32, #tpu.memory_space<vmem>>) target(%dma_start3A_161 : memref<10000x128xf32, #tpu.memory_space<vmem_shared>>) offsets(%dma_start3A_158 : memref<80xi32, #tpu.memory_space<vmem>>) semaphore(%arg18 : memref<!tpu.dma_semaphore, #tpu.memory_space<semaphore_mem>>) {add = true}
        %dma_wait3A_162 = arith.constant 0 : i32
        %dma_wait3A_163 = tpu.memref_slice %arg7[%add3A_109, %dma_wait3A_162] : memref<25x80xi32, #tpu.memory_space<vmem>> -> memref<1x80xi32, #tpu.memory_space<vmem>>
        %dma_wait3A_164 = tpu.memref_squeeze %dma_wait3A_163 : memref<1x80xi32, #tpu.memory_space<vmem>> -> memref<80xi32, #tpu.memory_space<vmem>>
        %dma_wait3A_165 = arith.constant 0 : i32
        %dma_wait3A_166 = arith.constant 0 : i32
        %dma_wait3A_167 = tpu.memref_slice %arg2[%dma_wait3A_165, %dma_wait3A_166] : memref<20000x128xf32, #tpu.memory_space<hbm>> -> memref<20000x128xf32, #tpu.memory_space<hbm>>
        tpu.wait_indirect_dma semaphore(%arg15 : memref<!tpu.dma_semaphore, #tpu.memory_space<semaphore_mem>>) src(%dma_wait3A_167 : memref<20000x128xf32, #tpu.memory_space<hbm>>) dst(%arg10 : memref<80x128xf32, #tpu.memory_space<vmem>>)
        %mul3A_168 = arith.constant 4 : i32
        %mul3A_169 = arith.muli %mul3A_168, %scan3A_86 : i32
        %add3A_170 = arith.constant 1 : i32
        %add3A_171 = arith.addi %mul3A_169, %add3A_170 : i32
        %dma_start3A_172 = arith.constant 0 : i32
        %dma_start3A_173 = tpu.memref_slice %arg8[%add3A_171, %dma_start3A_172] : memref<25x80xi32, #tpu.memory_space<vmem>> -> memref<1x80xi32, #tpu.memory_space<vmem>>
        %dma_start3A_174 = tpu.memref_squeeze %dma_start3A_173 : memref<1x80xi32, #tpu.memory_space<vmem>> -> memref<80xi32, #tpu.memory_space<vmem>>
        %dma_start3A_175 = arith.constant 0 : i32
        %dma_start3A_176 = arith.constant 0 : i32
        %dma_start3A_177 = tpu.memref_slice %arg13[%dma_start3A_175, %dma_start3A_176] : memref<10000x128xf32, #tpu.memory_space<vmem_shared>> -> memref<10000x128xf32, #tpu.memory_space<vmem_shared>>
        tpu.enqueue_indirect_dma source(%arg10 : memref<80x128xf32, #tpu.memory_space<vmem>>) target(%dma_start3A_177 : memref<10000x128xf32, #tpu.memory_space<vmem_shared>>) offsets(%dma_start3A_174 : memref<80xi32, #tpu.memory_space<vmem>>) semaphore(%arg19 : memref<!tpu.dma_semaphore, #tpu.memory_space<semaphore_mem>>) {add = true}
        %dma_wait3A_178 = arith.constant 0 : i32
        %dma_wait3A_179 = tpu.memref_slice %arg7[%add3A_124, %dma_wait3A_178] : memref<25x80xi32, #tpu.memory_space<vmem>> -> memref<1x80xi32, #tpu.memory_space<vmem>>
        %dma_wait3A_180 = tpu.memref_squeeze %dma_wait3A_179 : memref<1x80xi32, #tpu.memory_space<vmem>> -> memref<80xi32, #tpu.memory_space<vmem>>
        %dma_wait3A_181 = arith.constant 0 : i32
        %dma_wait3A_182 = arith.constant 0 : i32
        %dma_wait3A_183 = tpu.memref_slice %arg2[%dma_wait3A_181, %dma_wait3A_182] : memref<20000x128xf32, #tpu.memory_space<hbm>> -> memref<20000x128xf32, #tpu.memory_space<hbm>>
        tpu.wait_indirect_dma semaphore(%arg16 : memref<!tpu.dma_semaphore, #tpu.memory_space<semaphore_mem>>) src(%dma_wait3A_183 : memref<20000x128xf32, #tpu.memory_space<hbm>>) dst(%arg11 : memref<80x128xf32, #tpu.memory_space<vmem>>)
        %mul3A_184 = arith.constant 4 : i32
        %mul3A_185 = arith.muli %mul3A_184, %scan3A_86 : i32
        %add3A_186 = arith.constant 2 : i32
        %add3A_187 = arith.addi %mul3A_185, %add3A_186 : i32
        %dma_start3A_188 = arith.constant 0 : i32
        %dma_start3A_189 = tpu.memref_slice %arg8[%add3A_187, %dma_start3A_188] : memref<25x80xi32, #tpu.memory_space<vmem>> -> memref<1x80xi32, #tpu.memory_space<vmem>>
        %dma_start3A_190 = tpu.memref_squeeze %dma_start3A_189 : memref<1x80xi32, #tpu.memory_space<vmem>> -> memref<80xi32, #tpu.memory_space<vmem>>
        %dma_start3A_191 = arith.constant 0 : i32
        %dma_start3A_192 = arith.constant 0 : i32
        %dma_start3A_193 = tpu.memref_slice %arg13[%dma_start3A_191, %dma_start3A_192] : memref<10000x128xf32, #tpu.memory_space<vmem_shared>> -> memref<10000x128xf32, #tpu.memory_space<vmem_shared>>
        tpu.enqueue_indirect_dma source(%arg11 : memref<80x128xf32, #tpu.memory_space<vmem>>) target(%dma_start3A_193 : memref<10000x128xf32, #tpu.memory_space<vmem_shared>>) offsets(%dma_start3A_190 : memref<80xi32, #tpu.memory_space<vmem>>) semaphore(%arg20 : memref<!tpu.dma_semaphore, #tpu.memory_space<semaphore_mem>>) {add = true}
        %dma_wait3A_194 = arith.constant 0 : i32
        %dma_wait3A_195 = tpu.memref_slice %arg7[%add3A_139, %dma_wait3A_194] : memref<25x80xi32, #tpu.memory_space<vmem>> -> memref<1x80xi32, #tpu.memory_space<vmem>>
        %dma_wait3A_196 = tpu.memref_squeeze %dma_wait3A_195 : memref<1x80xi32, #tpu.memory_space<vmem>> -> memref<80xi32, #tpu.memory_space<vmem>>
        %dma_wait3A_197 = arith.constant 0 : i32
        %dma_wait3A_198 = arith.constant 0 : i32
        %dma_wait3A_199 = tpu.memref_slice %arg2[%dma_wait3A_197, %dma_wait3A_198] : memref<20000x128xf32, #tpu.memory_space<hbm>> -> memref<20000x128xf32, #tpu.memory_space<hbm>>
        tpu.wait_indirect_dma semaphore(%arg17 : memref<!tpu.dma_semaphore, #tpu.memory_space<semaphore_mem>>) src(%dma_wait3A_199 : memref<20000x128xf32, #tpu.memory_space<hbm>>) dst(%arg12 : memref<80x128xf32, #tpu.memory_space<vmem>>)
        %mul3A_200 = arith.constant 4 : i32
        %mul3A_201 = arith.muli %mul3A_200, %scan3A_86 : i32
        %add3A_202 = arith.constant 3 : i32
        %add3A_203 = arith.addi %mul3A_201, %add3A_202 : i32
        %dma_start3A_204 = arith.constant 0 : i32
        %dma_start3A_205 = tpu.memref_slice %arg8[%add3A_203, %dma_start3A_204] : memref<25x80xi32, #tpu.memory_space<vmem>> -> memref<1x80xi32, #tpu.memory_space<vmem>>
        %dma_start3A_206 = tpu.memref_squeeze %dma_start3A_205 : memref<1x80xi32, #tpu.memory_space<vmem>> -> memref<80xi32, #tpu.memory_space<vmem>>
        %dma_start3A_207 = arith.constant 0 : i32
        %dma_start3A_208 = arith.constant 0 : i32
        %dma_start3A_209 = tpu.memref_slice %arg13[%dma_start3A_207, %dma_start3A_208] : memref<10000x128xf32, #tpu.memory_space<vmem_shared>> -> memref<10000x128xf32, #tpu.memory_space<vmem_shared>>
        tpu.enqueue_indirect_dma source(%arg12 : memref<80x128xf32, #tpu.memory_space<vmem>>) target(%dma_start3A_209 : memref<10000x128xf32, #tpu.memory_space<vmem_shared>>) offsets(%dma_start3A_206 : memref<80xi32, #tpu.memory_space<vmem>>) semaphore(%arg21 : memref<!tpu.dma_semaphore, #tpu.memory_space<semaphore_mem>>) {add = true}
      }
      %scan3A_35 = arith.constant 6 : i32
      %dma_wait3A = arith.constant 0 : i32
      %dma_wait3A_36 = arith.constant 0 : i32
      %dma_wait3A_37 = tpu.memref_slice %arg2[%dma_wait3A, %dma_wait3A_36] : memref<20000x128xf32, #tpu.memory_space<hbm>> -> memref<80x128xf32, #tpu.memory_space<hbm>>
      %dma_wait3A_38 = arith.constant 0 : i32
      %dma_wait3A_39 = arith.constant 0 : i32
      %dma_wait3A_40 = tpu.memref_slice %arg2[%dma_wait3A_38, %dma_wait3A_39] : memref<20000x128xf32, #tpu.memory_space<hbm>> -> memref<80x128xf32, #tpu.memory_space<hbm>>
      tpu.wait_dma2 semaphore(%arg18 : memref<!tpu.dma_semaphore, #tpu.memory_space<semaphore_mem>>) src(%dma_wait3A_40 : memref<80x128xf32, #tpu.memory_space<hbm>>) dst(%arg9 : memref<80x128xf32, #tpu.memory_space<vmem>>)
      %dma_wait3A_41 = arith.constant 0 : i32
      %dma_wait3A_42 = arith.constant 0 : i32
      %dma_wait3A_43 = tpu.memref_slice %arg2[%dma_wait3A_41, %dma_wait3A_42] : memref<20000x128xf32, #tpu.memory_space<hbm>> -> memref<80x128xf32, #tpu.memory_space<hbm>>
      %dma_wait3A_44 = arith.constant 0 : i32
      %dma_wait3A_45 = arith.constant 0 : i32
      %dma_wait3A_46 = tpu.memref_slice %arg2[%dma_wait3A_44, %dma_wait3A_45] : memref<20000x128xf32, #tpu.memory_space<hbm>> -> memref<80x128xf32, #tpu.memory_space<hbm>>
      tpu.wait_dma2 semaphore(%arg19 : memref<!tpu.dma_semaphore, #tpu.memory_space<semaphore_mem>>) src(%dma_wait3A_46 : memref<80x128xf32, #tpu.memory_space<hbm>>) dst(%arg10 : memref<80x128xf32, #tpu.memory_space<vmem>>)
      %dma_wait3A_47 = arith.constant 0 : i32
      %dma_wait3A_48 = arith.constant 0 : i32
      %dma_wait3A_49 = tpu.memref_slice %arg2[%dma_wait3A_47, %dma_wait3A_48] : memref<20000x128xf32, #tpu.memory_space<hbm>> -> memref<80x128xf32, #tpu.memory_space<hbm>>
      %dma_wait3A_50 = arith.constant 0 : i32
      %dma_wait3A_51 = arith.constant 0 : i32
      %dma_wait3A_52 = tpu.memref_slice %arg2[%dma_wait3A_50, %dma_wait3A_51] : memref<20000x128xf32, #tpu.memory_space<hbm>> -> memref<80x128xf32, #tpu.memory_space<hbm>>
      tpu.wait_dma2 semaphore(%arg20 : memref<!tpu.dma_semaphore, #tpu.memory_space<semaphore_mem>>) src(%dma_wait3A_52 : memref<80x128xf32, #tpu.memory_space<hbm>>) dst(%arg11 : memref<80x128xf32, #tpu.memory_space<vmem>>)
      %dma_wait3A_53 = arith.constant 0 : i32
      %dma_wait3A_54 = arith.constant 0 : i32
      %dma_wait3A_55 = tpu.memref_slice %arg2[%dma_wait3A_53, %dma_wait3A_54] : memref<20000x128xf32, #tpu.memory_space<hbm>> -> memref<80x128xf32, #tpu.memory_space<hbm>>
      %dma_wait3A_56 = arith.constant 0 : i32
      %dma_wait3A_57 = arith.constant 0 : i32
      %dma_wait3A_58 = tpu.memref_slice %arg2[%dma_wait3A_56, %dma_wait3A_57] : memref<20000x128xf32, #tpu.memory_space<hbm>> -> memref<80x128xf32, #tpu.memory_space<hbm>>
      tpu.wait_dma2 semaphore(%arg21 : memref<!tpu.dma_semaphore, #tpu.memory_space<semaphore_mem>>) src(%dma_wait3A_58 : memref<80x128xf32, #tpu.memory_space<hbm>>) dst(%arg12 : memref<80x128xf32, #tpu.memory_space<vmem>>)
      %dma_start3A = arith.constant 24 : i32
      %dma_start3A_59 = arith.constant 0 : i32
      %dma_start3A_60 = tpu.memref_slice %arg7[%dma_start3A, %dma_start3A_59] : memref<25x80xi32, #tpu.memory_space<vmem>> -> memref<1x80xi32, #tpu.memory_space<vmem>>
      %dma_start3A_61 = tpu.memref_squeeze %dma_start3A_60 : memref<1x80xi32, #tpu.memory_space<vmem>> -> memref<80xi32, #tpu.memory_space<vmem>>
      %dma_start3A_62 = arith.constant 0 : i32
      %dma_start3A_63 = arith.constant 0 : i32
      %dma_start3A_64 = tpu.memref_slice %arg2[%dma_start3A_62, %dma_start3A_63] : memref<20000x128xf32, #tpu.memory_space<hbm>> -> memref<20000x128xf32, #tpu.memory_space<hbm>>
      tpu.enqueue_indirect_dma source(%dma_start3A_64 : memref<20000x128xf32, #tpu.memory_space<hbm>>) target(%arg9 : memref<80x128xf32, #tpu.memory_space<vmem>>) offsets(%dma_start3A_61 : memref<80xi32, #tpu.memory_space<vmem>>) semaphore(%arg14 : memref<!tpu.dma_semaphore, #tpu.memory_space<semaphore_mem>>)
      %dma_wait3A_65 = arith.constant 24 : i32
      %dma_wait3A_66 = arith.constant 0 : i32
      %dma_wait3A_67 = tpu.memref_slice %arg7[%dma_wait3A_65, %dma_wait3A_66] : memref<25x80xi32, #tpu.memory_space<vmem>> -> memref<1x80xi32, #tpu.memory_space<vmem>>
      %dma_wait3A_68 = tpu.memref_squeeze %dma_wait3A_67 : memref<1x80xi32, #tpu.memory_space<vmem>> -> memref<80xi32, #tpu.memory_space<vmem>>
      %dma_wait3A_69 = arith.constant 0 : i32
      %dma_wait3A_70 = arith.constant 0 : i32
      %dma_wait3A_71 = tpu.memref_slice %arg2[%dma_wait3A_69, %dma_wait3A_70] : memref<20000x128xf32, #tpu.memory_space<hbm>> -> memref<20000x128xf32, #tpu.memory_space<hbm>>
      tpu.wait_indirect_dma semaphore(%arg14 : memref<!tpu.dma_semaphore, #tpu.memory_space<semaphore_mem>>) src(%dma_wait3A_71 : memref<20000x128xf32, #tpu.memory_space<hbm>>) dst(%arg9 : memref<80x128xf32, #tpu.memory_space<vmem>>)
      %dma_start3A_72 = arith.constant 24 : i32
      %dma_start3A_73 = arith.constant 0 : i32
      %dma_start3A_74 = tpu.memref_slice %arg8[%dma_start3A_72, %dma_start3A_73] : memref<25x80xi32, #tpu.memory_space<vmem>> -> memref<1x80xi32, #tpu.memory_space<vmem>>
      %dma_start3A_75 = tpu.memref_squeeze %dma_start3A_74 : memref<1x80xi32, #tpu.memory_space<vmem>> -> memref<80xi32, #tpu.memory_space<vmem>>
      %dma_start3A_76 = arith.constant 0 : i32
      %dma_start3A_77 = arith.constant 0 : i32
      %dma_start3A_78 = tpu.memref_slice %arg13[%dma_start3A_76, %dma_start3A_77] : memref<10000x128xf32, #tpu.memory_space<vmem_shared>> -> memref<10000x128xf32, #tpu.memory_space<vmem_shared>>
      tpu.enqueue_indirect_dma source(%arg9 : memref<80x128xf32, #tpu.memory_space<vmem>>) target(%dma_start3A_78 : memref<10000x128xf32, #tpu.memory_space<vmem_shared>>) offsets(%dma_start3A_75 : memref<80xi32, #tpu.memory_space<vmem>>) semaphore(%arg18 : memref<!tpu.dma_semaphore, #tpu.memory_space<semaphore_mem>>) {add = true}
      %dma_wait3A_79 = arith.constant 24 : i32
      %dma_wait3A_80 = arith.constant 0 : i32
      %dma_wait3A_81 = tpu.memref_slice %arg8[%dma_wait3A_79, %dma_wait3A_80] : memref<25x80xi32, #tpu.memory_space<vmem>> -> memref<1x80xi32, #tpu.memory_space<vmem>>
      %dma_wait3A_82 = tpu.memref_squeeze %dma_wait3A_81 : memref<1x80xi32, #tpu.memory_space<vmem>> -> memref<80xi32, #tpu.memory_space<vmem>>
      %dma_wait3A_83 = arith.constant 0 : i32
      %dma_wait3A_84 = arith.constant 0 : i32
      %dma_wait3A_85 = tpu.memref_slice %arg13[%dma_wait3A_83, %dma_wait3A_84] : memref<10000x128xf32, #tpu.memory_space<vmem_shared>> -> memref<10000x128xf32, #tpu.memory_space<vmem_shared>>
      tpu.wait_indirect_dma semaphore(%arg18 : memref<!tpu.dma_semaphore, #tpu.memory_space<semaphore_mem>>) src(%arg9 : memref<80x128xf32, #tpu.memory_space<vmem>>) dst(%dma_wait3A_85 : memref<10000x128xf32, #tpu.memory_space<vmem_shared>>)
    }
    %scan3A_11 = arith.constant 10 : i32
    %barrier3A_12 = arith.constant 0 : index
    tpu.barrier barrier_id(%barrier3A_12)
    %mul3A_13 = arith.constant 624 : i32
    %mul3A_14 = arith.muli %arg1, %mul3A_13 : i32
    "tpu.region"() ({
      %run_scoped3A = tpu.sem_alloc : memref<!tpu.dma_semaphore, #tpu.memory_space<semaphore_mem>>
      %dma_start3A = arith.constant 0 : i32
      %dma_start3A_20 = tpu.memref_slice %arg6[%add3A, %dma_start3A] : memref<20000x128xf32, #tpu.memory_space<hbm>> -> memref<624x128xf32, #tpu.memory_space<hbm>>
      %dma_start3A_21 = arith.constant 0 : i32
      %dma_start3A_22 = tpu.memref_slice %arg13[%mul3A_14, %dma_start3A_21] : memref<10000x128xf32, #tpu.memory_space<vmem_shared>> -> memref<624x128xf32, #tpu.memory_space<vmem_shared>>
      tpu.enqueue_dma source(%dma_start3A_22 : memref<624x128xf32, #tpu.memory_space<vmem_shared>>) target(%dma_start3A_20 : memref<624x128xf32, #tpu.memory_space<hbm>>) target_semaphore(%run_scoped3A : memref<!tpu.dma_semaphore, #tpu.memory_space<semaphore_mem>>)
      %dma_wait3A = arith.constant 0 : i32
      %dma_wait3A_23 = tpu.memref_slice %arg6[%add3A, %dma_wait3A] : memref<20000x128xf32, #tpu.memory_space<hbm>> -> memref<624x128xf32, #tpu.memory_space<hbm>>
      %dma_wait3A_24 = arith.constant 0 : i32
      %dma_wait3A_25 = tpu.memref_slice %arg13[%mul3A_14, %dma_wait3A_24] : memref<10000x128xf32, #tpu.memory_space<vmem_shared>> -> memref<624x128xf32, #tpu.memory_space<vmem_shared>>
      tpu.wait_dma2 semaphore(%run_scoped3A : memref<!tpu.dma_semaphore, #tpu.memory_space<semaphore_mem>>) src(%dma_wait3A_25 : memref<624x128xf32, #tpu.memory_space<vmem_shared>>) dst(%dma_wait3A_23 : memref<624x128xf32, #tpu.memory_space<hbm>>)
      tpu.yield
    }) : () -> ()
    %eq3A_15 = arith.constant 0 : i32
    %eq3A_16 = arith.cmpi eq, %arg1, %eq3A_15 : i32
    %convert_element_type3A_17 = arith.extui %eq3A_16 : i1 to i32
    %cond3A_18 = arith.constant 0 : i32
    %cond3A_19 = arith.cmpi ne, %convert_element_type3A_17, %cond3A_18 : i32
    scf.if %cond3A_19 {
      %mul3A_20 = arith.constant 10000 : i32
      %mul3A_21 = arith.muli %arg0, %mul3A_20 : i32
      %add3A_22 = arith.constant 9984 : i32
      %add3A_23 = arith.addi %mul3A_21, %add3A_22 : i32
      "tpu.region"() ({
        %run_scoped3A = tpu.sem_alloc : memref<!tpu.dma_semaphore, #tpu.memory_space<semaphore_mem>>
        %dma_start3A = arith.constant 0 : i32
        %dma_start3A_24 = tpu.memref_slice %arg6[%add3A_23, %dma_start3A] : memref<20000x128xf32, #tpu.memory_space<hbm>> -> memref<16x128xf32, #tpu.memory_space<hbm>>
        %dma_start3A_25 = arith.constant 9984 : i32
        %dma_start3A_26 = arith.constant 0 : i32
        %dma_start3A_27 = tpu.memref_slice %arg13[%dma_start3A_25, %dma_start3A_26] : memref<10000x128xf32, #tpu.memory_space<vmem_shared>> -> memref<16x128xf32, #tpu.memory_space<vmem_shared>>
        tpu.enqueue_dma source(%dma_start3A_27 : memref<16x128xf32, #tpu.memory_space<vmem_shared>>) target(%dma_start3A_24 : memref<16x128xf32, #tpu.memory_space<hbm>>) target_semaphore(%run_scoped3A : memref<!tpu.dma_semaphore, #tpu.memory_space<semaphore_mem>>)
        %dma_wait3A = arith.constant 0 : i32
        %dma_wait3A_28 = tpu.memref_slice %arg6[%add3A_23, %dma_wait3A] : memref<20000x128xf32, #tpu.memory_space<hbm>> -> memref<16x128xf32, #tpu.memory_space<hbm>>
        %dma_wait3A_29 = arith.constant 9984 : i32
        %dma_wait3A_30 = arith.constant 0 : i32
        %dma_wait3A_31 = tpu.memref_slice %arg13[%dma_wait3A_29, %dma_wait3A_30] : memref<10000x128xf32, #tpu.memory_space<vmem_shared>> -> memref<16x128xf32, #tpu.memory_space<vmem_shared>>
        tpu.wait_dma2 semaphore(%run_scoped3A : memref<!tpu.dma_semaphore, #tpu.memory_space<semaphore_mem>>) src(%dma_wait3A_31 : memref<16x128xf32, #tpu.memory_space<vmem_shared>>) dst(%dma_wait3A_28 : memref<16x128xf32, #tpu.memory_space<hbm>>)
        tpu.yield
      }) : () -> ()
    } else {
    }
    return
  }
}

#map = affine_map<(d0, d1) -> (0, 0)>
#map1 = affine_map<(d0, d1) -> (0, 0, 0, 0)>
module attributes {stable_mosaic.version = 14 : i64} {
  func.func @k(%arg0: i32, %arg1: i32, %arg2: memref<20000x128xf32, #tpu.memory_space<hbm>>, %arg3: memref<16x10x25x80xi32, #tpu.memory_space<hbm>>, %arg4: memref<16x10x25x80xi32, #tpu.memory_space<hbm>>, %arg5: memref<16x10x25x80xi32, #tpu.memory_space<hbm>>, %arg6: memref<20000x128xf32, #tpu.memory_space<hbm>>, %arg7: memref<25x80xi32, #tpu.memory_space<vmem>>, %arg8: memref<25x80xi32, #tpu.memory_space<vmem>>, %arg9: memref<80x128xf32, #tpu.memory_space<vmem>>, %arg10: memref<80x128xf32, #tpu.memory_space<vmem>>, %arg11: memref<80x128xf32, #tpu.memory_space<vmem>>, %arg12: memref<80x128xf32, #tpu.memory_space<vmem>>, %arg13: memref<10000x128xf32, #tpu.memory_space<vmem_shared>>, %arg14: memref<!tpu.dma_semaphore, #tpu.memory_space<semaphore_mem>>, %arg15: memref<!tpu.dma_semaphore, #tpu.memory_space<semaphore_mem>>, %arg16: memref<!tpu.dma_semaphore, #tpu.memory_space<semaphore_mem>>, %arg17: memref<!tpu.dma_semaphore, #tpu.memory_space<semaphore_mem>>, %arg18: memref<!tpu.dma_semaphore, #tpu.memory_space<semaphore_mem>>, %arg19: memref<!tpu.dma_semaphore, #tpu.memory_space<semaphore_mem>>, %arg20: memref<!tpu.dma_semaphore, #tpu.memory_space<semaphore_mem>>, %arg21: memref<!tpu.dma_semaphore, #tpu.memory_space<semaphore_mem>>) attributes {dimension_semantics = [#tpu.dimension_semantics<core_parallel>, #tpu.dimension_semantics<subcore_parallel>], iteration_bounds = array<i64: 2, 16>, scalar_prefetch = 0 : i64, scratch_operands = 15 : i64, tpu.core_type = #tpu.core_type<sc_vector_subcore>, window_params = [{transform_indices = #map}, {transform_indices = #map1}, {transform_indices = #map1}, {transform_indices = #map1}, {transform_indices = #map}]} {
    %mul3A = arith.constant 10000 : i32
    %mul3A_0 = arith.muli %arg0, %mul3A : i32
    %mul3A_1 = arith.constant 624 : i32
    %mul3A_2 = arith.muli %arg1, %mul3A_1 : i32
    %add3A = arith.addi %mul3A_0, %mul3A_2 : i32
    %mul3A_3 = arith.constant 624 : i32
    %mul3A_4 = arith.muli %arg1, %mul3A_3 : i32
    "tpu.region"() ({
      %run_scoped3A = tpu.sem_alloc : memref<!tpu.dma_semaphore, #tpu.memory_space<semaphore_mem>>
      %dma_start3A = arith.constant 0 : i32
      %dma_start3A_20 = tpu.memref_slice %arg13[%mul3A_4, %dma_start3A] : memref<10000x128xf32, #tpu.memory_space<vmem_shared>> -> memref<624x128xf32, #tpu.memory_space<vmem_shared>>
      %dma_start3A_21 = arith.constant 0 : i32
      %dma_start3A_22 = tpu.memref_slice %arg2[%add3A, %dma_start3A_21] : memref<20000x128xf32, #tpu.memory_space<hbm>> -> memref<624x128xf32, #tpu.memory_space<hbm>>
      tpu.enqueue_dma source(%dma_start3A_22 : memref<624x128xf32, #tpu.memory_space<hbm>>) target(%dma_start3A_20 : memref<624x128xf32, #tpu.memory_space<vmem_shared>>) target_semaphore(%run_scoped3A : memref<!tpu.dma_semaphore, #tpu.memory_space<semaphore_mem>>)
      %dma_wait3A = arith.constant 0 : i32
      %dma_wait3A_23 = tpu.memref_slice %arg13[%mul3A_4, %dma_wait3A] : memref<10000x128xf32, #tpu.memory_space<vmem_shared>> -> memref<624x128xf32, #tpu.memory_space<vmem_shared>>
      %dma_wait3A_24 = arith.constant 0 : i32
      %dma_wait3A_25 = tpu.memref_slice %arg2[%add3A, %dma_wait3A_24] : memref<20000x128xf32, #tpu.memory_space<hbm>> -> memref<624x128xf32, #tpu.memory_space<hbm>>
      tpu.wait_dma2 semaphore(%run_scoped3A : memref<!tpu.dma_semaphore, #tpu.memory_space<semaphore_mem>>) src(%dma_wait3A_25 : memref<624x128xf32, #tpu.memory_space<hbm>>) dst(%dma_wait3A_23 : memref<624x128xf32, #tpu.memory_space<vmem_shared>>)
      tpu.yield
    }) : () -> ()
    %eq3A = arith.constant 0 : i32
    %eq3A_5 = arith.cmpi eq, %arg1, %eq3A : i32
    %convert_element_type3A = arith.extui %eq3A_5 : i1 to i32
    %cond3A = arith.constant 0 : i32
    %cond3A_6 = arith.cmpi ne, %convert_element_type3A, %cond3A : i32
    scf.if %cond3A_6 {
      %mul3A_20 = arith.constant 10000 : i32
      %mul3A_21 = arith.muli %arg0, %mul3A_20 : i32
      %add3A_22 = arith.constant 9984 : i32
      %add3A_23 = arith.addi %mul3A_21, %add3A_22 : i32
      "tpu.region"() ({
        %run_scoped3A = tpu.sem_alloc : memref<!tpu.dma_semaphore, #tpu.memory_space<semaphore_mem>>
        %dma_start3A = arith.constant 9984 : i32
        %dma_start3A_24 = arith.constant 0 : i32
        %dma_start3A_25 = tpu.memref_slice %arg13[%dma_start3A, %dma_start3A_24] : memref<10000x128xf32, #tpu.memory_space<vmem_shared>> -> memref<16x128xf32, #tpu.memory_space<vmem_shared>>
        %dma_start3A_26 = arith.constant 0 : i32
        %dma_start3A_27 = tpu.memref_slice %arg2[%add3A_23, %dma_start3A_26] : memref<20000x128xf32, #tpu.memory_space<hbm>> -> memref<16x128xf32, #tpu.memory_space<hbm>>
        tpu.enqueue_dma source(%dma_start3A_27 : memref<16x128xf32, #tpu.memory_space<hbm>>) target(%dma_start3A_25 : memref<16x128xf32, #tpu.memory_space<vmem_shared>>) target_semaphore(%run_scoped3A : memref<!tpu.dma_semaphore, #tpu.memory_space<semaphore_mem>>)
        %dma_wait3A = arith.constant 9984 : i32
        %dma_wait3A_28 = arith.constant 0 : i32
        %dma_wait3A_29 = tpu.memref_slice %arg13[%dma_wait3A, %dma_wait3A_28] : memref<10000x128xf32, #tpu.memory_space<vmem_shared>> -> memref<16x128xf32, #tpu.memory_space<vmem_shared>>
        %dma_wait3A_30 = arith.constant 0 : i32
        %dma_wait3A_31 = tpu.memref_slice %arg2[%add3A_23, %dma_wait3A_30] : memref<20000x128xf32, #tpu.memory_space<hbm>> -> memref<16x128xf32, #tpu.memory_space<hbm>>
        tpu.wait_dma2 semaphore(%run_scoped3A : memref<!tpu.dma_semaphore, #tpu.memory_space<semaphore_mem>>) src(%dma_wait3A_31 : memref<16x128xf32, #tpu.memory_space<hbm>>) dst(%dma_wait3A_29 : memref<16x128xf32, #tpu.memory_space<vmem_shared>>)
        tpu.yield
      }) : () -> ()
    } else {
    }
    %barrier3A = arith.constant 0 : index
    tpu.barrier barrier_id(%barrier3A)
    %scan3A = arith.constant 0 : i32
    %scan3A_7 = arith.constant 0 : i32
    %scan3A_8 = arith.constant 10 : i32
    %scan3A_9 = arith.addi %scan3A_7, %scan3A_8 : i32
    %scan3A_10 = arith.constant 1 : i32
    scf.for %scan3A_20 = %scan3A_7 to %scan3A_9 step %scan3A_10  : i32 {
      %eq3A_21 = arith.constant 0 : i32
      %eq3A_22 = arith.cmpi eq, %arg0, %eq3A_21 : i32
      %convert_element_type3A_23 = arith.extui %eq3A_22 : i1 to i32
      %cond3A_24 = arith.constant 0 : i32
      %cond3A_25 = arith.cmpi ne, %convert_element_type3A_23, %cond3A_24 : i32
      scf.if %cond3A_25 {
        "tpu.region"() ({
          %run_scoped3A = tpu.sem_alloc : memref<!tpu.dma_semaphore, #tpu.memory_space<semaphore_mem>>
          %dma_start3A_86 = arith.constant 0 : i32
          %dma_start3A_87 = arith.constant 0 : i32
          %dma_start3A_88 = tpu.memref_slice %arg3[%arg1, %scan3A_20, %dma_start3A_86, %dma_start3A_87] : memref<16x10x25x80xi32, #tpu.memory_space<hbm>> -> memref<1x1x25x80xi32, #tpu.memory_space<hbm>>
          %dma_start3A_89 = tpu.memref_squeeze %dma_start3A_88 : memref<1x1x25x80xi32, #tpu.memory_space<hbm>> -> memref<25x80xi32, #tpu.memory_space<hbm>>
          %dma_start3A_90 = arith.constant 0 : i32
          %dma_start3A_91 = arith.constant 0 : i32
          %dma_start3A_92 = tpu.memref_slice %arg3[%arg1, %scan3A_20, %dma_start3A_90, %dma_start3A_91] : memref<16x10x25x80xi32, #tpu.memory_space<hbm>> -> memref<1x1x25x80xi32, #tpu.memory_space<hbm>>
          %dma_start3A_93 = tpu.memref_squeeze %dma_start3A_92 : memref<1x1x25x80xi32, #tpu.memory_space<hbm>> -> memref<25x80xi32, #tpu.memory_space<hbm>>
          tpu.enqueue_dma source(%dma_start3A_93 : memref<25x80xi32, #tpu.memory_space<hbm>>) target(%arg7 : memref<25x80xi32, #tpu.memory_space<vmem>>) target_semaphore(%run_scoped3A : memref<!tpu.dma_semaphore, #tpu.memory_space<semaphore_mem>>)
          %dma_wait3A_94 = arith.constant 0 : i32
          %dma_wait3A_95 = arith.constant 0 : i32
          %dma_wait3A_96 = tpu.memref_slice %arg3[%arg1, %scan3A_20, %dma_wait3A_94, %dma_wait3A_95] : memref<16x10x25x80xi32, #tpu.memory_space<hbm>> -> memref<1x1x25x80xi32, #tpu.memory_space<hbm>>
          %dma_wait3A_97 = tpu.memref_squeeze %dma_wait3A_96 : memref<1x1x25x80xi32, #tpu.memory_space<hbm>> -> memref<25x80xi32, #tpu.memory_space<hbm>>
          %dma_wait3A_98 = arith.constant 0 : i32
          %dma_wait3A_99 = arith.constant 0 : i32
          %dma_wait3A_100 = tpu.memref_slice %arg3[%arg1, %scan3A_20, %dma_wait3A_98, %dma_wait3A_99] : memref<16x10x25x80xi32, #tpu.memory_space<hbm>> -> memref<1x1x25x80xi32, #tpu.memory_space<hbm>>
          %dma_wait3A_101 = tpu.memref_squeeze %dma_wait3A_100 : memref<1x1x25x80xi32, #tpu.memory_space<hbm>> -> memref<25x80xi32, #tpu.memory_space<hbm>>
          tpu.wait_dma2 semaphore(%run_scoped3A : memref<!tpu.dma_semaphore, #tpu.memory_space<semaphore_mem>>) src(%dma_wait3A_101 : memref<25x80xi32, #tpu.memory_space<hbm>>) dst(%arg7 : memref<25x80xi32, #tpu.memory_space<vmem>>)
          tpu.yield
        }) : () -> ()
      } else {
      }
      %ne3A = arith.constant 0 : i32
      %ne3A_26 = arith.cmpi ne, %arg0, %ne3A : i32
      %convert_element_type3A_27 = arith.extui %ne3A_26 : i1 to i32
      %cond3A_28 = arith.constant 0 : i32
      %cond3A_29 = arith.cmpi ne, %convert_element_type3A_27, %cond3A_28 : i32
      scf.if %cond3A_29 {
        "tpu.region"() ({
          %run_scoped3A = tpu.sem_alloc : memref<!tpu.dma_semaphore, #tpu.memory_space<semaphore_mem>>
          %dma_start3A_86 = arith.constant 0 : i32
          %dma_start3A_87 = arith.constant 0 : i32
          %dma_start3A_88 = tpu.memref_slice %arg4[%arg1, %scan3A_20, %dma_start3A_86, %dma_start3A_87] : memref<16x10x25x80xi32, #tpu.memory_space<hbm>> -> memref<1x1x25x80xi32, #tpu.memory_space<hbm>>
          %dma_start3A_89 = tpu.memref_squeeze %dma_start3A_88 : memref<1x1x25x80xi32, #tpu.memory_space<hbm>> -> memref<25x80xi32, #tpu.memory_space<hbm>>
          %dma_start3A_90 = arith.constant 0 : i32
          %dma_start3A_91 = arith.constant 0 : i32
          %dma_start3A_92 = tpu.memref_slice %arg4[%arg1, %scan3A_20, %dma_start3A_90, %dma_start3A_91] : memref<16x10x25x80xi32, #tpu.memory_space<hbm>> -> memref<1x1x25x80xi32, #tpu.memory_space<hbm>>
          %dma_start3A_93 = tpu.memref_squeeze %dma_start3A_92 : memref<1x1x25x80xi32, #tpu.memory_space<hbm>> -> memref<25x80xi32, #tpu.memory_space<hbm>>
          tpu.enqueue_dma source(%dma_start3A_93 : memref<25x80xi32, #tpu.memory_space<hbm>>) target(%arg7 : memref<25x80xi32, #tpu.memory_space<vmem>>) target_semaphore(%run_scoped3A : memref<!tpu.dma_semaphore, #tpu.memory_space<semaphore_mem>>)
          %dma_wait3A_94 = arith.constant 0 : i32
          %dma_wait3A_95 = arith.constant 0 : i32
          %dma_wait3A_96 = tpu.memref_slice %arg4[%arg1, %scan3A_20, %dma_wait3A_94, %dma_wait3A_95] : memref<16x10x25x80xi32, #tpu.memory_space<hbm>> -> memref<1x1x25x80xi32, #tpu.memory_space<hbm>>
          %dma_wait3A_97 = tpu.memref_squeeze %dma_wait3A_96 : memref<1x1x25x80xi32, #tpu.memory_space<hbm>> -> memref<25x80xi32, #tpu.memory_space<hbm>>
          %dma_wait3A_98 = arith.constant 0 : i32
          %dma_wait3A_99 = arith.constant 0 : i32
          %dma_wait3A_100 = tpu.memref_slice %arg4[%arg1, %scan3A_20, %dma_wait3A_98, %dma_wait3A_99] : memref<16x10x25x80xi32, #tpu.memory_space<hbm>> -> memref<1x1x25x80xi32, #tpu.memory_space<hbm>>
          %dma_wait3A_101 = tpu.memref_squeeze %dma_wait3A_100 : memref<1x1x25x80xi32, #tpu.memory_space<hbm>> -> memref<25x80xi32, #tpu.memory_space<hbm>>
          tpu.wait_dma2 semaphore(%run_scoped3A : memref<!tpu.dma_semaphore, #tpu.memory_space<semaphore_mem>>) src(%dma_wait3A_101 : memref<25x80xi32, #tpu.memory_space<hbm>>) dst(%arg7 : memref<25x80xi32, #tpu.memory_space<vmem>>)
          tpu.yield
        }) : () -> ()
      } else {
      }
      "tpu.region"() ({
        %run_scoped3A = tpu.sem_alloc : memref<!tpu.dma_semaphore, #tpu.memory_space<semaphore_mem>>
        %dma_start3A_86 = arith.constant 0 : i32
        %dma_start3A_87 = arith.constant 0 : i32
        %dma_start3A_88 = tpu.memref_slice %arg5[%arg1, %scan3A_20, %dma_start3A_86, %dma_start3A_87] : memref<16x10x25x80xi32, #tpu.memory_space<hbm>> -> memref<1x1x25x80xi32, #tpu.memory_space<hbm>>
        %dma_start3A_89 = tpu.memref_squeeze %dma_start3A_88 : memref<1x1x25x80xi32, #tpu.memory_space<hbm>> -> memref<25x80xi32, #tpu.memory_space<hbm>>
        %dma_start3A_90 = arith.constant 0 : i32
        %dma_start3A_91 = arith.constant 0 : i32
        %dma_start3A_92 = tpu.memref_slice %arg5[%arg1, %scan3A_20, %dma_start3A_90, %dma_start3A_91] : memref<16x10x25x80xi32, #tpu.memory_space<hbm>> -> memref<1x1x25x80xi32, #tpu.memory_space<hbm>>
        %dma_start3A_93 = tpu.memref_squeeze %dma_start3A_92 : memref<1x1x25x80xi32, #tpu.memory_space<hbm>> -> memref<25x80xi32, #tpu.memory_space<hbm>>
        tpu.enqueue_dma source(%dma_start3A_93 : memref<25x80xi32, #tpu.memory_space<hbm>>) target(%arg8 : memref<25x80xi32, #tpu.memory_space<vmem>>) target_semaphore(%run_scoped3A : memref<!tpu.dma_semaphore, #tpu.memory_space<semaphore_mem>>)
        %dma_wait3A_94 = arith.constant 0 : i32
        %dma_wait3A_95 = arith.constant 0 : i32
        %dma_wait3A_96 = tpu.memref_slice %arg5[%arg1, %scan3A_20, %dma_wait3A_94, %dma_wait3A_95] : memref<16x10x25x80xi32, #tpu.memory_space<hbm>> -> memref<1x1x25x80xi32, #tpu.memory_space<hbm>>
        %dma_wait3A_97 = tpu.memref_squeeze %dma_wait3A_96 : memref<1x1x25x80xi32, #tpu.memory_space<hbm>> -> memref<25x80xi32, #tpu.memory_space<hbm>>
        %dma_wait3A_98 = arith.constant 0 : i32
        %dma_wait3A_99 = arith.constant 0 : i32
        %dma_wait3A_100 = tpu.memref_slice %arg5[%arg1, %scan3A_20, %dma_wait3A_98, %dma_wait3A_99] : memref<16x10x25x80xi32, #tpu.memory_space<hbm>> -> memref<1x1x25x80xi32, #tpu.memory_space<hbm>>
        %dma_wait3A_101 = tpu.memref_squeeze %dma_wait3A_100 : memref<1x1x25x80xi32, #tpu.memory_space<hbm>> -> memref<25x80xi32, #tpu.memory_space<hbm>>
        tpu.wait_dma2 semaphore(%run_scoped3A : memref<!tpu.dma_semaphore, #tpu.memory_space<semaphore_mem>>) src(%dma_wait3A_101 : memref<25x80xi32, #tpu.memory_space<hbm>>) dst(%arg8 : memref<25x80xi32, #tpu.memory_space<vmem>>)
        tpu.yield
      }) : () -> ()
      %scan3A_30 = arith.constant 0 : i32
      %scan3A_31 = arith.constant 0 : i32
      %scan3A_32 = arith.constant 6 : i32
      %scan3A_33 = arith.addi %scan3A_31, %scan3A_32 : i32
      %scan3A_34 = arith.constant 1 : i32
      scf.for %scan3A_86 = %scan3A_31 to %scan3A_33 step %scan3A_34  : i32 {
        %gt3A = arith.constant 0 : i32
        %gt3A_87 = arith.cmpi sgt, %scan3A_86, %gt3A : i32
        %convert_element_type3A_88 = arith.extui %gt3A_87 : i1 to i32
        %cond3A_89 = arith.constant 0 : i32
        %cond3A_90 = arith.cmpi ne, %convert_element_type3A_88, %cond3A_89 : i32
        scf.if %cond3A_90 {
          %dma_wait3A_210 = arith.constant 0 : i32
          %dma_wait3A_211 = arith.constant 0 : i32
          %dma_wait3A_212 = tpu.memref_slice %arg2[%dma_wait3A_210, %dma_wait3A_211] : memref<20000x128xf32, #tpu.memory_space<hbm>> -> memref<80x128xf32, #tpu.memory_space<hbm>>
          %dma_wait3A_213 = arith.constant 0 : i32
          %dma_wait3A_214 = arith.constant 0 : i32
          %dma_wait3A_215 = tpu.memref_slice %arg2[%dma_wait3A_213, %dma_wait3A_214] : memref<20000x128xf32, #tpu.memory_space<hbm>> -> memref<80x128xf32, #tpu.memory_space<hbm>>
          tpu.wait_dma2 semaphore(%arg18 : memref<!tpu.dma_semaphore, #tpu.memory_space<semaphore_mem>>) src(%dma_wait3A_215 : memref<80x128xf32, #tpu.memory_space<hbm>>) dst(%arg9 : memref<80x128xf32, #tpu.memory_space<vmem>>)
        } else {
        }
        %mul3A_91 = arith.constant 4 : i32
        %mul3A_92 = arith.muli %mul3A_91, %scan3A_86 : i32
        %add3A_93 = arith.constant 0 : i32
        %add3A_94 = arith.addi %mul3A_92, %add3A_93 : i32
        %dma_start3A_95 = arith.constant 0 : i32
        %dma_start3A_96 = tpu.memref_slice %arg7[%add3A_94, %dma_start3A_95] : memref<25x80xi32, #tpu.memory_space<vmem>> -> memref<1x80xi32, #tpu.memory_space<vmem>>
        %dma_start3A_97 = tpu.memref_squeeze %dma_start3A_96 : memref<1x80xi32, #tpu.memory_space<vmem>> -> memref<80xi32, #tpu.memory_space<vmem>>
        %dma_start3A_98 = arith.constant 0 : i32
        %dma_start3A_99 = arith.constant 0 : i32
        %dma_start3A_100 = tpu.memref_slice %arg2[%dma_start3A_98, %dma_start3A_99] : memref<20000x128xf32, #tpu.memory_space<hbm>> -> memref<20000x128xf32, #tpu.memory_space<hbm>>
        tpu.enqueue_indirect_dma source(%dma_start3A_100 : memref<20000x128xf32, #tpu.memory_space<hbm>>) target(%arg9 : memref<80x128xf32, #tpu.memory_space<vmem>>) offsets(%dma_start3A_97 : memref<80xi32, #tpu.memory_space<vmem>>) semaphore(%arg14 : memref<!tpu.dma_semaphore, #tpu.memory_space<semaphore_mem>>)
        %gt3A_101 = arith.constant 0 : i32
        %gt3A_102 = arith.cmpi sgt, %scan3A_86, %gt3A_101 : i32
        %convert_element_type3A_103 = arith.extui %gt3A_102 : i1 to i32
        %cond3A_104 = arith.constant 0 : i32
        %cond3A_105 = arith.cmpi ne, %convert_element_type3A_103, %cond3A_104 : i32
        scf.if %cond3A_105 {
          %dma_wait3A_210 = arith.constant 0 : i32
          %dma_wait3A_211 = arith.constant 0 : i32
          %dma_wait3A_212 = tpu.memref_slice %arg2[%dma_wait3A_210, %dma_wait3A_211] : memref<20000x128xf32, #tpu.memory_space<hbm>> -> memref<80x128xf32, #tpu.memory_space<hbm>>
          %dma_wait3A_213 = arith.constant 0 : i32
          %dma_wait3A_214 = arith.constant 0 : i32
          %dma_wait3A_215 = tpu.memref_slice %arg2[%dma_wait3A_213, %dma_wait3A_214] : memref<20000x128xf32, #tpu.memory_space<hbm>> -> memref<80x128xf32, #tpu.memory_space<hbm>>
          tpu.wait_dma2 semaphore(%arg19 : memref<!tpu.dma_semaphore, #tpu.memory_space<semaphore_mem>>) src(%dma_wait3A_215 : memref<80x128xf32, #tpu.memory_space<hbm>>) dst(%arg10 : memref<80x128xf32, #tpu.memory_space<vmem>>)
        } else {
        }
        %mul3A_106 = arith.constant 4 : i32
        %mul3A_107 = arith.muli %mul3A_106, %scan3A_86 : i32
        %add3A_108 = arith.constant 1 : i32
        %add3A_109 = arith.addi %mul3A_107, %add3A_108 : i32
        %dma_start3A_110 = arith.constant 0 : i32
        %dma_start3A_111 = tpu.memref_slice %arg7[%add3A_109, %dma_start3A_110] : memref<25x80xi32, #tpu.memory_space<vmem>> -> memref<1x80xi32, #tpu.memory_space<vmem>>
        %dma_start3A_112 = tpu.memref_squeeze %dma_start3A_111 : memref<1x80xi32, #tpu.memory_space<vmem>> -> memref<80xi32, #tpu.memory_space<vmem>>
        %dma_start3A_113 = arith.constant 0 : i32
        %dma_start3A_114 = arith.constant 0 : i32
        %dma_start3A_115 = tpu.memref_slice %arg2[%dma_start3A_113, %dma_start3A_114] : memref<20000x128xf32, #tpu.memory_space<hbm>> -> memref<20000x128xf32, #tpu.memory_space<hbm>>
        tpu.enqueue_indirect_dma source(%dma_start3A_115 : memref<20000x128xf32, #tpu.memory_space<hbm>>) target(%arg10 : memref<80x128xf32, #tpu.memory_space<vmem>>) offsets(%dma_start3A_112 : memref<80xi32, #tpu.memory_space<vmem>>) semaphore(%arg15 : memref<!tpu.dma_semaphore, #tpu.memory_space<semaphore_mem>>)
        %gt3A_116 = arith.constant 0 : i32
        %gt3A_117 = arith.cmpi sgt, %scan3A_86, %gt3A_116 : i32
        %convert_element_type3A_118 = arith.extui %gt3A_117 : i1 to i32
        %cond3A_119 = arith.constant 0 : i32
        %cond3A_120 = arith.cmpi ne, %convert_element_type3A_118, %cond3A_119 : i32
        scf.if %cond3A_120 {
          %dma_wait3A_210 = arith.constant 0 : i32
          %dma_wait3A_211 = arith.constant 0 : i32
          %dma_wait3A_212 = tpu.memref_slice %arg2[%dma_wait3A_210, %dma_wait3A_211] : memref<20000x128xf32, #tpu.memory_space<hbm>> -> memref<80x128xf32, #tpu.memory_space<hbm>>
          %dma_wait3A_213 = arith.constant 0 : i32
          %dma_wait3A_214 = arith.constant 0 : i32
          %dma_wait3A_215 = tpu.memref_slice %arg2[%dma_wait3A_213, %dma_wait3A_214] : memref<20000x128xf32, #tpu.memory_space<hbm>> -> memref<80x128xf32, #tpu.memory_space<hbm>>
          tpu.wait_dma2 semaphore(%arg20 : memref<!tpu.dma_semaphore, #tpu.memory_space<semaphore_mem>>) src(%dma_wait3A_215 : memref<80x128xf32, #tpu.memory_space<hbm>>) dst(%arg11 : memref<80x128xf32, #tpu.memory_space<vmem>>)
        } else {
        }
        %mul3A_121 = arith.constant 4 : i32
        %mul3A_122 = arith.muli %mul3A_121, %scan3A_86 : i32
        %add3A_123 = arith.constant 2 : i32
        %add3A_124 = arith.addi %mul3A_122, %add3A_123 : i32
        %dma_start3A_125 = arith.constant 0 : i32
        %dma_start3A_126 = tpu.memref_slice %arg7[%add3A_124, %dma_start3A_125] : memref<25x80xi32, #tpu.memory_space<vmem>> -> memref<1x80xi32, #tpu.memory_space<vmem>>
        %dma_start3A_127 = tpu.memref_squeeze %dma_start3A_126 : memref<1x80xi32, #tpu.memory_space<vmem>> -> memref<80xi32, #tpu.memory_space<vmem>>
        %dma_start3A_128 = arith.constant 0 : i32
        %dma_start3A_129 = arith.constant 0 : i32
        %dma_start3A_130 = tpu.memref_slice %arg2[%dma_start3A_128, %dma_start3A_129] : memref<20000x128xf32, #tpu.memory_space<hbm>> -> memref<20000x128xf32, #tpu.memory_space<hbm>>
        tpu.enqueue_indirect_dma source(%dma_start3A_130 : memref<20000x128xf32, #tpu.memory_space<hbm>>) target(%arg11 : memref<80x128xf32, #tpu.memory_space<vmem>>) offsets(%dma_start3A_127 : memref<80xi32, #tpu.memory_space<vmem>>) semaphore(%arg16 : memref<!tpu.dma_semaphore, #tpu.memory_space<semaphore_mem>>)
        %gt3A_131 = arith.constant 0 : i32
        %gt3A_132 = arith.cmpi sgt, %scan3A_86, %gt3A_131 : i32
        %convert_element_type3A_133 = arith.extui %gt3A_132 : i1 to i32
        %cond3A_134 = arith.constant 0 : i32
        %cond3A_135 = arith.cmpi ne, %convert_element_type3A_133, %cond3A_134 : i32
        scf.if %cond3A_135 {
          %dma_wait3A_210 = arith.constant 0 : i32
          %dma_wait3A_211 = arith.constant 0 : i32
          %dma_wait3A_212 = tpu.memref_slice %arg2[%dma_wait3A_210, %dma_wait3A_211] : memref<20000x128xf32, #tpu.memory_space<hbm>> -> memref<80x128xf32, #tpu.memory_space<hbm>>
          %dma_wait3A_213 = arith.constant 0 : i32
          %dma_wait3A_214 = arith.constant 0 : i32
          %dma_wait3A_215 = tpu.memref_slice %arg2[%dma_wait3A_213, %dma_wait3A_214] : memref<20000x128xf32, #tpu.memory_space<hbm>> -> memref<80x128xf32, #tpu.memory_space<hbm>>
          tpu.wait_dma2 semaphore(%arg21 : memref<!tpu.dma_semaphore, #tpu.memory_space<semaphore_mem>>) src(%dma_wait3A_215 : memref<80x128xf32, #tpu.memory_space<hbm>>) dst(%arg12 : memref<80x128xf32, #tpu.memory_space<vmem>>)
        } else {
        }
        %mul3A_136 = arith.constant 4 : i32
        %mul3A_137 = arith.muli %mul3A_136, %scan3A_86 : i32
        %add3A_138 = arith.constant 3 : i32
        %add3A_139 = arith.addi %mul3A_137, %add3A_138 : i32
        %dma_start3A_140 = arith.constant 0 : i32
        %dma_start3A_141 = tpu.memref_slice %arg7[%add3A_139, %dma_start3A_140] : memref<25x80xi32, #tpu.memory_space<vmem>> -> memref<1x80xi32, #tpu.memory_space<vmem>>
        %dma_start3A_142 = tpu.memref_squeeze %dma_start3A_141 : memref<1x80xi32, #tpu.memory_space<vmem>> -> memref<80xi32, #tpu.memory_space<vmem>>
        %dma_start3A_143 = arith.constant 0 : i32
        %dma_start3A_144 = arith.constant 0 : i32
        %dma_start3A_145 = tpu.memref_slice %arg2[%dma_start3A_143, %dma_start3A_144] : memref<20000x128xf32, #tpu.memory_space<hbm>> -> memref<20000x128xf32, #tpu.memory_space<hbm>>
        tpu.enqueue_indirect_dma source(%dma_start3A_145 : memref<20000x128xf32, #tpu.memory_space<hbm>>) target(%arg12 : memref<80x128xf32, #tpu.memory_space<vmem>>) offsets(%dma_start3A_142 : memref<80xi32, #tpu.memory_space<vmem>>) semaphore(%arg17 : memref<!tpu.dma_semaphore, #tpu.memory_space<semaphore_mem>>)
        %dma_wait3A_146 = arith.constant 0 : i32
        %dma_wait3A_147 = tpu.memref_slice %arg7[%add3A_94, %dma_wait3A_146] : memref<25x80xi32, #tpu.memory_space<vmem>> -> memref<1x80xi32, #tpu.memory_space<vmem>>
        %dma_wait3A_148 = tpu.memref_squeeze %dma_wait3A_147 : memref<1x80xi32, #tpu.memory_space<vmem>> -> memref<80xi32, #tpu.memory_space<vmem>>
        %dma_wait3A_149 = arith.constant 0 : i32
        %dma_wait3A_150 = arith.constant 0 : i32
        %dma_wait3A_151 = tpu.memref_slice %arg2[%dma_wait3A_149, %dma_wait3A_150] : memref<20000x128xf32, #tpu.memory_space<hbm>> -> memref<20000x128xf32, #tpu.memory_space<hbm>>
        tpu.wait_indirect_dma semaphore(%arg14 : memref<!tpu.dma_semaphore, #tpu.memory_space<semaphore_mem>>) src(%dma_wait3A_151 : memref<20000x128xf32, #tpu.memory_space<hbm>>) dst(%arg9 : memref<80x128xf32, #tpu.memory_space<vmem>>)
        %mul3A_152 = arith.constant 4 : i32
        %mul3A_153 = arith.muli %mul3A_152, %scan3A_86 : i32
        %add3A_154 = arith.constant 0 : i32
        %add3A_155 = arith.addi %mul3A_153, %add3A_154 : i32
        %dma_start3A_156 = arith.constant 0 : i32
        %dma_start3A_157 = tpu.memref_slice %arg8[%add3A_155, %dma_start3A_156] : memref<25x80xi32, #tpu.memory_space<vmem>> -> memref<1x80xi32, #tpu.memory_space<vmem>>
        %dma_start3A_158 = tpu.memref_squeeze %dma_start3A_157 : memref<1x80xi32, #tpu.memory_space<vmem>> -> memref<80xi32, #tpu.memory_space<vmem>>
        %dma_start3A_159 = arith.constant 0 : i32
        %dma_start3A_160 = arith.constant 0 : i32
        %dma_start3A_161 = tpu.memref_slice %arg13[%dma_start3A_159, %dma_start3A_160] : memref<10000x128xf32, #tpu.memory_space<vmem_shared>> -> memref<10000x128xf32, #tpu.memory_space<vmem_shared>>
        tpu.enqueue_indirect_dma source(%arg9 : memref<80x128xf32, #tpu.memory_space<vmem>>) target(%dma_start3A_161 : memref<10000x128xf32, #tpu.memory_space<vmem_shared>>) offsets(%dma_start3A_158 : memref<80xi32, #tpu.memory_space<vmem>>) semaphore(%arg18 : memref<!tpu.dma_semaphore, #tpu.memory_space<semaphore_mem>>) {add = true}
        %dma_wait3A_162 = arith.constant 0 : i32
        %dma_wait3A_163 = tpu.memref_slice %arg7[%add3A_109, %dma_wait3A_162] : memref<25x80xi32, #tpu.memory_space<vmem>> -> memref<1x80xi32, #tpu.memory_space<vmem>>
        %dma_wait3A_164 = tpu.memref_squeeze %dma_wait3A_163 : memref<1x80xi32, #tpu.memory_space<vmem>> -> memref<80xi32, #tpu.memory_space<vmem>>
        %dma_wait3A_165 = arith.constant 0 : i32
        %dma_wait3A_166 = arith.constant 0 : i32
        %dma_wait3A_167 = tpu.memref_slice %arg2[%dma_wait3A_165, %dma_wait3A_166] : memref<20000x128xf32, #tpu.memory_space<hbm>> -> memref<20000x128xf32, #tpu.memory_space<hbm>>
        tpu.wait_indirect_dma semaphore(%arg15 : memref<!tpu.dma_semaphore, #tpu.memory_space<semaphore_mem>>) src(%dma_wait3A_167 : memref<20000x128xf32, #tpu.memory_space<hbm>>) dst(%arg10 : memref<80x128xf32, #tpu.memory_space<vmem>>)
        %mul3A_168 = arith.constant 4 : i32
        %mul3A_169 = arith.muli %mul3A_168, %scan3A_86 : i32
        %add3A_170 = arith.constant 1 : i32
        %add3A_171 = arith.addi %mul3A_169, %add3A_170 : i32
        %dma_start3A_172 = arith.constant 0 : i32
        %dma_start3A_173 = tpu.memref_slice %arg8[%add3A_171, %dma_start3A_172] : memref<25x80xi32, #tpu.memory_space<vmem>> -> memref<1x80xi32, #tpu.memory_space<vmem>>
        %dma_start3A_174 = tpu.memref_squeeze %dma_start3A_173 : memref<1x80xi32, #tpu.memory_space<vmem>> -> memref<80xi32, #tpu.memory_space<vmem>>
        %dma_start3A_175 = arith.constant 0 : i32
        %dma_start3A_176 = arith.constant 0 : i32
        %dma_start3A_177 = tpu.memref_slice %arg13[%dma_start3A_175, %dma_start3A_176] : memref<10000x128xf32, #tpu.memory_space<vmem_shared>> -> memref<10000x128xf32, #tpu.memory_space<vmem_shared>>
        tpu.enqueue_indirect_dma source(%arg10 : memref<80x128xf32, #tpu.memory_space<vmem>>) target(%dma_start3A_177 : memref<10000x128xf32, #tpu.memory_space<vmem_shared>>) offsets(%dma_start3A_174 : memref<80xi32, #tpu.memory_space<vmem>>) semaphore(%arg19 : memref<!tpu.dma_semaphore, #tpu.memory_space<semaphore_mem>>) {add = true}
        %dma_wait3A_178 = arith.constant 0 : i32
        %dma_wait3A_179 = tpu.memref_slice %arg7[%add3A_124, %dma_wait3A_178] : memref<25x80xi32, #tpu.memory_space<vmem>> -> memref<1x80xi32, #tpu.memory_space<vmem>>
        %dma_wait3A_180 = tpu.memref_squeeze %dma_wait3A_179 : memref<1x80xi32, #tpu.memory_space<vmem>> -> memref<80xi32, #tpu.memory_space<vmem>>
        %dma_wait3A_181 = arith.constant 0 : i32
        %dma_wait3A_182 = arith.constant 0 : i32
        %dma_wait3A_183 = tpu.memref_slice %arg2[%dma_wait3A_181, %dma_wait3A_182] : memref<20000x128xf32, #tpu.memory_space<hbm>> -> memref<20000x128xf32, #tpu.memory_space<hbm>>
        tpu.wait_indirect_dma semaphore(%arg16 : memref<!tpu.dma_semaphore, #tpu.memory_space<semaphore_mem>>) src(%dma_wait3A_183 : memref<20000x128xf32, #tpu.memory_space<hbm>>) dst(%arg11 : memref<80x128xf32, #tpu.memory_space<vmem>>)
        %mul3A_184 = arith.constant 4 : i32
        %mul3A_185 = arith.muli %mul3A_184, %scan3A_86 : i32
        %add3A_186 = arith.constant 2 : i32
        %add3A_187 = arith.addi %mul3A_185, %add3A_186 : i32
        %dma_start3A_188 = arith.constant 0 : i32
        %dma_start3A_189 = tpu.memref_slice %arg8[%add3A_187, %dma_start3A_188] : memref<25x80xi32, #tpu.memory_space<vmem>> -> memref<1x80xi32, #tpu.memory_space<vmem>>
        %dma_start3A_190 = tpu.memref_squeeze %dma_start3A_189 : memref<1x80xi32, #tpu.memory_space<vmem>> -> memref<80xi32, #tpu.memory_space<vmem>>
        %dma_start3A_191 = arith.constant 0 : i32
        %dma_start3A_192 = arith.constant 0 : i32
        %dma_start3A_193 = tpu.memref_slice %arg13[%dma_start3A_191, %dma_start3A_192] : memref<10000x128xf32, #tpu.memory_space<vmem_shared>> -> memref<10000x128xf32, #tpu.memory_space<vmem_shared>>
        tpu.enqueue_indirect_dma source(%arg11 : memref<80x128xf32, #tpu.memory_space<vmem>>) target(%dma_start3A_193 : memref<10000x128xf32, #tpu.memory_space<vmem_shared>>) offsets(%dma_start3A_190 : memref<80xi32, #tpu.memory_space<vmem>>) semaphore(%arg20 : memref<!tpu.dma_semaphore, #tpu.memory_space<semaphore_mem>>) {add = true}
        %dma_wait3A_194 = arith.constant 0 : i32
        %dma_wait3A_195 = tpu.memref_slice %arg7[%add3A_139, %dma_wait3A_194] : memref<25x80xi32, #tpu.memory_space<vmem>> -> memref<1x80xi32, #tpu.memory_space<vmem>>
        %dma_wait3A_196 = tpu.memref_squeeze %dma_wait3A_195 : memref<1x80xi32, #tpu.memory_space<vmem>> -> memref<80xi32, #tpu.memory_space<vmem>>
        %dma_wait3A_197 = arith.constant 0 : i32
        %dma_wait3A_198 = arith.constant 0 : i32
        %dma_wait3A_199 = tpu.memref_slice %arg2[%dma_wait3A_197, %dma_wait3A_198] : memref<20000x128xf32, #tpu.memory_space<hbm>> -> memref<20000x128xf32, #tpu.memory_space<hbm>>
        tpu.wait_indirect_dma semaphore(%arg17 : memref<!tpu.dma_semaphore, #tpu.memory_space<semaphore_mem>>) src(%dma_wait3A_199 : memref<20000x128xf32, #tpu.memory_space<hbm>>) dst(%arg12 : memref<80x128xf32, #tpu.memory_space<vmem>>)
        %mul3A_200 = arith.constant 4 : i32
        %mul3A_201 = arith.muli %mul3A_200, %scan3A_86 : i32
        %add3A_202 = arith.constant 3 : i32
        %add3A_203 = arith.addi %mul3A_201, %add3A_202 : i32
        %dma_start3A_204 = arith.constant 0 : i32
        %dma_start3A_205 = tpu.memref_slice %arg8[%add3A_203, %dma_start3A_204] : memref<25x80xi32, #tpu.memory_space<vmem>> -> memref<1x80xi32, #tpu.memory_space<vmem>>
        %dma_start3A_206 = tpu.memref_squeeze %dma_start3A_205 : memref<1x80xi32, #tpu.memory_space<vmem>> -> memref<80xi32, #tpu.memory_space<vmem>>
        %dma_start3A_207 = arith.constant 0 : i32
        %dma_start3A_208 = arith.constant 0 : i32
        %dma_start3A_209 = tpu.memref_slice %arg13[%dma_start3A_207, %dma_start3A_208] : memref<10000x128xf32, #tpu.memory_space<vmem_shared>> -> memref<10000x128xf32, #tpu.memory_space<vmem_shared>>
        tpu.enqueue_indirect_dma source(%arg12 : memref<80x128xf32, #tpu.memory_space<vmem>>) target(%dma_start3A_209 : memref<10000x128xf32, #tpu.memory_space<vmem_shared>>) offsets(%dma_start3A_206 : memref<80xi32, #tpu.memory_space<vmem>>) semaphore(%arg21 : memref<!tpu.dma_semaphore, #tpu.memory_space<semaphore_mem>>) {add = true}
      }
      %scan3A_35 = arith.constant 6 : i32
      %dma_wait3A = arith.constant 0 : i32
      %dma_wait3A_36 = arith.constant 0 : i32
      %dma_wait3A_37 = tpu.memref_slice %arg2[%dma_wait3A, %dma_wait3A_36] : memref<20000x128xf32, #tpu.memory_space<hbm>> -> memref<80x128xf32, #tpu.memory_space<hbm>>
      %dma_wait3A_38 = arith.constant 0 : i32
      %dma_wait3A_39 = arith.constant 0 : i32
      %dma_wait3A_40 = tpu.memref_slice %arg2[%dma_wait3A_38, %dma_wait3A_39] : memref<20000x128xf32, #tpu.memory_space<hbm>> -> memref<80x128xf32, #tpu.memory_space<hbm>>
      tpu.wait_dma2 semaphore(%arg18 : memref<!tpu.dma_semaphore, #tpu.memory_space<semaphore_mem>>) src(%dma_wait3A_40 : memref<80x128xf32, #tpu.memory_space<hbm>>) dst(%arg9 : memref<80x128xf32, #tpu.memory_space<vmem>>)
      %dma_wait3A_41 = arith.constant 0 : i32
      %dma_wait3A_42 = arith.constant 0 : i32
      %dma_wait3A_43 = tpu.memref_slice %arg2[%dma_wait3A_41, %dma_wait3A_42] : memref<20000x128xf32, #tpu.memory_space<hbm>> -> memref<80x128xf32, #tpu.memory_space<hbm>>
      %dma_wait3A_44 = arith.constant 0 : i32
      %dma_wait3A_45 = arith.constant 0 : i32
      %dma_wait3A_46 = tpu.memref_slice %arg2[%dma_wait3A_44, %dma_wait3A_45] : memref<20000x128xf32, #tpu.memory_space<hbm>> -> memref<80x128xf32, #tpu.memory_space<hbm>>
      tpu.wait_dma2 semaphore(%arg19 : memref<!tpu.dma_semaphore, #tpu.memory_space<semaphore_mem>>) src(%dma_wait3A_46 : memref<80x128xf32, #tpu.memory_space<hbm>>) dst(%arg10 : memref<80x128xf32, #tpu.memory_space<vmem>>)
      %dma_wait3A_47 = arith.constant 0 : i32
      %dma_wait3A_48 = arith.constant 0 : i32
      %dma_wait3A_49 = tpu.memref_slice %arg2[%dma_wait3A_47, %dma_wait3A_48] : memref<20000x128xf32, #tpu.memory_space<hbm>> -> memref<80x128xf32, #tpu.memory_space<hbm>>
      %dma_wait3A_50 = arith.constant 0 : i32
      %dma_wait3A_51 = arith.constant 0 : i32
      %dma_wait3A_52 = tpu.memref_slice %arg2[%dma_wait3A_50, %dma_wait3A_51] : memref<20000x128xf32, #tpu.memory_space<hbm>> -> memref<80x128xf32, #tpu.memory_space<hbm>>
      tpu.wait_dma2 semaphore(%arg20 : memref<!tpu.dma_semaphore, #tpu.memory_space<semaphore_mem>>) src(%dma_wait3A_52 : memref<80x128xf32, #tpu.memory_space<hbm>>) dst(%arg11 : memref<80x128xf32, #tpu.memory_space<vmem>>)
      %dma_wait3A_53 = arith.constant 0 : i32
      %dma_wait3A_54 = arith.constant 0 : i32
      %dma_wait3A_55 = tpu.memref_slice %arg2[%dma_wait3A_53, %dma_wait3A_54] : memref<20000x128xf32, #tpu.memory_space<hbm>> -> memref<80x128xf32, #tpu.memory_space<hbm>>
      %dma_wait3A_56 = arith.constant 0 : i32
      %dma_wait3A_57 = arith.constant 0 : i32
      %dma_wait3A_58 = tpu.memref_slice %arg2[%dma_wait3A_56, %dma_wait3A_57] : memref<20000x128xf32, #tpu.memory_space<hbm>> -> memref<80x128xf32, #tpu.memory_space<hbm>>
      tpu.wait_dma2 semaphore(%arg21 : memref<!tpu.dma_semaphore, #tpu.memory_space<semaphore_mem>>) src(%dma_wait3A_58 : memref<80x128xf32, #tpu.memory_space<hbm>>) dst(%arg12 : memref<80x128xf32, #tpu.memory_space<vmem>>)
      %dma_start3A = arith.constant 24 : i32
      %dma_start3A_59 = arith.constant 0 : i32
      %dma_start3A_60 = tpu.memref_slice %arg7[%dma_start3A, %dma_start3A_59] : memref<25x80xi32, #tpu.memory_space<vmem>> -> memref<1x80xi32, #tpu.memory_space<vmem>>
      %dma_start3A_61 = tpu.memref_squeeze %dma_start3A_60 : memref<1x80xi32, #tpu.memory_space<vmem>> -> memref<80xi32, #tpu.memory_space<vmem>>
      %dma_start3A_62 = arith.constant 0 : i32
      %dma_start3A_63 = arith.constant 0 : i32
      %dma_start3A_64 = tpu.memref_slice %arg2[%dma_start3A_62, %dma_start3A_63] : memref<20000x128xf32, #tpu.memory_space<hbm>> -> memref<20000x128xf32, #tpu.memory_space<hbm>>
      tpu.enqueue_indirect_dma source(%dma_start3A_64 : memref<20000x128xf32, #tpu.memory_space<hbm>>) target(%arg9 : memref<80x128xf32, #tpu.memory_space<vmem>>) offsets(%dma_start3A_61 : memref<80xi32, #tpu.memory_space<vmem>>) semaphore(%arg14 : memref<!tpu.dma_semaphore, #tpu.memory_space<semaphore_mem>>)
      %dma_wait3A_65 = arith.constant 24 : i32
      %dma_wait3A_66 = arith.constant 0 : i32
      %dma_wait3A_67 = tpu.memref_slice %arg7[%dma_wait3A_65, %dma_wait3A_66] : memref<25x80xi32, #tpu.memory_space<vmem>> -> memref<1x80xi32, #tpu.memory_space<vmem>>
      %dma_wait3A_68 = tpu.memref_squeeze %dma_wait3A_67 : memref<1x80xi32, #tpu.memory_space<vmem>> -> memref<80xi32, #tpu.memory_space<vmem>>
      %dma_wait3A_69 = arith.constant 0 : i32
      %dma_wait3A_70 = arith.constant 0 : i32
      %dma_wait3A_71 = tpu.memref_slice %arg2[%dma_wait3A_69, %dma_wait3A_70] : memref<20000x128xf32, #tpu.memory_space<hbm>> -> memref<20000x128xf32, #tpu.memory_space<hbm>>
      tpu.wait_indirect_dma semaphore(%arg14 : memref<!tpu.dma_semaphore, #tpu.memory_space<semaphore_mem>>) src(%dma_wait3A_71 : memref<20000x128xf32, #tpu.memory_space<hbm>>) dst(%arg9 : memref<80x128xf32, #tpu.memory_space<vmem>>)
      %dma_start3A_72 = arith.constant 24 : i32
      %dma_start3A_73 = arith.constant 0 : i32
      %dma_start3A_74 = tpu.memref_slice %arg8[%dma_start3A_72, %dma_start3A_73] : memref<25x80xi32, #tpu.memory_space<vmem>> -> memref<1x80xi32, #tpu.memory_space<vmem>>
      %dma_start3A_75 = tpu.memref_squeeze %dma_start3A_74 : memref<1x80xi32, #tpu.memory_space<vmem>> -> memref<80xi32, #tpu.memory_space<vmem>>
      %dma_start3A_76 = arith.constant 0 : i32
      %dma_start3A_77 = arith.constant 0 : i32
      %dma_start3A_78 = tpu.memref_slice %arg13[%dma_start3A_76, %dma_start3A_77] : memref<10000x128xf32, #tpu.memory_space<vmem_shared>> -> memref<10000x128xf32, #tpu.memory_space<vmem_shared>>
      tpu.enqueue_indirect_dma source(%arg9 : memref<80x128xf32, #tpu.memory_space<vmem>>) target(%dma_start3A_78 : memref<10000x128xf32, #tpu.memory_space<vmem_shared>>) offsets(%dma_start3A_75 : memref<80xi32, #tpu.memory_space<vmem>>) semaphore(%arg18 : memref<!tpu.dma_semaphore, #tpu.memory_space<semaphore_mem>>) {add = true}
      %dma_wait3A_79 = arith.constant 24 : i32
      %dma_wait3A_80 = arith.constant 0 : i32
      %dma_wait3A_81 = tpu.memref_slice %arg8[%dma_wait3A_79, %dma_wait3A_80] : memref<25x80xi32, #tpu.memory_space<vmem>> -> memref<1x80xi32, #tpu.memory_space<vmem>>
      %dma_wait3A_82 = tpu.memref_squeeze %dma_wait3A_81 : memref<1x80xi32, #tpu.memory_space<vmem>> -> memref<80xi32, #tpu.memory_space<vmem>>
      %dma_wait3A_83 = arith.constant 0 : i32
      %dma_wait3A_84 = arith.constant 0 : i32
      %dma_wait3A_85 = tpu.memref_slice %arg13[%dma_wait3A_83, %dma_wait3A_84] : memref<10000x128xf32, #tpu.memory_space<vmem_shared>> -> memref<10000x128xf32, #tpu.memory_space<vmem_shared>>
      tpu.wait_indirect_dma semaphore(%arg18 : memref<!tpu.dma_semaphore, #tpu.memory_space<semaphore_mem>>) src(%arg9 : memref<80x128xf32, #tpu.memory_space<vmem>>) dst(%dma_wait3A_85 : memref<10000x128xf32, #tpu.memory_space<vmem_shared>>)
    }
    %scan3A_11 = arith.constant 10 : i32
    %barrier3A_12 = arith.constant 0 : index
    tpu.barrier barrier_id(%barrier3A_12)
    %mul3A_13 = arith.constant 624 : i32
    %mul3A_14 = arith.muli %arg1, %mul3A_13 : i32
    "tpu.region"() ({
      %run_scoped3A = tpu.sem_alloc : memref<!tpu.dma_semaphore, #tpu.memory_space<semaphore_mem>>
      %dma_start3A = arith.constant 0 : i32
      %dma_start3A_20 = tpu.memref_slice %arg6[%add3A, %dma_start3A] : memref<20000x128xf32, #tpu.memory_space<hbm>> -> memref<624x128xf32, #tpu.memory_space<hbm>>
      %dma_start3A_21 = arith.constant 0 : i32
      %dma_start3A_22 = tpu.memref_slice %arg13[%mul3A_14, %dma_start3A_21] : memref<10000x128xf32, #tpu.memory_space<vmem_shared>> -> memref<624x128xf32, #tpu.memory_space<vmem_shared>>
      tpu.enqueue_dma source(%dma_start3A_22 : memref<624x128xf32, #tpu.memory_space<vmem_shared>>) target(%dma_start3A_20 : memref<624x128xf32, #tpu.memory_space<hbm>>) target_semaphore(%run_scoped3A : memref<!tpu.dma_semaphore, #tpu.memory_space<semaphore_mem>>)
      %dma_wait3A = arith.constant 0 : i32
      %dma_wait3A_23 = tpu.memref_slice %arg6[%add3A, %dma_wait3A] : memref<20000x128xf32, #tpu.memory_space<hbm>> -> memref<624x128xf32, #tpu.memory_space<hbm>>
      %dma_wait3A_24 = arith.constant 0 : i32
      %dma_wait3A_25 = tpu.memref_slice %arg13[%mul3A_14, %dma_wait3A_24] : memref<10000x128xf32, #tpu.memory_space<vmem_shared>> -> memref<624x128xf32, #tpu.memory_space<vmem_shared>>
      tpu.wait_dma2 semaphore(%run_scoped3A : memref<!tpu.dma_semaphore, #tpu.memory_space<semaphore_mem>>) src(%dma_wait3A_25 : memref<624x128xf32, #tpu.memory_space<vmem_shared>>) dst(%dma_wait3A_23 : memref<624x128xf32, #tpu.memory_space<hbm>>)
      tpu.yield
    }) : () -> ()
    %eq3A_15 = arith.constant 0 : i32
    %eq3A_16 = arith.cmpi eq, %arg1, %eq3A_15 : i32
    %convert_element_type3A_17 = arith.extui %eq3A_16 : i1 to i32
    %cond3A_18 = arith.constant 0 : i32
    %cond3A_19 = arith.cmpi ne, %convert_element_type3A_17, %cond3A_18 : i32
    scf.if %cond3A_19 {
      %mul3A_20 = arith.constant 10000 : i32
      %mul3A_21 = arith.muli %arg0, %mul3A_20 : i32
      %add3A_22 = arith.constant 9984 : i32
      %add3A_23 = arith.addi %mul3A_21, %add3A_22 : i32
      "tpu.region"() ({
        %run_scoped3A = tpu.sem_alloc : memref<!tpu.dma_semaphore, #tpu.memory_space<semaphore_mem>>
        %dma_start3A = arith.constant 0 : i32
        %dma_start3A_24 = tpu.memref_slice %arg6[%add3A_23, %dma_start3A] : memref<20000x128xf32, #tpu.memory_space<hbm>> -> memref<16x128xf32, #tpu.memory_space<hbm>>
        %dma_start3A_25 = arith.constant 9984 : i32
        %dma_start3A_26 = arith.constant 0 : i32
        %dma_start3A_27 = tpu.memref_slice %arg13[%dma_start3A_25, %dma_start3A_26] : memref<10000x128xf32, #tpu.memory_space<vmem_shared>> -> memref<16x128xf32, #tpu.memory_space<vmem_shared>>
        tpu.enqueue_dma source(%dma_start3A_27 : memref<16x128xf32, #tpu.memory_space<vmem_shared>>) target(%dma_start3A_24 : memref<16x128xf32, #tpu.memory_space<hbm>>) target_semaphore(%run_scoped3A : memref<!tpu.dma_semaphore, #tpu.memory_space<semaphore_mem>>)
        %dma_wait3A = arith.constant 0 : i32
        %dma_wait3A_28 = tpu.memref_slice %arg6[%add3A_23, %dma_wait3A] : memref<20000x128xf32, #tpu.memory_space<hbm>> -> memref<16x128xf32, #tpu.memory_space<hbm>>
        %dma_wait3A_29 = arith.constant 9984 : i32
        %dma_wait3A_30 = arith.constant 0 : i32
        %dma_wait3A_31 = tpu.memref_slice %arg13[%dma_wait3A_29, %dma_wait3A_30] : memref<10000x128xf32, #tpu.memory_space<vmem_shared>> -> memref<16x128xf32, #tpu.memory_space<vmem_shared>>
        tpu.wait_dma2 semaphore(%run_scoped3A : memref<!tpu.dma_semaphore, #tpu.memory_space<semaphore_mem>>) src(%dma_wait3A_31 : memref<16x128xf32, #tpu.memory_space<vmem_shared>>) dst(%dma_wait3A_28 : memref<16x128xf32, #tpu.memory_space<hbm>>)
        tpu.yield
      }) : () -> ()
    } else {
    }
    return
  }
}

#map = affine_map<(d0, d1) -> (0, 0)>
#map1 = affine_map<(d0, d1) -> (0, 0, 0, 0)>
module attributes {stable_mosaic.version = 14 : i64} {
  func.func @k(%arg0: i32, %arg1: i32, %arg2: memref<20000x128xf32, #tpu.memory_space<hbm>>, %arg3: memref<16x10x25x80xi32, #tpu.memory_space<hbm>>, %arg4: memref<16x10x25x80xi32, #tpu.memory_space<hbm>>, %arg5: memref<16x10x25x80xi32, #tpu.memory_space<hbm>>, %arg6: memref<20000x128xf32, #tpu.memory_space<hbm>>, %arg7: memref<25x80xi32, #tpu.memory_space<vmem>>, %arg8: memref<25x80xi32, #tpu.memory_space<vmem>>, %arg9: memref<80x128xf32, #tpu.memory_space<vmem>>, %arg10: memref<80x128xf32, #tpu.memory_space<vmem>>, %arg11: memref<80x128xf32, #tpu.memory_space<vmem>>, %arg12: memref<80x128xf32, #tpu.memory_space<vmem>>, %arg13: memref<10000x128xf32, #tpu.memory_space<vmem_shared>>, %arg14: memref<!tpu.dma_semaphore, #tpu.memory_space<semaphore_mem>>, %arg15: memref<!tpu.dma_semaphore, #tpu.memory_space<semaphore_mem>>, %arg16: memref<!tpu.dma_semaphore, #tpu.memory_space<semaphore_mem>>, %arg17: memref<!tpu.dma_semaphore, #tpu.memory_space<semaphore_mem>>, %arg18: memref<!tpu.dma_semaphore, #tpu.memory_space<semaphore_mem>>, %arg19: memref<!tpu.dma_semaphore, #tpu.memory_space<semaphore_mem>>, %arg20: memref<!tpu.dma_semaphore, #tpu.memory_space<semaphore_mem>>, %arg21: memref<!tpu.dma_semaphore, #tpu.memory_space<semaphore_mem>>) attributes {dimension_semantics = [#tpu.dimension_semantics<core_parallel>, #tpu.dimension_semantics<subcore_parallel>], iteration_bounds = array<i64: 2, 16>, scalar_prefetch = 0 : i64, scratch_operands = 15 : i64, tpu.core_type = #tpu.core_type<sc_vector_subcore>, window_params = [{transform_indices = #map}, {transform_indices = #map1}, {transform_indices = #map1}, {transform_indices = #map1}, {transform_indices = #map}]} {
    %mul3A = arith.constant 10000 : i32
    %mul3A_0 = arith.muli %arg0, %mul3A : i32
    %mul3A_1 = arith.constant 624 : i32
    %mul3A_2 = arith.muli %arg1, %mul3A_1 : i32
    %add3A = arith.addi %mul3A_0, %mul3A_2 : i32
    %mul3A_3 = arith.constant 624 : i32
    %mul3A_4 = arith.muli %arg1, %mul3A_3 : i32
    "tpu.region"() ({
      %run_scoped3A = tpu.sem_alloc : memref<!tpu.dma_semaphore, #tpu.memory_space<semaphore_mem>>
      %dma_start3A = arith.constant 0 : i32
      %dma_start3A_20 = tpu.memref_slice %arg13[%mul3A_4, %dma_start3A] : memref<10000x128xf32, #tpu.memory_space<vmem_shared>> -> memref<624x128xf32, #tpu.memory_space<vmem_shared>>
      %dma_start3A_21 = arith.constant 0 : i32
      %dma_start3A_22 = tpu.memref_slice %arg2[%add3A, %dma_start3A_21] : memref<20000x128xf32, #tpu.memory_space<hbm>> -> memref<624x128xf32, #tpu.memory_space<hbm>>
      tpu.enqueue_dma source(%dma_start3A_22 : memref<624x128xf32, #tpu.memory_space<hbm>>) target(%dma_start3A_20 : memref<624x128xf32, #tpu.memory_space<vmem_shared>>) target_semaphore(%run_scoped3A : memref<!tpu.dma_semaphore, #tpu.memory_space<semaphore_mem>>)
      %dma_wait3A = arith.constant 0 : i32
      %dma_wait3A_23 = tpu.memref_slice %arg13[%mul3A_4, %dma_wait3A] : memref<10000x128xf32, #tpu.memory_space<vmem_shared>> -> memref<624x128xf32, #tpu.memory_space<vmem_shared>>
      %dma_wait3A_24 = arith.constant 0 : i32
      %dma_wait3A_25 = tpu.memref_slice %arg2[%add3A, %dma_wait3A_24] : memref<20000x128xf32, #tpu.memory_space<hbm>> -> memref<624x128xf32, #tpu.memory_space<hbm>>
      tpu.wait_dma2 semaphore(%run_scoped3A : memref<!tpu.dma_semaphore, #tpu.memory_space<semaphore_mem>>) src(%dma_wait3A_25 : memref<624x128xf32, #tpu.memory_space<hbm>>) dst(%dma_wait3A_23 : memref<624x128xf32, #tpu.memory_space<vmem_shared>>)
      tpu.yield
    }) : () -> ()
    %eq3A = arith.constant 0 : i32
    %eq3A_5 = arith.cmpi eq, %arg1, %eq3A : i32
    %convert_element_type3A = arith.extui %eq3A_5 : i1 to i32
    %cond3A = arith.constant 0 : i32
    %cond3A_6 = arith.cmpi ne, %convert_element_type3A, %cond3A : i32
    scf.if %cond3A_6 {
      %mul3A_20 = arith.constant 10000 : i32
      %mul3A_21 = arith.muli %arg0, %mul3A_20 : i32
      %add3A_22 = arith.constant 9984 : i32
      %add3A_23 = arith.addi %mul3A_21, %add3A_22 : i32
      "tpu.region"() ({
        %run_scoped3A = tpu.sem_alloc : memref<!tpu.dma_semaphore, #tpu.memory_space<semaphore_mem>>
        %dma_start3A = arith.constant 9984 : i32
        %dma_start3A_24 = arith.constant 0 : i32
        %dma_start3A_25 = tpu.memref_slice %arg13[%dma_start3A, %dma_start3A_24] : memref<10000x128xf32, #tpu.memory_space<vmem_shared>> -> memref<16x128xf32, #tpu.memory_space<vmem_shared>>
        %dma_start3A_26 = arith.constant 0 : i32
        %dma_start3A_27 = tpu.memref_slice %arg2[%add3A_23, %dma_start3A_26] : memref<20000x128xf32, #tpu.memory_space<hbm>> -> memref<16x128xf32, #tpu.memory_space<hbm>>
        tpu.enqueue_dma source(%dma_start3A_27 : memref<16x128xf32, #tpu.memory_space<hbm>>) target(%dma_start3A_25 : memref<16x128xf32, #tpu.memory_space<vmem_shared>>) target_semaphore(%run_scoped3A : memref<!tpu.dma_semaphore, #tpu.memory_space<semaphore_mem>>)
        %dma_wait3A = arith.constant 9984 : i32
        %dma_wait3A_28 = arith.constant 0 : i32
        %dma_wait3A_29 = tpu.memref_slice %arg13[%dma_wait3A, %dma_wait3A_28] : memref<10000x128xf32, #tpu.memory_space<vmem_shared>> -> memref<16x128xf32, #tpu.memory_space<vmem_shared>>
        %dma_wait3A_30 = arith.constant 0 : i32
        %dma_wait3A_31 = tpu.memref_slice %arg2[%add3A_23, %dma_wait3A_30] : memref<20000x128xf32, #tpu.memory_space<hbm>> -> memref<16x128xf32, #tpu.memory_space<hbm>>
        tpu.wait_dma2 semaphore(%run_scoped3A : memref<!tpu.dma_semaphore, #tpu.memory_space<semaphore_mem>>) src(%dma_wait3A_31 : memref<16x128xf32, #tpu.memory_space<hbm>>) dst(%dma_wait3A_29 : memref<16x128xf32, #tpu.memory_space<vmem_shared>>)
        tpu.yield
      }) : () -> ()
    } else {
    }
    %barrier3A = arith.constant 0 : index
    tpu.barrier barrier_id(%barrier3A)
    %scan3A = arith.constant 0 : i32
    %scan3A_7 = arith.constant 0 : i32
    %scan3A_8 = arith.constant 10 : i32
    %scan3A_9 = arith.addi %scan3A_7, %scan3A_8 : i32
    %scan3A_10 = arith.constant 1 : i32
    scf.for %scan3A_20 = %scan3A_7 to %scan3A_9 step %scan3A_10  : i32 {
      %eq3A_21 = arith.constant 0 : i32
      %eq3A_22 = arith.cmpi eq, %arg0, %eq3A_21 : i32
      %convert_element_type3A_23 = arith.extui %eq3A_22 : i1 to i32
      %cond3A_24 = arith.constant 0 : i32
      %cond3A_25 = arith.cmpi ne, %convert_element_type3A_23, %cond3A_24 : i32
      scf.if %cond3A_25 {
        "tpu.region"() ({
          %run_scoped3A = tpu.sem_alloc : memref<!tpu.dma_semaphore, #tpu.memory_space<semaphore_mem>>
          %dma_start3A_86 = arith.constant 0 : i32
          %dma_start3A_87 = arith.constant 0 : i32
          %dma_start3A_88 = tpu.memref_slice %arg3[%arg1, %scan3A_20, %dma_start3A_86, %dma_start3A_87] : memref<16x10x25x80xi32, #tpu.memory_space<hbm>> -> memref<1x1x25x80xi32, #tpu.memory_space<hbm>>
          %dma_start3A_89 = tpu.memref_squeeze %dma_start3A_88 : memref<1x1x25x80xi32, #tpu.memory_space<hbm>> -> memref<25x80xi32, #tpu.memory_space<hbm>>
          %dma_start3A_90 = arith.constant 0 : i32
          %dma_start3A_91 = arith.constant 0 : i32
          %dma_start3A_92 = tpu.memref_slice %arg3[%arg1, %scan3A_20, %dma_start3A_90, %dma_start3A_91] : memref<16x10x25x80xi32, #tpu.memory_space<hbm>> -> memref<1x1x25x80xi32, #tpu.memory_space<hbm>>
          %dma_start3A_93 = tpu.memref_squeeze %dma_start3A_92 : memref<1x1x25x80xi32, #tpu.memory_space<hbm>> -> memref<25x80xi32, #tpu.memory_space<hbm>>
          tpu.enqueue_dma source(%dma_start3A_93 : memref<25x80xi32, #tpu.memory_space<hbm>>) target(%arg7 : memref<25x80xi32, #tpu.memory_space<vmem>>) target_semaphore(%run_scoped3A : memref<!tpu.dma_semaphore, #tpu.memory_space<semaphore_mem>>)
          %dma_wait3A_94 = arith.constant 0 : i32
          %dma_wait3A_95 = arith.constant 0 : i32
          %dma_wait3A_96 = tpu.memref_slice %arg3[%arg1, %scan3A_20, %dma_wait3A_94, %dma_wait3A_95] : memref<16x10x25x80xi32, #tpu.memory_space<hbm>> -> memref<1x1x25x80xi32, #tpu.memory_space<hbm>>
          %dma_wait3A_97 = tpu.memref_squeeze %dma_wait3A_96 : memref<1x1x25x80xi32, #tpu.memory_space<hbm>> -> memref<25x80xi32, #tpu.memory_space<hbm>>
          %dma_wait3A_98 = arith.constant 0 : i32
          %dma_wait3A_99 = arith.constant 0 : i32
          %dma_wait3A_100 = tpu.memref_slice %arg3[%arg1, %scan3A_20, %dma_wait3A_98, %dma_wait3A_99] : memref<16x10x25x80xi32, #tpu.memory_space<hbm>> -> memref<1x1x25x80xi32, #tpu.memory_space<hbm>>
          %dma_wait3A_101 = tpu.memref_squeeze %dma_wait3A_100 : memref<1x1x25x80xi32, #tpu.memory_space<hbm>> -> memref<25x80xi32, #tpu.memory_space<hbm>>
          tpu.wait_dma2 semaphore(%run_scoped3A : memref<!tpu.dma_semaphore, #tpu.memory_space<semaphore_mem>>) src(%dma_wait3A_101 : memref<25x80xi32, #tpu.memory_space<hbm>>) dst(%arg7 : memref<25x80xi32, #tpu.memory_space<vmem>>)
          tpu.yield
        }) : () -> ()
      } else {
      }
      %ne3A = arith.constant 0 : i32
      %ne3A_26 = arith.cmpi ne, %arg0, %ne3A : i32
      %convert_element_type3A_27 = arith.extui %ne3A_26 : i1 to i32
      %cond3A_28 = arith.constant 0 : i32
      %cond3A_29 = arith.cmpi ne, %convert_element_type3A_27, %cond3A_28 : i32
      scf.if %cond3A_29 {
        "tpu.region"() ({
          %run_scoped3A = tpu.sem_alloc : memref<!tpu.dma_semaphore, #tpu.memory_space<semaphore_mem>>
          %dma_start3A_86 = arith.constant 0 : i32
          %dma_start3A_87 = arith.constant 0 : i32
          %dma_start3A_88 = tpu.memref_slice %arg4[%arg1, %scan3A_20, %dma_start3A_86, %dma_start3A_87] : memref<16x10x25x80xi32, #tpu.memory_space<hbm>> -> memref<1x1x25x80xi32, #tpu.memory_space<hbm>>
          %dma_start3A_89 = tpu.memref_squeeze %dma_start3A_88 : memref<1x1x25x80xi32, #tpu.memory_space<hbm>> -> memref<25x80xi32, #tpu.memory_space<hbm>>
          %dma_start3A_90 = arith.constant 0 : i32
          %dma_start3A_91 = arith.constant 0 : i32
          %dma_start3A_92 = tpu.memref_slice %arg4[%arg1, %scan3A_20, %dma_start3A_90, %dma_start3A_91] : memref<16x10x25x80xi32, #tpu.memory_space<hbm>> -> memref<1x1x25x80xi32, #tpu.memory_space<hbm>>
          %dma_start3A_93 = tpu.memref_squeeze %dma_start3A_92 : memref<1x1x25x80xi32, #tpu.memory_space<hbm>> -> memref<25x80xi32, #tpu.memory_space<hbm>>
          tpu.enqueue_dma source(%dma_start3A_93 : memref<25x80xi32, #tpu.memory_space<hbm>>) target(%arg7 : memref<25x80xi32, #tpu.memory_space<vmem>>) target_semaphore(%run_scoped3A : memref<!tpu.dma_semaphore, #tpu.memory_space<semaphore_mem>>)
          %dma_wait3A_94 = arith.constant 0 : i32
          %dma_wait3A_95 = arith.constant 0 : i32
          %dma_wait3A_96 = tpu.memref_slice %arg4[%arg1, %scan3A_20, %dma_wait3A_94, %dma_wait3A_95] : memref<16x10x25x80xi32, #tpu.memory_space<hbm>> -> memref<1x1x25x80xi32, #tpu.memory_space<hbm>>
          %dma_wait3A_97 = tpu.memref_squeeze %dma_wait3A_96 : memref<1x1x25x80xi32, #tpu.memory_space<hbm>> -> memref<25x80xi32, #tpu.memory_space<hbm>>
          %dma_wait3A_98 = arith.constant 0 : i32
          %dma_wait3A_99 = arith.constant 0 : i32
          %dma_wait3A_100 = tpu.memref_slice %arg4[%arg1, %scan3A_20, %dma_wait3A_98, %dma_wait3A_99] : memref<16x10x25x80xi32, #tpu.memory_space<hbm>> -> memref<1x1x25x80xi32, #tpu.memory_space<hbm>>
          %dma_wait3A_101 = tpu.memref_squeeze %dma_wait3A_100 : memref<1x1x25x80xi32, #tpu.memory_space<hbm>> -> memref<25x80xi32, #tpu.memory_space<hbm>>
          tpu.wait_dma2 semaphore(%run_scoped3A : memref<!tpu.dma_semaphore, #tpu.memory_space<semaphore_mem>>) src(%dma_wait3A_101 : memref<25x80xi32, #tpu.memory_space<hbm>>) dst(%arg7 : memref<25x80xi32, #tpu.memory_space<vmem>>)
          tpu.yield
        }) : () -> ()
      } else {
      }
      "tpu.region"() ({
        %run_scoped3A = tpu.sem_alloc : memref<!tpu.dma_semaphore, #tpu.memory_space<semaphore_mem>>
        %dma_start3A_86 = arith.constant 0 : i32
        %dma_start3A_87 = arith.constant 0 : i32
        %dma_start3A_88 = tpu.memref_slice %arg5[%arg1, %scan3A_20, %dma_start3A_86, %dma_start3A_87] : memref<16x10x25x80xi32, #tpu.memory_space<hbm>> -> memref<1x1x25x80xi32, #tpu.memory_space<hbm>>
        %dma_start3A_89 = tpu.memref_squeeze %dma_start3A_88 : memref<1x1x25x80xi32, #tpu.memory_space<hbm>> -> memref<25x80xi32, #tpu.memory_space<hbm>>
        %dma_start3A_90 = arith.constant 0 : i32
        %dma_start3A_91 = arith.constant 0 : i32
        %dma_start3A_92 = tpu.memref_slice %arg5[%arg1, %scan3A_20, %dma_start3A_90, %dma_start3A_91] : memref<16x10x25x80xi32, #tpu.memory_space<hbm>> -> memref<1x1x25x80xi32, #tpu.memory_space<hbm>>
        %dma_start3A_93 = tpu.memref_squeeze %dma_start3A_92 : memref<1x1x25x80xi32, #tpu.memory_space<hbm>> -> memref<25x80xi32, #tpu.memory_space<hbm>>
        tpu.enqueue_dma source(%dma_start3A_93 : memref<25x80xi32, #tpu.memory_space<hbm>>) target(%arg8 : memref<25x80xi32, #tpu.memory_space<vmem>>) target_semaphore(%run_scoped3A : memref<!tpu.dma_semaphore, #tpu.memory_space<semaphore_mem>>)
        %dma_wait3A_94 = arith.constant 0 : i32
        %dma_wait3A_95 = arith.constant 0 : i32
        %dma_wait3A_96 = tpu.memref_slice %arg5[%arg1, %scan3A_20, %dma_wait3A_94, %dma_wait3A_95] : memref<16x10x25x80xi32, #tpu.memory_space<hbm>> -> memref<1x1x25x80xi32, #tpu.memory_space<hbm>>
        %dma_wait3A_97 = tpu.memref_squeeze %dma_wait3A_96 : memref<1x1x25x80xi32, #tpu.memory_space<hbm>> -> memref<25x80xi32, #tpu.memory_space<hbm>>
        %dma_wait3A_98 = arith.constant 0 : i32
        %dma_wait3A_99 = arith.constant 0 : i32
        %dma_wait3A_100 = tpu.memref_slice %arg5[%arg1, %scan3A_20, %dma_wait3A_98, %dma_wait3A_99] : memref<16x10x25x80xi32, #tpu.memory_space<hbm>> -> memref<1x1x25x80xi32, #tpu.memory_space<hbm>>
        %dma_wait3A_101 = tpu.memref_squeeze %dma_wait3A_100 : memref<1x1x25x80xi32, #tpu.memory_space<hbm>> -> memref<25x80xi32, #tpu.memory_space<hbm>>
        tpu.wait_dma2 semaphore(%run_scoped3A : memref<!tpu.dma_semaphore, #tpu.memory_space<semaphore_mem>>) src(%dma_wait3A_101 : memref<25x80xi32, #tpu.memory_space<hbm>>) dst(%arg8 : memref<25x80xi32, #tpu.memory_space<vmem>>)
        tpu.yield
      }) : () -> ()
      %scan3A_30 = arith.constant 0 : i32
      %scan3A_31 = arith.constant 0 : i32
      %scan3A_32 = arith.constant 6 : i32
      %scan3A_33 = arith.addi %scan3A_31, %scan3A_32 : i32
      %scan3A_34 = arith.constant 1 : i32
      scf.for %scan3A_86 = %scan3A_31 to %scan3A_33 step %scan3A_34  : i32 {
        %gt3A = arith.constant 0 : i32
        %gt3A_87 = arith.cmpi sgt, %scan3A_86, %gt3A : i32
        %convert_element_type3A_88 = arith.extui %gt3A_87 : i1 to i32
        %cond3A_89 = arith.constant 0 : i32
        %cond3A_90 = arith.cmpi ne, %convert_element_type3A_88, %cond3A_89 : i32
        scf.if %cond3A_90 {
          %dma_wait3A_210 = arith.constant 0 : i32
          %dma_wait3A_211 = arith.constant 0 : i32
          %dma_wait3A_212 = tpu.memref_slice %arg2[%dma_wait3A_210, %dma_wait3A_211] : memref<20000x128xf32, #tpu.memory_space<hbm>> -> memref<80x128xf32, #tpu.memory_space<hbm>>
          %dma_wait3A_213 = arith.constant 0 : i32
          %dma_wait3A_214 = arith.constant 0 : i32
          %dma_wait3A_215 = tpu.memref_slice %arg2[%dma_wait3A_213, %dma_wait3A_214] : memref<20000x128xf32, #tpu.memory_space<hbm>> -> memref<80x128xf32, #tpu.memory_space<hbm>>
          tpu.wait_dma2 semaphore(%arg18 : memref<!tpu.dma_semaphore, #tpu.memory_space<semaphore_mem>>) src(%dma_wait3A_215 : memref<80x128xf32, #tpu.memory_space<hbm>>) dst(%arg9 : memref<80x128xf32, #tpu.memory_space<vmem>>)
        } else {
        }
        %mul3A_91 = arith.constant 4 : i32
        %mul3A_92 = arith.muli %mul3A_91, %scan3A_86 : i32
        %add3A_93 = arith.constant 0 : i32
        %add3A_94 = arith.addi %mul3A_92, %add3A_93 : i32
        %dma_start3A_95 = arith.constant 0 : i32
        %dma_start3A_96 = tpu.memref_slice %arg7[%add3A_94, %dma_start3A_95] : memref<25x80xi32, #tpu.memory_space<vmem>> -> memref<1x80xi32, #tpu.memory_space<vmem>>
        %dma_start3A_97 = tpu.memref_squeeze %dma_start3A_96 : memref<1x80xi32, #tpu.memory_space<vmem>> -> memref<80xi32, #tpu.memory_space<vmem>>
        %dma_start3A_98 = arith.constant 0 : i32
        %dma_start3A_99 = arith.constant 0 : i32
        %dma_start3A_100 = tpu.memref_slice %arg2[%dma_start3A_98, %dma_start3A_99] : memref<20000x128xf32, #tpu.memory_space<hbm>> -> memref<20000x128xf32, #tpu.memory_space<hbm>>
        tpu.enqueue_indirect_dma source(%dma_start3A_100 : memref<20000x128xf32, #tpu.memory_space<hbm>>) target(%arg9 : memref<80x128xf32, #tpu.memory_space<vmem>>) offsets(%dma_start3A_97 : memref<80xi32, #tpu.memory_space<vmem>>) semaphore(%arg14 : memref<!tpu.dma_semaphore, #tpu.memory_space<semaphore_mem>>)
        %gt3A_101 = arith.constant 0 : i32
        %gt3A_102 = arith.cmpi sgt, %scan3A_86, %gt3A_101 : i32
        %convert_element_type3A_103 = arith.extui %gt3A_102 : i1 to i32
        %cond3A_104 = arith.constant 0 : i32
        %cond3A_105 = arith.cmpi ne, %convert_element_type3A_103, %cond3A_104 : i32
        scf.if %cond3A_105 {
          %dma_wait3A_210 = arith.constant 0 : i32
          %dma_wait3A_211 = arith.constant 0 : i32
          %dma_wait3A_212 = tpu.memref_slice %arg2[%dma_wait3A_210, %dma_wait3A_211] : memref<20000x128xf32, #tpu.memory_space<hbm>> -> memref<80x128xf32, #tpu.memory_space<hbm>>
          %dma_wait3A_213 = arith.constant 0 : i32
          %dma_wait3A_214 = arith.constant 0 : i32
          %dma_wait3A_215 = tpu.memref_slice %arg2[%dma_wait3A_213, %dma_wait3A_214] : memref<20000x128xf32, #tpu.memory_space<hbm>> -> memref<80x128xf32, #tpu.memory_space<hbm>>
          tpu.wait_dma2 semaphore(%arg19 : memref<!tpu.dma_semaphore, #tpu.memory_space<semaphore_mem>>) src(%dma_wait3A_215 : memref<80x128xf32, #tpu.memory_space<hbm>>) dst(%arg10 : memref<80x128xf32, #tpu.memory_space<vmem>>)
        } else {
        }
        %mul3A_106 = arith.constant 4 : i32
        %mul3A_107 = arith.muli %mul3A_106, %scan3A_86 : i32
        %add3A_108 = arith.constant 1 : i32
        %add3A_109 = arith.addi %mul3A_107, %add3A_108 : i32
        %dma_start3A_110 = arith.constant 0 : i32
        %dma_start3A_111 = tpu.memref_slice %arg7[%add3A_109, %dma_start3A_110] : memref<25x80xi32, #tpu.memory_space<vmem>> -> memref<1x80xi32, #tpu.memory_space<vmem>>
        %dma_start3A_112 = tpu.memref_squeeze %dma_start3A_111 : memref<1x80xi32, #tpu.memory_space<vmem>> -> memref<80xi32, #tpu.memory_space<vmem>>
        %dma_start3A_113 = arith.constant 0 : i32
        %dma_start3A_114 = arith.constant 0 : i32
        %dma_start3A_115 = tpu.memref_slice %arg2[%dma_start3A_113, %dma_start3A_114] : memref<20000x128xf32, #tpu.memory_space<hbm>> -> memref<20000x128xf32, #tpu.memory_space<hbm>>
        tpu.enqueue_indirect_dma source(%dma_start3A_115 : memref<20000x128xf32, #tpu.memory_space<hbm>>) target(%arg10 : memref<80x128xf32, #tpu.memory_space<vmem>>) offsets(%dma_start3A_112 : memref<80xi32, #tpu.memory_space<vmem>>) semaphore(%arg15 : memref<!tpu.dma_semaphore, #tpu.memory_space<semaphore_mem>>)
        %gt3A_116 = arith.constant 0 : i32
        %gt3A_117 = arith.cmpi sgt, %scan3A_86, %gt3A_116 : i32
        %convert_element_type3A_118 = arith.extui %gt3A_117 : i1 to i32
        %cond3A_119 = arith.constant 0 : i32
        %cond3A_120 = arith.cmpi ne, %convert_element_type3A_118, %cond3A_119 : i32
        scf.if %cond3A_120 {
          %dma_wait3A_210 = arith.constant 0 : i32
          %dma_wait3A_211 = arith.constant 0 : i32
          %dma_wait3A_212 = tpu.memref_slice %arg2[%dma_wait3A_210, %dma_wait3A_211] : memref<20000x128xf32, #tpu.memory_space<hbm>> -> memref<80x128xf32, #tpu.memory_space<hbm>>
          %dma_wait3A_213 = arith.constant 0 : i32
          %dma_wait3A_214 = arith.constant 0 : i32
          %dma_wait3A_215 = tpu.memref_slice %arg2[%dma_wait3A_213, %dma_wait3A_214] : memref<20000x128xf32, #tpu.memory_space<hbm>> -> memref<80x128xf32, #tpu.memory_space<hbm>>
          tpu.wait_dma2 semaphore(%arg20 : memref<!tpu.dma_semaphore, #tpu.memory_space<semaphore_mem>>) src(%dma_wait3A_215 : memref<80x128xf32, #tpu.memory_space<hbm>>) dst(%arg11 : memref<80x128xf32, #tpu.memory_space<vmem>>)
        } else {
        }
        %mul3A_121 = arith.constant 4 : i32
        %mul3A_122 = arith.muli %mul3A_121, %scan3A_86 : i32
        %add3A_123 = arith.constant 2 : i32
        %add3A_124 = arith.addi %mul3A_122, %add3A_123 : i32
        %dma_start3A_125 = arith.constant 0 : i32
        %dma_start3A_126 = tpu.memref_slice %arg7[%add3A_124, %dma_start3A_125] : memref<25x80xi32, #tpu.memory_space<vmem>> -> memref<1x80xi32, #tpu.memory_space<vmem>>
        %dma_start3A_127 = tpu.memref_squeeze %dma_start3A_126 : memref<1x80xi32, #tpu.memory_space<vmem>> -> memref<80xi32, #tpu.memory_space<vmem>>
        %dma_start3A_128 = arith.constant 0 : i32
        %dma_start3A_129 = arith.constant 0 : i32
        %dma_start3A_130 = tpu.memref_slice %arg2[%dma_start3A_128, %dma_start3A_129] : memref<20000x128xf32, #tpu.memory_space<hbm>> -> memref<20000x128xf32, #tpu.memory_space<hbm>>
        tpu.enqueue_indirect_dma source(%dma_start3A_130 : memref<20000x128xf32, #tpu.memory_space<hbm>>) target(%arg11 : memref<80x128xf32, #tpu.memory_space<vmem>>) offsets(%dma_start3A_127 : memref<80xi32, #tpu.memory_space<vmem>>) semaphore(%arg16 : memref<!tpu.dma_semaphore, #tpu.memory_space<semaphore_mem>>)
        %gt3A_131 = arith.constant 0 : i32
        %gt3A_132 = arith.cmpi sgt, %scan3A_86, %gt3A_131 : i32
        %convert_element_type3A_133 = arith.extui %gt3A_132 : i1 to i32
        %cond3A_134 = arith.constant 0 : i32
        %cond3A_135 = arith.cmpi ne, %convert_element_type3A_133, %cond3A_134 : i32
        scf.if %cond3A_135 {
          %dma_wait3A_210 = arith.constant 0 : i32
          %dma_wait3A_211 = arith.constant 0 : i32
          %dma_wait3A_212 = tpu.memref_slice %arg2[%dma_wait3A_210, %dma_wait3A_211] : memref<20000x128xf32, #tpu.memory_space<hbm>> -> memref<80x128xf32, #tpu.memory_space<hbm>>
          %dma_wait3A_213 = arith.constant 0 : i32
          %dma_wait3A_214 = arith.constant 0 : i32
          %dma_wait3A_215 = tpu.memref_slice %arg2[%dma_wait3A_213, %dma_wait3A_214] : memref<20000x128xf32, #tpu.memory_space<hbm>> -> memref<80x128xf32, #tpu.memory_space<hbm>>
          tpu.wait_dma2 semaphore(%arg21 : memref<!tpu.dma_semaphore, #tpu.memory_space<semaphore_mem>>) src(%dma_wait3A_215 : memref<80x128xf32, #tpu.memory_space<hbm>>) dst(%arg12 : memref<80x128xf32, #tpu.memory_space<vmem>>)
        } else {
        }
        %mul3A_136 = arith.constant 4 : i32
        %mul3A_137 = arith.muli %mul3A_136, %scan3A_86 : i32
        %add3A_138 = arith.constant 3 : i32
        %add3A_139 = arith.addi %mul3A_137, %add3A_138 : i32
        %dma_start3A_140 = arith.constant 0 : i32
        %dma_start3A_141 = tpu.memref_slice %arg7[%add3A_139, %dma_start3A_140] : memref<25x80xi32, #tpu.memory_space<vmem>> -> memref<1x80xi32, #tpu.memory_space<vmem>>
        %dma_start3A_142 = tpu.memref_squeeze %dma_start3A_141 : memref<1x80xi32, #tpu.memory_space<vmem>> -> memref<80xi32, #tpu.memory_space<vmem>>
        %dma_start3A_143 = arith.constant 0 : i32
        %dma_start3A_144 = arith.constant 0 : i32
        %dma_start3A_145 = tpu.memref_slice %arg2[%dma_start3A_143, %dma_start3A_144] : memref<20000x128xf32, #tpu.memory_space<hbm>> -> memref<20000x128xf32, #tpu.memory_space<hbm>>
        tpu.enqueue_indirect_dma source(%dma_start3A_145 : memref<20000x128xf32, #tpu.memory_space<hbm>>) target(%arg12 : memref<80x128xf32, #tpu.memory_space<vmem>>) offsets(%dma_start3A_142 : memref<80xi32, #tpu.memory_space<vmem>>) semaphore(%arg17 : memref<!tpu.dma_semaphore, #tpu.memory_space<semaphore_mem>>)
        %dma_wait3A_146 = arith.constant 0 : i32
        %dma_wait3A_147 = tpu.memref_slice %arg7[%add3A_94, %dma_wait3A_146] : memref<25x80xi32, #tpu.memory_space<vmem>> -> memref<1x80xi32, #tpu.memory_space<vmem>>
        %dma_wait3A_148 = tpu.memref_squeeze %dma_wait3A_147 : memref<1x80xi32, #tpu.memory_space<vmem>> -> memref<80xi32, #tpu.memory_space<vmem>>
        %dma_wait3A_149 = arith.constant 0 : i32
        %dma_wait3A_150 = arith.constant 0 : i32
        %dma_wait3A_151 = tpu.memref_slice %arg2[%dma_wait3A_149, %dma_wait3A_150] : memref<20000x128xf32, #tpu.memory_space<hbm>> -> memref<20000x128xf32, #tpu.memory_space<hbm>>
        tpu.wait_indirect_dma semaphore(%arg14 : memref<!tpu.dma_semaphore, #tpu.memory_space<semaphore_mem>>) src(%dma_wait3A_151 : memref<20000x128xf32, #tpu.memory_space<hbm>>) dst(%arg9 : memref<80x128xf32, #tpu.memory_space<vmem>>)
        %mul3A_152 = arith.constant 4 : i32
        %mul3A_153 = arith.muli %mul3A_152, %scan3A_86 : i32
        %add3A_154 = arith.constant 0 : i32
        %add3A_155 = arith.addi %mul3A_153, %add3A_154 : i32
        %dma_start3A_156 = arith.constant 0 : i32
        %dma_start3A_157 = tpu.memref_slice %arg8[%add3A_155, %dma_start3A_156] : memref<25x80xi32, #tpu.memory_space<vmem>> -> memref<1x80xi32, #tpu.memory_space<vmem>>
        %dma_start3A_158 = tpu.memref_squeeze %dma_start3A_157 : memref<1x80xi32, #tpu.memory_space<vmem>> -> memref<80xi32, #tpu.memory_space<vmem>>
        %dma_start3A_159 = arith.constant 0 : i32
        %dma_start3A_160 = arith.constant 0 : i32
        %dma_start3A_161 = tpu.memref_slice %arg13[%dma_start3A_159, %dma_start3A_160] : memref<10000x128xf32, #tpu.memory_space<vmem_shared>> -> memref<10000x128xf32, #tpu.memory_space<vmem_shared>>
        tpu.enqueue_indirect_dma source(%arg9 : memref<80x128xf32, #tpu.memory_space<vmem>>) target(%dma_start3A_161 : memref<10000x128xf32, #tpu.memory_space<vmem_shared>>) offsets(%dma_start3A_158 : memref<80xi32, #tpu.memory_space<vmem>>) semaphore(%arg18 : memref<!tpu.dma_semaphore, #tpu.memory_space<semaphore_mem>>) {add = true}
        %dma_wait3A_162 = arith.constant 0 : i32
        %dma_wait3A_163 = tpu.memref_slice %arg7[%add3A_109, %dma_wait3A_162] : memref<25x80xi32, #tpu.memory_space<vmem>> -> memref<1x80xi32, #tpu.memory_space<vmem>>
        %dma_wait3A_164 = tpu.memref_squeeze %dma_wait3A_163 : memref<1x80xi32, #tpu.memory_space<vmem>> -> memref<80xi32, #tpu.memory_space<vmem>>
        %dma_wait3A_165 = arith.constant 0 : i32
        %dma_wait3A_166 = arith.constant 0 : i32
        %dma_wait3A_167 = tpu.memref_slice %arg2[%dma_wait3A_165, %dma_wait3A_166] : memref<20000x128xf32, #tpu.memory_space<hbm>> -> memref<20000x128xf32, #tpu.memory_space<hbm>>
        tpu.wait_indirect_dma semaphore(%arg15 : memref<!tpu.dma_semaphore, #tpu.memory_space<semaphore_mem>>) src(%dma_wait3A_167 : memref<20000x128xf32, #tpu.memory_space<hbm>>) dst(%arg10 : memref<80x128xf32, #tpu.memory_space<vmem>>)
        %mul3A_168 = arith.constant 4 : i32
        %mul3A_169 = arith.muli %mul3A_168, %scan3A_86 : i32
        %add3A_170 = arith.constant 1 : i32
        %add3A_171 = arith.addi %mul3A_169, %add3A_170 : i32
        %dma_start3A_172 = arith.constant 0 : i32
        %dma_start3A_173 = tpu.memref_slice %arg8[%add3A_171, %dma_start3A_172] : memref<25x80xi32, #tpu.memory_space<vmem>> -> memref<1x80xi32, #tpu.memory_space<vmem>>
        %dma_start3A_174 = tpu.memref_squeeze %dma_start3A_173 : memref<1x80xi32, #tpu.memory_space<vmem>> -> memref<80xi32, #tpu.memory_space<vmem>>
        %dma_start3A_175 = arith.constant 0 : i32
        %dma_start3A_176 = arith.constant 0 : i32
        %dma_start3A_177 = tpu.memref_slice %arg13[%dma_start3A_175, %dma_start3A_176] : memref<10000x128xf32, #tpu.memory_space<vmem_shared>> -> memref<10000x128xf32, #tpu.memory_space<vmem_shared>>
        tpu.enqueue_indirect_dma source(%arg10 : memref<80x128xf32, #tpu.memory_space<vmem>>) target(%dma_start3A_177 : memref<10000x128xf32, #tpu.memory_space<vmem_shared>>) offsets(%dma_start3A_174 : memref<80xi32, #tpu.memory_space<vmem>>) semaphore(%arg19 : memref<!tpu.dma_semaphore, #tpu.memory_space<semaphore_mem>>) {add = true}
        %dma_wait3A_178 = arith.constant 0 : i32
        %dma_wait3A_179 = tpu.memref_slice %arg7[%add3A_124, %dma_wait3A_178] : memref<25x80xi32, #tpu.memory_space<vmem>> -> memref<1x80xi32, #tpu.memory_space<vmem>>
        %dma_wait3A_180 = tpu.memref_squeeze %dma_wait3A_179 : memref<1x80xi32, #tpu.memory_space<vmem>> -> memref<80xi32, #tpu.memory_space<vmem>>
        %dma_wait3A_181 = arith.constant 0 : i32
        %dma_wait3A_182 = arith.constant 0 : i32
        %dma_wait3A_183 = tpu.memref_slice %arg2[%dma_wait3A_181, %dma_wait3A_182] : memref<20000x128xf32, #tpu.memory_space<hbm>> -> memref<20000x128xf32, #tpu.memory_space<hbm>>
        tpu.wait_indirect_dma semaphore(%arg16 : memref<!tpu.dma_semaphore, #tpu.memory_space<semaphore_mem>>) src(%dma_wait3A_183 : memref<20000x128xf32, #tpu.memory_space<hbm>>) dst(%arg11 : memref<80x128xf32, #tpu.memory_space<vmem>>)
        %mul3A_184 = arith.constant 4 : i32
        %mul3A_185 = arith.muli %mul3A_184, %scan3A_86 : i32
        %add3A_186 = arith.constant 2 : i32
        %add3A_187 = arith.addi %mul3A_185, %add3A_186 : i32
        %dma_start3A_188 = arith.constant 0 : i32
        %dma_start3A_189 = tpu.memref_slice %arg8[%add3A_187, %dma_start3A_188] : memref<25x80xi32, #tpu.memory_space<vmem>> -> memref<1x80xi32, #tpu.memory_space<vmem>>
        %dma_start3A_190 = tpu.memref_squeeze %dma_start3A_189 : memref<1x80xi32, #tpu.memory_space<vmem>> -> memref<80xi32, #tpu.memory_space<vmem>>
        %dma_start3A_191 = arith.constant 0 : i32
        %dma_start3A_192 = arith.constant 0 : i32
        %dma_start3A_193 = tpu.memref_slice %arg13[%dma_start3A_191, %dma_start3A_192] : memref<10000x128xf32, #tpu.memory_space<vmem_shared>> -> memref<10000x128xf32, #tpu.memory_space<vmem_shared>>
        tpu.enqueue_indirect_dma source(%arg11 : memref<80x128xf32, #tpu.memory_space<vmem>>) target(%dma_start3A_193 : memref<10000x128xf32, #tpu.memory_space<vmem_shared>>) offsets(%dma_start3A_190 : memref<80xi32, #tpu.memory_space<vmem>>) semaphore(%arg20 : memref<!tpu.dma_semaphore, #tpu.memory_space<semaphore_mem>>) {add = true}
        %dma_wait3A_194 = arith.constant 0 : i32
        %dma_wait3A_195 = tpu.memref_slice %arg7[%add3A_139, %dma_wait3A_194] : memref<25x80xi32, #tpu.memory_space<vmem>> -> memref<1x80xi32, #tpu.memory_space<vmem>>
        %dma_wait3A_196 = tpu.memref_squeeze %dma_wait3A_195 : memref<1x80xi32, #tpu.memory_space<vmem>> -> memref<80xi32, #tpu.memory_space<vmem>>
        %dma_wait3A_197 = arith.constant 0 : i32
        %dma_wait3A_198 = arith.constant 0 : i32
        %dma_wait3A_199 = tpu.memref_slice %arg2[%dma_wait3A_197, %dma_wait3A_198] : memref<20000x128xf32, #tpu.memory_space<hbm>> -> memref<20000x128xf32, #tpu.memory_space<hbm>>
        tpu.wait_indirect_dma semaphore(%arg17 : memref<!tpu.dma_semaphore, #tpu.memory_space<semaphore_mem>>) src(%dma_wait3A_199 : memref<20000x128xf32, #tpu.memory_space<hbm>>) dst(%arg12 : memref<80x128xf32, #tpu.memory_space<vmem>>)
        %mul3A_200 = arith.constant 4 : i32
        %mul3A_201 = arith.muli %mul3A_200, %scan3A_86 : i32
        %add3A_202 = arith.constant 3 : i32
        %add3A_203 = arith.addi %mul3A_201, %add3A_202 : i32
        %dma_start3A_204 = arith.constant 0 : i32
        %dma_start3A_205 = tpu.memref_slice %arg8[%add3A_203, %dma_start3A_204] : memref<25x80xi32, #tpu.memory_space<vmem>> -> memref<1x80xi32, #tpu.memory_space<vmem>>
        %dma_start3A_206 = tpu.memref_squeeze %dma_start3A_205 : memref<1x80xi32, #tpu.memory_space<vmem>> -> memref<80xi32, #tpu.memory_space<vmem>>
        %dma_start3A_207 = arith.constant 0 : i32
        %dma_start3A_208 = arith.constant 0 : i32
        %dma_start3A_209 = tpu.memref_slice %arg13[%dma_start3A_207, %dma_start3A_208] : memref<10000x128xf32, #tpu.memory_space<vmem_shared>> -> memref<10000x128xf32, #tpu.memory_space<vmem_shared>>
        tpu.enqueue_indirect_dma source(%arg12 : memref<80x128xf32, #tpu.memory_space<vmem>>) target(%dma_start3A_209 : memref<10000x128xf32, #tpu.memory_space<vmem_shared>>) offsets(%dma_start3A_206 : memref<80xi32, #tpu.memory_space<vmem>>) semaphore(%arg21 : memref<!tpu.dma_semaphore, #tpu.memory_space<semaphore_mem>>) {add = true}
      }
      %scan3A_35 = arith.constant 6 : i32
      %dma_wait3A = arith.constant 0 : i32
      %dma_wait3A_36 = arith.constant 0 : i32
      %dma_wait3A_37 = tpu.memref_slice %arg2[%dma_wait3A, %dma_wait3A_36] : memref<20000x128xf32, #tpu.memory_space<hbm>> -> memref<80x128xf32, #tpu.memory_space<hbm>>
      %dma_wait3A_38 = arith.constant 0 : i32
      %dma_wait3A_39 = arith.constant 0 : i32
      %dma_wait3A_40 = tpu.memref_slice %arg2[%dma_wait3A_38, %dma_wait3A_39] : memref<20000x128xf32, #tpu.memory_space<hbm>> -> memref<80x128xf32, #tpu.memory_space<hbm>>
      tpu.wait_dma2 semaphore(%arg18 : memref<!tpu.dma_semaphore, #tpu.memory_space<semaphore_mem>>) src(%dma_wait3A_40 : memref<80x128xf32, #tpu.memory_space<hbm>>) dst(%arg9 : memref<80x128xf32, #tpu.memory_space<vmem>>)
      %dma_wait3A_41 = arith.constant 0 : i32
      %dma_wait3A_42 = arith.constant 0 : i32
      %dma_wait3A_43 = tpu.memref_slice %arg2[%dma_wait3A_41, %dma_wait3A_42] : memref<20000x128xf32, #tpu.memory_space<hbm>> -> memref<80x128xf32, #tpu.memory_space<hbm>>
      %dma_wait3A_44 = arith.constant 0 : i32
      %dma_wait3A_45 = arith.constant 0 : i32
      %dma_wait3A_46 = tpu.memref_slice %arg2[%dma_wait3A_44, %dma_wait3A_45] : memref<20000x128xf32, #tpu.memory_space<hbm>> -> memref<80x128xf32, #tpu.memory_space<hbm>>
      tpu.wait_dma2 semaphore(%arg19 : memref<!tpu.dma_semaphore, #tpu.memory_space<semaphore_mem>>) src(%dma_wait3A_46 : memref<80x128xf32, #tpu.memory_space<hbm>>) dst(%arg10 : memref<80x128xf32, #tpu.memory_space<vmem>>)
      %dma_wait3A_47 = arith.constant 0 : i32
      %dma_wait3A_48 = arith.constant 0 : i32
      %dma_wait3A_49 = tpu.memref_slice %arg2[%dma_wait3A_47, %dma_wait3A_48] : memref<20000x128xf32, #tpu.memory_space<hbm>> -> memref<80x128xf32, #tpu.memory_space<hbm>>
      %dma_wait3A_50 = arith.constant 0 : i32
      %dma_wait3A_51 = arith.constant 0 : i32
      %dma_wait3A_52 = tpu.memref_slice %arg2[%dma_wait3A_50, %dma_wait3A_51] : memref<20000x128xf32, #tpu.memory_space<hbm>> -> memref<80x128xf32, #tpu.memory_space<hbm>>
      tpu.wait_dma2 semaphore(%arg20 : memref<!tpu.dma_semaphore, #tpu.memory_space<semaphore_mem>>) src(%dma_wait3A_52 : memref<80x128xf32, #tpu.memory_space<hbm>>) dst(%arg11 : memref<80x128xf32, #tpu.memory_space<vmem>>)
      %dma_wait3A_53 = arith.constant 0 : i32
      %dma_wait3A_54 = arith.constant 0 : i32
      %dma_wait3A_55 = tpu.memref_slice %arg2[%dma_wait3A_53, %dma_wait3A_54] : memref<20000x128xf32, #tpu.memory_space<hbm>> -> memref<80x128xf32, #tpu.memory_space<hbm>>
      %dma_wait3A_56 = arith.constant 0 : i32
      %dma_wait3A_57 = arith.constant 0 : i32
      %dma_wait3A_58 = tpu.memref_slice %arg2[%dma_wait3A_56, %dma_wait3A_57] : memref<20000x128xf32, #tpu.memory_space<hbm>> -> memref<80x128xf32, #tpu.memory_space<hbm>>
      tpu.wait_dma2 semaphore(%arg21 : memref<!tpu.dma_semaphore, #tpu.memory_space<semaphore_mem>>) src(%dma_wait3A_58 : memref<80x128xf32, #tpu.memory_space<hbm>>) dst(%arg12 : memref<80x128xf32, #tpu.memory_space<vmem>>)
      %dma_start3A = arith.constant 24 : i32
      %dma_start3A_59 = arith.constant 0 : i32
      %dma_start3A_60 = tpu.memref_slice %arg7[%dma_start3A, %dma_start3A_59] : memref<25x80xi32, #tpu.memory_space<vmem>> -> memref<1x80xi32, #tpu.memory_space<vmem>>
      %dma_start3A_61 = tpu.memref_squeeze %dma_start3A_60 : memref<1x80xi32, #tpu.memory_space<vmem>> -> memref<80xi32, #tpu.memory_space<vmem>>
      %dma_start3A_62 = arith.constant 0 : i32
      %dma_start3A_63 = arith.constant 0 : i32
      %dma_start3A_64 = tpu.memref_slice %arg2[%dma_start3A_62, %dma_start3A_63] : memref<20000x128xf32, #tpu.memory_space<hbm>> -> memref<20000x128xf32, #tpu.memory_space<hbm>>
      tpu.enqueue_indirect_dma source(%dma_start3A_64 : memref<20000x128xf32, #tpu.memory_space<hbm>>) target(%arg9 : memref<80x128xf32, #tpu.memory_space<vmem>>) offsets(%dma_start3A_61 : memref<80xi32, #tpu.memory_space<vmem>>) semaphore(%arg14 : memref<!tpu.dma_semaphore, #tpu.memory_space<semaphore_mem>>)
      %dma_wait3A_65 = arith.constant 24 : i32
      %dma_wait3A_66 = arith.constant 0 : i32
      %dma_wait3A_67 = tpu.memref_slice %arg7[%dma_wait3A_65, %dma_wait3A_66] : memref<25x80xi32, #tpu.memory_space<vmem>> -> memref<1x80xi32, #tpu.memory_space<vmem>>
      %dma_wait3A_68 = tpu.memref_squeeze %dma_wait3A_67 : memref<1x80xi32, #tpu.memory_space<vmem>> -> memref<80xi32, #tpu.memory_space<vmem>>
      %dma_wait3A_69 = arith.constant 0 : i32
      %dma_wait3A_70 = arith.constant 0 : i32
      %dma_wait3A_71 = tpu.memref_slice %arg2[%dma_wait3A_69, %dma_wait3A_70] : memref<20000x128xf32, #tpu.memory_space<hbm>> -> memref<20000x128xf32, #tpu.memory_space<hbm>>
      tpu.wait_indirect_dma semaphore(%arg14 : memref<!tpu.dma_semaphore, #tpu.memory_space<semaphore_mem>>) src(%dma_wait3A_71 : memref<20000x128xf32, #tpu.memory_space<hbm>>) dst(%arg9 : memref<80x128xf32, #tpu.memory_space<vmem>>)
      %dma_start3A_72 = arith.constant 24 : i32
      %dma_start3A_73 = arith.constant 0 : i32
      %dma_start3A_74 = tpu.memref_slice %arg8[%dma_start3A_72, %dma_start3A_73] : memref<25x80xi32, #tpu.memory_space<vmem>> -> memref<1x80xi32, #tpu.memory_space<vmem>>
      %dma_start3A_75 = tpu.memref_squeeze %dma_start3A_74 : memref<1x80xi32, #tpu.memory_space<vmem>> -> memref<80xi32, #tpu.memory_space<vmem>>
      %dma_start3A_76 = arith.constant 0 : i32
      %dma_start3A_77 = arith.constant 0 : i32
      %dma_start3A_78 = tpu.memref_slice %arg13[%dma_start3A_76, %dma_start3A_77] : memref<10000x128xf32, #tpu.memory_space<vmem_shared>> -> memref<10000x128xf32, #tpu.memory_space<vmem_shared>>
      tpu.enqueue_indirect_dma source(%arg9 : memref<80x128xf32, #tpu.memory_space<vmem>>) target(%dma_start3A_78 : memref<10000x128xf32, #tpu.memory_space<vmem_shared>>) offsets(%dma_start3A_75 : memref<80xi32, #tpu.memory_space<vmem>>) semaphore(%arg18 : memref<!tpu.dma_semaphore, #tpu.memory_space<semaphore_mem>>) {add = true}
      %dma_wait3A_79 = arith.constant 24 : i32
      %dma_wait3A_80 = arith.constant 0 : i32
      %dma_wait3A_81 = tpu.memref_slice %arg8[%dma_wait3A_79, %dma_wait3A_80] : memref<25x80xi32, #tpu.memory_space<vmem>> -> memref<1x80xi32, #tpu.memory_space<vmem>>
      %dma_wait3A_82 = tpu.memref_squeeze %dma_wait3A_81 : memref<1x80xi32, #tpu.memory_space<vmem>> -> memref<80xi32, #tpu.memory_space<vmem>>
      %dma_wait3A_83 = arith.constant 0 : i32
      %dma_wait3A_84 = arith.constant 0 : i32
      %dma_wait3A_85 = tpu.memref_slice %arg13[%dma_wait3A_83, %dma_wait3A_84] : memref<10000x128xf32, #tpu.memory_space<vmem_shared>> -> memref<10000x128xf32, #tpu.memory_space<vmem_shared>>
      tpu.wait_indirect_dma semaphore(%arg18 : memref<!tpu.dma_semaphore, #tpu.memory_space<semaphore_mem>>) src(%arg9 : memref<80x128xf32, #tpu.memory_space<vmem>>) dst(%dma_wait3A_85 : memref<10000x128xf32, #tpu.memory_space<vmem_shared>>)
    }
    %scan3A_11 = arith.constant 10 : i32
    %barrier3A_12 = arith.constant 0 : index
    tpu.barrier barrier_id(%barrier3A_12)
    %mul3A_13 = arith.constant 624 : i32
    %mul3A_14 = arith.muli %arg1, %mul3A_13 : i32
    "tpu.region"() ({
      %run_scoped3A = tpu.sem_alloc : memref<!tpu.dma_semaphore, #tpu.memory_space<semaphore_mem>>
      %dma_start3A = arith.constant 0 : i32
      %dma_start3A_20 = tpu.memref_slice %arg6[%add3A, %dma_start3A] : memref<20000x128xf32, #tpu.memory_space<hbm>> -> memref<624x128xf32, #tpu.memory_space<hbm>>
      %dma_start3A_21 = arith.constant 0 : i32
      %dma_start3A_22 = tpu.memref_slice %arg13[%mul3A_14, %dma_start3A_21] : memref<10000x128xf32, #tpu.memory_space<vmem_shared>> -> memref<624x128xf32, #tpu.memory_space<vmem_shared>>
      tpu.enqueue_dma source(%dma_start3A_22 : memref<624x128xf32, #tpu.memory_space<vmem_shared>>) target(%dma_start3A_20 : memref<624x128xf32, #tpu.memory_space<hbm>>) target_semaphore(%run_scoped3A : memref<!tpu.dma_semaphore, #tpu.memory_space<semaphore_mem>>)
      %dma_wait3A = arith.constant 0 : i32
      %dma_wait3A_23 = tpu.memref_slice %arg6[%add3A, %dma_wait3A] : memref<20000x128xf32, #tpu.memory_space<hbm>> -> memref<624x128xf32, #tpu.memory_space<hbm>>
      %dma_wait3A_24 = arith.constant 0 : i32
      %dma_wait3A_25 = tpu.memref_slice %arg13[%mul3A_14, %dma_wait3A_24] : memref<10000x128xf32, #tpu.memory_space<vmem_shared>> -> memref<624x128xf32, #tpu.memory_space<vmem_shared>>
      tpu.wait_dma2 semaphore(%run_scoped3A : memref<!tpu.dma_semaphore, #tpu.memory_space<semaphore_mem>>) src(%dma_wait3A_25 : memref<624x128xf32, #tpu.memory_space<vmem_shared>>) dst(%dma_wait3A_23 : memref<624x128xf32, #tpu.memory_space<hbm>>)
      tpu.yield
    }) : () -> ()
    %eq3A_15 = arith.constant 0 : i32
    %eq3A_16 = arith.cmpi eq, %arg1, %eq3A_15 : i32
    %convert_element_type3A_17 = arith.extui %eq3A_16 : i1 to i32
    %cond3A_18 = arith.constant 0 : i32
    %cond3A_19 = arith.cmpi ne, %convert_element_type3A_17, %cond3A_18 : i32
    scf.if %cond3A_19 {
      %mul3A_20 = arith.constant 10000 : i32
      %mul3A_21 = arith.muli %arg0, %mul3A_20 : i32
      %add3A_22 = arith.constant 9984 : i32
      %add3A_23 = arith.addi %mul3A_21, %add3A_22 : i32
      "tpu.region"() ({
        %run_scoped3A = tpu.sem_alloc : memref<!tpu.dma_semaphore, #tpu.memory_space<semaphore_mem>>
        %dma_start3A = arith.constant 0 : i32
        %dma_start3A_24 = tpu.memref_slice %arg6[%add3A_23, %dma_start3A] : memref<20000x128xf32, #tpu.memory_space<hbm>> -> memref<16x128xf32, #tpu.memory_space<hbm>>
        %dma_start3A_25 = arith.constant 9984 : i32
        %dma_start3A_26 = arith.constant 0 : i32
        %dma_start3A_27 = tpu.memref_slice %arg13[%dma_start3A_25, %dma_start3A_26] : memref<10000x128xf32, #tpu.memory_space<vmem_shared>> -> memref<16x128xf32, #tpu.memory_space<vmem_shared>>
        tpu.enqueue_dma source(%dma_start3A_27 : memref<16x128xf32, #tpu.memory_space<vmem_shared>>) target(%dma_start3A_24 : memref<16x128xf32, #tpu.memory_space<hbm>>) target_semaphore(%run_scoped3A : memref<!tpu.dma_semaphore, #tpu.memory_space<semaphore_mem>>)
        %dma_wait3A = arith.constant 0 : i32
        %dma_wait3A_28 = tpu.memref_slice %arg6[%add3A_23, %dma_wait3A] : memref<20000x128xf32, #tpu.memory_space<hbm>> -> memref<16x128xf32, #tpu.memory_space<hbm>>
        %dma_wait3A_29 = arith.constant 9984 : i32
        %dma_wait3A_30 = arith.constant 0 : i32
        %dma_wait3A_31 = tpu.memref_slice %arg13[%dma_wait3A_29, %dma_wait3A_30] : memref<10000x128xf32, #tpu.memory_space<vmem_shared>> -> memref<16x128xf32, #tpu.memory_space<vmem_shared>>
        tpu.wait_dma2 semaphore(%run_scoped3A : memref<!tpu.dma_semaphore, #tpu.memory_space<semaphore_mem>>) src(%dma_wait3A_31 : memref<16x128xf32, #tpu.memory_space<vmem_shared>>) dst(%dma_wait3A_28 : memref<16x128xf32, #tpu.memory_space<hbm>>)
        tpu.yield
      }) : () -> ()
    } else {
    }
    return
  }
}

module attributes {stable_mosaic.version = 14 : i64} {
  func.func @_init_body(%arg0: i32, %arg1: i32, %arg2: memref<2000x1xi32, #tpu.memory_space<vmem>>, %arg3: memref<2x128xf32, #tpu.memory_space<vmem>>, %arg4: memref<2000x128xf32, #tpu.memory_space<vmem>>) attributes {dimension_semantics = [#tpu.dimension_semantics<arbitrary>, #tpu.dimension_semantics<arbitrary>], iteration_bounds = array<i64: 2, 5>, scalar_prefetch = 0 : i64, scratch_operands = 0 : i64, tpu.core_type = #tpu.core_type<tc>, window_params = [{transform_indices = @transform_0, window_bounds = array<i64: 2000, 1>}, {pipeline_mode = #tpu.pipeline_mode<synchronous>, transform_indices = @transform_1, window_bounds = array<i64: 2, 128>}, {transform_indices = @transform_2, window_bounds = array<i64: 2000, 128>}]} {
    %get3A = arith.constant 0 : index
    %get3A_0 = arith.constant 0 : index
    %get3A_1 = vector.load %arg2[%get3A, %get3A_0] : memref<2000x1xi32, #tpu.memory_space<vmem>>, vector<2000x1xi32>
    %add3A = arith.constant 1 : i32
    %add3A_2 = arith.addi %arg0, %add3A : i32
    %eq3A = vector.broadcast %add3A_2 : i32 to vector<2000x1xi32>
    %eq3A_3 = arith.cmpi eq, %get3A_1, %eq3A : vector<2000x1xi32>
    %get3A_4 = arith.constant 0 : index
    %get3A_5 = arith.constant 0 : index
    %get3A_6 = vector.load %arg3[%get3A_4, %get3A_5] : memref<2x128xf32, #tpu.memory_space<vmem>>, vector<1x128xf32>
    %get3A_7 = vector.shape_cast %get3A_6 : vector<1x128xf32> to vector<128xf32>
    %broadcast_in_dim3A = vector.shape_cast %get3A_7 : vector<128xf32> to vector<1x128xf32>
    %get3A_8 = arith.constant 1 : index
    %get3A_9 = arith.constant 0 : index
    %get3A_10 = vector.load %arg3[%get3A_8, %get3A_9] : memref<2x128xf32, #tpu.memory_space<vmem>>, vector<1x128xf32>
    %get3A_11 = vector.shape_cast %get3A_10 : vector<1x128xf32> to vector<128xf32>
    %broadcast_in_dim3A_12 = vector.shape_cast %get3A_11 : vector<128xf32> to vector<1x128xf32>
    %broadcast_in_dim3A_13 = vector.shape_cast %eq3A_3 : vector<2000x1xi1> to vector<2000x1xi1>
    %broadcast_in_dim3A_14 = vector.broadcast %broadcast_in_dim3A_13 : vector<2000x1xi1> to vector<2000x128xi1>
    %broadcast_in_dim3A_15 = vector.shape_cast %broadcast_in_dim3A_12 : vector<1x128xf32> to vector<1x128xf32>
    %broadcast_in_dim3A_16 = vector.broadcast %broadcast_in_dim3A_15 : vector<1x128xf32> to vector<2000x128xf32>
    %broadcast_in_dim3A_17 = vector.shape_cast %broadcast_in_dim3A : vector<1x128xf32> to vector<1x128xf32>
    %broadcast_in_dim3A_18 = vector.broadcast %broadcast_in_dim3A_17 : vector<1x128xf32> to vector<2000x128xf32>
    %select_n3A = arith.select %broadcast_in_dim3A_14, %broadcast_in_dim3A_16, %broadcast_in_dim3A_18 : vector<2000x128xi1>, vector<2000x128xf32>
    %swap3A = arith.constant 0 : index
    %swap3A_19 = arith.constant 0 : index
    %swap3A_20 = vector.load %arg4[%swap3A, %swap3A_19] : memref<2000x128xf32, #tpu.memory_space<vmem>>, vector<2000x128xf32>
    tpu.vector_store %arg4[%swap3A, %swap3A_19], %select_n3A {strides = array<i32>} : memref<2000x128xf32, #tpu.memory_space<vmem>>, vector<2000x128xf32>,
    return
  }
  func.func @transform_0(%arg0: i32, %arg1: i32) -> (i32, i32) {
    %c0_i32 = arith.constant 0 : i32
    %c0_i32_0 = arith.constant 0 : i32
    return %arg1, %c0_i32 : i32, i32
  }
  func.func @transform_1(%arg0: i32, %arg1: i32) -> (i32, i32) {
    %c0_i32 = arith.constant 0 : i32
    %c0_i32_0 = arith.constant 0 : i32
    %c0_i32_1 = arith.constant 0 : i32
    return %c0_i32, %c0_i32_0 : i32, i32
  }
  func.func @transform_2(%arg0: i32, %arg1: i32) -> (i32, i32) {
    %mul3A = arith.constant 5 : i32
    %mul3A_0 = arith.muli %arg0, %mul3A : i32
    %add3A = arith.addi %mul3A_0, %arg1 : i32
    %c0_i32 = arith.constant 0 : i32
    %c0_i32_1 = arith.constant 0 : i32
    return %add3A, %c0_i32 : i32, i32
  }
}

module attributes {stable_mosaic.version = 14 : i64} {
  func.func @_mlp_body(%arg0: i32, %arg1: memref<2000x128xf32, #tpu.memory_space<vmem>>, %arg2: memref<128x128xf32, #tpu.memory_space<vmem>>, %arg3: memref<1x128xf32, #tpu.memory_space<vmem>>, %arg4: memref<128x128xf32, #tpu.memory_space<vmem>>, %arg5: memref<1x128xf32, #tpu.memory_space<vmem>>, %arg6: memref<1x128xf32, #tpu.memory_space<vmem>>, %arg7: memref<1x128xf32, #tpu.memory_space<vmem>>, %arg8: memref<2000x128xf32, #tpu.memory_space<vmem>>) attributes {dimension_semantics = [#tpu.dimension_semantics<arbitrary>], iteration_bounds = array<i64: 10>, scalar_prefetch = 0 : i64, scratch_operands = 0 : i64, tpu.core_type = #tpu.core_type<tc>, window_params = [{transform_indices = @transform_0, window_bounds = array<i64: 2000, 128>}, {pipeline_mode = #tpu.pipeline_mode<synchronous>, transform_indices = @transform_1, window_bounds = array<i64: 128, 128>}, {pipeline_mode = #tpu.pipeline_mode<synchronous>, transform_indices = @transform_2, window_bounds = array<i64: 1, 128>}, {pipeline_mode = #tpu.pipeline_mode<synchronous>, transform_indices = @transform_3, window_bounds = array<i64: 128, 128>}, {pipeline_mode = #tpu.pipeline_mode<synchronous>, transform_indices = @transform_4, window_bounds = array<i64: 1, 128>}, {pipeline_mode = #tpu.pipeline_mode<synchronous>, transform_indices = @transform_5, window_bounds = array<i64: 1, 128>}, {pipeline_mode = #tpu.pipeline_mode<synchronous>, transform_indices = @transform_6, window_bounds = array<i64: 1, 128>}, {transform_indices = @transform_7, window_bounds = array<i64: 2000, 128>}]} {
    %get3A = arith.constant 0 : index
    %get3A_0 = arith.constant 0 : index
    %get3A_1 = vector.load %arg1[%get3A, %get3A_0] : memref<2000x128xf32, #tpu.memory_space<vmem>>, vector<2000x128xf32>
    %get3A_2 = arith.constant 0 : index
    %get3A_3 = arith.constant 0 : index
    %get3A_4 = vector.load %arg2[%get3A_2, %get3A_3] : memref<128x128xf32, #tpu.memory_space<vmem>>, vector<128x128xf32>
    %dot_general3A = arith.constant dense<0.000000e+00> : vector<2000x128xf32>
    %dot_general3A_5 = tpu.matmul %get3A_1, %get3A_4, %dot_general3A {dimension_numbers = #tpu.dot_dimension_numbers<[1], [0], [0], [1], [0, 0, 1, 1], [], []>, transpose_lhs_hint = false} : vector<2000x128xf32>, vector<128x128xf32>, vector<2000x128xf32> -> vector<2000x128xf32>
    %get3A_6 = arith.constant 0 : index
    %get3A_7 = arith.constant 0 : index
    %get3A_8 = vector.load %arg3[%get3A_6, %get3A_7] : memref<1x128xf32, #tpu.memory_space<vmem>>, vector<1x128xf32>
    %add3A = vector.broadcast %get3A_8 : vector<1x128xf32> to vector<2000x128xf32>
    %add3A_9 = arith.addf %dot_general3A_5, %add3A : vector<2000x128xf32>
    %max3A = arith.constant 0.000000e+00 : f32
    %max3A_10 = vector.broadcast %max3A : f32 to vector<2000x128xf32>
    %max3A_11 = arith.maximumf %add3A_9, %max3A_10 : vector<2000x128xf32>
    %get3A_12 = arith.constant 0 : index
    %get3A_13 = arith.constant 0 : index
    %get3A_14 = vector.load %arg4[%get3A_12, %get3A_13] : memref<128x128xf32, #tpu.memory_space<vmem>>, vector<128x128xf32>
    %dot_general3A_15 = arith.constant dense<0.000000e+00> : vector<2000x128xf32>
    %dot_general3A_16 = tpu.matmul %max3A_11, %get3A_14, %dot_general3A_15 {dimension_numbers = #tpu.dot_dimension_numbers<[1], [0], [0], [1], [0, 0, 1, 1], [], []>, transpose_lhs_hint = false} : vector<2000x128xf32>, vector<128x128xf32>, vector<2000x128xf32> -> vector<2000x128xf32>
    %get3A_17 = arith.constant 0 : index
    %get3A_18 = arith.constant 0 : index
    %get3A_19 = vector.load %arg5[%get3A_17, %get3A_18] : memref<1x128xf32, #tpu.memory_space<vmem>>, vector<1x128xf32>
    %add3A_20 = vector.broadcast %get3A_19 : vector<1x128xf32> to vector<2000x128xf32>
    %add3A_21 = arith.addf %dot_general3A_16, %add3A_20 : vector<2000x128xf32>
    %max3A_22 = arith.constant 0.000000e+00 : f32
    %max3A_23 = vector.broadcast %max3A_22 : f32 to vector<2000x128xf32>
    %max3A_24 = arith.maximumf %add3A_21, %max3A_23 : vector<2000x128xf32>
    %reduce_sum3A = arith.constant dense<0.000000e+00> : vector<2000xf32>
    %reduce_sum3A_25 = vector.multi_reduction <add>, %max3A_24, %reduce_sum3A [1] : vector<2000x128xf32> to vector<2000xf32>
    %broadcast_in_dim3A = vector.shape_cast %reduce_sum3A_25 : vector<2000xf32> to vector<2000x1xf32>
    %div3A = arith.constant 1.280000e+02 : f32
    %div3A_26 = vector.broadcast %div3A : f32 to vector<2000x1xf32>
    %div3A_27 = arith.divf %broadcast_in_dim3A, %div3A_26 : vector<2000x1xf32>
    %sub3A = vector.broadcast %div3A_27 : vector<2000x1xf32> to vector<2000x128xf32>
    %sub3A_28 = arith.subf %max3A_24, %sub3A : vector<2000x128xf32>
    %sub3A_29 = vector.broadcast %div3A_27 : vector<2000x1xf32> to vector<2000x128xf32>
    %sub3A_30 = arith.subf %max3A_24, %sub3A_29 : vector<2000x128xf32>
    %mul3A = arith.mulf %sub3A_28, %sub3A_30 : vector<2000x128xf32>
    %reduce_sum3A_31 = arith.constant dense<0.000000e+00> : vector<2000xf32>
    %reduce_sum3A_32 = vector.multi_reduction <add>, %mul3A, %reduce_sum3A_31 [1] : vector<2000x128xf32> to vector<2000xf32>
    %broadcast_in_dim3A_33 = vector.shape_cast %reduce_sum3A_32 : vector<2000xf32> to vector<2000x1xf32>
    %div3A_34 = arith.constant 1.280000e+02 : f32
    %div3A_35 = vector.broadcast %div3A_34 : f32 to vector<2000x1xf32>
    %div3A_36 = arith.divf %broadcast_in_dim3A_33, %div3A_35 : vector<2000x1xf32>
    %sub3A_37 = vector.broadcast %div3A_27 : vector<2000x1xf32> to vector<2000x128xf32>
    %sub3A_38 = arith.subf %max3A_24, %sub3A_37 : vector<2000x128xf32>
    %add3A_39 = arith.constant 9.99999974E-6 : f32
    %add3A_40 = vector.broadcast %add3A_39 : f32 to vector<2000x1xf32>
    %add3A_41 = arith.addf %div3A_36, %add3A_40 : vector<2000x1xf32>
    %sqrt3A = math.sqrt %add3A_41 : vector<2000x1xf32>
    %div3A_42 = vector.broadcast %sqrt3A : vector<2000x1xf32> to vector<2000x128xf32>
    %div3A_43 = arith.divf %sub3A_38, %div3A_42 : vector<2000x128xf32>
    %get3A_44 = arith.constant 0 : index
    %get3A_45 = arith.constant 0 : index
    %get3A_46 = vector.load %arg6[%get3A_44, %get3A_45] : memref<1x128xf32, #tpu.memory_space<vmem>>, vector<1x128xf32>
    %mul3A_47 = vector.broadcast %get3A_46 : vector<1x128xf32> to vector<2000x128xf32>
    %mul3A_48 = arith.mulf %div3A_43, %mul3A_47 : vector<2000x128xf32>
    %get3A_49 = arith.constant 0 : index
    %get3A_50 = arith.constant 0 : index
    %get3A_51 = vector.load %arg7[%get3A_49, %get3A_50] : memref<1x128xf32, #tpu.memory_space<vmem>>, vector<1x128xf32>
    %add3A_52 = vector.broadcast %get3A_51 : vector<1x128xf32> to vector<2000x128xf32>
    %add3A_53 = arith.addf %mul3A_48, %add3A_52 : vector<2000x128xf32>
    %swap3A = arith.constant 0 : index
    %swap3A_54 = arith.constant 0 : index
    %swap3A_55 = vector.load %arg8[%swap3A, %swap3A_54] : memref<2000x128xf32, #tpu.memory_space<vmem>>, vector<2000x128xf32>
    tpu.vector_store %arg8[%swap3A, %swap3A_54], %add3A_53 {strides = array<i32>} : memref<2000x128xf32, #tpu.memory_space<vmem>>, vector<2000x128xf32>,
    return
  }
  func.func @transform_0(%arg0: i32) -> (i32, i32) {
    %c0_i32 = arith.constant 0 : i32
    %c0_i32_0 = arith.constant 0 : i32
    return %arg0, %c0_i32 : i32, i32
  }
  func.func @transform_1(%arg0: i32) -> (i32, i32) {
    %c0_i32 = arith.constant 0 : i32
    %c0_i32_0 = arith.constant 0 : i32
    %c0_i32_1 = arith.constant 0 : i32
    return %c0_i32, %c0_i32_0 : i32, i32
  }
  func.func @transform_2(%arg0: i32) -> (i32, i32) {
    %c0_i32 = arith.constant 0 : i32
    %c0_i32_0 = arith.constant 0 : i32
    %c0_i32_1 = arith.constant 0 : i32
    return %c0_i32, %c0_i32_0 : i32, i32
  }
  func.func @transform_3(%arg0: i32) -> (i32, i32) {
    %c0_i32 = arith.constant 0 : i32
    %c0_i32_0 = arith.constant 0 : i32
    %c0_i32_1 = arith.constant 0 : i32
    return %c0_i32, %c0_i32_0 : i32, i32
  }
  func.func @transform_4(%arg0: i32) -> (i32, i32) {
    %c0_i32 = arith.constant 0 : i32
    %c0_i32_0 = arith.constant 0 : i32
    %c0_i32_1 = arith.constant 0 : i32
    return %c0_i32, %c0_i32_0 : i32, i32
  }
  func.func @transform_5(%arg0: i32) -> (i32, i32) {
    %c0_i32 = arith.constant 0 : i32
    %c0_i32_0 = arith.constant 0 : i32
    %c0_i32_1 = arith.constant 0 : i32
    return %c0_i32, %c0_i32_0 : i32, i32
  }
  func.func @transform_6(%arg0: i32) -> (i32, i32) {
    %c0_i32 = arith.constant 0 : i32
    %c0_i32_0 = arith.constant 0 : i32
    %c0_i32_1 = arith.constant 0 : i32
    return %c0_i32, %c0_i32_0 : i32, i32
  }
  func.func @transform_7(%arg0: i32) -> (i32, i32) {
    %c0_i32 = arith.constant 0 : i32
    %c0_i32_0 = arith.constant 0 : i32
    return %arg0, %c0_i32 : i32, i32
  }
}

module attributes {stable_mosaic.version = 14 : i64} {
  func.func @_final_body(%arg0: i32, %arg1: i32, %arg2: memref<2000x128xf32, #tpu.memory_space<vmem>>, %arg3: memref<2000x128xf32, #tpu.memory_space<vmem>>, %arg4: memref<2000x128xf32, #tpu.memory_space<vmem>>, %arg5: memref<3x128x128xf32, #tpu.memory_space<vmem>>, %arg6: memref<1x128xf32, #tpu.memory_space<vmem>>, %arg7: memref<2000x1xi32, #tpu.memory_space<vmem>>, %arg8: memref<128x128xf32, #tpu.memory_space<vmem>>, %arg9: memref<1x128xf32, #tpu.memory_space<vmem>>, %arg10: memref<128x1xf32, #tpu.memory_space<vmem>>, %arg11: memref<1x1xf32, #tpu.memory_space<vmem>>, %arg12: memref<64x1xf32, #tpu.memory_space<vmem>>, %arg13: memref<64x128xf32, #tpu.memory_space<vmem>>, %arg14: memref<64x128xf32, #tpu.memory_space<vmem>>) attributes {dimension_semantics = [#tpu.dimension_semantics<arbitrary>, #tpu.dimension_semantics<arbitrary>], iteration_bounds = array<i64: 2, 5>, scalar_prefetch = 0 : i64, scratch_operands = 2 : i64, tpu.core_type = #tpu.core_type<tc>, window_params = [{transform_indices = @transform_0, window_bounds = array<i64: 2000, 128>}, {transform_indices = @transform_1, window_bounds = array<i64: 2000, 128>}, {transform_indices = @transform_2, window_bounds = array<i64: 2000, 128>}, {pipeline_mode = #tpu.pipeline_mode<synchronous>, transform_indices = @transform_3, window_bounds = array<i64: 3, 128, 128>}, {pipeline_mode = #tpu.pipeline_mode<synchronous>, transform_indices = @transform_4, window_bounds = array<i64: 1, 128>}, {transform_indices = @transform_5, window_bounds = array<i64: 2000, 1>}, {pipeline_mode = #tpu.pipeline_mode<synchronous>, transform_indices = @transform_6, window_bounds = array<i64: 128, 128>}, {pipeline_mode = #tpu.pipeline_mode<synchronous>, transform_indices = @transform_7, window_bounds = array<i64: 1, 128>}, {pipeline_mode = #tpu.pipeline_mode<synchronous>, transform_indices = @transform_8, window_bounds = array<i64: 128, 1>}, {pipeline_mode = #tpu.pipeline_mode<synchronous>, transform_indices = @transform_9, window_bounds = array<i64: 1, 1>}, {pipeline_mode = #tpu.pipeline_mode<synchronous>, transform_indices = @transform_10, window_bounds = array<i64: 64, 1>}]} {
    %eq3A = arith.constant 0 : i32
    %eq3A_0 = arith.cmpi eq, %arg0, %eq3A : i32
    %eq3A_1 = arith.constant 0 : i32
    %eq3A_2 = arith.cmpi eq, %arg1, %eq3A_1 : i32
    %and3A = arith.andi %eq3A_0, %eq3A_2 : i1
    %convert_element_type3A = arith.extui %and3A : i1 to i32
    %cond3A = arith.constant 0 : i32
    %cond3A_3 = arith.cmpi ne, %convert_element_type3A, %cond3A : i32
    scf.if %cond3A_3 {
      %broadcast_in_dim3A = arith.constant 0.000000e+00 : f32
      %broadcast_in_dim3A_68 = vector.broadcast %broadcast_in_dim3A : f32 to vector<64x128xf32>
      %swap3A_69 = arith.constant 0 : index
      %swap3A_70 = arith.constant 0 : index
      %swap3A_71 = vector.load %arg13[%swap3A_69, %swap3A_70] : memref<64x128xf32, #tpu.memory_space<vmem>>, vector<64x128xf32>
      tpu.vector_store %arg13[%swap3A_69, %swap3A_70], %broadcast_in_dim3A_68 {strides = array<i32>} : memref<64x128xf32, #tpu.memory_space<vmem>>, vector<64x128xf32>,
      %broadcast_in_dim3A_72 = arith.constant 0.000000e+00 : f32
      %broadcast_in_dim3A_73 = vector.broadcast %broadcast_in_dim3A_72 : f32 to vector<64x128xf32>
      %swap3A_74 = arith.constant 0 : index
      %swap3A_75 = arith.constant 0 : index
      %swap3A_76 = vector.load %arg14[%swap3A_74, %swap3A_75] : memref<64x128xf32, #tpu.memory_space<vmem>>, vector<64x128xf32>
      tpu.vector_store %arg14[%swap3A_74, %swap3A_75], %broadcast_in_dim3A_73 {strides = array<i32>} : memref<64x128xf32, #tpu.memory_space<vmem>>, vector<64x128xf32>,
    } else {
    }
    %get3A = arith.constant 0 : index
    %get3A_4 = arith.constant 0 : index
    %get3A_5 = vector.load %arg2[%get3A, %get3A_4] : memref<2000x128xf32, #tpu.memory_space<vmem>>, vector<2000x128xf32>
    %get3A_6 = arith.constant 0 : index
    %get3A_7 = arith.constant 0 : index
    %get3A_8 = arith.constant 0 : index
    %get3A_9 = vector.load %arg5[%get3A_6, %get3A_7, %get3A_8] : memref<3x128x128xf32, #tpu.memory_space<vmem>>, vector<1x128x128xf32>
    %get3A_10 = vector.shape_cast %get3A_9 : vector<1x128x128xf32> to vector<128x128xf32>
    %dot_general3A = arith.constant dense<0.000000e+00> : vector<2000x128xf32>
    %dot_general3A_11 = tpu.matmul %get3A_5, %get3A_10, %dot_general3A {dimension_numbers = #tpu.dot_dimension_numbers<[1], [0], [0], [1], [0, 0, 1, 1], [], []>, transpose_lhs_hint = false} : vector<2000x128xf32>, vector<128x128xf32>, vector<2000x128xf32> -> vector<2000x128xf32>
    %get3A_12 = arith.constant 0 : index
    %get3A_13 = arith.constant 0 : index
    %get3A_14 = vector.load %arg3[%get3A_12, %get3A_13] : memref<2000x128xf32, #tpu.memory_space<vmem>>, vector<2000x128xf32>
    %get3A_15 = arith.constant 1 : index
    %get3A_16 = arith.constant 0 : index
    %get3A_17 = arith.constant 0 : index
    %get3A_18 = vector.load %arg5[%get3A_15, %get3A_16, %get3A_17] : memref<3x128x128xf32, #tpu.memory_space<vmem>>, vector<1x128x128xf32>
    %get3A_19 = vector.shape_cast %get3A_18 : vector<1x128x128xf32> to vector<128x128xf32>
    %dot_general3A_20 = arith.constant dense<0.000000e+00> : vector<2000x128xf32>
    %dot_general3A_21 = tpu.matmul %get3A_14, %get3A_19, %dot_general3A_20 {dimension_numbers = #tpu.dot_dimension_numbers<[1], [0], [0], [1], [0, 0, 1, 1], [], []>, transpose_lhs_hint = false} : vector<2000x128xf32>, vector<128x128xf32>, vector<2000x128xf32> -> vector<2000x128xf32>
    %add3A = arith.addf %dot_general3A_11, %dot_general3A_21 : vector<2000x128xf32>
    %get3A_22 = arith.constant 0 : index
    %get3A_23 = arith.constant 0 : index
    %get3A_24 = vector.load %arg4[%get3A_22, %get3A_23] : memref<2000x128xf32, #tpu.memory_space<vmem>>, vector<2000x128xf32>
    %get3A_25 = arith.constant 2 : index
    %get3A_26 = arith.constant 0 : index
    %get3A_27 = arith.constant 0 : index
    %get3A_28 = vector.load %arg5[%get3A_25, %get3A_26, %get3A_27] : memref<3x128x128xf32, #tpu.memory_space<vmem>>, vector<1x128x128xf32>
    %get3A_29 = vector.shape_cast %get3A_28 : vector<1x128x128xf32> to vector<128x128xf32>
    %dot_general3A_30 = arith.constant dense<0.000000e+00> : vector<2000x128xf32>
    %dot_general3A_31 = tpu.matmul %get3A_24, %get3A_29, %dot_general3A_30 {dimension_numbers = #tpu.dot_dimension_numbers<[1], [0], [0], [1], [0, 0, 1, 1], [], []>, transpose_lhs_hint = false} : vector<2000x128xf32>, vector<128x128xf32>, vector<2000x128xf32> -> vector<2000x128xf32>
    %add3A_32 = arith.addf %add3A, %dot_general3A_31 : vector<2000x128xf32>
    %get3A_33 = arith.constant 0 : index
    %get3A_34 = arith.constant 0 : index
    %get3A_35 = vector.load %arg6[%get3A_33, %get3A_34] : memref<1x128xf32, #tpu.memory_space<vmem>>, vector<1x128xf32>
    %add3A_36 = vector.broadcast %get3A_35 : vector<1x128xf32> to vector<2000x128xf32>
    %add3A_37 = arith.addf %add3A_32, %add3A_36 : vector<2000x128xf32>
    %max3A = arith.constant 0.000000e+00 : f32
    %max3A_38 = vector.broadcast %max3A : f32 to vector<2000x128xf32>
    %max3A_39 = arith.maximumf %add3A_37, %max3A_38 : vector<2000x128xf32>
    %get3A_40 = arith.constant 0 : index
    %get3A_41 = arith.constant 0 : index
    %get3A_42 = vector.load %arg7[%get3A_40, %get3A_41] : memref<2000x1xi32, #tpu.memory_space<vmem>>, vector<2000x1xi32>
    %iota3A = tpu.iota {dimensions = array<i32: 1>} : vector<2000x64xi32>
    %eq3A_43 = vector.broadcast %get3A_42 : vector<2000x1xi32> to vector<2000x64xi32>
    %eq3A_44 = arith.cmpi eq, %iota3A, %eq3A_43 : vector<2000x64xi32>
    %convert_element_type3A_45 = arith.extui %eq3A_44 : vector<2000x64xi1> to vector<2000x64xi32>
    %convert_element_type3A_46 = arith.sitofp %convert_element_type3A_45 : vector<2000x64xi32> to vector<2000x64xf32>
    %get3A_47 = arith.constant 0 : index
    %get3A_48 = arith.constant 0 : index
    %get3A_49 = vector.load %arg13[%get3A_47, %get3A_48] : memref<64x128xf32, #tpu.memory_space<vmem>>, vector<64x128xf32>
    %dot_general3A_50 = arith.constant dense<0.000000e+00> : vector<64x128xf32>
    %dot_general3A_51 = tpu.matmul %convert_element_type3A_46, %max3A_39, %dot_general3A_50 {dimension_numbers = #tpu.dot_dimension_numbers<[0], [0], [1], [1], [0, 1, 1, 1], [], []>, transpose_lhs_hint = false} : vector<2000x64xf32>, vector<2000x128xf32>, vector<64x128xf32> -> vector<64x128xf32>
    %add3A_52 = arith.addf %get3A_49, %dot_general3A_51 : vector<64x128xf32>
    %swap3A = arith.constant 0 : index
    %swap3A_53 = arith.constant 0 : index
    %swap3A_54 = vector.load %arg13[%swap3A, %swap3A_53] : memref<64x128xf32, #tpu.memory_space<vmem>>, vector<64x128xf32>
    tpu.vector_store %arg13[%swap3A, %swap3A_53], %add3A_52 {strides = array<i32>} : memref<64x128xf32, #tpu.memory_space<vmem>>, vector<64x128xf32>,
    %eq3A_55 = arith.constant 0 : i32
    %eq3A_56 = arith.cmpi eq, %arg0, %eq3A_55 : i32
    %convert_element_type3A_57 = arith.extui %eq3A_56 : i1 to i32
    %cond3A_58 = arith.constant 0 : i32
    %cond3A_59 = arith.cmpi ne, %convert_element_type3A_57, %cond3A_58 : i32
    scf.if %cond3A_59 {
      %get3A_68 = arith.constant 0 : index
      %get3A_69 = arith.constant 0 : index
      %get3A_70 = vector.load %arg14[%get3A_68, %get3A_69] : memref<64x128xf32, #tpu.memory_space<vmem>>, vector<64x128xf32>
      %broadcast_in_dim3A = arith.constant 1.000000e+00 : f32
      %broadcast_in_dim3A_71 = vector.broadcast %broadcast_in_dim3A : f32 to vector<2000x1xf32>
      %dot_general3A_72 = arith.constant dense<0.000000e+00> : vector<64x1xf32>
      %dot_general3A_73 = tpu.matmul %convert_element_type3A_46, %broadcast_in_dim3A_71, %dot_general3A_72 {dimension_numbers = #tpu.dot_dimension_numbers<[0], [0], [1], [1], [0, 1, 1, 1], [], []>, transpose_lhs_hint = false} : vector<2000x64xf32>, vector<2000x1xf32>, vector<64x1xf32> -> vector<64x1xf32>
      %add3A_74 = vector.broadcast %dot_general3A_73 : vector<64x1xf32> to vector<64x128xf32>
      %add3A_75 = arith.addf %get3A_70, %add3A_74 : vector<64x128xf32>
      %swap3A_76 = arith.constant 0 : index
      %swap3A_77 = arith.constant 0 : index
      %swap3A_78 = vector.load %arg14[%swap3A_76, %swap3A_77] : memref<64x128xf32, #tpu.memory_space<vmem>>, vector<64x128xf32>
      tpu.vector_store %arg14[%swap3A_76, %swap3A_77], %add3A_75 {strides = array<i32>} : memref<64x128xf32, #tpu.memory_space<vmem>>, vector<64x128xf32>,
    } else {
    }
    %eq3A_60 = arith.constant 1 : i32
    %eq3A_61 = arith.cmpi eq, %arg0, %eq3A_60 : i32
    %eq3A_62 = arith.constant 4 : i32
    %eq3A_63 = arith.cmpi eq, %arg1, %eq3A_62 : i32
    %and3A_64 = arith.andi %eq3A_61, %eq3A_63 : i1
    %convert_element_type3A_65 = arith.extui %and3A_64 : i1 to i32
    %cond3A_66 = arith.constant 0 : i32
    %cond3A_67 = arith.cmpi ne, %convert_element_type3A_65, %cond3A_66 : i32
    scf.if %cond3A_67 {
      %get3A_68 = arith.constant 0 : index
      %get3A_69 = arith.constant 0 : index
      %get3A_70 = vector.load %arg13[%get3A_68, %get3A_69] : memref<64x128xf32, #tpu.memory_space<vmem>>, vector<64x128xf32>
      %get3A_71 = arith.constant 0 : index
      %get3A_72 = arith.constant 0 : index
      %get3A_73 = vector.load %arg14[%get3A_71, %get3A_72] : memref<64x128xf32, #tpu.memory_space<vmem>>, vector<64x128xf32>
      %max3A_74 = arith.constant 1.000000e+00 : f32
      %max3A_75 = vector.broadcast %max3A_74 : f32 to vector<64x128xf32>
      %max3A_76 = arith.maximumf %get3A_73, %max3A_75 : vector<64x128xf32>
      %div3A = arith.divf %get3A_70, %max3A_76 : vector<64x128xf32>
      %get3A_77 = arith.constant 0 : index
      %get3A_78 = arith.constant 0 : index
      %get3A_79 = vector.load %arg8[%get3A_77, %get3A_78] : memref<128x128xf32, #tpu.memory_space<vmem>>, vector<128x128xf32>
      %dot_general3A_80 = arith.constant dense<0.000000e+00> : vector<64x128xf32>
      %dot_general3A_81 = tpu.matmul %div3A, %get3A_79, %dot_general3A_80 {dimension_numbers = #tpu.dot_dimension_numbers<[1], [0], [0], [1], [0, 0, 1, 1], [], []>, transpose_lhs_hint = false} : vector<64x128xf32>, vector<128x128xf32>, vector<64x128xf32> -> vector<64x128xf32>
      %get3A_82 = arith.constant 0 : index
      %get3A_83 = arith.constant 0 : index
      %get3A_84 = vector.load %arg9[%get3A_82, %get3A_83] : memref<1x128xf32, #tpu.memory_space<vmem>>, vector<1x128xf32>
      %add3A_85 = vector.broadcast %get3A_84 : vector<1x128xf32> to vector<64x128xf32>
      %add3A_86 = arith.addf %dot_general3A_81, %add3A_85 : vector<64x128xf32>
      %max3A_87 = arith.constant 0.000000e+00 : f32
      %max3A_88 = vector.broadcast %max3A_87 : f32 to vector<64x128xf32>
      %max3A_89 = arith.maximumf %add3A_86, %max3A_88 : vector<64x128xf32>
      %get3A_90 = arith.constant 0 : index
      %get3A_91 = arith.constant 0 : index
      %get3A_92 = vector.load %arg10[%get3A_90, %get3A_91] : memref<128x1xf32, #tpu.memory_space<vmem>>, vector<128x1xf32>
      %dot_general3A_93 = arith.constant dense<0.000000e+00> : vector<64x1xf32>
      %dot_general3A_94 = tpu.matmul %max3A_89, %get3A_92, %dot_general3A_93 {dimension_numbers = #tpu.dot_dimension_numbers<[1], [0], [0], [1], [0, 0, 1, 1], [], []>, transpose_lhs_hint = false} : vector<64x128xf32>, vector<128x1xf32>, vector<64x1xf32> -> vector<64x1xf32>
      %get3A_95 = arith.constant 0 : index
      %get3A_96 = arith.constant 0 : index
      %get3A_97 = vector.load %arg11[%get3A_95, %get3A_96] : memref<1x1xf32, #tpu.memory_space<vmem>>, vector<1x1xf32>
      %add3A_98 = vector.broadcast %get3A_97 : vector<1x1xf32> to vector<64x1xf32>
      %add3A_99 = arith.addf %dot_general3A_94, %add3A_98 : vector<64x1xf32>
      %swap3A_100 = arith.constant 0 : index
      %swap3A_101 = arith.constant 0 : index
      %swap3A_102 = vector.load %arg12[%swap3A_100, %swap3A_101] : memref<64x1xf32, #tpu.memory_space<vmem>>, vector<64x1xf32>
      tpu.vector_store %arg12[%swap3A_100, %swap3A_101], %add3A_99 {strides = array<i32>} : memref<64x1xf32, #tpu.memory_space<vmem>>, vector<64x1xf32>,
    } else {
    }
    return
  }
  func.func @transform_0(%arg0: i32, %arg1: i32) -> (i32, i32) {
    %mul3A = arith.constant 5 : i32
    %mul3A_0 = arith.muli %arg0, %mul3A : i32
    %add3A = arith.addi %mul3A_0, %arg1 : i32
    %c0_i32 = arith.constant 0 : i32
    %c0_i32_1 = arith.constant 0 : i32
    return %add3A, %c0_i32 : i32, i32
  }
  func.func @transform_1(%arg0: i32, %arg1: i32) -> (i32, i32) {
    %mul3A = arith.constant 5 : i32
    %mul3A_0 = arith.muli %arg0, %mul3A : i32
    %add3A = arith.addi %mul3A_0, %arg1 : i32
    %c0_i32 = arith.constant 0 : i32
    %c0_i32_1 = arith.constant 0 : i32
    return %add3A, %c0_i32 : i32, i32
  }
  func.func @transform_2(%arg0: i32, %arg1: i32) -> (i32, i32) {
    %mul3A = arith.constant 5 : i32
    %mul3A_0 = arith.muli %arg0, %mul3A : i32
    %add3A = arith.addi %mul3A_0, %arg1 : i32
    %c0_i32 = arith.constant 0 : i32
    %c0_i32_1 = arith.constant 0 : i32
    return %add3A, %c0_i32 : i32, i32
  }
  func.func @transform_3(%arg0: i32, %arg1: i32) -> (i32, i32, i32) {
    %c0_i32 = arith.constant 0 : i32
    %c0_i32_0 = arith.constant 0 : i32
    %c0_i32_1 = arith.constant 0 : i32
    %c0_i32_2 = arith.constant 0 : i32
    return %c0_i32, %c0_i32_0, %c0_i32_1 : i32, i32, i32
  }
  func.func @transform_4(%arg0: i32, %arg1: i32) -> (i32, i32) {
    %c0_i32 = arith.constant 0 : i32
    %c0_i32_0 = arith.constant 0 : i32
    %c0_i32_1 = arith.constant 0 : i32
    return %c0_i32, %c0_i32_0 : i32, i32
  }
  func.func @transform_5(%arg0: i32, %arg1: i32) -> (i32, i32) {
    %c0_i32 = arith.constant 0 : i32
    %c0_i32_0 = arith.constant 0 : i32
    return %arg1, %c0_i32 : i32, i32
  }
  func.func @transform_6(%arg0: i32, %arg1: i32) -> (i32, i32) {
    %c0_i32 = arith.constant 0 : i32
    %c0_i32_0 = arith.constant 0 : i32
    %c0_i32_1 = arith.constant 0 : i32
    return %c0_i32, %c0_i32_0 : i32, i32
  }
  func.func @transform_7(%arg0: i32, %arg1: i32) -> (i32, i32) {
    %c0_i32 = arith.constant 0 : i32
    %c0_i32_0 = arith.constant 0 : i32
    %c0_i32_1 = arith.constant 0 : i32
    return %c0_i32, %c0_i32_0 : i32, i32
  }
  func.func @transform_8(%arg0: i32, %arg1: i32) -> (i32, i32) {
    %c0_i32 = arith.constant 0 : i32
    %c0_i32_0 = arith.constant 0 : i32
    %c0_i32_1 = arith.constant 0 : i32
    return %c0_i32, %c0_i32_0 : i32, i32
  }
  func.func @transform_9(%arg0: i32, %arg1: i32) -> (i32, i32) {
    %c0_i32 = arith.constant 0 : i32
    %c0_i32_0 = arith.constant 0 : i32
    %c0_i32_1 = arith.constant 0 : i32
    return %c0_i32, %c0_i32_0 : i32, i32
  }
  func.func @transform_10(%arg0: i32, %arg1: i32) -> (i32, i32) {
    %c0_i32 = arith.constant 0 : i32
    %c0_i32_0 = arith.constant 0 : i32
    %c0_i32_1 = arith.constant 0 : i32
    return %c0_i32, %c0_i32_0 : i32, i32
  }
}

</mosaic_0001>

<sc_bundles>
// kernel: kernel.10.cloned.1.call-start
scs
__scs_entry_jumppad:
0x0: {  	(pc) =	sbr.rel $0x88, $3  }
0x1: {  	(tag) =	ssettag $0x0;
	lr =	simm.s32 $0x1  }
0x2: {  	[smem:$0x3F91] =	sst lr;
	_ =	strace $0xD0000000  }
0x3: {  	_ = 	snop  }
0x4: {  	_ = 	snop  }
0x5: {  	_ = 	snop  }
0x6: {  	_ = 	snop  }
0x7: {  	_ = 	snop  }
__scs_overlays_trampoline_lowered:
0x8: {  	[smem:$0x3FA0] =	sst s0  }
0x9: {  	[smem:$0x3FA1] =	sst s1  }
0xa: {  	[smem:$0x3FA2] =	sst s2  }
0xb: {  	[smem:$0x3FA3] =	sst s3  }
0xc: {  	[smem:$0x3FA4] =	sst s4  }
0xd: {  	[smem:$0x3FA5] =	sst s5  }
0xe: {  	[smem:$0x3FA6] =	sst s6  }
0xf: {  	[smem:$0x3FA7] =	sst s7  }
0x10: {  	[smem:$0x3FA8] =	sst s8  }
0x11: {  	[smem:$0x3FA9] =	sst s9;
	s0 =	simm.s32 @!p0 $0x0  }
0x12: {  	s1 =	sld [smem:$0x3F8F];
	s0 =	simm.s32 @p0 $0x1  }
0x13: {  	[smem:$0x3FAA] =	sst s0;
	s0 =	simm.s32 @!p1 $0x0  }
0x14: {  	s2 =	sld [smem:$0x3F8E];
	s0 =	simm.s32 @p1 $0x1  }
0x15: {  	[smem:$0x3FAB] =	sst s0;
	s0 =	simm.s32 @!p2 $0x0  }
0x16: {  	s3 =	sld [smem:$0x3FDB];
	s0 =	simm.s32 @p2 $0x1  }
0x17: {  	s4 =	simm.s32 $0x1BF5;
	[smem:$0x3FAD] =	sst s0  }
0x18: {  	s0 =	sld [smem:$0x3F90];
	_ =	swait.ge [sflag:s4], $0x0  }
0x19: {  	s7 =	sld [smem:$0x3F91]  }
0x1a: {  	s8 =	sadd.s32 $0xFFFFE003, lr  }
0x1b: {  	s9 =	sadd.s32 $0xFFFFFEF7, lr;
	s5 =	simm.s32 $0xFFFFFFFF;
	p2 =	slt.u32 s8, $0xFFFFF086  }
0x1c: {  	p1 =	slt.u32 s9, $0xF7A;
	s5 =	simm.s32 @!p2 $0x0  }
0x1d: {  	s5 =	simm.s32 @p1 $0x1;
	p0 =	seq.s32 s7, s2  }
0x1e: {  	s7 =	smul.u32 @!p0 $0xF7A, s2;
	p2 =	seq.s32 @!p0 s5, $0x0  }
0x1f: {  	s9 =	smul.u32 $0xF7A, s1;
	s8 =	simm.s32 @!p0 $0x1BF5;
	p2 =	por !p2, p0  }
0x20: {  	[sflag:s8] =	ssyncset.s32 @!p0 $0xFFFFF086;
	s6 =	sadd.s32 @!p0 s3, s7;
	s7 =	simm.s32 @!p0 $0x108  }
0x21: {  	s3 =	sadd.s32 s3, s9;
	s6 =	sadd.s32 @!p0 $0x88, s6;
	s7 =	simm.s32 @p2 $0x1082  }
0x22: {  	[simem:s7], [sflag:s8] =	dma.local @!p0 [hbm:s6], $0xF7A  }
0x23: {  	s9 =	sor.u32 $0xD0000000, s2;
	s6 =	simm.s32 $0x108;
	_ =	swait.ge @!p0 [sflag:s8], $0x0  }
0x24: {  	s3 =	sadd.s32 $0x88, s3;
	s6 =	simm.s32 @!p1 $0x1082;
	[sflag:s4] =	ssyncset.s32 $0xFFFFF086  }
0x25: {  	[simem:s6], [sflag:s4] =	dma.local [hbm:s3], $0xF7A  }
0x26: {  	[smem:$0x3F91] =	sst s1;
	(tag) =	ssettag s2;
	_ =	strace s9  }
0x27: {  	s1 =	sld [smem:$0x3FA1]  }
0x28: {  	s2 =	sld [smem:$0x3FA2]  }
0x29: {  	s4 =	sld [smem:$0x3FA4]  }
0x2a: {  	p0 =	seq.s32 s5, $0x0;
	s5 =	sld [smem:$0x3FA5]  }
0x2b: {  	s6 =	sld [smem:$0x3FA6]  }
0x2c: {  	s7 =	sld [smem:$0x3FA7]  }
0x2d: {  	s3 =	simm.s32 $0x108;
	s8 =	sld [smem:$0x3FA8]  }
0x2e: {  	s3 =	simm.s32 @!p0 $0x1082;
	s9 =	sld [smem:$0x3FA9]  }
0x2f: {  	lr =	sadd.s32 s0, s3;
	s0 =	sld [smem:$0x3FA0]  }
0x30: {  	s3 =	sld [smem:$0x3FA3]  }
0x31: {  	[smem:$0x3FAC] =	sst s10  }
0x32: {  	s10 =	sld [smem:$0x3FAA];
	_ =	sdelay $0x3  }
0x33: {  	p0 =	seq.s32 s10, $0x1;
	s10 =	sld [smem:$0x3FAC];
	_ =	sdelay $0x3  }
0x34: {  	[smem:$0x3FAC] =	sst s10  }
0x35: {  	s10 =	sld [smem:$0x3FAB];
	_ =	sdelay $0x3  }
0x36: {  	p1 =	seq.s32 s10, $0x1;
	s10 =	sld [smem:$0x3FAC];
	_ =	sdelay $0x3  }
0x37: {  	[smem:$0x3FAC] =	sst s10  }
0x38: {  	s10 =	sld [smem:$0x3FAD]  }
0x39: {  	_ = 	snop;
	(pc) =	sbr.ind lr, $3  }
0x3a: {  	_ = 	snop  }
0x3b: {  	_ = 	snop  }
0x3c: {  	p2 =	seq.s32 s10, $0x1;
	s10 =	sld [smem:$0x3FAC]  }
0x3d: {  	_ =	shalt  }
0x3e: {  	_ =	shalt  }
0x3f: {  	_ =	shalt  }
0x40: {  	_ =	shalt  }
0x41: {  	_ =	shalt  }
0x42: {  	_ =	shalt  }
0x43: {  	_ =	shalt  }
0x44: {  	_ =	shalt  }
0x45: {  	_ =	shalt  }
0x46: {  	_ =	shalt  }
0x47: {  	_ =	shalt  }
0x48: {  	_ =	shalt  }
0x49: {  	_ =	shalt  }
0x4a: {  	_ =	shalt  }
0x4b: {  	_ =	shalt  }
0x4c: {  	_ =	shalt  }
0x4d: {  	_ =	shalt  }
0x4e: {  	_ =	shalt  }
0x4f: {  	_ =	shalt  }
0x50: {  	_ =	shalt  }
0x51: {  	_ =	shalt  }
0x52: {  	_ =	shalt  }
0x53: {  	_ =	shalt  }
0x54: {  	_ =	shalt  }
0x55: {  	_ =	shalt  }
0x56: {  	_ =	shalt  }
0x57: {  	_ =	shalt  }
0x58: {  	_ =	shalt  }
0x59: {  	_ =	shalt  }
0x5a: {  	_ =	shalt  }
0x5b: {  	_ =	shalt  }
0x5c: {  	_ =	shalt  }
0x5d: {  	_ =	shalt  }
0x5e: {  	_ =	shalt  }
0x5f: {  	_ =	shalt  }
0x60: {  	_ =	shalt  }
0x61: {  	_ =	shalt  }
0x62: {  	_ =	shalt  }
0x63: {  	_ =	shalt  }
0x64: {  	_ =	shalt  }
0x65: {  	_ =	shalt  }
0x66: {  	_ =	shalt  }
0x67: {  	_ =	shalt  }
0x68: {  	_ =	shalt  }
0x69: {  	_ =	shalt  }
0x6a: {  	_ =	shalt  }
0x6b: {  	_ =	shalt  }
0x6c: {  	_ =	shalt  }
0x6d: {  	_ =	shalt  }
0x6e: {  	_ =	shalt  }
0x6f: {  	_ =	shalt  }
0x70: {  	_ =	shalt  }
0x71: {  	_ =	shalt  }
0x72: {  	_ =	shalt  }
0x73: {  	_ =	shalt  }
0x74: {  	_ =	shalt  }
0x75: {  	_ =	shalt  }
0x76: {  	_ =	shalt  }
0x77: {  	_ =	shalt  }
0x78: {  	_ =	shalt  }
0x79: {  	_ =	shalt  }
0x7a: {  	_ =	shalt  }
0x7b: {  	_ =	shalt  }
0x7c: {  	_ =	shalt  }
0x7d: {  	_ =	shalt  }
0x7e: {  	_ =	shalt  }
0x7f: {  	_ =	shalt  }
0x80: {  	_ =	shalt  }
0x81: {  	_ =	shalt  }
0x82: {  	_ =	shalt  }
0x83: {  	_ =	shalt  }
0x84: {  	_ =	shalt  }
0x85: {  	_ =	shalt  }
0x86: {  	_ =	shalt  }
0x87: {  	_ =	shalt  }
.Lfunc_end0:
.L_simem_size_0:
called_computation_lowered:
.L_overlay_start_0:
0x88: {  	s2 =	sld [smem:$0x3FD9]  }
0x89: {  	s3 =	sld [smem:$0x3FFE];
	_ =	sdelay $0x1  }
0x8a: {  	s1 =	srdreg.scid  }
0x8b: {  	s0 =	sand.u32 $0x1, s1  }
0x8c: {  	s16 =	sshll.u32 s0, $0xA;
	s2 =	sadd.s32 s3, s2  }
0x8d: {  	s2 =	sadd.s32 s2, s16  }
0x8e: {  	[smem:$0x3FB8] =	sst s2  }
0x8f: {  	_ = 	snop  }
0x90: {  	(tm) =	ssettm $0x1  }
0x91: {  	s17 =	sld [smem:$0x3FFB];
	_ =	sdelay $0x3  }
0x92: {  	_ =	strace s17  }
0x93: {  	s2 =	sld [smem:$0x3FFC];
	_ =	sdelay $0x3  }
0x94: {  	_ =	strace s2  }
0x95: {  	s2 =	sld [smem:$0x3FFD];
	_ =	sdelay $0x3  }
0x96: {  	_ =	strace s2  }
0x97: {  	_ =	strace $0x8FFFFFFF  }
0x98: {  	s18 =	sld [smem:$0x3FDB];
	_ =	sdelay $0x1  }
0x99: {  	s19 =	simm.s32 $_scs_section_size  }
0x9a: {  	s4 =	simm.s32 $_size__tile_overlayer_lowered;
	s5 =	simm.s32 $_tile_overlayer_lowered  }
0x9b: {  	s22 =	simm.s32 $0x1BFF;
	s21 =	sshll.u32 s5, $0x1;
	s2 =	sadd.s32 s19, s18  }
0x9c: {  	s6 =	simm.s32 $0x0;
	s20 =	sshll.u32 s4, $0x1;
	s4 =	sadd.s32 s21, s2  }
0x9d: {  	[timem:s6], [sflag:s22] =	dma.local [hbm:s4], s20  }
0x9e: {  	_ =	swait.ge [sflag:s22], s20  }
0x9f: {  	s3 =	ssub.s32 $0x0, s20;
	[sflag:s22] =	ssyncset.done $0x0  }
0xa0: {  	[sflag:s22] =	ssyncadd.s32 s3;
	_ =	sdelay $0x1  }
0xa1: {  	s23 =	simm.s32 $0x1B8B  }
0xa2: {  	_ =	swait.ge [sflag:s23], $0x1  }
0xa3: {  	[sflag:s23] =	ssyncset.done $0x0  }
0xa4: {  	s25 =	simm.s32 $0x1B8E;
	s24 =	sld [smem:$0x3FFE];
	[sflag:s23] =	ssyncadd.s32 $0xFFFFFFFF  }
0xa5: {  	s26 =	simm.s32 $execute0_lowered;
	[smem:$0x3FD2] =	sst s25  }
0xa6: {  	s4 =	sshll.u32 s26, $0x1;
	_ =	strace $0x80000046;
	[dreg:$0x1] =	wrdreg $0xFFFFFFFF  }
0xa7: {  	s28 =	simm.s32 $_size_execute0_lowered;
	s2 =	sadd.s32 s2, s4;
	[dreg:$0x0] =	wrdreg $0x0  }
0xa8: {  	s4 =	sshll.u32 s28, $0x1;
	[dreg:$0x2] =	wrdreg s2  }
0xa9: {  	[dreg:$0x3] =	wrdreg s4  }
0xaa: {  	[dreg:$0x4] =	wrdreg $0xC0  }
0xab: {  	_ =	task [dreg:s6], $0x5FFFF  }
0xac: {  	[dreg:$0x1] =	wrdreg $0xFFFFFFFF  }
0xad: {  	[dreg:$0x0] =	wrdreg $0x60  }
0xae: {  	[dreg:$0x2] =	wrdreg s24  }
0xaf: {  	[dreg:$0x3] =	wrdreg $0xC0000  }
0xb0: {  	[dreg:$0x4] =	wrdreg $0x9  }
0xb1: {  	_ =	task.clear_ibuf [dreg:s6], $0x5FFFF;
	_ =	strace $0x90000046  }
0xb2: {  	s29 =	simm.s32 $0x9;
	_ =	strace $0x80000048  }
0xb3: {  	_ =	swait.ge [sflag:s29], $0x1  }
0xb4: {  	[sflag:s29] =	ssyncadd.s32 $0xFFFFFFFF  }
0xb5: {  	_ =	strace $0x90000048  }
0xb6: {  	_ =	sfence  }
0xb7: {  	s30 =	sld [smem:$0x0];
	_ =	sdelay $0x2  }
0xb8: {  	s31 =	sshll.u32 s1, $0xD;
	s1 =	sshrl.u32 s1, $0x2  }
0xb9: {  	s3 =	sand.u32 $0x4000, s31;
	s1 =	sadd.s32 s1, s30  }
0xba: {  	s0 =	sor.u32 s3, s0;
	s1 =	sshll.u32 s1, $0x11  }
0xbb: {  	s0 =	sor.u32 s1, s0  }
0xbc: {  	s0 =	sadd.s32 $0x8F2B, s0  }
0xbd: {  	[sflag:s0] =	ssyncadd.remote.s32 $0x1  }
0xbe: {  	_ =	sfence.sel $0xFFFF  }
0xbf: {  	[dreg:$0x0] =	wrdreg $0xFFFFFFFF;
	(pc) =	sbr.abs _section_cstart, $3  }
0xc0: {  	[dreg:$0x1] =	wrdreg $0xFFFFFFFF  }
0xc1: {  	_ =	task.clear_ibuf [dreg:s6], $0x2FFFF;
	_ =	strace $0x9FFFFFFF  }
0xc2: {  	(tm) =	ssettm $0x7FFFFFFF  }
0xc3: {  	_ =	shalt  }
tec
execute0_lowered:
.L_overlay_start_1:
0x0: {  	(tag) =	ssettag $0x1  }
0x1: {  	s4 =	rddreg [dreg:$0x0]  }
0x2: {  	s1 =	rddreg [dreg:$0x1];
	s2 =	simm.s32 $0x0  }
0x3: {  	s0 =	stileid.u32;
	s15 =	simm.s32 $0x80;
	[smem:$0x7FF] =	sst s2  }
0x4: {  	s16 =	simm.s32 $0x100;
	_ =	strace $0x80000047;
	[dreg:$0x5] =	wrdreg s15  }
0x5: {  	s5 =	srdreg.scid;
	s17 =	simm.s32 $0x180;
	[dreg:$0x6] =	wrdreg s16  }
0x6: {  	s6 =	simm.s32 $0x4200;
	s18 =	simm.s32 $0x1080;
	[dreg:$0x7] =	wrdreg s17  }
0x7: {  	s20 =	simm.s32 $0x1100;
	s21 =	simm.s32 $0x1180;
	[dreg:$0x8] =	wrdreg s18  }
0x8: {  	s22 =	simm.s32 $0x200;
	s23 =	simm.s32 $0x280;
	[dreg:$0x9] =	wrdreg s20  }
0x9: {  	s25 =	simm.s32 $0x300;
	s11 =	simm.s32 $0x380;
	[dreg:$0xa] =	wrdreg s21  }
0xa: {  	s12 =	simm.s32 $0x1200;
	s13 =	simm.s32 $0x1280;
	[dreg:$0xb] =	wrdreg s22  }
0xb: {  	s14 =	simm.s32 $0x1300;
	s28 =	simm.s32 $0xA80;
	[dreg:$0xc] =	wrdreg s23  }
0xc: {  	s29 =	simm.s32 $0xB00;
	s30 =	simm.s32 $0xB80;
	[dreg:$0xd] =	wrdreg s25  }
0xd: {  	s31 =	simm.s32 $0x1A00;
	s3 =	smul.u32 $0x1400, s0;
	[dreg:$0xe] =	wrdreg s11  }
0xe: {  	s5 =	sand.u32 $0x1, s5;
	s9 =	smul.u32 $0x4E000, s0;
	[dreg:$0xf] =	wrdreg s12  }
0xf: {  	s10 =	smul.u32 $0x270, s0;
	p0 =	seq.s32 s5, $0x0;
	[dreg:$0x10] =	wrdreg s13  }
0x10: {  	s19 =	ssub.s32 $0x2, s5;
	[dreg:$0x11] =	wrdreg s14;
	s15 =	simm.s32 $0x1380  }
0x11: {  	s26 =	smul.u32 $0x2710, s5;
	s17 =	simm.s32 $0x400;
	[dreg:$0x12] =	wrdreg s15  }
0x12: {  	s18 =	sshll.u32 s0, $0x6;
	s20 =	simm.s32 $0x500;
	[dreg:$0x13] =	wrdreg s17  }
0x13: {  	s5 =	smul.u32 $0x138800, s5;
	s21 =	simm.s32 $0x580;
	[dreg:$0x15] =	wrdreg s20  }
0x14: {  	s22 =	simm.s32 $0x1400;
	s23 =	simm.s32 $0x1480;
	[dreg:$0x16] =	wrdreg s21  }
0x15: {  	s25 =	simm.s32 $0x1580;
	s14 =	simm.s32 $0x1600;
	[dreg:$0x17] =	wrdreg s22  }
0x16: {  	s3 =	sadd.s32 s3, s4;
	s6 =	simm.s32 @!p0 $0x18200;
	[dreg:$0x18] =	wrdreg s23  }
0x17: {  	s8 =	sshrl.u32 s19, $0x1;
	s24 =	sshrl.u32 s9, $0x2;
	[dreg:$0x1a] =	wrdreg s25  }
0x18: {  	s12 =	sor.u32 $0x1C09, s18;
	[dreg:$0x1f] =	wrdreg s14;
	s15 =	simm.s32 $0x1680  }
0x19: {  	p0 =	sne.s32 s0, $0x0;
	s17 =	simm.s32 $0x1780;
	[smem:$0x7EE] =	sst s15  }
0x1a: {  	s14 =	simm.s32 $0x50;
	s18 =	simm.s32 $0x800;
	[smem:$0x7F0] =	sst s17  }
0x1b: {  	s20 =	simm.s32 $0x900;
	s21 =	simm.s32 $0x980;
	[smem:$0x7F1] =	sst s18  }
0x1c: {  	s22 =	simm.s32 $0x1800;
	s23 =	simm.s32 $0x1880;
	[smem:$0x7F3] =	sst s20  }
0x1d: {  	s25 =	simm.s32 $0x1980;
	s0 =	simm.s32 $0x1A80;
	[smem:$0x7F4] =	sst s21  }
0x1e: {  	s7 =	sadd.s32 $0x2C200, s3;
	s3 =	sadd.s32 s6, s3;
	[smem:$0x7F5] =	sst s22  }
0x1f: {  	s9 =	sadd.s32 s10, s26;
	s10 =	sadd.s32 $0x138000, s1;
	[smem:$0x7F6] =	sst s23  }
0x20: {  	s5 =	sshrl.u32 s5, $0x3;
	s26 =	simm.s32 $0x600;
	[smem:$0x7F8] =	sst s25  }
0x21: {  	s6 =	simm.s32 $0x680;
	s15 =	simm.s32 $0x2000;
	[smem:$0x7FB] =	sst s12  }
0x22: {  	s17 =	simm.s32 $0x7000;
	s18 =	simm.s32 $0x9800;
	[dreg:$0x3] =	wrdreg s7  }
0x23: {  	s20 =	simm.s32 $0x2;
	s21 =	simm.s32 $0x3;
	[dreg:$0x4] =	wrdreg s3  }
0x24: {  	s22 =	simm.s32 $0x4;
	s3 =	sadd.s32 $0x40200, s4;
	[dreg:$0x1b] =	wrdreg s26  }
0x25: {  	s7 =	ssub.s32 s19, s8;
	s19 =	simm.s32 $0x480;
	[dreg:$0x1c] =	wrdreg s6  }
0x26: {  	s8 =	sadd.s32 s24, s1;
	s24 =	simm.s32 $0x1500;
	[dreg:$0x14] =	wrdreg s19  }
0x27: {  	s9 =	sshll.u32 s9, $0x4;
	s26 =	simm.s32 $0xA00;
	[dreg:$0x19] =	wrdreg s24  }
0x28: {  	s5 =	sadd.s32 $0x27000, s5;
	s16 =	sadd.s32 s3, s9;
	[smem:$0x7F9] =	sst s26  }
0x29: {  	s4 =	sadd.s32 $0x8E400, s4;
	s11 =	sadd.s32 s3, s5;
	[smem:$0x7E9] =	sst s16  }
0x2a: {  	s23 =	simm.s32 $0x5;
	s9 =	sadd.s32 s4, s9;
	[smem:$0x7EA] =	sst s11  }
0x2b: {  	s25 =	simm.s32 $0x7;
	s4 =	sadd.s32 s4, s5;
	[smem:$0x7EB] =	sst s9  }
0x2c: {  	s6 =	simm.s32 $0x1B80;
	s7 =	smax.u32 s7, $0x1;
	[smem:$0x7EC] =	sst s4  }
0x2d: {  	s13 =	sshrl.u32 s8, $0x3;
	s19 =	simm.s32 $0x880;
	[smem:$0x7ED] =	sst s7  }
0x2e: {  	s24 =	simm.s32 $0x1900;
	s26 =	simm.s32 $0x8;
	[smem:$0x7F2] =	sst s19  }
0x2f: {  	s8 =	simm.s32 $0x1C00;
	s5 =	simm.s32 $0x0;
	[smem:$0x7F7] =	sst s24  }
0x30: {  	s9 =	simm.s32 $0x700;
	s11 =	simm.s32 $0x780;
	[smem:$0x7FA] =	sst s5  }
0x31: {  	s16 =	simm.s32 $0x1700;
	s19 =	simm.s32 $0x1;
	[dreg:$0x1d] =	wrdreg s9  }
0x32: {  	s24 =	simm.s32 $0x6;
	s4 =	simm.s32 $0x1B00;
	[dreg:$0x1e] =	wrdreg s11  }
0x33: {  	s9 =	sshrl.u32 @!p0 s10, $0x3;
	s10 =	smov.u32 s13;
	[smem:$0x7EF] =	sst s16  }
0x34: {  	s7 =	simm.s32 $0xC00;
	s11 =	simm.s32 $0x9;
	[smem:$0x7FC] =	sst s10  }
0x35: {  	s13 =	simm.s32 $0x1000;
	s16 =	simm.s32 $0x4800;
	[smem:$0x7FD] =	sst s9  }
.LBB2_1:
0x36: {  	s5 =	sld [smem:$0x7E9];
	_ =	sdelay $0x2  }
0x37: {  	[spmem:s10], [sflag:s12] =	dma.local [hbm:s5], $0x2700  }
0x38: {  	_ =	swait.ge [sflag:s11], $0x2700  }
0x39: {  	s5 =	sld [smem:$0x7EA]  }
0x3a: {  	[sflag:s11] =	ssyncset.done $0x0  }
0x3b: {  	[sflag:s11] =	ssyncadd.s32 $0xFFFFD900  }
0x3c: {  	[spmem:s9], [sflag:s12] =	dma.local @!p0 [hbm:s5], $0x100  }
0x3d: {  	s5 =	simm.s32 @!p0 $0x9  }
0x3e: {  	_ =	swait.ge @!p0 [sflag:s5], $0x100  }
0x3f: {  	[sflag:s5] =	ssyncset.done @!p0 $0x0  }
0x40: {  	[sflag:s5] =	ssyncadd.s32 @!p0 $0xFFFFFF00  }
0x41: {  	[bflag:$0x0] =	sbarrier.arrive $0xFFFF  }
0x42: {  	s9 =	rddreg [dreg:$0x4]  }
0x43: {  	s5 =	sadd.s32 $0x0, s9  }
0x44: {  	[tilespmem:s2], [sflag:$0x9] =	stream.linear.gather [hbm4b:s5+s2], $0xC80, $0x38;
	[tilespmem:$0x1F880] =	vst v63  }
0x45: {  	_ =	swait.ge [sflag:s11], $0xC80  }
0x46: {  	s10 =	rddreg [dreg:$0x3];
	[sflag:s11] =	ssyncset.done $0x0  }
0x47: {  	[sflag:s11] =	ssyncadd.s32 $0xFFFFF380;
	s5 =	sadd.s32 $0x0, s10  }
0x48: {  	[tilespmem:s13], [sflag:$0x9] =	stream.linear.gather [hbm4b:s5+s2], $0xC80, $0x38;
	[tilespmem:$0x1F880] =	vst v63  }
0x49: {  	_ =	swait.ge [sflag:s11], $0xC80  }
0x4a: {  	[sflag:s11] =	ssyncset.done $0x0  }
0x4b: {  	[sflag:s11] =	ssyncadd.s32 $0xFFFFF380  }
0x4c: {  	[tilespmem:s15], [sflag:$0x1] =	stream.indirect.gather [hbm4b:s3+s14], $0x80, s2, s14, $0xb8;
	[tilespmem:$0x1F880] =	vst v63  }
0x4d: {  	s12 =	rddreg [dreg:$0x5]  }
0x4e: {  	[tilespmem:s16], [sflag:$0x2] =	stream.indirect.gather [hbm4b:s3+s14], $0x80, s12, s14, $0xb8;
	[tilespmem:$0x1F880] =	vst v63  }
0x4f: {  	s9 =	rddreg [dreg:$0x6]  }
0x50: {  	[tilespmem:s17], [sflag:$0x3] =	stream.indirect.gather [hbm4b:s3+s14], $0x80, s9, s14, $0xb8;
	[tilespmem:$0x1F880] =	vst v63  }
0x51: {  	s12 =	rddreg [dreg:$0x7]  }
0x52: {  	[tilespmem:s18], [sflag:$0x4] =	stream.indirect.gather [hbm4b:s3+s14], $0x80, s12, s14, $0xb8;
	[tilespmem:$0x1F880] =	vst v63  }
0x53: {  	_ =	swait.ge [sflag:s19], $0x2800  }
0x54: {  	[sflag:s19] =	ssyncset.done $0x0  }
0x55: {  	[sflag:s19] =	ssyncadd.s32 $0xFFFFD800  }
0x56: {  	[spmem:s1] =	stream.indirect.scatter.add.f32 [tilespmem:s15], [sflag:$0x5], $0x80, s13, s14, $0xb8;
	[tilespmem:$0x1F880] =	vst v63  }
0x57: {  	_ =	swait.ge [sflag:s20], $0x2800  }
0x58: {  	[sflag:s20] =	ssyncset.done $0x0  }
0x59: {  	s9 =	rddreg [dreg:$0x8];
	[sflag:s20] =	ssyncadd.s32 $0xFFFFD800  }
0x5a: {  	[spmem:s1] =	stream.indirect.scatter.add.f32 [tilespmem:s16], [sflag:$0x6], $0x80, s9, s14, $0xb8;
	[tilespmem:$0x1F880] =	vst v63  }
0x5b: {  	_ =	swait.ge [sflag:s21], $0x2800  }
0x5c: {  	[sflag:s21] =	ssyncset.done $0x0  }
0x5d: {  	s10 =	rddreg [dreg:$0x9];
	[sflag:s21] =	ssyncadd.s32 $0xFFFFD800  }
0x5e: {  	[spmem:s1] =	stream.indirect.scatter.add.f32 [tilespmem:s17], [sflag:$0x7], $0x80, s10, s14, $0xb8;
	[tilespmem:$0x1F880] =	vst v63  }
0x5f: {  	_ =	swait.ge [sflag:s22], $0x2800  }
0x60: {  	[sflag:s22] =	ssyncset.done $0x0  }
0x61: {  	s12 =	rddreg [dreg:$0xa];
	[sflag:s22] =	ssyncadd.s32 $0xFFFFD800  }
0x62: {  	[spmem:s1] =	stream.indirect.scatter.add.f32 [tilespmem:s18], [sflag:$0x8], $0x80, s12, s14, $0xb8;
	[tilespmem:$0x1F880] =	vst v63  }
0x63: {  	_ =	swait.ge [sflag:s23], $0x2800  }
0x64: {  	[sflag:s23] =	ssyncset.done $0x0  }
0x65: {  	s9 =	rddreg [dreg:$0xb];
	[sflag:s23] =	ssyncadd.s32 $0xFFFFD800  }
0x66: {  	[tilespmem:s15], [sflag:$0x1] =	stream.indirect.gather [hbm4b:s3+s14], $0x80, s9, s14, $0xb8;
	[tilespmem:$0x1F880] =	vst v63  }
0x67: {  	_ =	swait.ge [sflag:s24], $0x2800  }
0x68: {  	[sflag:s24] =	ssyncset.done $0x0  }
0x69: {  	s10 =	rddreg [dreg:$0xc];
	[sflag:s24] =	ssyncadd.s32 $0xFFFFD800  }
0x6a: {  	[tilespmem:s16], [sflag:$0x2] =	stream.indirect.gather [hbm4b:s3+s14], $0x80, s10, s14, $0xb8;
	[tilespmem:$0x1F880] =	vst v63  }
0x6b: {  	_ =	swait.ge [sflag:s25], $0x2800  }
0x6c: {  	[sflag:s25] =	ssyncset.done $0x0  }
0x6d: {  	s12 =	rddreg [dreg:$0xd];
	[sflag:s25] =	ssyncadd.s32 $0xFFFFD800  }
0x6e: {  	[tilespmem:s17], [sflag:$0x3] =	stream.indirect.gather [hbm4b:s3+s14], $0x80, s12, s14, $0xb8;
	[tilespmem:$0x1F880] =	vst v63  }
0x6f: {  	_ =	swait.ge [sflag:s26], $0x2800  }
0x70: {  	[sflag:s26] =	ssyncset.done $0x0  }
0x71: {  	s9 =	rddreg [dreg:$0xe];
	[sflag:s26] =	ssyncadd.s32 $0xFFFFD800  }
0x72: {  	[tilespmem:s18], [sflag:$0x4] =	stream.indirect.gather [hbm4b:s3+s14], $0x80, s9, s14, $0xb8;
	[tilespmem:$0x1F880] =	vst v63  }
0x73: {  	_ =	swait.ge [sflag:s19], $0x2800  }
0x74: {  	[sflag:s19] =	ssyncset.done $0x0  }
0x75: {  	s10 =	rddreg [dreg:$0xf];
	[sflag:s19] =	ssyncadd.s32 $0xFFFFD800  }
0x76: {  	[spmem:s1] =	stream.indirect.scatter.add.f32 [tilespmem:s15], [sflag:$0x5], $0x80, s10, s14, $0xb8;
	[tilespmem:$0x1F880] =	vst v63  }
0x77: {  	_ =	swait.ge [sflag:s20], $0x2800  }
0x78: {  	[sflag:s20] =	ssyncset.done $0x0  }
0x79: {  	s12 =	rddreg [dreg:$0x10];
	[sflag:s20] =	ssyncadd.s32 $0xFFFFD800  }
0x7a: {  	[spmem:s1] =	stream.indirect.scatter.add.f32 [tilespmem:s16], [sflag:$0x6], $0x80, s12, s14, $0xb8;
	[tilespmem:$0x1F880] =	vst v63  }
0x7b: {  	_ =	swait.ge [sflag:s21], $0x2800  }
0x7c: {  	[sflag:s21] =	ssyncset.done $0x0  }
0x7d: {  	s9 =	rddreg [dreg:$0x11];
	[sflag:s21] =	ssyncadd.s32 $0xFFFFD800  }
0x7e: {  	[spmem:s1] =	stream.indirect.scatter.add.f32 [tilespmem:s17], [sflag:$0x7], $0x80, s9, s14, $0xb8;
	[tilespmem:$0x1F880] =	vst v63  }
0x7f: {  	_ =	swait.ge [sflag:s22], $0x2800  }
0x80: {  	[sflag:s22] =	ssyncset.done $0x0  }
0x81: {  	s10 =	rddreg [dreg:$0x12];
	[sflag:s22] =	ssyncadd.s32 $0xFFFFD800  }
0x82: {  	[spmem:s1] =	stream.indirect.scatter.add.f32 [tilespmem:s18], [sflag:$0x8], $0x80, s10, s14, $0xb8;
	[tilespmem:$0x1F880] =	vst v63  }
0x83: {  	_ =	swait.ge [sflag:s23], $0x2800  }
0x84: {  	[sflag:s23] =	ssyncset.done $0x0  }
0x85: {  	s12 =	rddreg [dreg:$0x13];
	[sflag:s23] =	ssyncadd.s32 $0xFFFFD800  }
0x86: {  	[tilespmem:s15], [sflag:$0x1] =	stream.indirect.gather [hbm4b:s3+s14], $0x80, s12, s14, $0xb8;
	[tilespmem:$0x1F880] =	vst v63  }
0x87: {  	_ =	swait.ge [sflag:s24], $0x2800  }
0x88: {  	[sflag:s24] =	ssyncset.done $0x0  }
0x89: {  	s9 =	rddreg [dreg:$0x14];
	[sflag:s24] =	ssyncadd.s32 $0xFFFFD800  }
0x8a: {  	[tilespmem:s16], [sflag:$0x2] =	stream.indirect.gather [hbm4b:s3+s14], $0x80, s9, s14, $0xb8;
	[tilespmem:$0x1F880] =	vst v63  }
0x8b: {  	_ =	swait.ge [sflag:s25], $0x2800  }
0x8c: {  	[sflag:s25] =	ssyncset.done $0x0  }
0x8d: {  	s10 =	rddreg [dreg:$0x15];
	[sflag:s25] =	ssyncadd.s32 $0xFFFFD800  }
0x8e: {  	[tilespmem:s17], [sflag:$0x3] =	stream.indirect.gather [hbm4b:s3+s14], $0x80, s10, s14, $0xb8;
	[tilespmem:$0x1F880] =	vst v63  }
0x8f: {  	_ =	swait.ge [sflag:s26], $0x2800  }
0x90: {  	[sflag:s26] =	ssyncset.done $0x0  }
0x91: {  	s12 =	rddreg [dreg:$0x16];
	[sflag:s26] =	ssyncadd.s32 $0xFFFFD800  }
0x92: {  	[tilespmem:s18], [sflag:$0x4] =	stream.indirect.gather [hbm4b:s3+s14], $0x80, s12, s14, $0xb8;
	[tilespmem:$0x1F880] =	vst v63  }
0x93: {  	_ =	swait.ge [sflag:s19], $0x2800  }
0x94: {  	[sflag:s19] =	ssyncset.done $0x0  }
0x95: {  	s9 =	rddreg [dreg:$0x17];
	[sflag:s19] =	ssyncadd.s32 $0xFFFFD800  }
0x96: {  	[spmem:s1] =	stream.indirect.scatter.add.f32 [tilespmem:s15], [sflag:$0x5], $0x80, s9, s14, $0xb8;
	[tilespmem:$0x1F880] =	vst v63  }
0x97: {  	_ =	swait.ge [sflag:s20], $0x2800  }
0x98: {  	[sflag:s20] =	ssyncset.done $0x0  }
0x99: {  	s10 =	rddreg [dreg:$0x18];
	[sflag:s20] =	ssyncadd.s32 $0xFFFFD800  }
0x9a: {  	[spmem:s1] =	stream.indirect.scatter.add.f32 [tilespmem:s16], [sflag:$0x6], $0x80, s10, s14, $0xb8;
	[tilespmem:$0x1F880] =	vst v63  }
0x9b: {  	_ =	swait.ge [sflag:s21], $0x2800  }
0x9c: {  	[sflag:s21] =	ssyncset.done $0x0  }
0x9d: {  	s12 =	rddreg [dreg:$0x19];
	[sflag:s21] =	ssyncadd.s32 $0xFFFFD800  }
0x9e: {  	[spmem:s1] =	stream.indirect.scatter.add.f32 [tilespmem:s17], [sflag:$0x7], $0x80, s12, s14, $0xb8;
	[tilespmem:$0x1F880] =	vst v63  }
0x9f: {  	_ =	swait.ge [sflag:s22], $0x2800  }
0xa0: {  	[sflag:s22] =	ssyncset.done $0x0  }
0xa1: {  	s9 =	rddreg [dreg:$0x1a];
	[sflag:s22] =	ssyncadd.s32 $0xFFFFD800  }
0xa2: {  	[spmem:s1] =	stream.indirect.scatter.add.f32 [tilespmem:s18], [sflag:$0x8], $0x80, s9, s14, $0xb8;
	[tilespmem:$0x1F880] =	vst v63  }
0xa3: {  	_ =	swait.ge [sflag:s23], $0x2800  }
0xa4: {  	[sflag:s23] =	ssyncset.done $0x0  }
0xa5: {  	s10 =	rddreg [dreg:$0x1b];
	[sflag:s23] =	ssyncadd.s32 $0xFFFFD800  }
0xa6: {  	[tilespmem:s15], [sflag:$0x1] =	stream.indirect.gather [hbm4b:s3+s14], $0x80, s10, s14, $0xb8;
	[tilespmem:$0x1F880] =	vst v63  }
0xa7: {  	_ =	swait.ge [sflag:s24], $0x2800  }
0xa8: {  	[sflag:s24] =	ssyncset.done $0x0  }
0xa9: {  	s12 =	rddreg [dreg:$0x1c];
	[sflag:s24] =	ssyncadd.s32 $0xFFFFD800  }
0xaa: {  	[tilespmem:s16], [sflag:$0x2] =	stream.indirect.gather [hbm4b:s3+s14], $0x80, s12, s14, $0xb8;
	[tilespmem:$0x1F880] =	vst v63  }
0xab: {  	_ =	swait.ge [sflag:s25], $0x2800  }
0xac: {  	[sflag:s25] =	ssyncset.done $0x0  }
0xad: {  	s9 =	rddreg [dreg:$0x1d];
	[sflag:s25] =	ssyncadd.s32 $0xFFFFD800  }
0xae: {  	[tilespmem:s17], [sflag:$0x3] =	stream.indirect.gather [hbm4b:s3+s14], $0x80, s9, s14, $0xb8;
	[tilespmem:$0x1F880] =	vst v63  }
0xaf: {  	_ =	swait.ge [sflag:s26], $0x2800  }
0xb0: {  	[sflag:s26] =	ssyncset.done $0x0  }
0xb1: {  	s10 =	rddreg [dreg:$0x1e];
	[sflag:s26] =	ssyncadd.s32 $0xFFFFD800  }
0xb2: {  	[tilespmem:s18], [sflag:$0x4] =	stream.indirect.gather [hbm4b:s3+s14], $0x80, s10, s14, $0xb8;
	[tilespmem:$0x1F880] =	vst v63  }
0xb3: {  	_ =	swait.ge [sflag:s19], $0x2800  }
0xb4: {  	[sflag:s19] =	ssyncset.done $0x0  }
0xb5: {  	s12 =	rddreg [dreg:$0x1f];
	[sflag:s19] =	ssyncadd.s32 $0xFFFFD800  }
0xb6: {  	[spmem:s1] =	stream.indirect.scatter.add.f32 [tilespmem:s15], [sflag:$0x5], $0x80, s12, s14, $0xb8;
	[tilespmem:$0x1F880] =	vst v63  }
0xb7: {  	_ =	swait.ge [sflag:s20], $0x2800  }
0xb8: {  	s9 =	sld [smem:$0x7EE]  }
0xb9: {  	[sflag:s20] =	ssyncset.done $0x0  }
0xba: {  	[sflag:s20] =	ssyncadd.s32 $0xFFFFD800  }
0xbb: {  	[spmem:s1] =	stream.indirect.scatter.add.f32 [tilespmem:s16], [sflag:$0x6], $0x80, s9, s14, $0xb8;
	[tilespmem:$0x1F880] =	vst v63  }
0xbc: {  	_ =	swait.ge [sflag:s21], $0x2800  }
0xbd: {  	s10 =	sld [smem:$0x7EF]  }
0xbe: {  	[sflag:s21] =	ssyncset.done $0x0  }
0xbf: {  	[sflag:s21] =	ssyncadd.s32 $0xFFFFD800  }
0xc0: {  	[spmem:s1] =	stream.indirect.scatter.add.f32 [tilespmem:s17], [sflag:$0x7], $0x80, s10, s14, $0xb8;
	[tilespmem:$0x1F880] =	vst v63  }
0xc1: {  	_ =	swait.ge [sflag:s22], $0x2800  }
0xc2: {  	s12 =	sld [smem:$0x7F0]  }
0xc3: {  	[sflag:s22] =	ssyncset.done $0x0  }
0xc4: {  	[sflag:s22] =	ssyncadd.s32 $0xFFFFD800  }
0xc5: {  	[spmem:s1] =	stream.indirect.scatter.add.f32 [tilespmem:s18], [sflag:$0x8], $0x80, s12, s14, $0xb8;
	[tilespmem:$0x1F880] =	vst v63  }
0xc6: {  	_ =	swait.ge [sflag:s23], $0x2800  }
0xc7: {  	s9 =	sld [smem:$0x7F1]  }
0xc8: {  	[sflag:s23] =	ssyncset.done $0x0  }
0xc9: {  	[sflag:s23] =	ssyncadd.s32 $0xFFFFD800  }
0xca: {  	[tilespmem:s15], [sflag:$0x1] =	stream.indirect.gather [hbm4b:s3+s14], $0x80, s9, s14, $0xb8;
	[tilespmem:$0x1F880] =	vst v63  }
0xcb: {  	_ =	swait.ge [sflag:s24], $0x2800  }
0xcc: {  	s10 =	sld [smem:$0x7F2]  }
0xcd: {  	[sflag:s24] =	ssyncset.done $0x0  }
0xce: {  	[sflag:s24] =	ssyncadd.s32 $0xFFFFD800  }
0xcf: {  	[tilespmem:s16], [sflag:$0x2] =	stream.indirect.gather [hbm4b:s3+s14], $0x80, s10, s14, $0xb8;
	[tilespmem:$0x1F880] =	vst v63  }
0xd0: {  	_ =	swait.ge [sflag:s25], $0x2800  }
0xd1: {  	s12 =	sld [smem:$0x7F3]  }
0xd2: {  	[sflag:s25] =	ssyncset.done $0x0  }
0xd3: {  	[sflag:s25] =	ssyncadd.s32 $0xFFFFD800  }
0xd4: {  	[tilespmem:s17], [sflag:$0x3] =	stream.indirect.gather [hbm4b:s3+s14], $0x80, s12, s14, $0xb8;
	[tilespmem:$0x1F880] =	vst v63  }
0xd5: {  	_ =	swait.ge [sflag:s26], $0x2800  }
0xd6: {  	s9 =	sld [smem:$0x7F4]  }
0xd7: {  	[sflag:s26] =	ssyncset.done $0x0  }
0xd8: {  	[sflag:s26] =	ssyncadd.s32 $0xFFFFD800  }
0xd9: {  	[tilespmem:s18], [sflag:$0x4] =	stream.indirect.gather [hbm4b:s3+s14], $0x80, s9, s14, $0xb8;
	[tilespmem:$0x1F880] =	vst v63  }
0xda: {  	_ =	swait.ge [sflag:s19], $0x2800  }
0xdb: {  	s10 =	sld [smem:$0x7F5]  }
0xdc: {  	[sflag:s19] =	ssyncset.done $0x0  }
0xdd: {  	[sflag:s19] =	ssyncadd.s32 $0xFFFFD800  }
0xde: {  	[spmem:s1] =	stream.indirect.scatter.add.f32 [tilespmem:s15], [sflag:$0x5], $0x80, s10, s14, $0xb8;
	[tilespmem:$0x1F880] =	vst v63  }
0xdf: {  	_ =	swait.ge [sflag:s20], $0x2800  }
0xe0: {  	s12 =	sld [smem:$0x7F6]  }
0xe1: {  	[sflag:s20] =	ssyncset.done $0x0  }
0xe2: {  	[sflag:s20] =	ssyncadd.s32 $0xFFFFD800  }
0xe3: {  	[spmem:s1] =	stream.indirect.scatter.add.f32 [tilespmem:s16], [sflag:$0x6], $0x80, s12, s14, $0xb8;
	[tilespmem:$0x1F880] =	vst v63  }
0xe4: {  	_ =	swait.ge [sflag:s21], $0x2800  }
0xe5: {  	s9 =	sld [smem:$0x7F7]  }
0xe6: {  	[sflag:s21] =	ssyncset.done $0x0  }
0xe7: {  	[sflag:s21] =	ssyncadd.s32 $0xFFFFD800  }
0xe8: {  	[spmem:s1] =	stream.indirect.scatter.add.f32 [tilespmem:s17], [sflag:$0x7], $0x80, s9, s14, $0xb8;
	[tilespmem:$0x1F880] =	vst v63  }
0xe9: {  	_ =	swait.ge [sflag:s22], $0x2800  }
0xea: {  	s10 =	sld [smem:$0x7F8]  }
0xeb: {  	[sflag:s22] =	ssyncset.done $0x0  }
0xec: {  	[sflag:s22] =	ssyncadd.s32 $0xFFFFD800  }
0xed: {  	[spmem:s1] =	stream.indirect.scatter.add.f32 [tilespmem:s18], [sflag:$0x8], $0x80, s10, s14, $0xb8;
	[tilespmem:$0x1F880] =	vst v63  }
0xee: {  	_ =	swait.ge [sflag:s23], $0x2800  }
0xef: {  	s12 =	sld [smem:$0x7F9]  }
0xf0: {  	[sflag:s23] =	ssyncset.done $0x0  }
0xf1: {  	[sflag:s23] =	ssyncadd.s32 $0xFFFFD800  }
0xf2: {  	[tilespmem:s15], [sflag:$0x1] =	stream.indirect.gather [hbm4b:s3+s14], $0x80, s12, s14, $0xb8;
	[tilespmem:$0x1F880] =	vst v63  }
0xf3: {  	_ =	swait.ge [sflag:s24], $0x2800  }
0xf4: {  	[sflag:s24] =	ssyncset.done $0x0  }
0xf5: {  	[sflag:s24] =	ssyncadd.s32 $0xFFFFD800  }
0xf6: {  	[tilespmem:s16], [sflag:$0x2] =	stream.indirect.gather [hbm4b:s3+s14], $0x80, s28, s14, $0xb8;
	[tilespmem:$0x1F880] =	vst v63  }
0xf7: {  	_ =	swait.ge [sflag:s25], $0x2800  }
0xf8: {  	[sflag:s25] =	ssyncset.done $0x0  }
0xf9: {  	[sflag:s25] =	ssyncadd.s32 $0xFFFFD800  }
0xfa: {  	[tilespmem:s17], [sflag:$0x3] =	stream.indirect.gather [hbm4b:s3+s14], $0x80, s29, s14, $0xb8;
	[tilespmem:$0x1F880] =	vst v63  }
0xfb: {  	_ =	swait.ge [sflag:s26], $0x2800  }
0xfc: {  	[sflag:s26] =	ssyncset.done $0x0  }
0xfd: {  	[sflag:s26] =	ssyncadd.s32 $0xFFFFD800  }
0xfe: {  	[tilespmem:s18], [sflag:$0x4] =	stream.indirect.gather [hbm4b:s3+s14], $0x80, s30, s14, $0xb8;
	[tilespmem:$0x1F880] =	vst v63  }
0xff: {  	_ =	swait.ge [sflag:s19], $0x2800  }
0x100: {  	[sflag:s19] =	ssyncset.done $0x0  }
0x101: {  	[sflag:s19] =	ssyncadd.s32 $0xFFFFD800  }
0x102: {  	[spmem:s1] =	stream.indirect.scatter.add.f32 [tilespmem:s15], [sflag:$0x5], $0x80, s31, s14, $0xb8;
	[tilespmem:$0x1F880] =	vst v63  }
0x103: {  	_ =	swait.ge [sflag:s20], $0x2800  }
0x104: {  	[sflag:s20] =	ssyncset.done $0x0  }
0x105: {  	[sflag:s20] =	ssyncadd.s32 $0xFFFFD800  }
0x106: {  	[spmem:s1] =	stream.indirect.scatter.add.f32 [tilespmem:s16], [sflag:$0x6], $0x80, s0, s14, $0xb8;
	[tilespmem:$0x1F880] =	vst v63  }
0x107: {  	_ =	swait.ge [sflag:s21], $0x2800  }
0x108: {  	[sflag:s21] =	ssyncset.done $0x0  }
0x109: {  	[sflag:s21] =	ssyncadd.s32 $0xFFFFD800  }
0x10a: {  	[spmem:s1] =	stream.indirect.scatter.add.f32 [tilespmem:s17], [sflag:$0x7], $0x80, s4, s14, $0xb8;
	[tilespmem:$0x1F880] =	vst v63  }
0x10b: {  	_ =	swait.ge [sflag:s22], $0x2800  }
0x10c: {  	[sflag:s22] =	ssyncset.done $0x0  }
0x10d: {  	[sflag:s22] =	ssyncadd.s32 $0xFFFFD800  }
0x10e: {  	[spmem:s1] =	stream.indirect.scatter.add.f32 [tilespmem:s18], [sflag:$0x8], $0x80, s6, s14, $0xb8;
	[tilespmem:$0x1F880] =	vst v63  }
0x10f: {  	_ =	swait.ge [sflag:s23], $0x2800  }
0x110: {  	[sflag:s23] =	ssyncset.done $0x0  }
0x111: {  	[sflag:s23] =	ssyncadd.s32 $0xFFFFD800  }
0x112: {  	_ =	swait.ge [sflag:s24], $0x2800  }
0x113: {  	[sflag:s24] =	ssyncset.done $0x0  }
0x114: {  	[sflag:s24] =	ssyncadd.s32 $0xFFFFD800  }
0x115: {  	_ =	swait.ge [sflag:s25], $0x2800  }
0x116: {  	[sflag:s25] =	ssyncset.done $0x0  }
0x117: {  	[sflag:s25] =	ssyncadd.s32 $0xFFFFD800  }
0x118: {  	_ =	swait.ge [sflag:s26], $0x2800  }
0x119: {  	[sflag:s26] =	ssyncset.done $0x0  }
0x11a: {  	[sflag:s26] =	ssyncadd.s32 $0xFFFFD800  }
0x11b: {  	[tilespmem:s15], [sflag:$0x1] =	stream.indirect.gather [hbm4b:s3+s14], $0x80, s7, s14, $0xb8;
	[tilespmem:$0x1F880] =	vst v63  }
0x11c: {  	_ =	swait.ge [sflag:s19], $0x2800  }
0x11d: {  	[sflag:s19] =	ssyncset.done $0x0  }
0x11e: {  	[sflag:s19] =	ssyncadd.s32 $0xFFFFD800  }
0x11f: {  	[spmem:s1] =	stream.indirect.scatter.add.f32 [tilespmem:s15], [sflag:$0x5], $0x80, s8, s14, $0xb8;
	[tilespmem:$0x1F880] =	vst v63  }
0x120: {  	s10 =	simm.s32 $0x200;
	_ =	swait.ge [sflag:s23], $0x2800  }
0x121: {  	s12 =	simm.s32 $0x400;
	s5 =	rddreg [dreg:$0x4];
	[sflag:s23] =	ssyncset.done $0x0  }
.LBB2_2:
0x122: {  	[sflag:s23] =	ssyncadd.s32 $0xFFFFD800;
	s5 =	sadd.s32 s10, s5  }
0x123: {  	[tilespmem:s2], [sflag:$0x9] =	stream.linear.gather [hbm4b:s5+s2], $0xC80, $0x38;
	[tilespmem:$0x1F880] =	vst v63  }
0x124: {  	_ =	swait.ge [sflag:s11], $0xC80  }
0x125: {  	s5 =	rddreg [dreg:$0x3];
	[sflag:s11] =	ssyncset.done $0x0  }
0x126: {  	[sflag:s11] =	ssyncadd.s32 $0xFFFFF380;
	s5 =	sadd.s32 s10, s5  }
0x127: {  	[tilespmem:s13], [sflag:$0x9] =	stream.linear.gather [hbm4b:s5+s2], $0xC80, $0x38;
	[tilespmem:$0x1F880] =	vst v63  }
0x128: {  	_ =	swait.ge [sflag:s11], $0xC80  }
0x129: {  	[sflag:s11] =	ssyncset.done $0x0  }
0x12a: {  	[sflag:s11] =	ssyncadd.s32 $0xFFFFF380  }
0x12b: {  	[tilespmem:s15], [sflag:$0x1] =	stream.indirect.gather [hbm4b:s3+s14], $0x80, s2, s14, $0xb8;
	[tilespmem:$0x1F880] =	vst v63  }
0x12c: {  	s9 =	smov.u32 s12;
	s5 =	rddreg [dreg:$0x5]  }
0x12d: {  	[tilespmem:s16], [sflag:$0x2] =	stream.indirect.gather [hbm4b:s3+s14], $0x80, s5, s14, $0xb8;
	[tilespmem:$0x1F880] =	vst v63  }
0x12e: {  	s10 =	smov.u32 s9;
	s9 =	rddreg [dreg:$0x6]  }
0x12f: {  	[tilespmem:s17], [sflag:$0x3] =	stream.indirect.gather [hbm4b:s3+s14], $0x80, s9, s14, $0xb8;
	[tilespmem:$0x1F880] =	vst v63  }
0x130: {  	s5 =	rddreg [dreg:$0x7]  }
0x131: {  	[tilespmem:s18], [sflag:$0x4] =	stream.indirect.gather [hbm4b:s3+s14], $0x80, s5, s14, $0xb8;
	[tilespmem:$0x1F880] =	vst v63  }
0x132: {  	_ =	swait.ge [sflag:s19], $0x2800  }
0x133: {  	[sflag:s19] =	ssyncset.done $0x0  }
0x134: {  	[sflag:s19] =	ssyncadd.s32 $0xFFFFD800  }
0x135: {  	[spmem:s1] =	stream.indirect.scatter.add.f32 [tilespmem:s15], [sflag:$0x5], $0x80, s13, s14, $0xb8;
	[tilespmem:$0x1F880] =	vst v63  }
0x136: {  	_ =	swait.ge [sflag:s20], $0x2800  }
0x137: {  	[sflag:s20] =	ssyncset.done $0x0  }
0x138: {  	s9 =	rddreg [dreg:$0x8];
	[sflag:s20] =	ssyncadd.s32 $0xFFFFD800  }
0x139: {  	[spmem:s1] =	stream.indirect.scatter.add.f32 [tilespmem:s16], [sflag:$0x6], $0x80, s9, s14, $0xb8;
	[tilespmem:$0x1F880] =	vst v63  }
0x13a: {  	_ =	swait.ge [sflag:s21], $0x2800  }
0x13b: {  	[sflag:s21] =	ssyncset.done $0x0  }
0x13c: {  	s9 =	rddreg [dreg:$0x9];
	[sflag:s21] =	ssyncadd.s32 $0xFFFFD800  }
0x13d: {  	[spmem:s1] =	stream.indirect.scatter.add.f32 [tilespmem:s17], [sflag:$0x7], $0x80, s9, s14, $0xb8;
	[tilespmem:$0x1F880] =	vst v63  }
0x13e: {  	_ =	swait.ge [sflag:s22], $0x2800  }
0x13f: {  	[sflag:s22] =	ssyncset.done $0x0  }
0x140: {  	s9 =	rddreg [dreg:$0xa];
	[sflag:s22] =	ssyncadd.s32 $0xFFFFD800  }
0x141: {  	[spmem:s1] =	stream.indirect.scatter.add.f32 [tilespmem:s18], [sflag:$0x8], $0x80, s9, s14, $0xb8;
	[tilespmem:$0x1F880] =	vst v63  }
0x142: {  	_ =	swait.ge [sflag:s23], $0x2800  }
0x143: {  	[sflag:s23] =	ssyncset.done $0x0  }
0x144: {  	s9 =	rddreg [dreg:$0xb];
	[sflag:s23] =	ssyncadd.s32 $0xFFFFD800  }
0x145: {  	[tilespmem:s15], [sflag:$0x1] =	stream.indirect.gather [hbm4b:s3+s14], $0x80, s9, s14, $0xb8;
	[tilespmem:$0x1F880] =	vst v63  }
0x146: {  	_ =	swait.ge [sflag:s24], $0x2800  }
0x147: {  	[sflag:s24] =	ssyncset.done $0x0  }
0x148: {  	s9 =	rddreg [dreg:$0xc];
	[sflag:s24] =	ssyncadd.s32 $0xFFFFD800  }
0x149: {  	[tilespmem:s16], [sflag:$0x2] =	stream.indirect.gather [hbm4b:s3+s14], $0x80, s9, s14, $0xb8;
	[tilespmem:$0x1F880] =	vst v63  }
0x14a: {  	_ =	swait.ge [sflag:s25], $0x2800  }
0x14b: {  	[sflag:s25] =	ssyncset.done $0x0  }
0x14c: {  	s9 =	rddreg [dreg:$0xd];
	[sflag:s25] =	ssyncadd.s32 $0xFFFFD800  }
0x14d: {  	[tilespmem:s17], [sflag:$0x3] =	stream.indirect.gather [hbm4b:s3+s14], $0x80, s9, s14, $0xb8;
	[tilespmem:$0x1F880] =	vst v63  }
0x14e: {  	_ =	swait.ge [sflag:s26], $0x2800  }
0x14f: {  	[sflag:s26] =	ssyncset.done $0x0  }
0x150: {  	s9 =	rddreg [dreg:$0xe];
	[sflag:s26] =	ssyncadd.s32 $0xFFFFD800  }
0x151: {  	[tilespmem:s18], [sflag:$0x4] =	stream.indirect.gather [hbm4b:s3+s14], $0x80, s9, s14, $0xb8;
	[tilespmem:$0x1F880] =	vst v63  }
0x152: {  	_ =	swait.ge [sflag:s19], $0x2800  }
0x153: {  	[sflag:s19] =	ssyncset.done $0x0  }
0x154: {  	s9 =	rddreg [dreg:$0xf];
	[sflag:s19] =	ssyncadd.s32 $0xFFFFD800  }
0x155: {  	[spmem:s1] =	stream.indirect.scatter.add.f32 [tilespmem:s15], [sflag:$0x5], $0x80, s9, s14, $0xb8;
	[tilespmem:$0x1F880] =	vst v63  }
0x156: {  	_ =	swait.ge [sflag:s20], $0x2800  }
0x157: {  	[sflag:s20] =	ssyncset.done $0x0  }
0x158: {  	s9 =	rddreg [dreg:$0x10];
	[sflag:s20] =	ssyncadd.s32 $0xFFFFD800  }
0x159: {  	[spmem:s1] =	stream.indirect.scatter.add.f32 [tilespmem:s16], [sflag:$0x6], $0x80, s9, s14, $0xb8;
	[tilespmem:$0x1F880] =	vst v63  }
0x15a: {  	_ =	swait.ge [sflag:s21], $0x2800  }
0x15b: {  	[sflag:s21] =	ssyncset.done $0x0  }
0x15c: {  	s9 =	rddreg [dreg:$0x11];
	[sflag:s21] =	ssyncadd.s32 $0xFFFFD800  }
0x15d: {  	[spmem:s1] =	stream.indirect.scatter.add.f32 [tilespmem:s17], [sflag:$0x7], $0x80, s9, s14, $0xb8;
	[tilespmem:$0x1F880] =	vst v63  }
0x15e: {  	_ =	swait.ge [sflag:s22], $0x2800  }
0x15f: {  	[sflag:s22] =	ssyncset.done $0x0  }
0x160: {  	s9 =	rddreg [dreg:$0x12];
	[sflag:s22] =	ssyncadd.s32 $0xFFFFD800  }
0x161: {  	[spmem:s1] =	stream.indirect.scatter.add.f32 [tilespmem:s18], [sflag:$0x8], $0x80, s9, s14, $0xb8;
	[tilespmem:$0x1F880] =	vst v63  }
0x162: {  	_ =	swait.ge [sflag:s23], $0x2800  }
0x163: {  	[sflag:s23] =	ssyncset.done $0x0  }
0x164: {  	s9 =	rddreg [dreg:$0x13];
	[sflag:s23] =	ssyncadd.s32 $0xFFFFD800  }
0x165: {  	[tilespmem:s15], [sflag:$0x1] =	stream.indirect.gather [hbm4b:s3+s14], $0x80, s9, s14, $0xb8;
	[tilespmem:$0x1F880] =	vst v63  }
0x166: {  	_ =	swait.ge [sflag:s24], $0x2800  }
0x167: {  	[sflag:s24] =	ssyncset.done $0x0  }
0x168: {  	s9 =	rddreg [dreg:$0x14];
	[sflag:s24] =	ssyncadd.s32 $0xFFFFD800  }
0x169: {  	[tilespmem:s16], [sflag:$0x2] =	stream.indirect.gather [hbm4b:s3+s14], $0x80, s9, s14, $0xb8;
	[tilespmem:$0x1F880] =	vst v63  }
0x16a: {  	_ =	swait.ge [sflag:s25], $0x2800  }
0x16b: {  	[sflag:s25] =	ssyncset.done $0x0  }
0x16c: {  	s9 =	rddreg [dreg:$0x15];
	[sflag:s25] =	ssyncadd.s32 $0xFFFFD800  }
0x16d: {  	[tilespmem:s17], [sflag:$0x3] =	stream.indirect.gather [hbm4b:s3+s14], $0x80, s9, s14, $0xb8;
	[tilespmem:$0x1F880] =	vst v63  }
0x16e: {  	_ =	swait.ge [sflag:s26], $0x2800  }
0x16f: {  	[sflag:s26] =	ssyncset.done $0x0  }
0x170: {  	s9 =	rddreg [dreg:$0x16];
	[sflag:s26] =	ssyncadd.s32 $0xFFFFD800  }
0x171: {  	[tilespmem:s18], [sflag:$0x4] =	stream.indirect.gather [hbm4b:s3+s14], $0x80, s9, s14, $0xb8;
	[tilespmem:$0x1F880] =	vst v63  }
0x172: {  	_ =	swait.ge [sflag:s19], $0x2800  }
0x173: {  	[sflag:s19] =	ssyncset.done $0x0  }
0x174: {  	s9 =	rddreg [dreg:$0x17];
	[sflag:s19] =	ssyncadd.s32 $0xFFFFD800  }
0x175: {  	[spmem:s1] =	stream.indirect.scatter.add.f32 [tilespmem:s15], [sflag:$0x5], $0x80, s9, s14, $0xb8;
	[tilespmem:$0x1F880] =	vst v63  }
0x176: {  	_ =	swait.ge [sflag:s20], $0x2800  }
0x177: {  	[sflag:s20] =	ssyncset.done $0x0  }
0x178: {  	s9 =	rddreg [dreg:$0x18];
	[sflag:s20] =	ssyncadd.s32 $0xFFFFD800  }
0x179: {  	[spmem:s1] =	stream.indirect.scatter.add.f32 [tilespmem:s16], [sflag:$0x6], $0x80, s9, s14, $0xb8;
	[tilespmem:$0x1F880] =	vst v63  }
0x17a: {  	_ =	swait.ge [sflag:s21], $0x2800  }
0x17b: {  	[sflag:s21] =	ssyncset.done $0x0  }
0x17c: {  	s9 =	rddreg [dreg:$0x19];
	[sflag:s21] =	ssyncadd.s32 $0xFFFFD800  }
0x17d: {  	[spmem:s1] =	stream.indirect.scatter.add.f32 [tilespmem:s17], [sflag:$0x7], $0x80, s9, s14, $0xb8;
	[tilespmem:$0x1F880] =	vst v63  }
0x17e: {  	_ =	swait.ge [sflag:s22], $0x2800  }
0x17f: {  	[sflag:s22] =	ssyncset.done $0x0  }
0x180: {  	s9 =	rddreg [dreg:$0x1a];
	[sflag:s22] =	ssyncadd.s32 $0xFFFFD800  }
0x181: {  	[spmem:s1] =	stream.indirect.scatter.add.f32 [tilespmem:s18], [sflag:$0x8], $0x80, s9, s14, $0xb8;
	[tilespmem:$0x1F880] =	vst v63  }
0x182: {  	_ =	swait.ge [sflag:s23], $0x2800  }
0x183: {  	[sflag:s23] =	ssyncset.done $0x0  }
0x184: {  	s9 =	rddreg [dreg:$0x1b];
	[sflag:s23] =	ssyncadd.s32 $0xFFFFD800  }
0x185: {  	[tilespmem:s15], [sflag:$0x1] =	stream.indirect.gather [hbm4b:s3+s14], $0x80, s9, s14, $0xb8;
	[tilespmem:$0x1F880] =	vst v63  }
0x186: {  	_ =	swait.ge [sflag:s24], $0x2800  }
0x187: {  	[sflag:s24] =	ssyncset.done $0x0  }
0x188: {  	s9 =	rddreg [dreg:$0x1c];
	[sflag:s24] =	ssyncadd.s32 $0xFFFFD800  }
0x189: {  	[tilespmem:s16], [sflag:$0x2] =	stream.indirect.gather [hbm4b:s3+s14], $0x80, s9, s14, $0xb8;
	[tilespmem:$0x1F880] =	vst v63  }
0x18a: {  	_ =	swait.ge [sflag:s25], $0x2800  }
0x18b: {  	[sflag:s25] =	ssyncset.done $0x0  }
0x18c: {  	s9 =	rddreg [dreg:$0x1d];
	[sflag:s25] =	ssyncadd.s32 $0xFFFFD800  }
0x18d: {  	[tilespmem:s17], [sflag:$0x3] =	stream.indirect.gather [hbm4b:s3+s14], $0x80, s9, s14, $0xb8;
	[tilespmem:$0x1F880] =	vst v63  }
0x18e: {  	_ =	swait.ge [sflag:s26], $0x2800  }
0x18f: {  	[sflag:s26] =	ssyncset.done $0x0  }
0x190: {  	s9 =	rddreg [dreg:$0x1e];
	[sflag:s26] =	ssyncadd.s32 $0xFFFFD800  }
0x191: {  	[tilespmem:s18], [sflag:$0x4] =	stream.indirect.gather [hbm4b:s3+s14], $0x80, s9, s14, $0xb8;
	[tilespmem:$0x1F880] =	vst v63  }
0x192: {  	_ =	swait.ge [sflag:s19], $0x2800  }
0x193: {  	[sflag:s19] =	ssyncset.done $0x0  }
0x194: {  	s9 =	rddreg [dreg:$0x1f];
	[sflag:s19] =	ssyncadd.s32 $0xFFFFD800  }
0x195: {  	[spmem:s1] =	stream.indirect.scatter.add.f32 [tilespmem:s15], [sflag:$0x5], $0x80, s9, s14, $0xb8;
	[tilespmem:$0x1F880] =	vst v63  }
0x196: {  	_ =	swait.ge [sflag:s20], $0x2800  }
0x197: {  	s9 =	sld [smem:$0x7EE]  }
0x198: {  	[sflag:s20] =	ssyncset.done $0x0  }
0x199: {  	[sflag:s20] =	ssyncadd.s32 $0xFFFFD800  }
0x19a: {  	[spmem:s1] =	stream.indirect.scatter.add.f32 [tilespmem:s16], [sflag:$0x6], $0x80, s9, s14, $0xb8;
	[tilespmem:$0x1F880] =	vst v63  }
0x19b: {  	_ =	swait.ge [sflag:s21], $0x2800  }
0x19c: {  	s9 =	sld [smem:$0x7EF]  }
0x19d: {  	[sflag:s21] =	ssyncset.done $0x0  }
0x19e: {  	[sflag:s21] =	ssyncadd.s32 $0xFFFFD800  }
0x19f: {  	[spmem:s1] =	stream.indirect.scatter.add.f32 [tilespmem:s17], [sflag:$0x7], $0x80, s9, s14, $0xb8;
	[tilespmem:$0x1F880] =	vst v63  }
0x1a0: {  	_ =	swait.ge [sflag:s22], $0x2800  }
0x1a1: {  	s9 =	sld [smem:$0x7F0]  }
0x1a2: {  	[sflag:s22] =	ssyncset.done $0x0  }
0x1a3: {  	[sflag:s22] =	ssyncadd.s32 $0xFFFFD800  }
0x1a4: {  	[spmem:s1] =	stream.indirect.scatter.add.f32 [tilespmem:s18], [sflag:$0x8], $0x80, s9, s14, $0xb8;
	[tilespmem:$0x1F880] =	vst v63  }
0x1a5: {  	_ =	swait.ge [sflag:s23], $0x2800  }
0x1a6: {  	s9 =	sld [smem:$0x7F1]  }
0x1a7: {  	[sflag:s23] =	ssyncset.done $0x0  }
0x1a8: {  	[sflag:s23] =	ssyncadd.s32 $0xFFFFD800  }
0x1a9: {  	[tilespmem:s15], [sflag:$0x1] =	stream.indirect.gather [hbm4b:s3+s14], $0x80, s9, s14, $0xb8;
	[tilespmem:$0x1F880] =	vst v63  }
0x1aa: {  	_ =	swait.ge [sflag:s24], $0x2800  }
0x1ab: {  	s9 =	sld [smem:$0x7F2]  }
0x1ac: {  	[sflag:s24] =	ssyncset.done $0x0  }
0x1ad: {  	[sflag:s24] =	ssyncadd.s32 $0xFFFFD800  }
0x1ae: {  	[tilespmem:s16], [sflag:$0x2] =	stream.indirect.gather [hbm4b:s3+s14], $0x80, s9, s14, $0xb8;
	[tilespmem:$0x1F880] =	vst v63  }
0x1af: {  	_ =	swait.ge [sflag:s25], $0x2800  }
0x1b0: {  	s9 =	sld [smem:$0x7F3]  }
0x1b1: {  	[sflag:s25] =	ssyncset.done $0x0  }
0x1b2: {  	[sflag:s25] =	ssyncadd.s32 $0xFFFFD800  }
0x1b3: {  	[tilespmem:s17], [sflag:$0x3] =	stream.indirect.gather [hbm4b:s3+s14], $0x80, s9, s14, $0xb8;
	[tilespmem:$0x1F880] =	vst v63  }
0x1b4: {  	_ =	swait.ge [sflag:s26], $0x2800  }
0x1b5: {  	s9 =	sld [smem:$0x7F4]  }
0x1b6: {  	[sflag:s26] =	ssyncset.done $0x0  }
0x1b7: {  	[sflag:s26] =	ssyncadd.s32 $0xFFFFD800  }
0x1b8: {  	[tilespmem:s18], [sflag:$0x4] =	stream.indirect.gather [hbm4b:s3+s14], $0x80, s9, s14, $0xb8;
	[tilespmem:$0x1F880] =	vst v63  }
0x1b9: {  	_ =	swait.ge [sflag:s19], $0x2800  }
0x1ba: {  	s9 =	sld [smem:$0x7F5]  }
0x1bb: {  	[sflag:s19] =	ssyncset.done $0x0  }
0x1bc: {  	[sflag:s19] =	ssyncadd.s32 $0xFFFFD800  }
0x1bd: {  	[spmem:s1] =	stream.indirect.scatter.add.f32 [tilespmem:s15], [sflag:$0x5], $0x80, s9, s14, $0xb8;
	[tilespmem:$0x1F880] =	vst v63  }
0x1be: {  	_ =	swait.ge [sflag:s20], $0x2800  }
0x1bf: {  	s9 =	sld [smem:$0x7F6]  }
0x1c0: {  	[sflag:s20] =	ssyncset.done $0x0  }
0x1c1: {  	[sflag:s20] =	ssyncadd.s32 $0xFFFFD800  }
0x1c2: {  	[spmem:s1] =	stream.indirect.scatter.add.f32 [tilespmem:s16], [sflag:$0x6], $0x80, s9, s14, $0xb8;
	[tilespmem:$0x1F880] =	vst v63  }
0x1c3: {  	_ =	swait.ge [sflag:s21], $0x2800  }
0x1c4: {  	s9 =	sld [smem:$0x7F7]  }
0x1c5: {  	[sflag:s21] =	ssyncset.done $0x0  }
0x1c6: {  	[sflag:s21] =	ssyncadd.s32 $0xFFFFD800  }
0x1c7: {  	[spmem:s1] =	stream.indirect.scatter.add.f32 [tilespmem:s17], [sflag:$0x7], $0x80, s9, s14, $0xb8;
	[tilespmem:$0x1F880] =	vst v63  }
0x1c8: {  	_ =	swait.ge [sflag:s22], $0x2800  }
0x1c9: {  	s9 =	sld [smem:$0x7F8]  }
0x1ca: {  	[sflag:s22] =	ssyncset.done $0x0  }
0x1cb: {  	[sflag:s22] =	ssyncadd.s32 $0xFFFFD800  }
0x1cc: {  	[spmem:s1] =	stream.indirect.scatter.add.f32 [tilespmem:s18], [sflag:$0x8], $0x80, s9, s14, $0xb8;
	[tilespmem:$0x1F880] =	vst v63  }
0x1cd: {  	_ =	swait.ge [sflag:s23], $0x2800  }
0x1ce: {  	s9 =	sld [smem:$0x7F9]  }
0x1cf: {  	[sflag:s23] =	ssyncset.done $0x0  }
0x1d0: {  	[sflag:s23] =	ssyncadd.s32 $0xFFFFD800  }
0x1d1: {  	[tilespmem:s15], [sflag:$0x1] =	stream.indirect.gather [hbm4b:s3+s14], $0x80, s9, s14, $0xb8;
	[tilespmem:$0x1F880] =	vst v63  }
0x1d2: {  	_ =	swait.ge [sflag:s24], $0x2800  }
0x1d3: {  	[sflag:s24] =	ssyncset.done $0x0  }
0x1d4: {  	[sflag:s24] =	ssyncadd.s32 $0xFFFFD800  }
0x1d5: {  	[tilespmem:s16], [sflag:$0x2] =	stream.indirect.gather [hbm4b:s3+s14], $0x80, s28, s14, $0xb8;
	[tilespmem:$0x1F880] =	vst v63  }
0x1d6: {  	_ =	swait.ge [sflag:s25], $0x2800  }
0x1d7: {  	[sflag:s25] =	ssyncset.done $0x0  }
0x1d8: {  	[sflag:s25] =	ssyncadd.s32 $0xFFFFD800  }
0x1d9: {  	[tilespmem:s17], [sflag:$0x3] =	stream.indirect.gather [hbm4b:s3+s14], $0x80, s29, s14, $0xb8;
	[tilespmem:$0x1F880] =	vst v63  }
0x1da: {  	_ =	swait.ge [sflag:s26], $0x2800  }
0x1db: {  	[sflag:s26] =	ssyncset.done $0x0  }
0x1dc: {  	[sflag:s26] =	ssyncadd.s32 $0xFFFFD800  }
0x1dd: {  	[tilespmem:s18], [sflag:$0x4] =	stream.indirect.gather [hbm4b:s3+s14], $0x80, s30, s14, $0xb8;
	[tilespmem:$0x1F880] =	vst v63  }
0x1de: {  	_ =	swait.ge [sflag:s19], $0x2800  }
0x1df: {  	[sflag:s19] =	ssyncset.done $0x0  }
0x1e0: {  	[sflag:s19] =	ssyncadd.s32 $0xFFFFD800  }
0x1e1: {  	[spmem:s1] =	stream.indirect.scatter.add.f32 [tilespmem:s15], [sflag:$0x5], $0x80, s31, s14, $0xb8;
	[tilespmem:$0x1F880] =	vst v63  }
0x1e2: {  	_ =	swait.ge [sflag:s20], $0x2800  }
0x1e3: {  	[sflag:s20] =	ssyncset.done $0x0  }
0x1e4: {  	[sflag:s20] =	ssyncadd.s32 $0xFFFFD800  }
0x1e5: {  	[spmem:s1] =	stream.indirect.scatter.add.f32 [tilespmem:s16], [sflag:$0x6], $0x80, s0, s14, $0xb8;
	[tilespmem:$0x1F880] =	vst v63  }
0x1e6: {  	_ =	swait.ge [sflag:s21], $0x2800  }
0x1e7: {  	[sflag:s21] =	ssyncset.done $0x0  }
0x1e8: {  	[sflag:s21] =	ssyncadd.s32 $0xFFFFD800  }
0x1e9: {  	[spmem:s1] =	stream.indirect.scatter.add.f32 [tilespmem:s17], [sflag:$0x7], $0x80, s4, s14, $0xb8;
	[tilespmem:$0x1F880] =	vst v63  }
0x1ea: {  	_ =	swait.ge [sflag:s22], $0x2800  }
0x1eb: {  	[sflag:s22] =	ssyncset.done $0x0  }
0x1ec: {  	[sflag:s22] =	ssyncadd.s32 $0xFFFFD800  }
0x1ed: {  	[spmem:s1] =	stream.indirect.scatter.add.f32 [tilespmem:s18], [sflag:$0x8], $0x80, s6, s14, $0xb8;
	[tilespmem:$0x1F880] =	vst v63  }
0x1ee: {  	_ =	swait.ge [sflag:s23], $0x2800  }
0x1ef: {  	[sflag:s23] =	ssyncset.done $0x0  }
0x1f0: {  	[sflag:s23] =	ssyncadd.s32 $0xFFFFD800  }
0x1f1: {  	_ =	swait.ge [sflag:s24], $0x2800  }
0x1f2: {  	[sflag:s24] =	ssyncset.done $0x0  }
0x1f3: {  	[sflag:s24] =	ssyncadd.s32 $0xFFFFD800  }
0x1f4: {  	_ =	swait.ge [sflag:s25], $0x2800  }
0x1f5: {  	[sflag:s25] =	ssyncset.done $0x0  }
0x1f6: {  	[sflag:s25] =	ssyncadd.s32 $0xFFFFD800  }
0x1f7: {  	_ =	swait.ge [sflag:s26], $0x2800  }
0x1f8: {  	[sflag:s26] =	ssyncset.done $0x0  }
0x1f9: {  	[sflag:s26] =	ssyncadd.s32 $0xFFFFD800  }
0x1fa: {  	[tilespmem:s15], [sflag:$0x1] =	stream.indirect.gather [hbm4b:s3+s14], $0x80, s7, s14, $0xb8;
	[tilespmem:$0x1F880] =	vst v63  }
0x1fb: {  	p1 =	sne.s32 s12, $0x1200;
	_ =	swait.ge [sflag:s19], $0x2800  }
.Ltmp0:
0x1fc: {  	[sflag:s19] =	ssyncset.done $0x0;
	(pc) =	sbr.rel @p1 .LBB2_2-.Ltmp0, $4  }
0x1fd: {  	[sflag:s19] =	ssyncadd.s32 $0xFFFFD800  }
0x1fe: {  	[spmem:s1] =	stream.indirect.scatter.add.f32 [tilespmem:s15], [sflag:$0x5], $0x80, s8, s14, $0xb8;
	[tilespmem:$0x1F880] =	vst v63  }
0x1ff: {  	_ =	swait.ge [sflag:s23], $0x2800  }
0x200: {  	s12 =	sadd.s32 $0x200, s12;
	s5 =	rddreg [dreg:$0x4];
	[sflag:s23] =	ssyncset.done $0x0  }
0x201: {  	[sflag:s23] =	ssyncadd.s32 $0xFFFFD800;
	s5 =	sadd.s32 s10, s5  }
0x202: {  	[tilespmem:s2], [sflag:$0x9] =	stream.linear.gather [hbm4b:s5+s2], $0xC80, $0x38;
	[tilespmem:$0x1F880] =	vst v63  }
0x203: {  	_ =	swait.ge [sflag:s11], $0xC80  }
0x204: {  	s9 =	rddreg [dreg:$0x3];
	[sflag:s11] =	ssyncset.done $0x0  }
0x205: {  	[sflag:s11] =	ssyncadd.s32 $0xFFFFF380;
	s5 =	sadd.s32 s10, s9  }
0x206: {  	[tilespmem:s13], [sflag:$0x9] =	stream.linear.gather [hbm4b:s5+s2], $0xC80, $0x38;
	[tilespmem:$0x1F880] =	vst v63  }
0x207: {  	_ =	swait.ge [sflag:s11], $0xC80  }
0x208: {  	[sflag:s11] =	ssyncset.done $0x0  }
0x209: {  	[sflag:s11] =	ssyncadd.s32 $0xFFFFF380  }
0x20a: {  	[tilespmem:s15], [sflag:$0x1] =	stream.indirect.gather [hbm4b:s3+s14], $0x80, s2, s14, $0xb8;
	[tilespmem:$0x1F880] =	vst v63  }
0x20b: {  	s10 =	rddreg [dreg:$0x5]  }
0x20c: {  	[tilespmem:s16], [sflag:$0x2] =	stream.indirect.gather [hbm4b:s3+s14], $0x80, s10, s14, $0xb8;
	[tilespmem:$0x1F880] =	vst v63  }
0x20d: {  	s9 =	rddreg [dreg:$0x6]  }
0x20e: {  	[tilespmem:s17], [sflag:$0x3] =	stream.indirect.gather [hbm4b:s3+s14], $0x80, s9, s14, $0xb8;
	[tilespmem:$0x1F880] =	vst v63  }
0x20f: {  	s12 =	rddreg [dreg:$0x7]  }
0x210: {  	[tilespmem:s18], [sflag:$0x4] =	stream.indirect.gather [hbm4b:s3+s14], $0x80, s12, s14, $0xb8;
	[tilespmem:$0x1F880] =	vst v63  }
0x211: {  	_ =	swait.ge [sflag:s19], $0x2800  }
0x212: {  	[sflag:s19] =	ssyncset.done $0x0  }
0x213: {  	[sflag:s19] =	ssyncadd.s32 $0xFFFFD800  }
0x214: {  	[spmem:s1] =	stream.indirect.scatter.add.f32 [tilespmem:s15], [sflag:$0x5], $0x80, s13, s14, $0xb8;
	[tilespmem:$0x1F880] =	vst v63  }
0x215: {  	_ =	swait.ge [sflag:s20], $0x2800  }
0x216: {  	[sflag:s20] =	ssyncset.done $0x0  }
0x217: {  	s9 =	rddreg [dreg:$0x8];
	[sflag:s20] =	ssyncadd.s32 $0xFFFFD800  }
0x218: {  	[spmem:s1] =	stream.indirect.scatter.add.f32 [tilespmem:s16], [sflag:$0x6], $0x80, s9, s14, $0xb8;
	[tilespmem:$0x1F880] =	vst v63  }
0x219: {  	_ =	swait.ge [sflag:s21], $0x2800  }
0x21a: {  	[sflag:s21] =	ssyncset.done $0x0  }
0x21b: {  	s10 =	rddreg [dreg:$0x9];
	[sflag:s21] =	ssyncadd.s32 $0xFFFFD800  }
0x21c: {  	[spmem:s1] =	stream.indirect.scatter.add.f32 [tilespmem:s17], [sflag:$0x7], $0x80, s10, s14, $0xb8;
	[tilespmem:$0x1F880] =	vst v63  }
0x21d: {  	_ =	swait.ge [sflag:s22], $0x2800  }
0x21e: {  	[sflag:s22] =	ssyncset.done $0x0  }
0x21f: {  	s12 =	rddreg [dreg:$0xa];
	[sflag:s22] =	ssyncadd.s32 $0xFFFFD800  }
0x220: {  	[spmem:s1] =	stream.indirect.scatter.add.f32 [tilespmem:s18], [sflag:$0x8], $0x80, s12, s14, $0xb8;
	[tilespmem:$0x1F880] =	vst v63  }
0x221: {  	_ =	swait.ge [sflag:s23], $0x2800  }
0x222: {  	[sflag:s23] =	ssyncset.done $0x0  }
0x223: {  	s9 =	rddreg [dreg:$0xb];
	[sflag:s23] =	ssyncadd.s32 $0xFFFFD800  }
0x224: {  	[tilespmem:s15], [sflag:$0x1] =	stream.indirect.gather [hbm4b:s3+s14], $0x80, s9, s14, $0xb8;
	[tilespmem:$0x1F880] =	vst v63  }
0x225: {  	_ =	swait.ge [sflag:s24], $0x2800  }
0x226: {  	[sflag:s24] =	ssyncset.done $0x0  }
0x227: {  	s10 =	rddreg [dreg:$0xc];
	[sflag:s24] =	ssyncadd.s32 $0xFFFFD800  }
0x228: {  	[tilespmem:s16], [sflag:$0x2] =	stream.indirect.gather [hbm4b:s3+s14], $0x80, s10, s14, $0xb8;
	[tilespmem:$0x1F880] =	vst v63  }
0x229: {  	_ =	swait.ge [sflag:s25], $0x2800  }
0x22a: {  	[sflag:s25] =	ssyncset.done $0x0  }
0x22b: {  	s12 =	rddreg [dreg:$0xd];
	[sflag:s25] =	ssyncadd.s32 $0xFFFFD800  }
0x22c: {  	[tilespmem:s17], [sflag:$0x3] =	stream.indirect.gather [hbm4b:s3+s14], $0x80, s12, s14, $0xb8;
	[tilespmem:$0x1F880] =	vst v63  }
0x22d: {  	_ =	swait.ge [sflag:s26], $0x2800  }
0x22e: {  	[sflag:s26] =	ssyncset.done $0x0  }
0x22f: {  	s9 =	rddreg [dreg:$0xe];
	[sflag:s26] =	ssyncadd.s32 $0xFFFFD800  }
0x230: {  	[tilespmem:s18], [sflag:$0x4] =	stream.indirect.gather [hbm4b:s3+s14], $0x80, s9, s14, $0xb8;
	[tilespmem:$0x1F880] =	vst v63  }
0x231: {  	_ =	swait.ge [sflag:s19], $0x2800  }
0x232: {  	[sflag:s19] =	ssyncset.done $0x0  }
0x233: {  	s10 =	rddreg [dreg:$0xf];
	[sflag:s19] =	ssyncadd.s32 $0xFFFFD800  }
0x234: {  	[spmem:s1] =	stream.indirect.scatter.add.f32 [tilespmem:s15], [sflag:$0x5], $0x80, s10, s14, $0xb8;
	[tilespmem:$0x1F880] =	vst v63  }
0x235: {  	_ =	swait.ge [sflag:s20], $0x2800  }
0x236: {  	[sflag:s20] =	ssyncset.done $0x0  }
0x237: {  	s12 =	rddreg [dreg:$0x10];
	[sflag:s20] =	ssyncadd.s32 $0xFFFFD800  }
0x238: {  	[spmem:s1] =	stream.indirect.scatter.add.f32 [tilespmem:s16], [sflag:$0x6], $0x80, s12, s14, $0xb8;
	[tilespmem:$0x1F880] =	vst v63  }
0x239: {  	_ =	swait.ge [sflag:s21], $0x2800  }
0x23a: {  	[sflag:s21] =	ssyncset.done $0x0  }
0x23b: {  	s9 =	rddreg [dreg:$0x11];
	[sflag:s21] =	ssyncadd.s32 $0xFFFFD800  }
0x23c: {  	[spmem:s1] =	stream.indirect.scatter.add.f32 [tilespmem:s17], [sflag:$0x7], $0x80, s9, s14, $0xb8;
	[tilespmem:$0x1F880] =	vst v63  }
0x23d: {  	_ =	swait.ge [sflag:s22], $0x2800  }
0x23e: {  	[sflag:s22] =	ssyncset.done $0x0  }
0x23f: {  	s10 =	rddreg [dreg:$0x12];
	[sflag:s22] =	ssyncadd.s32 $0xFFFFD800  }
0x240: {  	[spmem:s1] =	stream.indirect.scatter.add.f32 [tilespmem:s18], [sflag:$0x8], $0x80, s10, s14, $0xb8;
	[tilespmem:$0x1F880] =	vst v63  }
0x241: {  	_ =	swait.ge [sflag:s23], $0x2800  }
0x242: {  	[sflag:s23] =	ssyncset.done $0x0  }
0x243: {  	s12 =	rddreg [dreg:$0x13];
	[sflag:s23] =	ssyncadd.s32 $0xFFFFD800  }
0x244: {  	[tilespmem:s15], [sflag:$0x1] =	stream.indirect.gather [hbm4b:s3+s14], $0x80, s12, s14, $0xb8;
	[tilespmem:$0x1F880] =	vst v63  }
0x245: {  	_ =	swait.ge [sflag:s24], $0x2800  }
0x246: {  	[sflag:s24] =	ssyncset.done $0x0  }
0x247: {  	s9 =	rddreg [dreg:$0x14];
	[sflag:s24] =	ssyncadd.s32 $0xFFFFD800  }
0x248: {  	[tilespmem:s16], [sflag:$0x2] =	stream.indirect.gather [hbm4b:s3+s14], $0x80, s9, s14, $0xb8;
	[tilespmem:$0x1F880] =	vst v63  }
0x249: {  	_ =	swait.ge [sflag:s25], $0x2800  }
0x24a: {  	[sflag:s25] =	ssyncset.done $0x0  }
0x24b: {  	s10 =	rddreg [dreg:$0x15];
	[sflag:s25] =	ssyncadd.s32 $0xFFFFD800  }
0x24c: {  	[tilespmem:s17], [sflag:$0x3] =	stream.indirect.gather [hbm4b:s3+s14], $0x80, s10, s14, $0xb8;
	[tilespmem:$0x1F880] =	vst v63  }
0x24d: {  	_ =	swait.ge [sflag:s26], $0x2800  }
0x24e: {  	[sflag:s26] =	ssyncset.done $0x0  }
0x24f: {  	s12 =	rddreg [dreg:$0x16];
	[sflag:s26] =	ssyncadd.s32 $0xFFFFD800  }
0x250: {  	[tilespmem:s18], [sflag:$0x4] =	stream.indirect.gather [hbm4b:s3+s14], $0x80, s12, s14, $0xb8;
	[tilespmem:$0x1F880] =	vst v63  }
0x251: {  	_ =	swait.ge [sflag:s19], $0x2800  }
0x252: {  	[sflag:s19] =	ssyncset.done $0x0  }
0x253: {  	s9 =	rddreg [dreg:$0x17];
	[sflag:s19] =	ssyncadd.s32 $0xFFFFD800  }
0x254: {  	[spmem:s1] =	stream.indirect.scatter.add.f32 [tilespmem:s15], [sflag:$0x5], $0x80, s9, s14, $0xb8;
	[tilespmem:$0x1F880] =	vst v63  }
0x255: {  	_ =	swait.ge [sflag:s20], $0x2800  }
0x256: {  	[sflag:s20] =	ssyncset.done $0x0  }
0x257: {  	s10 =	rddreg [dreg:$0x18];
	[sflag:s20] =	ssyncadd.s32 $0xFFFFD800  }
0x258: {  	[spmem:s1] =	stream.indirect.scatter.add.f32 [tilespmem:s16], [sflag:$0x6], $0x80, s10, s14, $0xb8;
	[tilespmem:$0x1F880] =	vst v63  }
0x259: {  	_ =	swait.ge [sflag:s21], $0x2800  }
0x25a: {  	[sflag:s21] =	ssyncset.done $0x0  }
0x25b: {  	s12 =	rddreg [dreg:$0x19];
	[sflag:s21] =	ssyncadd.s32 $0xFFFFD800  }
0x25c: {  	[spmem:s1] =	stream.indirect.scatter.add.f32 [tilespmem:s17], [sflag:$0x7], $0x80, s12, s14, $0xb8;
	[tilespmem:$0x1F880] =	vst v63  }
0x25d: {  	_ =	swait.ge [sflag:s22], $0x2800  }
0x25e: {  	[sflag:s22] =	ssyncset.done $0x0  }
0x25f: {  	s9 =	rddreg [dreg:$0x1a];
	[sflag:s22] =	ssyncadd.s32 $0xFFFFD800  }
0x260: {  	[spmem:s1] =	stream.indirect.scatter.add.f32 [tilespmem:s18], [sflag:$0x8], $0x80, s9, s14, $0xb8;
	[tilespmem:$0x1F880] =	vst v63  }
0x261: {  	_ =	swait.ge [sflag:s23], $0x2800  }
0x262: {  	[sflag:s23] =	ssyncset.done $0x0  }
0x263: {  	s10 =	rddreg [dreg:$0x1b];
	[sflag:s23] =	ssyncadd.s32 $0xFFFFD800  }
0x264: {  	[tilespmem:s15], [sflag:$0x1] =	stream.indirect.gather [hbm4b:s3+s14], $0x80, s10, s14, $0xb8;
	[tilespmem:$0x1F880] =	vst v63  }
0x265: {  	_ =	swait.ge [sflag:s24], $0x2800  }
0x266: {  	[sflag:s24] =	ssyncset.done $0x0  }
0x267: {  	s12 =	rddreg [dreg:$0x1c];
	[sflag:s24] =	ssyncadd.s32 $0xFFFFD800  }
0x268: {  	[tilespmem:s16], [sflag:$0x2] =	stream.indirect.gather [hbm4b:s3+s14], $0x80, s12, s14, $0xb8;
	[tilespmem:$0x1F880] =	vst v63  }
0x269: {  	_ =	swait.ge [sflag:s25], $0x2800  }
0x26a: {  	[sflag:s25] =	ssyncset.done $0x0  }
0x26b: {  	s9 =	rddreg [dreg:$0x1d];
	[sflag:s25] =	ssyncadd.s32 $0xFFFFD800  }
0x26c: {  	[tilespmem:s17], [sflag:$0x3] =	stream.indirect.gather [hbm4b:s3+s14], $0x80, s9, s14, $0xb8;
	[tilespmem:$0x1F880] =	vst v63  }
0x26d: {  	_ =	swait.ge [sflag:s26], $0x2800  }
0x26e: {  	[sflag:s26] =	ssyncset.done $0x0  }
0x26f: {  	s10 =	rddreg [dreg:$0x1e];
	[sflag:s26] =	ssyncadd.s32 $0xFFFFD800  }
0x270: {  	[tilespmem:s18], [sflag:$0x4] =	stream.indirect.gather [hbm4b:s3+s14], $0x80, s10, s14, $0xb8;
	[tilespmem:$0x1F880] =	vst v63  }
0x271: {  	_ =	swait.ge [sflag:s19], $0x2800  }
0x272: {  	[sflag:s19] =	ssyncset.done $0x0  }
0x273: {  	s12 =	rddreg [dreg:$0x1f];
	[sflag:s19] =	ssyncadd.s32 $0xFFFFD800  }
0x274: {  	[spmem:s1] =	stream.indirect.scatter.add.f32 [tilespmem:s15], [sflag:$0x5], $0x80, s12, s14, $0xb8;
	[tilespmem:$0x1F880] =	vst v63  }
0x275: {  	_ =	swait.ge [sflag:s20], $0x2800  }
0x276: {  	s9 =	sld [smem:$0x7EE]  }
0x277: {  	[sflag:s20] =	ssyncset.done $0x0  }
0x278: {  	[sflag:s20] =	ssyncadd.s32 $0xFFFFD800  }
0x279: {  	[spmem:s1] =	stream.indirect.scatter.add.f32 [tilespmem:s16], [sflag:$0x6], $0x80, s9, s14, $0xb8;
	[tilespmem:$0x1F880] =	vst v63  }
0x27a: {  	_ =	swait.ge [sflag:s21], $0x2800  }
0x27b: {  	s10 =	sld [smem:$0x7EF]  }
0x27c: {  	[sflag:s21] =	ssyncset.done $0x0  }
0x27d: {  	[sflag:s21] =	ssyncadd.s32 $0xFFFFD800  }
0x27e: {  	[spmem:s1] =	stream.indirect.scatter.add.f32 [tilespmem:s17], [sflag:$0x7], $0x80, s10, s14, $0xb8;
	[tilespmem:$0x1F880] =	vst v63  }
0x27f: {  	_ =	swait.ge [sflag:s22], $0x2800  }
0x280: {  	s12 =	sld [smem:$0x7F0]  }
0x281: {  	[sflag:s22] =	ssyncset.done $0x0  }
0x282: {  	[sflag:s22] =	ssyncadd.s32 $0xFFFFD800  }
0x283: {  	[spmem:s1] =	stream.indirect.scatter.add.f32 [tilespmem:s18], [sflag:$0x8], $0x80, s12, s14, $0xb8;
	[tilespmem:$0x1F880] =	vst v63  }
0x284: {  	_ =	swait.ge [sflag:s23], $0x2800  }
0x285: {  	s9 =	sld [smem:$0x7F1]  }
0x286: {  	[sflag:s23] =	ssyncset.done $0x0  }
0x287: {  	[sflag:s23] =	ssyncadd.s32 $0xFFFFD800  }
0x288: {  	[tilespmem:s15], [sflag:$0x1] =	stream.indirect.gather [hbm4b:s3+s14], $0x80, s9, s14, $0xb8;
	[tilespmem:$0x1F880] =	vst v63  }
0x289: {  	_ =	swait.ge [sflag:s24], $0x2800  }
0x28a: {  	s10 =	sld [smem:$0x7F2]  }
0x28b: {  	[sflag:s24] =	ssyncset.done $0x0  }
0x28c: {  	[sflag:s24] =	ssyncadd.s32 $0xFFFFD800  }
0x28d: {  	[tilespmem:s16], [sflag:$0x2] =	stream.indirect.gather [hbm4b:s3+s14], $0x80, s10, s14, $0xb8;
	[tilespmem:$0x1F880] =	vst v63  }
0x28e: {  	_ =	swait.ge [sflag:s25], $0x2800  }
0x28f: {  	s12 =	sld [smem:$0x7F3]  }
0x290: {  	[sflag:s25] =	ssyncset.done $0x0  }
0x291: {  	[sflag:s25] =	ssyncadd.s32 $0xFFFFD800  }
0x292: {  	[tilespmem:s17], [sflag:$0x3] =	stream.indirect.gather [hbm4b:s3+s14], $0x80, s12, s14, $0xb8;
	[tilespmem:$0x1F880] =	vst v63  }
0x293: {  	_ =	swait.ge [sflag:s26], $0x2800  }
0x294: {  	s9 =	sld [smem:$0x7F4]  }
0x295: {  	[sflag:s26] =	ssyncset.done $0x0  }
0x296: {  	[sflag:s26] =	ssyncadd.s32 $0xFFFFD800  }
0x297: {  	[tilespmem:s18], [sflag:$0x4] =	stream.indirect.gather [hbm4b:s3+s14], $0x80, s9, s14, $0xb8;
	[tilespmem:$0x1F880] =	vst v63  }
0x298: {  	_ =	swait.ge [sflag:s19], $0x2800  }
0x299: {  	s10 =	sld [smem:$0x7F5]  }
0x29a: {  	[sflag:s19] =	ssyncset.done $0x0  }
0x29b: {  	[sflag:s19] =	ssyncadd.s32 $0xFFFFD800  }
0x29c: {  	[spmem:s1] =	stream.indirect.scatter.add.f32 [tilespmem:s15], [sflag:$0x5], $0x80, s10, s14, $0xb8;
	[tilespmem:$0x1F880] =	vst v63  }
0x29d: {  	_ =	swait.ge [sflag:s20], $0x2800  }
0x29e: {  	s12 =	sld [smem:$0x7F6]  }
0x29f: {  	[sflag:s20] =	ssyncset.done $0x0  }
0x2a0: {  	[sflag:s20] =	ssyncadd.s32 $0xFFFFD800  }
0x2a1: {  	[spmem:s1] =	stream.indirect.scatter.add.f32 [tilespmem:s16], [sflag:$0x6], $0x80, s12, s14, $0xb8;
	[tilespmem:$0x1F880] =	vst v63  }
0x2a2: {  	_ =	swait.ge [sflag:s21], $0x2800  }
0x2a3: {  	s9 =	sld [smem:$0x7F7]  }
0x2a4: {  	[sflag:s21] =	ssyncset.done $0x0  }
0x2a5: {  	[sflag:s21] =	ssyncadd.s32 $0xFFFFD800  }
0x2a6: {  	[spmem:s1] =	stream.indirect.scatter.add.f32 [tilespmem:s17], [sflag:$0x7], $0x80, s9, s14, $0xb8;
	[tilespmem:$0x1F880] =	vst v63  }
0x2a7: {  	_ =	swait.ge [sflag:s22], $0x2800  }
0x2a8: {  	s10 =	sld [smem:$0x7F8]  }
0x2a9: {  	[sflag:s22] =	ssyncset.done $0x0  }
0x2aa: {  	[sflag:s22] =	ssyncadd.s32 $0xFFFFD800  }
0x2ab: {  	[spmem:s1] =	stream.indirect.scatter.add.f32 [tilespmem:s18], [sflag:$0x8], $0x80, s10, s14, $0xb8;
	[tilespmem:$0x1F880] =	vst v63  }
0x2ac: {  	_ =	swait.ge [sflag:s23], $0x2800  }
0x2ad: {  	s12 =	sld [smem:$0x7F9]  }
0x2ae: {  	[sflag:s23] =	ssyncset.done $0x0  }
0x2af: {  	[sflag:s23] =	ssyncadd.s32 $0xFFFFD800  }
0x2b0: {  	[tilespmem:s15], [sflag:$0x1] =	stream.indirect.gather [hbm4b:s3+s14], $0x80, s12, s14, $0xb8;
	[tilespmem:$0x1F880] =	vst v63  }
0x2b1: {  	_ =	swait.ge [sflag:s24], $0x2800  }
0x2b2: {  	[sflag:s24] =	ssyncset.done $0x0  }
0x2b3: {  	[sflag:s24] =	ssyncadd.s32 $0xFFFFD800  }
0x2b4: {  	[tilespmem:s16], [sflag:$0x2] =	stream.indirect.gather [hbm4b:s3+s14], $0x80, s28, s14, $0xb8;
	[tilespmem:$0x1F880] =	vst v63  }
0x2b5: {  	_ =	swait.ge [sflag:s25], $0x2800  }
0x2b6: {  	[sflag:s25] =	ssyncset.done $0x0  }
0x2b7: {  	[sflag:s25] =	ssyncadd.s32 $0xFFFFD800  }
0x2b8: {  	[tilespmem:s17], [sflag:$0x3] =	stream.indirect.gather [hbm4b:s3+s14], $0x80, s29, s14, $0xb8;
	[tilespmem:$0x1F880] =	vst v63  }
0x2b9: {  	_ =	swait.ge [sflag:s26], $0x2800  }
0x2ba: {  	[sflag:s26] =	ssyncset.done $0x0  }
0x2bb: {  	[sflag:s26] =	ssyncadd.s32 $0xFFFFD800  }
0x2bc: {  	[tilespmem:s18], [sflag:$0x4] =	stream.indirect.gather [hbm4b:s3+s14], $0x80, s30, s14, $0xb8;
	[tilespmem:$0x1F880] =	vst v63  }
0x2bd: {  	_ =	swait.ge [sflag:s19], $0x2800  }
0x2be: {  	[sflag:s19] =	ssyncset.done $0x0  }
0x2bf: {  	[sflag:s19] =	ssyncadd.s32 $0xFFFFD800  }
0x2c0: {  	[spmem:s1] =	stream.indirect.scatter.add.f32 [tilespmem:s15], [sflag:$0x5], $0x80, s31, s14, $0xb8;
	[tilespmem:$0x1F880] =	vst v63  }
0x2c1: {  	_ =	swait.ge [sflag:s20], $0x2800  }
0x2c2: {  	[sflag:s20] =	ssyncset.done $0x0  }
0x2c3: {  	[sflag:s20] =	ssyncadd.s32 $0xFFFFD800  }
0x2c4: {  	[spmem:s1] =	stream.indirect.scatter.add.f32 [tilespmem:s16], [sflag:$0x6], $0x80, s0, s14, $0xb8;
	[tilespmem:$0x1F880] =	vst v63  }
0x2c5: {  	_ =	swait.ge [sflag:s21], $0x2800  }
0x2c6: {  	[sflag:s21] =	ssyncset.done $0x0  }
0x2c7: {  	[sflag:s21] =	ssyncadd.s32 $0xFFFFD800  }
0x2c8: {  	[spmem:s1] =	stream.indirect.scatter.add.f32 [tilespmem:s17], [sflag:$0x7], $0x80, s4, s14, $0xb8;
	[tilespmem:$0x1F880] =	vst v63  }
0x2c9: {  	_ =	swait.ge [sflag:s22], $0x2800  }
0x2ca: {  	[sflag:s22] =	ssyncset.done $0x0  }
0x2cb: {  	[sflag:s22] =	ssyncadd.s32 $0xFFFFD800  }
0x2cc: {  	[spmem:s1] =	stream.indirect.scatter.add.f32 [tilespmem:s18], [sflag:$0x8], $0x80, s6, s14, $0xb8;
	[tilespmem:$0x1F880] =	vst v63  }
0x2cd: {  	_ =	swait.ge [sflag:s23], $0x2800  }
0x2ce: {  	[sflag:s23] =	ssyncset.done $0x0  }
0x2cf: {  	[sflag:s23] =	ssyncadd.s32 $0xFFFFD800  }
0x2d0: {  	_ =	swait.ge [sflag:s24], $0x2800  }
0x2d1: {  	[sflag:s24] =	ssyncset.done $0x0  }
0x2d2: {  	[sflag:s24] =	ssyncadd.s32 $0xFFFFD800  }
0x2d3: {  	_ =	swait.ge [sflag:s25], $0x2800  }
0x2d4: {  	[sflag:s25] =	ssyncset.done $0x0  }
0x2d5: {  	[sflag:s25] =	ssyncadd.s32 $0xFFFFD800  }
0x2d6: {  	_ =	swait.ge [sflag:s26], $0x2800  }
0x2d7: {  	[sflag:s26] =	ssyncset.done $0x0  }
0x2d8: {  	[sflag:s26] =	ssyncadd.s32 $0xFFFFD800  }
0x2d9: {  	[tilespmem:s15], [sflag:$0x1] =	stream.indirect.gather [hbm4b:s3+s14], $0x80, s7, s14, $0xb8;
	[tilespmem:$0x1F880] =	vst v63  }
0x2da: {  	_ =	swait.ge [sflag:s19], $0x2800  }
0x2db: {  	[sflag:s19] =	ssyncset.done $0x0  }
0x2dc: {  	[sflag:s19] =	ssyncadd.s32 $0xFFFFD800  }
0x2dd: {  	[spmem:s1] =	stream.indirect.scatter.add.f32 [tilespmem:s15], [sflag:$0x5], $0x80, s8, s14, $0xb8;
	[tilespmem:$0x1F880] =	vst v63  }
0x2de: {  	_ =	swait.ge [sflag:s23], $0x2800  }
0x2df: {  	[sflag:s23] =	ssyncset.done $0x0  }
0x2e0: {  	[sflag:s23] =	ssyncadd.s32 $0xFFFFD800  }
0x2e1: {  	[bflag:$0x0] =	sbarrier.arrive $0xFFFF  }
0x2e2: {  	s12 =	sld [smem:$0x7FB]  }
0x2e3: {  	s9 =	sld [smem:$0x7EB]  }
0x2e4: {  	s10 =	sld [smem:$0x7FC];
	_ =	sdelay $0x2  }
0x2e5: {  	[hbm:s9], [sflag:s12] =	dma.local [spmem:s10], $0x2700  }
0x2e6: {  	_ =	swait.ge [sflag:s11], $0x2700  }
0x2e7: {  	s5 =	sld [smem:$0x7EC]  }
0x2e8: {  	s10 =	sld [smem:$0x7FD]  }
0x2e9: {  	[sflag:s11] =	ssyncset.done $0x0  }
0x2ea: {  	s9 =	simm.s32 @!p0 $0x9;
	[sflag:s11] =	ssyncadd.s32 $0xFFFFD900  }
0x2eb: {  	[hbm:s5], [sflag:s12] =	dma.local @!p0 [spmem:s10], $0x100  }
0x2ec: {  	_ =	swait.ge @!p0 [sflag:s9], $0x100  }
0x2ed: {  	s5 =	sld [smem:$0x7FA]  }
0x2ee: {  	[sflag:s9] =	ssyncset.done @!p0 $0x0;
	s9 =	sld [smem:$0x7ED];
	_ =	sdelay $0x1  }
0x2ef: {  	s5 =	sadd.s32 $0x1, s5  }
0x2f0: {  	p1 =	sne.s32 s5, s9  }
.Ltmp1:
0x2f1: {  	_ = 	snop;
	(pc) =	sbr.rel @p1 .LBB2_1-.Ltmp1, $3  }
0x2f2: {  	_ =	sdelay $0x1  }
0x2f3: {  	[smem:$0x7FA] =	sst s5;
	s5 =	simm.s32 @!p0 $0x9  }
0x2f4: {  	s9 =	smov.u32 s10;
	s10 =	sld [smem:$0x7FC];
	[sflag:s5] =	ssyncadd.s32 @!p0 $0xFFFFFF00  }
0x2f5: {  	_ =	sfence.sel $0x180000  }
0x2f6: {  	[bflag:$0x0] =	sbarrier.arrive $0xFFFF  }
0x2f7: {  	_ =	strace $0x90000047  }
0x2f8: {  	[bflag:$0x2] =	sbarrier.arrive $0xFFFF  }
0x2f9: {  	s0 =	rddreg [dreg:$0x2]  }
0x2fa: {  	s0 =	sadd.s32 @!p0 $0x100000, s0  }
0x2fb: {  	[sflag:s0] =	ssyncadd.tile.s32 @!p0 $0x1;
	_ =	shalt  }
.Lfunc_end2:
_tile_overlayer_lowered:
.L_overlay_start_2:
0x2fc: {  	(tag) =	ssettag $0x2  }
0x2fd: {  	s0 =	rddreg [dreg:$0x0];
	s2 =	stileid.u32  }
0x2fe: {  	s1 =	rddreg [dreg:$0x1];
	p0 =	sne.s32 s2, $0x0  }
0x2ff: {  	s3 =	rddreg [dreg:$0x2];
	[bflag:$0x3] =	sbarrier.arrive $0xFFFF;
	s2 =	simm.s32 @!p0 $0x1C09  }
0x300: {  	[timem:s3], [sflag:s2] =	dma.local @!p0 [hbm:s0], s1  }
0x301: {  	s0 =	simm.s32 @!p0 $0x9  }
0x302: {  	_ =	swait.ge @!p0 [sflag:s0], s1  }
0x303: {  	s1 =	ssub.s32 @!p0 $0x0, s1;
	[sflag:s0] =	ssyncset.done @!p0 $0x0  }
0x304: {  	[sflag:s0] =	ssyncadd.s32 @!p0 s1  }
0x305: {  	[bflag:$0x3] =	sbarrier.arrive $0xFFFF  }
0x306: {  	_ =	shalt  }

// kernel: kernel.13.cloned.1.call-start
scs
__scs_entry_jumppad:
0x0: {  	(pc) =	sbr.rel $0x88, $3  }
0x1: {  	(tag) =	ssettag $0x0;
	lr =	simm.s32 $0x1  }
0x2: {  	[smem:$0x3F91] =	sst lr;
	_ =	strace $0xD0000000  }
0x3: {  	_ = 	snop  }
0x4: {  	_ = 	snop  }
0x5: {  	_ = 	snop  }
0x6: {  	_ = 	snop  }
0x7: {  	_ = 	snop  }
__scs_overlays_trampoline_lowered:
0x8: {  	[smem:$0x3FA0] =	sst s0  }
0x9: {  	[smem:$0x3FA1] =	sst s1  }
0xa: {  	[smem:$0x3FA2] =	sst s2  }
0xb: {  	[smem:$0x3FA3] =	sst s3  }
0xc: {  	[smem:$0x3FA4] =	sst s4  }
0xd: {  	[smem:$0x3FA5] =	sst s5  }
0xe: {  	[smem:$0x3FA6] =	sst s6  }
0xf: {  	[smem:$0x3FA7] =	sst s7  }
0x10: {  	[smem:$0x3FA8] =	sst s8  }
0x11: {  	[smem:$0x3FA9] =	sst s9;
	s0 =	simm.s32 @!p0 $0x0  }
0x12: {  	s1 =	sld [smem:$0x3F8F];
	s0 =	simm.s32 @p0 $0x1  }
0x13: {  	[smem:$0x3FAA] =	sst s0;
	s0 =	simm.s32 @!p1 $0x0  }
0x14: {  	s2 =	sld [smem:$0x3F8E];
	s0 =	simm.s32 @p1 $0x1  }
0x15: {  	[smem:$0x3FAB] =	sst s0;
	s0 =	simm.s32 @!p2 $0x0  }
0x16: {  	s3 =	sld [smem:$0x3FDB];
	s0 =	simm.s32 @p2 $0x1  }
0x17: {  	s4 =	simm.s32 $0x1BF5;
	[smem:$0x3FAD] =	sst s0  }
0x18: {  	s0 =	sld [smem:$0x3F90];
	_ =	swait.ge [sflag:s4], $0x0  }
0x19: {  	s7 =	sld [smem:$0x3F91]  }
0x1a: {  	s8 =	sadd.s32 $0xFFFFE003, lr  }
0x1b: {  	s9 =	sadd.s32 $0xFFFFFEF7, lr;
	s5 =	simm.s32 $0xFFFFFFFF;
	p2 =	slt.u32 s8, $0xFFFFF086  }
0x1c: {  	p1 =	slt.u32 s9, $0xF7A;
	s5 =	simm.s32 @!p2 $0x0  }
0x1d: {  	s5 =	simm.s32 @p1 $0x1;
	p0 =	seq.s32 s7, s2  }
0x1e: {  	s7 =	smul.u32 @!p0 $0xF7A, s2;
	p2 =	seq.s32 @!p0 s5, $0x0  }
0x1f: {  	s9 =	smul.u32 $0xF7A, s1;
	s8 =	simm.s32 @!p0 $0x1BF5;
	p2 =	por !p2, p0  }
0x20: {  	[sflag:s8] =	ssyncset.s32 @!p0 $0xFFFFF086;
	s6 =	sadd.s32 @!p0 s3, s7;
	s7 =	simm.s32 @!p0 $0x108  }
0x21: {  	s3 =	sadd.s32 s3, s9;
	s6 =	sadd.s32 @!p0 $0x88, s6;
	s7 =	simm.s32 @p2 $0x1082  }
0x22: {  	[simem:s7], [sflag:s8] =	dma.local @!p0 [hbm:s6], $0xF7A  }
0x23: {  	s9 =	sor.u32 $0xD0000000, s2;
	s6 =	simm.s32 $0x108;
	_ =	swait.ge @!p0 [sflag:s8], $0x0  }
0x24: {  	s3 =	sadd.s32 $0x88, s3;
	s6 =	simm.s32 @!p1 $0x1082;
	[sflag:s4] =	ssyncset.s32 $0xFFFFF086  }
0x25: {  	[simem:s6], [sflag:s4] =	dma.local [hbm:s3], $0xF7A  }
0x26: {  	[smem:$0x3F91] =	sst s1;
	(tag) =	ssettag s2;
	_ =	strace s9  }
0x27: {  	s1 =	sld [smem:$0x3FA1]  }
0x28: {  	s2 =	sld [smem:$0x3FA2]  }
0x29: {  	s4 =	sld [smem:$0x3FA4]  }
0x2a: {  	p0 =	seq.s32 s5, $0x0;
	s5 =	sld [smem:$0x3FA5]  }
0x2b: {  	s6 =	sld [smem:$0x3FA6]  }
0x2c: {  	s7 =	sld [smem:$0x3FA7]  }
0x2d: {  	s3 =	simm.s32 $0x108;
	s8 =	sld [smem:$0x3FA8]  }
0x2e: {  	s3 =	simm.s32 @!p0 $0x1082;
	s9 =	sld [smem:$0x3FA9]  }
0x2f: {  	lr =	sadd.s32 s0, s3;
	s0 =	sld [smem:$0x3FA0]  }
0x30: {  	s3 =	sld [smem:$0x3FA3]  }
0x31: {  	[smem:$0x3FAC] =	sst s10  }
0x32: {  	s10 =	sld [smem:$0x3FAA];
	_ =	sdelay $0x3  }
0x33: {  	p0 =	seq.s32 s10, $0x1;
	s10 =	sld [smem:$0x3FAC];
	_ =	sdelay $0x3  }
0x34: {  	[smem:$0x3FAC] =	sst s10  }
0x35: {  	s10 =	sld [smem:$0x3FAB];
	_ =	sdelay $0x3  }
0x36: {  	p1 =	seq.s32 s10, $0x1;
	s10 =	sld [smem:$0x3FAC];
	_ =	sdelay $0x3  }
0x37: {  	[smem:$0x3FAC] =	sst s10  }
0x38: {  	s10 =	sld [smem:$0x3FAD]  }
0x39: {  	_ = 	snop;
	(pc) =	sbr.ind lr, $3  }
0x3a: {  	_ = 	snop  }
0x3b: {  	_ = 	snop  }
0x3c: {  	p2 =	seq.s32 s10, $0x1;
	s10 =	sld [smem:$0x3FAC]  }
0x3d: {  	_ =	shalt  }
0x3e: {  	_ =	shalt  }
0x3f: {  	_ =	shalt  }
0x40: {  	_ =	shalt  }
0x41: {  	_ =	shalt  }
0x42: {  	_ =	shalt  }
0x43: {  	_ =	shalt  }
0x44: {  	_ =	shalt  }
0x45: {  	_ =	shalt  }
0x46: {  	_ =	shalt  }
0x47: {  	_ =	shalt  }
0x48: {  	_ =	shalt  }
0x49: {  	_ =	shalt  }
0x4a: {  	_ =	shalt  }
0x4b: {  	_ =	shalt  }
0x4c: {  	_ =	shalt  }
0x4d: {  	_ =	shalt  }
0x4e: {  	_ =	shalt  }
0x4f: {  	_ =	shalt  }
0x50: {  	_ =	shalt  }
0x51: {  	_ =	shalt  }
0x52: {  	_ =	shalt  }
0x53: {  	_ =	shalt  }
0x54: {  	_ =	shalt  }
0x55: {  	_ =	shalt  }
0x56: {  	_ =	shalt  }
0x57: {  	_ =	shalt  }
0x58: {  	_ =	shalt  }
0x59: {  	_ =	shalt  }
0x5a: {  	_ =	shalt  }
0x5b: {  	_ =	shalt  }
0x5c: {  	_ =	shalt  }
0x5d: {  	_ =	shalt  }
0x5e: {  	_ =	shalt  }
0x5f: {  	_ =	shalt  }
0x60: {  	_ =	shalt  }
0x61: {  	_ =	shalt  }
0x62: {  	_ =	shalt  }
0x63: {  	_ =	shalt  }
0x64: {  	_ =	shalt  }
0x65: {  	_ =	shalt  }
0x66: {  	_ =	shalt  }
0x67: {  	_ =	shalt  }
0x68: {  	_ =	shalt  }
0x69: {  	_ =	shalt  }
0x6a: {  	_ =	shalt  }
0x6b: {  	_ =	shalt  }
0x6c: {  	_ =	shalt  }
0x6d: {  	_ =	shalt  }
0x6e: {  	_ =	shalt  }
0x6f: {  	_ =	shalt  }
0x70: {  	_ =	shalt  }
0x71: {  	_ =	shalt  }
0x72: {  	_ =	shalt  }
0x73: {  	_ =	shalt  }
0x74: {  	_ =	shalt  }
0x75: {  	_ =	shalt  }
0x76: {  	_ =	shalt  }
0x77: {  	_ =	shalt  }
0x78: {  	_ =	shalt  }
0x79: {  	_ =	shalt  }
0x7a: {  	_ =	shalt  }
0x7b: {  	_ =	shalt  }
0x7c: {  	_ =	shalt  }
0x7d: {  	_ =	shalt  }
0x7e: {  	_ =	shalt  }
0x7f: {  	_ =	shalt  }
0x80: {  	_ =	shalt  }
0x81: {  	_ =	shalt  }
0x82: {  	_ =	shalt  }
0x83: {  	_ =	shalt  }
0x84: {  	_ =	shalt  }
0x85: {  	_ =	shalt  }
0x86: {  	_ =	shalt  }
0x87: {  	_ =	shalt  }
.Lfunc_end0:
.L_simem_size_0:
called_computation.1_lowered:
.L_overlay_start_0:
0x88: {  	s2 =	sld [smem:$0x3FD9]  }
0x89: {  	s3 =	sld [smem:$0x3FFE];
	_ =	sdelay $0x1  }
0x8a: {  	s1 =	srdreg.scid  }
0x8b: {  	s0 =	sand.u32 $0x1, s1  }
0x8c: {  	s16 =	sshll.u32 s0, $0xA;
	s2 =	sadd.s32 s3, s2  }
0x8d: {  	s2 =	sadd.s32 s2, s16  }
0x8e: {  	[smem:$0x3FB8] =	sst s2  }
0x8f: {  	_ = 	snop  }
0x90: {  	(tm) =	ssettm $0x1  }
0x91: {  	s17 =	sld [smem:$0x3FFB];
	_ =	sdelay $0x3  }
0x92: {  	_ =	strace s17  }
0x93: {  	s2 =	sld [smem:$0x3FFC];
	_ =	sdelay $0x3  }
0x94: {  	_ =	strace s2  }
0x95: {  	s2 =	sld [smem:$0x3FFD];
	_ =	sdelay $0x3  }
0x96: {  	_ =	strace s2  }
0x97: {  	_ =	strace $0x8FFFFFFF  }
0x98: {  	s18 =	sld [smem:$0x3FDB];
	_ =	sdelay $0x1  }
0x99: {  	s19 =	simm.s32 $_scs_section_size  }
0x9a: {  	s4 =	simm.s32 $_size__tile_overlayer_lowered;
	s5 =	simm.s32 $_tile_overlayer_lowered  }
0x9b: {  	s22 =	simm.s32 $0x1BFF;
	s21 =	sshll.u32 s5, $0x1;
	s2 =	sadd.s32 s19, s18  }
0x9c: {  	s6 =	simm.s32 $0x0;
	s20 =	sshll.u32 s4, $0x1;
	s4 =	sadd.s32 s21, s2  }
0x9d: {  	[timem:s6], [sflag:s22] =	dma.local [hbm:s4], s20  }
0x9e: {  	_ =	swait.ge [sflag:s22], s20  }
0x9f: {  	s3 =	ssub.s32 $0x0, s20;
	[sflag:s22] =	ssyncset.done $0x0  }
0xa0: {  	[sflag:s22] =	ssyncadd.s32 s3;
	_ =	sdelay $0x1  }
0xa1: {  	s23 =	simm.s32 $0x1B8B  }
0xa2: {  	_ =	swait.ge [sflag:s23], $0x1  }
0xa3: {  	[sflag:s23] =	ssyncset.done $0x0  }
0xa4: {  	s25 =	simm.s32 $0x1B8E;
	s24 =	sld [smem:$0x3FFE];
	[sflag:s23] =	ssyncadd.s32 $0xFFFFFFFF  }
0xa5: {  	s26 =	simm.s32 $execute0_lowered;
	[smem:$0x3FD2] =	sst s25  }
0xa6: {  	s4 =	sshll.u32 s26, $0x1;
	_ =	strace $0x80000049;
	[dreg:$0x1] =	wrdreg $0xFFFFFFFF  }
0xa7: {  	s28 =	simm.s32 $_size_execute0_lowered;
	s2 =	sadd.s32 s2, s4;
	[dreg:$0x0] =	wrdreg $0x0  }
0xa8: {  	s4 =	sshll.u32 s28, $0x1;
	[dreg:$0x2] =	wrdreg s2  }
0xa9: {  	[dreg:$0x3] =	wrdreg s4  }
0xaa: {  	[dreg:$0x4] =	wrdreg $0xC0  }
0xab: {  	_ =	task [dreg:s6], $0x5FFFF  }
0xac: {  	[dreg:$0x1] =	wrdreg $0xFFFFFFFF  }
0xad: {  	[dreg:$0x0] =	wrdreg $0x60  }
0xae: {  	[dreg:$0x2] =	wrdreg s24  }
0xaf: {  	[dreg:$0x3] =	wrdreg $0xC0000  }
0xb0: {  	[dreg:$0x4] =	wrdreg $0x9  }
0xb1: {  	_ =	task.clear_ibuf [dreg:s6], $0x5FFFF;
	_ =	strace $0x90000049  }
0xb2: {  	s29 =	simm.s32 $0x9;
	_ =	strace $0x8000004B  }
0xb3: {  	_ =	swait.ge [sflag:s29], $0x1  }
0xb4: {  	[sflag:s29] =	ssyncadd.s32 $0xFFFFFFFF  }
0xb5: {  	_ =	strace $0x9000004B  }
0xb6: {  	_ =	sfence  }
0xb7: {  	s30 =	sld [smem:$0x0];
	_ =	sdelay $0x2  }
0xb8: {  	s31 =	sshll.u32 s1, $0xD;
	s1 =	sshrl.u32 s1, $0x2  }
0xb9: {  	s3 =	sand.u32 $0x4000, s31;
	s1 =	sadd.s32 s1, s30  }
0xba: {  	s0 =	sor.u32 s3, s0;
	s1 =	sshll.u32 s1, $0x11  }
0xbb: {  	s0 =	sor.u32 s1, s0  }
0xbc: {  	s0 =	sadd.s32 $0x8F2B, s0  }
0xbd: {  	[sflag:s0] =	ssyncadd.remote.s32 $0x1  }
0xbe: {  	_ =	sfence.sel $0xFFFF  }
0xbf: {  	[dreg:$0x0] =	wrdreg $0xFFFFFFFF;
	(pc) =	sbr.abs _section_cstart, $3  }
0xc0: {  	[dreg:$0x1] =	wrdreg $0xFFFFFFFF  }
0xc1: {  	_ =	task.clear_ibuf [dreg:s6], $0x2FFFF;
	_ =	strace $0x9FFFFFFF  }
0xc2: {  	(tm) =	ssettm $0x7FFFFFFF  }
0xc3: {  	_ =	shalt  }
tec
execute0_lowered:
.L_overlay_start_1:
0x0: {  	(tag) =	ssettag $0x1  }
0x1: {  	s4 =	rddreg [dreg:$0x0]  }
0x2: {  	s1 =	rddreg [dreg:$0x1];
	s2 =	simm.s32 $0x0  }
0x3: {  	s0 =	stileid.u32;
	s15 =	simm.s32 $0x80;
	[smem:$0x7FF] =	sst s2  }
0x4: {  	s16 =	simm.s32 $0x100;
	_ =	strace $0x8000004A;
	[dreg:$0x5] =	wrdreg s15  }
0x5: {  	s5 =	srdreg.scid;
	s17 =	simm.s32 $0x180;
	[dreg:$0x6] =	wrdreg s16  }
0x6: {  	s6 =	simm.s32 $0x4200;
	s18 =	simm.s32 $0x1080;
	[dreg:$0x7] =	wrdreg s17  }
0x7: {  	s20 =	simm.s32 $0x1100;
	s21 =	simm.s32 $0x1180;
	[dreg:$0x8] =	wrdreg s18  }
0x8: {  	s22 =	simm.s32 $0x200;
	s23 =	simm.s32 $0x280;
	[dreg:$0x9] =	wrdreg s20  }
0x9: {  	s25 =	simm.s32 $0x300;
	s11 =	simm.s32 $0x380;
	[dreg:$0xa] =	wrdreg s21  }
0xa: {  	s12 =	simm.s32 $0x1200;
	s13 =	simm.s32 $0x1280;
	[dreg:$0xb] =	wrdreg s22  }
0xb: {  	s14 =	simm.s32 $0x1300;
	s28 =	simm.s32 $0xA80;
	[dreg:$0xc] =	wrdreg s23  }
0xc: {  	s29 =	simm.s32 $0xB00;
	s30 =	simm.s32 $0xB80;
	[dreg:$0xd] =	wrdreg s25  }
0xd: {  	s31 =	simm.s32 $0x1A00;
	s3 =	smul.u32 $0x1400, s0;
	[dreg:$0xe] =	wrdreg s11  }
0xe: {  	s5 =	sand.u32 $0x1, s5;
	s9 =	smul.u32 $0x4E000, s0;
	[dreg:$0xf] =	wrdreg s12  }
0xf: {  	s10 =	smul.u32 $0x270, s0;
	p0 =	seq.s32 s5, $0x0;
	[dreg:$0x10] =	wrdreg s13  }
0x10: {  	s19 =	ssub.s32 $0x2, s5;
	[dreg:$0x11] =	wrdreg s14;
	s15 =	simm.s32 $0x1380  }
0x11: {  	s26 =	smul.u32 $0x2710, s5;
	s17 =	simm.s32 $0x400;
	[dreg:$0x12] =	wrdreg s15  }
0x12: {  	s18 =	sshll.u32 s0, $0x6;
	s20 =	simm.s32 $0x500;
	[dreg:$0x13] =	wrdreg s17  }
0x13: {  	s5 =	smul.u32 $0x138800, s5;
	s21 =	simm.s32 $0x580;
	[dreg:$0x15] =	wrdreg s20  }
0x14: {  	s22 =	simm.s32 $0x1400;
	s23 =	simm.s32 $0x1480;
	[dreg:$0x16] =	wrdreg s21  }
0x15: {  	s25 =	simm.s32 $0x1580;
	s14 =	simm.s32 $0x1600;
	[dreg:$0x17] =	wrdreg s22  }
0x16: {  	s3 =	sadd.s32 s3, s4;
	s6 =	simm.s32 @!p0 $0x18200;
	[dreg:$0x18] =	wrdreg s23  }
0x17: {  	s8 =	sshrl.u32 s19, $0x1;
	s24 =	sshrl.u32 s9, $0x2;
	[dreg:$0x1a] =	wrdreg s25  }
0x18: {  	s12 =	sor.u32 $0x1C09, s18;
	[dreg:$0x1f] =	wrdreg s14;
	s15 =	simm.s32 $0x1680  }
0x19: {  	p0 =	sne.s32 s0, $0x0;
	s17 =	simm.s32 $0x1780;
	[smem:$0x7EE] =	sst s15  }
0x1a: {  	s14 =	simm.s32 $0x50;
	s18 =	simm.s32 $0x800;
	[smem:$0x7F0] =	sst s17  }
0x1b: {  	s20 =	simm.s32 $0x900;
	s21 =	simm.s32 $0x980;
	[smem:$0x7F1] =	sst s18  }
0x1c: {  	s22 =	simm.s32 $0x1800;
	s23 =	simm.s32 $0x1880;
	[smem:$0x7F3] =	sst s20  }
0x1d: {  	s25 =	simm.s32 $0x1980;
	s0 =	simm.s32 $0x1A80;
	[smem:$0x7F4] =	sst s21  }
0x1e: {  	s7 =	sadd.s32 $0x2C200, s3;
	s3 =	sadd.s32 s6, s3;
	[smem:$0x7F5] =	sst s22  }
0x1f: {  	s9 =	sadd.s32 s10, s26;
	s10 =	sadd.s32 $0x138000, s1;
	[smem:$0x7F6] =	sst s23  }
0x20: {  	s5 =	sshrl.u32 s5, $0x3;
	s26 =	simm.s32 $0x600;
	[smem:$0x7F8] =	sst s25  }
0x21: {  	s6 =	simm.s32 $0x680;
	s15 =	simm.s32 $0x2000;
	[smem:$0x7FB] =	sst s12  }
0x22: {  	s17 =	simm.s32 $0x7000;
	s18 =	simm.s32 $0x9800;
	[dreg:$0x3] =	wrdreg s7  }
0x23: {  	s20 =	simm.s32 $0x2;
	s21 =	simm.s32 $0x3;
	[dreg:$0x4] =	wrdreg s3  }
0x24: {  	s22 =	simm.s32 $0x4;
	s3 =	sadd.s32 $0x40200, s4;
	[dreg:$0x1b] =	wrdreg s26  }
0x25: {  	s7 =	ssub.s32 s19, s8;
	s19 =	simm.s32 $0x480;
	[dreg:$0x1c] =	wrdreg s6  }
0x26: {  	s8 =	sadd.s32 s24, s1;
	s24 =	simm.s32 $0x1500;
	[dreg:$0x14] =	wrdreg s19  }
0x27: {  	s9 =	sshll.u32 s9, $0x4;
	s26 =	simm.s32 $0xA00;
	[dreg:$0x19] =	wrdreg s24  }
0x28: {  	s5 =	sadd.s32 $0x27000, s5;
	s16 =	sadd.s32 s3, s9;
	[smem:$0x7F9] =	sst s26  }
0x29: {  	s4 =	sadd.s32 $0x8E400, s4;
	s11 =	sadd.s32 s3, s5;
	[smem:$0x7E9] =	sst s16  }
0x2a: {  	s23 =	simm.s32 $0x5;
	s9 =	sadd.s32 s4, s9;
	[smem:$0x7EA] =	sst s11  }
0x2b: {  	s25 =	simm.s32 $0x7;
	s4 =	sadd.s32 s4, s5;
	[smem:$0x7EB] =	sst s9  }
0x2c: {  	s6 =	simm.s32 $0x1B80;
	s7 =	smax.u32 s7, $0x1;
	[smem:$0x7EC] =	sst s4  }
0x2d: {  	s13 =	sshrl.u32 s8, $0x3;
	s19 =	simm.s32 $0x880;
	[smem:$0x7ED] =	sst s7  }
0x2e: {  	s24 =	simm.s32 $0x1900;
	s26 =	simm.s32 $0x8;
	[smem:$0x7F2] =	sst s19  }
0x2f: {  	s8 =	simm.s32 $0x1C00;
	s5 =	simm.s32 $0x0;
	[smem:$0x7F7] =	sst s24  }
0x30: {  	s9 =	simm.s32 $0x700;
	s11 =	simm.s32 $0x780;
	[smem:$0x7FA] =	sst s5  }
0x31: {  	s16 =	simm.s32 $0x1700;
	s19 =	simm.s32 $0x1;
	[dreg:$0x1d] =	wrdreg s9  }
0x32: {  	s24 =	simm.s32 $0x6;
	s4 =	simm.s32 $0x1B00;
	[dreg:$0x1e] =	wrdreg s11  }
0x33: {  	s9 =	sshrl.u32 @!p0 s10, $0x3;
	s10 =	smov.u32 s13;
	[smem:$0x7EF] =	sst s16  }
0x34: {  	s7 =	simm.s32 $0xC00;
	s11 =	simm.s32 $0x9;
	[smem:$0x7FC] =	sst s10  }
0x35: {  	s13 =	simm.s32 $0x1000;
	s16 =	simm.s32 $0x4800;
	[smem:$0x7FD] =	sst s9  }
.LBB2_1:
0x36: {  	s5 =	sld [smem:$0x7E9];
	_ =	sdelay $0x2  }
0x37: {  	[spmem:s10], [sflag:s12] =	dma.local [hbm:s5], $0x2700  }
0x38: {  	_ =	swait.ge [sflag:s11], $0x2700  }
0x39: {  	s5 =	sld [smem:$0x7EA]  }
0x3a: {  	[sflag:s11] =	ssyncset.done $0x0  }
0x3b: {  	[sflag:s11] =	ssyncadd.s32 $0xFFFFD900  }
0x3c: {  	[spmem:s9], [sflag:s12] =	dma.local @!p0 [hbm:s5], $0x100  }
0x3d: {  	s5 =	simm.s32 @!p0 $0x9  }
0x3e: {  	_ =	swait.ge @!p0 [sflag:s5], $0x100  }
0x3f: {  	[sflag:s5] =	ssyncset.done @!p0 $0x0  }
0x40: {  	[sflag:s5] =	ssyncadd.s32 @!p0 $0xFFFFFF00  }
0x41: {  	[bflag:$0x0] =	sbarrier.arrive $0xFFFF  }
0x42: {  	s9 =	rddreg [dreg:$0x4]  }
0x43: {  	s5 =	sadd.s32 $0x0, s9  }
0x44: {  	[tilespmem:s2], [sflag:$0x9] =	stream.linear.gather [hbm4b:s5+s2], $0xC80, $0x38;
	[tilespmem:$0x1F880] =	vst v63  }
0x45: {  	_ =	swait.ge [sflag:s11], $0xC80  }
0x46: {  	s10 =	rddreg [dreg:$0x3];
	[sflag:s11] =	ssyncset.done $0x0  }
0x47: {  	[sflag:s11] =	ssyncadd.s32 $0xFFFFF380;
	s5 =	sadd.s32 $0x0, s10  }
0x48: {  	[tilespmem:s13], [sflag:$0x9] =	stream.linear.gather [hbm4b:s5+s2], $0xC80, $0x38;
	[tilespmem:$0x1F880] =	vst v63  }
0x49: {  	_ =	swait.ge [sflag:s11], $0xC80  }
0x4a: {  	[sflag:s11] =	ssyncset.done $0x0  }
0x4b: {  	[sflag:s11] =	ssyncadd.s32 $0xFFFFF380  }
0x4c: {  	[tilespmem:s15], [sflag:$0x1] =	stream.indirect.gather [hbm4b:s3+s14], $0x80, s2, s14, $0xb8;
	[tilespmem:$0x1F880] =	vst v63  }
0x4d: {  	s12 =	rddreg [dreg:$0x5]  }
0x4e: {  	[tilespmem:s16], [sflag:$0x2] =	stream.indirect.gather [hbm4b:s3+s14], $0x80, s12, s14, $0xb8;
	[tilespmem:$0x1F880] =	vst v63  }
0x4f: {  	s9 =	rddreg [dreg:$0x6]  }
0x50: {  	[tilespmem:s17], [sflag:$0x3] =	stream.indirect.gather [hbm4b:s3+s14], $0x80, s9, s14, $0xb8;
	[tilespmem:$0x1F880] =	vst v63  }
0x51: {  	s12 =	rddreg [dreg:$0x7]  }
0x52: {  	[tilespmem:s18], [sflag:$0x4] =	stream.indirect.gather [hbm4b:s3+s14], $0x80, s12, s14, $0xb8;
	[tilespmem:$0x1F880] =	vst v63  }
0x53: {  	_ =	swait.ge [sflag:s19], $0x2800  }
0x54: {  	[sflag:s19] =	ssyncset.done $0x0  }
0x55: {  	[sflag:s19] =	ssyncadd.s32 $0xFFFFD800  }
0x56: {  	[spmem:s1] =	stream.indirect.scatter.add.f32 [tilespmem:s15], [sflag:$0x5], $0x80, s13, s14, $0xb8;
	[tilespmem:$0x1F880] =	vst v63  }
0x57: {  	_ =	swait.ge [sflag:s20], $0x2800  }
0x58: {  	[sflag:s20] =	ssyncset.done $0x0  }
0x59: {  	s9 =	rddreg [dreg:$0x8];
	[sflag:s20] =	ssyncadd.s32 $0xFFFFD800  }
0x5a: {  	[spmem:s1] =	stream.indirect.scatter.add.f32 [tilespmem:s16], [sflag:$0x6], $0x80, s9, s14, $0xb8;
	[tilespmem:$0x1F880] =	vst v63  }
0x5b: {  	_ =	swait.ge [sflag:s21], $0x2800  }
0x5c: {  	[sflag:s21] =	ssyncset.done $0x0  }
0x5d: {  	s10 =	rddreg [dreg:$0x9];
	[sflag:s21] =	ssyncadd.s32 $0xFFFFD800  }
0x5e: {  	[spmem:s1] =	stream.indirect.scatter.add.f32 [tilespmem:s17], [sflag:$0x7], $0x80, s10, s14, $0xb8;
	[tilespmem:$0x1F880] =	vst v63  }
0x5f: {  	_ =	swait.ge [sflag:s22], $0x2800  }
0x60: {  	[sflag:s22] =	ssyncset.done $0x0  }
0x61: {  	s12 =	rddreg [dreg:$0xa];
	[sflag:s22] =	ssyncadd.s32 $0xFFFFD800  }
0x62: {  	[spmem:s1] =	stream.indirect.scatter.add.f32 [tilespmem:s18], [sflag:$0x8], $0x80, s12, s14, $0xb8;
	[tilespmem:$0x1F880] =	vst v63  }
0x63: {  	_ =	swait.ge [sflag:s23], $0x2800  }
0x64: {  	[sflag:s23] =	ssyncset.done $0x0  }
0x65: {  	s9 =	rddreg [dreg:$0xb];
	[sflag:s23] =	ssyncadd.s32 $0xFFFFD800  }
0x66: {  	[tilespmem:s15], [sflag:$0x1] =	stream.indirect.gather [hbm4b:s3+s14], $0x80, s9, s14, $0xb8;
	[tilespmem:$0x1F880] =	vst v63  }
0x67: {  	_ =	swait.ge [sflag:s24], $0x2800  }
0x68: {  	[sflag:s24] =	ssyncset.done $0x0  }
0x69: {  	s10 =	rddreg [dreg:$0xc];
	[sflag:s24] =	ssyncadd.s32 $0xFFFFD800  }
0x6a: {  	[tilespmem:s16], [sflag:$0x2] =	stream.indirect.gather [hbm4b:s3+s14], $0x80, s10, s14, $0xb8;
	[tilespmem:$0x1F880] =	vst v63  }
0x6b: {  	_ =	swait.ge [sflag:s25], $0x2800  }
0x6c: {  	[sflag:s25] =	ssyncset.done $0x0  }
0x6d: {  	s12 =	rddreg [dreg:$0xd];
	[sflag:s25] =	ssyncadd.s32 $0xFFFFD800  }
0x6e: {  	[tilespmem:s17], [sflag:$0x3] =	stream.indirect.gather [hbm4b:s3+s14], $0x80, s12, s14, $0xb8;
	[tilespmem:$0x1F880] =	vst v63  }
0x6f: {  	_ =	swait.ge [sflag:s26], $0x2800  }
0x70: {  	[sflag:s26] =	ssyncset.done $0x0  }
0x71: {  	s9 =	rddreg [dreg:$0xe];
	[sflag:s26] =	ssyncadd.s32 $0xFFFFD800  }
0x72: {  	[tilespmem:s18], [sflag:$0x4] =	stream.indirect.gather [hbm4b:s3+s14], $0x80, s9, s14, $0xb8;
	[tilespmem:$0x1F880] =	vst v63  }
0x73: {  	_ =	swait.ge [sflag:s19], $0x2800  }
0x74: {  	[sflag:s19] =	ssyncset.done $0x0  }
0x75: {  	s10 =	rddreg [dreg:$0xf];
	[sflag:s19] =	ssyncadd.s32 $0xFFFFD800  }
0x76: {  	[spmem:s1] =	stream.indirect.scatter.add.f32 [tilespmem:s15], [sflag:$0x5], $0x80, s10, s14, $0xb8;
	[tilespmem:$0x1F880] =	vst v63  }
0x77: {  	_ =	swait.ge [sflag:s20], $0x2800  }
0x78: {  	[sflag:s20] =	ssyncset.done $0x0  }
0x79: {  	s12 =	rddreg [dreg:$0x10];
	[sflag:s20] =	ssyncadd.s32 $0xFFFFD800  }
0x7a: {  	[spmem:s1] =	stream.indirect.scatter.add.f32 [tilespmem:s16], [sflag:$0x6], $0x80, s12, s14, $0xb8;
	[tilespmem:$0x1F880] =	vst v63  }
0x7b: {  	_ =	swait.ge [sflag:s21], $0x2800  }
0x7c: {  	[sflag:s21] =	ssyncset.done $0x0  }
0x7d: {  	s9 =	rddreg [dreg:$0x11];
	[sflag:s21] =	ssyncadd.s32 $0xFFFFD800  }
0x7e: {  	[spmem:s1] =	stream.indirect.scatter.add.f32 [tilespmem:s17], [sflag:$0x7], $0x80, s9, s14, $0xb8;
	[tilespmem:$0x1F880] =	vst v63  }
0x7f: {  	_ =	swait.ge [sflag:s22], $0x2800  }
0x80: {  	[sflag:s22] =	ssyncset.done $0x0  }
0x81: {  	s10 =	rddreg [dreg:$0x12];
	[sflag:s22] =	ssyncadd.s32 $0xFFFFD800  }
0x82: {  	[spmem:s1] =	stream.indirect.scatter.add.f32 [tilespmem:s18], [sflag:$0x8], $0x80, s10, s14, $0xb8;
	[tilespmem:$0x1F880] =	vst v63  }
0x83: {  	_ =	swait.ge [sflag:s23], $0x2800  }
0x84: {  	[sflag:s23] =	ssyncset.done $0x0  }
0x85: {  	s12 =	rddreg [dreg:$0x13];
	[sflag:s23] =	ssyncadd.s32 $0xFFFFD800  }
0x86: {  	[tilespmem:s15], [sflag:$0x1] =	stream.indirect.gather [hbm4b:s3+s14], $0x80, s12, s14, $0xb8;
	[tilespmem:$0x1F880] =	vst v63  }
0x87: {  	_ =	swait.ge [sflag:s24], $0x2800  }
0x88: {  	[sflag:s24] =	ssyncset.done $0x0  }
0x89: {  	s9 =	rddreg [dreg:$0x14];
	[sflag:s24] =	ssyncadd.s32 $0xFFFFD800  }
0x8a: {  	[tilespmem:s16], [sflag:$0x2] =	stream.indirect.gather [hbm4b:s3+s14], $0x80, s9, s14, $0xb8;
	[tilespmem:$0x1F880] =	vst v63  }
0x8b: {  	_ =	swait.ge [sflag:s25], $0x2800  }
0x8c: {  	[sflag:s25] =	ssyncset.done $0x0  }
0x8d: {  	s10 =	rddreg [dreg:$0x15];
	[sflag:s25] =	ssyncadd.s32 $0xFFFFD800  }
0x8e: {  	[tilespmem:s17], [sflag:$0x3] =	stream.indirect.gather [hbm4b:s3+s14], $0x80, s10, s14, $0xb8;
	[tilespmem:$0x1F880] =	vst v63  }
0x8f: {  	_ =	swait.ge [sflag:s26], $0x2800  }
0x90: {  	[sflag:s26] =	ssyncset.done $0x0  }
0x91: {  	s12 =	rddreg [dreg:$0x16];
	[sflag:s26] =	ssyncadd.s32 $0xFFFFD800  }
0x92: {  	[tilespmem:s18], [sflag:$0x4] =	stream.indirect.gather [hbm4b:s3+s14], $0x80, s12, s14, $0xb8;
	[tilespmem:$0x1F880] =	vst v63  }
0x93: {  	_ =	swait.ge [sflag:s19], $0x2800  }
0x94: {  	[sflag:s19] =	ssyncset.done $0x0  }
0x95: {  	s9 =	rddreg [dreg:$0x17];
	[sflag:s19] =	ssyncadd.s32 $0xFFFFD800  }
0x96: {  	[spmem:s1] =	stream.indirect.scatter.add.f32 [tilespmem:s15], [sflag:$0x5], $0x80, s9, s14, $0xb8;
	[tilespmem:$0x1F880] =	vst v63  }
0x97: {  	_ =	swait.ge [sflag:s20], $0x2800  }
0x98: {  	[sflag:s20] =	ssyncset.done $0x0  }
0x99: {  	s10 =	rddreg [dreg:$0x18];
	[sflag:s20] =	ssyncadd.s32 $0xFFFFD800  }
0x9a: {  	[spmem:s1] =	stream.indirect.scatter.add.f32 [tilespmem:s16], [sflag:$0x6], $0x80, s10, s14, $0xb8;
	[tilespmem:$0x1F880] =	vst v63  }
0x9b: {  	_ =	swait.ge [sflag:s21], $0x2800  }
0x9c: {  	[sflag:s21] =	ssyncset.done $0x0  }
0x9d: {  	s12 =	rddreg [dreg:$0x19];
	[sflag:s21] =	ssyncadd.s32 $0xFFFFD800  }
0x9e: {  	[spmem:s1] =	stream.indirect.scatter.add.f32 [tilespmem:s17], [sflag:$0x7], $0x80, s12, s14, $0xb8;
	[tilespmem:$0x1F880] =	vst v63  }
0x9f: {  	_ =	swait.ge [sflag:s22], $0x2800  }
0xa0: {  	[sflag:s22] =	ssyncset.done $0x0  }
0xa1: {  	s9 =	rddreg [dreg:$0x1a];
	[sflag:s22] =	ssyncadd.s32 $0xFFFFD800  }
0xa2: {  	[spmem:s1] =	stream.indirect.scatter.add.f32 [tilespmem:s18], [sflag:$0x8], $0x80, s9, s14, $0xb8;
	[tilespmem:$0x1F880] =	vst v63  }
0xa3: {  	_ =	swait.ge [sflag:s23], $0x2800  }
0xa4: {  	[sflag:s23] =	ssyncset.done $0x0  }
0xa5: {  	s10 =	rddreg [dreg:$0x1b];
	[sflag:s23] =	ssyncadd.s32 $0xFFFFD800  }
0xa6: {  	[tilespmem:s15], [sflag:$0x1] =	stream.indirect.gather [hbm4b:s3+s14], $0x80, s10, s14, $0xb8;
	[tilespmem:$0x1F880] =	vst v63  }
0xa7: {  	_ =	swait.ge [sflag:s24], $0x2800  }
0xa8: {  	[sflag:s24] =	ssyncset.done $0x0  }
0xa9: {  	s12 =	rddreg [dreg:$0x1c];
	[sflag:s24] =	ssyncadd.s32 $0xFFFFD800  }
0xaa: {  	[tilespmem:s16], [sflag:$0x2] =	stream.indirect.gather [hbm4b:s3+s14], $0x80, s12, s14, $0xb8;
	[tilespmem:$0x1F880] =	vst v63  }
0xab: {  	_ =	swait.ge [sflag:s25], $0x2800  }
0xac: {  	[sflag:s25] =	ssyncset.done $0x0  }
0xad: {  	s9 =	rddreg [dreg:$0x1d];
	[sflag:s25] =	ssyncadd.s32 $0xFFFFD800  }
0xae: {  	[tilespmem:s17], [sflag:$0x3] =	stream.indirect.gather [hbm4b:s3+s14], $0x80, s9, s14, $0xb8;
	[tilespmem:$0x1F880] =	vst v63  }
0xaf: {  	_ =	swait.ge [sflag:s26], $0x2800  }
0xb0: {  	[sflag:s26] =	ssyncset.done $0x0  }
0xb1: {  	s10 =	rddreg [dreg:$0x1e];
	[sflag:s26] =	ssyncadd.s32 $0xFFFFD800  }
0xb2: {  	[tilespmem:s18], [sflag:$0x4] =	stream.indirect.gather [hbm4b:s3+s14], $0x80, s10, s14, $0xb8;
	[tilespmem:$0x1F880] =	vst v63  }
0xb3: {  	_ =	swait.ge [sflag:s19], $0x2800  }
0xb4: {  	[sflag:s19] =	ssyncset.done $0x0  }
0xb5: {  	s12 =	rddreg [dreg:$0x1f];
	[sflag:s19] =	ssyncadd.s32 $0xFFFFD800  }
0xb6: {  	[spmem:s1] =	stream.indirect.scatter.add.f32 [tilespmem:s15], [sflag:$0x5], $0x80, s12, s14, $0xb8;
	[tilespmem:$0x1F880] =	vst v63  }
0xb7: {  	_ =	swait.ge [sflag:s20], $0x2800  }
0xb8: {  	s9 =	sld [smem:$0x7EE]  }
0xb9: {  	[sflag:s20] =	ssyncset.done $0x0  }
0xba: {  	[sflag:s20] =	ssyncadd.s32 $0xFFFFD800  }
0xbb: {  	[spmem:s1] =	stream.indirect.scatter.add.f32 [tilespmem:s16], [sflag:$0x6], $0x80, s9, s14, $0xb8;
	[tilespmem:$0x1F880] =	vst v63  }
0xbc: {  	_ =	swait.ge [sflag:s21], $0x2800  }
0xbd: {  	s10 =	sld [smem:$0x7EF]  }
0xbe: {  	[sflag:s21] =	ssyncset.done $0x0  }
0xbf: {  	[sflag:s21] =	ssyncadd.s32 $0xFFFFD800  }
0xc0: {  	[spmem:s1] =	stream.indirect.scatter.add.f32 [tilespmem:s17], [sflag:$0x7], $0x80, s10, s14, $0xb8;
	[tilespmem:$0x1F880] =	vst v63  }
0xc1: {  	_ =	swait.ge [sflag:s22], $0x2800  }
0xc2: {  	s12 =	sld [smem:$0x7F0]  }
0xc3: {  	[sflag:s22] =	ssyncset.done $0x0  }
0xc4: {  	[sflag:s22] =	ssyncadd.s32 $0xFFFFD800  }
0xc5: {  	[spmem:s1] =	stream.indirect.scatter.add.f32 [tilespmem:s18], [sflag:$0x8], $0x80, s12, s14, $0xb8;
	[tilespmem:$0x1F880] =	vst v63  }
0xc6: {  	_ =	swait.ge [sflag:s23], $0x2800  }
0xc7: {  	s9 =	sld [smem:$0x7F1]  }
0xc8: {  	[sflag:s23] =	ssyncset.done $0x0  }
0xc9: {  	[sflag:s23] =	ssyncadd.s32 $0xFFFFD800  }
0xca: {  	[tilespmem:s15], [sflag:$0x1] =	stream.indirect.gather [hbm4b:s3+s14], $0x80, s9, s14, $0xb8;
	[tilespmem:$0x1F880] =	vst v63  }
0xcb: {  	_ =	swait.ge [sflag:s24], $0x2800  }
0xcc: {  	s10 =	sld [smem:$0x7F2]  }
0xcd: {  	[sflag:s24] =	ssyncset.done $0x0  }
0xce: {  	[sflag:s24] =	ssyncadd.s32 $0xFFFFD800  }
0xcf: {  	[tilespmem:s16], [sflag:$0x2] =	stream.indirect.gather [hbm4b:s3+s14], $0x80, s10, s14, $0xb8;
	[tilespmem:$0x1F880] =	vst v63  }
0xd0: {  	_ =	swait.ge [sflag:s25], $0x2800  }
0xd1: {  	s12 =	sld [smem:$0x7F3]  }
0xd2: {  	[sflag:s25] =	ssyncset.done $0x0  }
0xd3: {  	[sflag:s25] =	ssyncadd.s32 $0xFFFFD800  }
0xd4: {  	[tilespmem:s17], [sflag:$0x3] =	stream.indirect.gather [hbm4b:s3+s14], $0x80, s12, s14, $0xb8;
	[tilespmem:$0x1F880] =	vst v63  }
0xd5: {  	_ =	swait.ge [sflag:s26], $0x2800  }
0xd6: {  	s9 =	sld [smem:$0x7F4]  }
0xd7: {  	[sflag:s26] =	ssyncset.done $0x0  }
0xd8: {  	[sflag:s26] =	ssyncadd.s32 $0xFFFFD800  }
0xd9: {  	[tilespmem:s18], [sflag:$0x4] =	stream.indirect.gather [hbm4b:s3+s14], $0x80, s9, s14, $0xb8;
	[tilespmem:$0x1F880] =	vst v63  }
0xda: {  	_ =	swait.ge [sflag:s19], $0x2800  }
0xdb: {  	s10 =	sld [smem:$0x7F5]  }
0xdc: {  	[sflag:s19] =	ssyncset.done $0x0  }
0xdd: {  	[sflag:s19] =	ssyncadd.s32 $0xFFFFD800  }
0xde: {  	[spmem:s1] =	stream.indirect.scatter.add.f32 [tilespmem:s15], [sflag:$0x5], $0x80, s10, s14, $0xb8;
	[tilespmem:$0x1F880] =	vst v63  }
0xdf: {  	_ =	swait.ge [sflag:s20], $0x2800  }
0xe0: {  	s12 =	sld [smem:$0x7F6]  }
0xe1: {  	[sflag:s20] =	ssyncset.done $0x0  }
0xe2: {  	[sflag:s20] =	ssyncadd.s32 $0xFFFFD800  }
0xe3: {  	[spmem:s1] =	stream.indirect.scatter.add.f32 [tilespmem:s16], [sflag:$0x6], $0x80, s12, s14, $0xb8;
	[tilespmem:$0x1F880] =	vst v63  }
0xe4: {  	_ =	swait.ge [sflag:s21], $0x2800  }
0xe5: {  	s9 =	sld [smem:$0x7F7]  }
0xe6: {  	[sflag:s21] =	ssyncset.done $0x0  }
0xe7: {  	[sflag:s21] =	ssyncadd.s32 $0xFFFFD800  }
0xe8: {  	[spmem:s1] =	stream.indirect.scatter.add.f32 [tilespmem:s17], [sflag:$0x7], $0x80, s9, s14, $0xb8;
	[tilespmem:$0x1F880] =	vst v63  }
0xe9: {  	_ =	swait.ge [sflag:s22], $0x2800  }
0xea: {  	s10 =	sld [smem:$0x7F8]  }
0xeb: {  	[sflag:s22] =	ssyncset.done $0x0  }
0xec: {  	[sflag:s22] =	ssyncadd.s32 $0xFFFFD800  }
0xed: {  	[spmem:s1] =	stream.indirect.scatter.add.f32 [tilespmem:s18], [sflag:$0x8], $0x80, s10, s14, $0xb8;
	[tilespmem:$0x1F880] =	vst v63  }
0xee: {  	_ =	swait.ge [sflag:s23], $0x2800  }
0xef: {  	s12 =	sld [smem:$0x7F9]  }
0xf0: {  	[sflag:s23] =	ssyncset.done $0x0  }
0xf1: {  	[sflag:s23] =	ssyncadd.s32 $0xFFFFD800  }
0xf2: {  	[tilespmem:s15], [sflag:$0x1] =	stream.indirect.gather [hbm4b:s3+s14], $0x80, s12, s14, $0xb8;
	[tilespmem:$0x1F880] =	vst v63  }
0xf3: {  	_ =	swait.ge [sflag:s24], $0x2800  }
0xf4: {  	[sflag:s24] =	ssyncset.done $0x0  }
0xf5: {  	[sflag:s24] =	ssyncadd.s32 $0xFFFFD800  }
0xf6: {  	[tilespmem:s16], [sflag:$0x2] =	stream.indirect.gather [hbm4b:s3+s14], $0x80, s28, s14, $0xb8;
	[tilespmem:$0x1F880] =	vst v63  }
0xf7: {  	_ =	swait.ge [sflag:s25], $0x2800  }
0xf8: {  	[sflag:s25] =	ssyncset.done $0x0  }
0xf9: {  	[sflag:s25] =	ssyncadd.s32 $0xFFFFD800  }
0xfa: {  	[tilespmem:s17], [sflag:$0x3] =	stream.indirect.gather [hbm4b:s3+s14], $0x80, s29, s14, $0xb8;
	[tilespmem:$0x1F880] =	vst v63  }
0xfb: {  	_ =	swait.ge [sflag:s26], $0x2800  }
0xfc: {  	[sflag:s26] =	ssyncset.done $0x0  }
0xfd: {  	[sflag:s26] =	ssyncadd.s32 $0xFFFFD800  }
0xfe: {  	[tilespmem:s18], [sflag:$0x4] =	stream.indirect.gather [hbm4b:s3+s14], $0x80, s30, s14, $0xb8;
	[tilespmem:$0x1F880] =	vst v63  }
0xff: {  	_ =	swait.ge [sflag:s19], $0x2800  }
0x100: {  	[sflag:s19] =	ssyncset.done $0x0  }
0x101: {  	[sflag:s19] =	ssyncadd.s32 $0xFFFFD800  }
0x102: {  	[spmem:s1] =	stream.indirect.scatter.add.f32 [tilespmem:s15], [sflag:$0x5], $0x80, s31, s14, $0xb8;
	[tilespmem:$0x1F880] =	vst v63  }
0x103: {  	_ =	swait.ge [sflag:s20], $0x2800  }
0x104: {  	[sflag:s20] =	ssyncset.done $0x0  }
0x105: {  	[sflag:s20] =	ssyncadd.s32 $0xFFFFD800  }
0x106: {  	[spmem:s1] =	stream.indirect.scatter.add.f32 [tilespmem:s16], [sflag:$0x6], $0x80, s0, s14, $0xb8;
	[tilespmem:$0x1F880] =	vst v63  }
0x107: {  	_ =	swait.ge [sflag:s21], $0x2800  }
0x108: {  	[sflag:s21] =	ssyncset.done $0x0  }
0x109: {  	[sflag:s21] =	ssyncadd.s32 $0xFFFFD800  }
0x10a: {  	[spmem:s1] =	stream.indirect.scatter.add.f32 [tilespmem:s17], [sflag:$0x7], $0x80, s4, s14, $0xb8;
	[tilespmem:$0x1F880] =	vst v63  }
0x10b: {  	_ =	swait.ge [sflag:s22], $0x2800  }
0x10c: {  	[sflag:s22] =	ssyncset.done $0x0  }
0x10d: {  	[sflag:s22] =	ssyncadd.s32 $0xFFFFD800  }
0x10e: {  	[spmem:s1] =	stream.indirect.scatter.add.f32 [tilespmem:s18], [sflag:$0x8], $0x80, s6, s14, $0xb8;
	[tilespmem:$0x1F880] =	vst v63  }
0x10f: {  	_ =	swait.ge [sflag:s23], $0x2800  }
0x110: {  	[sflag:s23] =	ssyncset.done $0x0  }
0x111: {  	[sflag:s23] =	ssyncadd.s32 $0xFFFFD800  }
0x112: {  	_ =	swait.ge [sflag:s24], $0x2800  }
0x113: {  	[sflag:s24] =	ssyncset.done $0x0  }
0x114: {  	[sflag:s24] =	ssyncadd.s32 $0xFFFFD800  }
0x115: {  	_ =	swait.ge [sflag:s25], $0x2800  }
0x116: {  	[sflag:s25] =	ssyncset.done $0x0  }
0x117: {  	[sflag:s25] =	ssyncadd.s32 $0xFFFFD800  }
0x118: {  	_ =	swait.ge [sflag:s26], $0x2800  }
0x119: {  	[sflag:s26] =	ssyncset.done $0x0  }
0x11a: {  	[sflag:s26] =	ssyncadd.s32 $0xFFFFD800  }
0x11b: {  	[tilespmem:s15], [sflag:$0x1] =	stream.indirect.gather [hbm4b:s3+s14], $0x80, s7, s14, $0xb8;
	[tilespmem:$0x1F880] =	vst v63  }
0x11c: {  	_ =	swait.ge [sflag:s19], $0x2800  }
0x11d: {  	[sflag:s19] =	ssyncset.done $0x0  }
0x11e: {  	[sflag:s19] =	ssyncadd.s32 $0xFFFFD800  }
0x11f: {  	[spmem:s1] =	stream.indirect.scatter.add.f32 [tilespmem:s15], [sflag:$0x5], $0x80, s8, s14, $0xb8;
	[tilespmem:$0x1F880] =	vst v63  }
0x120: {  	s10 =	simm.s32 $0x200;
	_ =	swait.ge [sflag:s23], $0x2800  }
0x121: {  	s12 =	simm.s32 $0x400;
	s5 =	rddreg [dreg:$0x4];
	[sflag:s23] =	ssyncset.done $0x0  }
.LBB2_2:
0x122: {  	[sflag:s23] =	ssyncadd.s32 $0xFFFFD800;
	s5 =	sadd.s32 s10, s5  }
0x123: {  	[tilespmem:s2], [sflag:$0x9] =	stream.linear.gather [hbm4b:s5+s2], $0xC80, $0x38;
	[tilespmem:$0x1F880] =	vst v63  }
0x124: {  	_ =	swait.ge [sflag:s11], $0xC80  }
0x125: {  	s5 =	rddreg [dreg:$0x3];
	[sflag:s11] =	ssyncset.done $0x0  }
0x126: {  	[sflag:s11] =	ssyncadd.s32 $0xFFFFF380;
	s5 =	sadd.s32 s10, s5  }
0x127: {  	[tilespmem:s13], [sflag:$0x9] =	stream.linear.gather [hbm4b:s5+s2], $0xC80, $0x38;
	[tilespmem:$0x1F880] =	vst v63  }
0x128: {  	_ =	swait.ge [sflag:s11], $0xC80  }
0x129: {  	[sflag:s11] =	ssyncset.done $0x0  }
0x12a: {  	[sflag:s11] =	ssyncadd.s32 $0xFFFFF380  }
0x12b: {  	[tilespmem:s15], [sflag:$0x1] =	stream.indirect.gather [hbm4b:s3+s14], $0x80, s2, s14, $0xb8;
	[tilespmem:$0x1F880] =	vst v63  }
0x12c: {  	s9 =	smov.u32 s12;
	s5 =	rddreg [dreg:$0x5]  }
0x12d: {  	[tilespmem:s16], [sflag:$0x2] =	stream.indirect.gather [hbm4b:s3+s14], $0x80, s5, s14, $0xb8;
	[tilespmem:$0x1F880] =	vst v63  }
0x12e: {  	s10 =	smov.u32 s9;
	s9 =	rddreg [dreg:$0x6]  }
0x12f: {  	[tilespmem:s17], [sflag:$0x3] =	stream.indirect.gather [hbm4b:s3+s14], $0x80, s9, s14, $0xb8;
	[tilespmem:$0x1F880] =	vst v63  }
0x130: {  	s5 =	rddreg [dreg:$0x7]  }
0x131: {  	[tilespmem:s18], [sflag:$0x4] =	stream.indirect.gather [hbm4b:s3+s14], $0x80, s5, s14, $0xb8;
	[tilespmem:$0x1F880] =	vst v63  }
0x132: {  	_ =	swait.ge [sflag:s19], $0x2800  }
0x133: {  	[sflag:s19] =	ssyncset.done $0x0  }
0x134: {  	[sflag:s19] =	ssyncadd.s32 $0xFFFFD800  }
0x135: {  	[spmem:s1] =	stream.indirect.scatter.add.f32 [tilespmem:s15], [sflag:$0x5], $0x80, s13, s14, $0xb8;
	[tilespmem:$0x1F880] =	vst v63  }
0x136: {  	_ =	swait.ge [sflag:s20], $0x2800  }
0x137: {  	[sflag:s20] =	ssyncset.done $0x0  }
0x138: {  	s9 =	rddreg [dreg:$0x8];
	[sflag:s20] =	ssyncadd.s32 $0xFFFFD800  }
0x139: {  	[spmem:s1] =	stream.indirect.scatter.add.f32 [tilespmem:s16], [sflag:$0x6], $0x80, s9, s14, $0xb8;
	[tilespmem:$0x1F880] =	vst v63  }
0x13a: {  	_ =	swait.ge [sflag:s21], $0x2800  }
0x13b: {  	[sflag:s21] =	ssyncset.done $0x0  }
0x13c: {  	s9 =	rddreg [dreg:$0x9];
	[sflag:s21] =	ssyncadd.s32 $0xFFFFD800  }
0x13d: {  	[spmem:s1] =	stream.indirect.scatter.add.f32 [tilespmem:s17], [sflag:$0x7], $0x80, s9, s14, $0xb8;
	[tilespmem:$0x1F880] =	vst v63  }
0x13e: {  	_ =	swait.ge [sflag:s22], $0x2800  }
0x13f: {  	[sflag:s22] =	ssyncset.done $0x0  }
0x140: {  	s9 =	rddreg [dreg:$0xa];
	[sflag:s22] =	ssyncadd.s32 $0xFFFFD800  }
0x141: {  	[spmem:s1] =	stream.indirect.scatter.add.f32 [tilespmem:s18], [sflag:$0x8], $0x80, s9, s14, $0xb8;
	[tilespmem:$0x1F880] =	vst v63  }
0x142: {  	_ =	swait.ge [sflag:s23], $0x2800  }
0x143: {  	[sflag:s23] =	ssyncset.done $0x0  }
0x144: {  	s9 =	rddreg [dreg:$0xb];
	[sflag:s23] =	ssyncadd.s32 $0xFFFFD800  }
0x145: {  	[tilespmem:s15], [sflag:$0x1] =	stream.indirect.gather [hbm4b:s3+s14], $0x80, s9, s14, $0xb8;
	[tilespmem:$0x1F880] =	vst v63  }
0x146: {  	_ =	swait.ge [sflag:s24], $0x2800  }
0x147: {  	[sflag:s24] =	ssyncset.done $0x0  }
0x148: {  	s9 =	rddreg [dreg:$0xc];
	[sflag:s24] =	ssyncadd.s32 $0xFFFFD800  }
0x149: {  	[tilespmem:s16], [sflag:$0x2] =	stream.indirect.gather [hbm4b:s3+s14], $0x80, s9, s14, $0xb8;
	[tilespmem:$0x1F880] =	vst v63  }
0x14a: {  	_ =	swait.ge [sflag:s25], $0x2800  }
0x14b: {  	[sflag:s25] =	ssyncset.done $0x0  }
0x14c: {  	s9 =	rddreg [dreg:$0xd];
	[sflag:s25] =	ssyncadd.s32 $0xFFFFD800  }
0x14d: {  	[tilespmem:s17], [sflag:$0x3] =	stream.indirect.gather [hbm4b:s3+s14], $0x80, s9, s14, $0xb8;
	[tilespmem:$0x1F880] =	vst v63  }
0x14e: {  	_ =	swait.ge [sflag:s26], $0x2800  }
0x14f: {  	[sflag:s26] =	ssyncset.done $0x0  }
0x150: {  	s9 =	rddreg [dreg:$0xe];
	[sflag:s26] =	ssyncadd.s32 $0xFFFFD800  }
0x151: {  	[tilespmem:s18], [sflag:$0x4] =	stream.indirect.gather [hbm4b:s3+s14], $0x80, s9, s14, $0xb8;
	[tilespmem:$0x1F880] =	vst v63  }
0x152: {  	_ =	swait.ge [sflag:s19], $0x2800  }
0x153: {  	[sflag:s19] =	ssyncset.done $0x0  }
0x154: {  	s9 =	rddreg [dreg:$0xf];
	[sflag:s19] =	ssyncadd.s32 $0xFFFFD800  }
0x155: {  	[spmem:s1] =	stream.indirect.scatter.add.f32 [tilespmem:s15], [sflag:$0x5], $0x80, s9, s14, $0xb8;
	[tilespmem:$0x1F880] =	vst v63  }
0x156: {  	_ =	swait.ge [sflag:s20], $0x2800  }
0x157: {  	[sflag:s20] =	ssyncset.done $0x0  }
0x158: {  	s9 =	rddreg [dreg:$0x10];
	[sflag:s20] =	ssyncadd.s32 $0xFFFFD800  }
0x159: {  	[spmem:s1] =	stream.indirect.scatter.add.f32 [tilespmem:s16], [sflag:$0x6], $0x80, s9, s14, $0xb8;
	[tilespmem:$0x1F880] =	vst v63  }
0x15a: {  	_ =	swait.ge [sflag:s21], $0x2800  }
0x15b: {  	[sflag:s21] =	ssyncset.done $0x0  }
0x15c: {  	s9 =	rddreg [dreg:$0x11];
	[sflag:s21] =	ssyncadd.s32 $0xFFFFD800  }
0x15d: {  	[spmem:s1] =	stream.indirect.scatter.add.f32 [tilespmem:s17], [sflag:$0x7], $0x80, s9, s14, $0xb8;
	[tilespmem:$0x1F880] =	vst v63  }
0x15e: {  	_ =	swait.ge [sflag:s22], $0x2800  }
0x15f: {  	[sflag:s22] =	ssyncset.done $0x0  }
0x160: {  	s9 =	rddreg [dreg:$0x12];
	[sflag:s22] =	ssyncadd.s32 $0xFFFFD800  }
0x161: {  	[spmem:s1] =	stream.indirect.scatter.add.f32 [tilespmem:s18], [sflag:$0x8], $0x80, s9, s14, $0xb8;
	[tilespmem:$0x1F880] =	vst v63  }
0x162: {  	_ =	swait.ge [sflag:s23], $0x2800  }
0x163: {  	[sflag:s23] =	ssyncset.done $0x0  }
0x164: {  	s9 =	rddreg [dreg:$0x13];
	[sflag:s23] =	ssyncadd.s32 $0xFFFFD800  }
0x165: {  	[tilespmem:s15], [sflag:$0x1] =	stream.indirect.gather [hbm4b:s3+s14], $0x80, s9, s14, $0xb8;
	[tilespmem:$0x1F880] =	vst v63  }
0x166: {  	_ =	swait.ge [sflag:s24], $0x2800  }
0x167: {  	[sflag:s24] =	ssyncset.done $0x0  }
0x168: {  	s9 =	rddreg [dreg:$0x14];
	[sflag:s24] =	ssyncadd.s32 $0xFFFFD800  }
0x169: {  	[tilespmem:s16], [sflag:$0x2] =	stream.indirect.gather [hbm4b:s3+s14], $0x80, s9, s14, $0xb8;
	[tilespmem:$0x1F880] =	vst v63  }
0x16a: {  	_ =	swait.ge [sflag:s25], $0x2800  }
0x16b: {  	[sflag:s25] =	ssyncset.done $0x0  }
0x16c: {  	s9 =	rddreg [dreg:$0x15];
	[sflag:s25] =	ssyncadd.s32 $0xFFFFD800  }
0x16d: {  	[tilespmem:s17], [sflag:$0x3] =	stream.indirect.gather [hbm4b:s3+s14], $0x80, s9, s14, $0xb8;
	[tilespmem:$0x1F880] =	vst v63  }
0x16e: {  	_ =	swait.ge [sflag:s26], $0x2800  }
0x16f: {  	[sflag:s26] =	ssyncset.done $0x0  }
0x170: {  	s9 =	rddreg [dreg:$0x16];
	[sflag:s26] =	ssyncadd.s32 $0xFFFFD800  }
0x171: {  	[tilespmem:s18], [sflag:$0x4] =	stream.indirect.gather [hbm4b:s3+s14], $0x80, s9, s14, $0xb8;
	[tilespmem:$0x1F880] =	vst v63  }
0x172: {  	_ =	swait.ge [sflag:s19], $0x2800  }
0x173: {  	[sflag:s19] =	ssyncset.done $0x0  }
0x174: {  	s9 =	rddreg [dreg:$0x17];
	[sflag:s19] =	ssyncadd.s32 $0xFFFFD800  }
0x175: {  	[spmem:s1] =	stream.indirect.scatter.add.f32 [tilespmem:s15], [sflag:$0x5], $0x80, s9, s14, $0xb8;
	[tilespmem:$0x1F880] =	vst v63  }
0x176: {  	_ =	swait.ge [sflag:s20], $0x2800  }
0x177: {  	[sflag:s20] =	ssyncset.done $0x0  }
0x178: {  	s9 =	rddreg [dreg:$0x18];
	[sflag:s20] =	ssyncadd.s32 $0xFFFFD800  }
0x179: {  	[spmem:s1] =	stream.indirect.scatter.add.f32 [tilespmem:s16], [sflag:$0x6], $0x80, s9, s14, $0xb8;
	[tilespmem:$0x1F880] =	vst v63  }
0x17a: {  	_ =	swait.ge [sflag:s21], $0x2800  }
0x17b: {  	[sflag:s21] =	ssyncset.done $0x0  }
0x17c: {  	s9 =	rddreg [dreg:$0x19];
	[sflag:s21] =	ssyncadd.s32 $0xFFFFD800  }
0x17d: {  	[spmem:s1] =	stream.indirect.scatter.add.f32 [tilespmem:s17], [sflag:$0x7], $0x80, s9, s14, $0xb8;
	[tilespmem:$0x1F880] =	vst v63  }
0x17e: {  	_ =	swait.ge [sflag:s22], $0x2800  }
0x17f: {  	[sflag:s22] =	ssyncset.done $0x0  }
0x180: {  	s9 =	rddreg [dreg:$0x1a];
	[sflag:s22] =	ssyncadd.s32 $0xFFFFD800  }
0x181: {  	[spmem:s1] =	stream.indirect.scatter.add.f32 [tilespmem:s18], [sflag:$0x8], $0x80, s9, s14, $0xb8;
	[tilespmem:$0x1F880] =	vst v63  }
0x182: {  	_ =	swait.ge [sflag:s23], $0x2800  }
0x183: {  	[sflag:s23] =	ssyncset.done $0x0  }
0x184: {  	s9 =	rddreg [dreg:$0x1b];
	[sflag:s23] =	ssyncadd.s32 $0xFFFFD800  }
0x185: {  	[tilespmem:s15], [sflag:$0x1] =	stream.indirect.gather [hbm4b:s3+s14], $0x80, s9, s14, $0xb8;
	[tilespmem:$0x1F880] =	vst v63  }
0x186: {  	_ =	swait.ge [sflag:s24], $0x2800  }
0x187: {  	[sflag:s24] =	ssyncset.done $0x0  }
0x188: {  	s9 =	rddreg [dreg:$0x1c];
	[sflag:s24] =	ssyncadd.s32 $0xFFFFD800  }
0x189: {  	[tilespmem:s16], [sflag:$0x2] =	stream.indirect.gather [hbm4b:s3+s14], $0x80, s9, s14, $0xb8;
	[tilespmem:$0x1F880] =	vst v63  }
0x18a: {  	_ =	swait.ge [sflag:s25], $0x2800  }
0x18b: {  	[sflag:s25] =	ssyncset.done $0x0  }
0x18c: {  	s9 =	rddreg [dreg:$0x1d];
	[sflag:s25] =	ssyncadd.s32 $0xFFFFD800  }
0x18d: {  	[tilespmem:s17], [sflag:$0x3] =	stream.indirect.gather [hbm4b:s3+s14], $0x80, s9, s14, $0xb8;
	[tilespmem:$0x1F880] =	vst v63  }
0x18e: {  	_ =	swait.ge [sflag:s26], $0x2800  }
0x18f: {  	[sflag:s26] =	ssyncset.done $0x0  }
0x190: {  	s9 =	rddreg [dreg:$0x1e];
	[sflag:s26] =	ssyncadd.s32 $0xFFFFD800  }
0x191: {  	[tilespmem:s18], [sflag:$0x4] =	stream.indirect.gather [hbm4b:s3+s14], $0x80, s9, s14, $0xb8;
	[tilespmem:$0x1F880] =	vst v63  }
0x192: {  	_ =	swait.ge [sflag:s19], $0x2800  }
0x193: {  	[sflag:s19] =	ssyncset.done $0x0  }
0x194: {  	s9 =	rddreg [dreg:$0x1f];
	[sflag:s19] =	ssyncadd.s32 $0xFFFFD800  }
0x195: {  	[spmem:s1] =	stream.indirect.scatter.add.f32 [tilespmem:s15], [sflag:$0x5], $0x80, s9, s14, $0xb8;
	[tilespmem:$0x1F880] =	vst v63  }
0x196: {  	_ =	swait.ge [sflag:s20], $0x2800  }
0x197: {  	s9 =	sld [smem:$0x7EE]  }
0x198: {  	[sflag:s20] =	ssyncset.done $0x0  }
0x199: {  	[sflag:s20] =	ssyncadd.s32 $0xFFFFD800  }
0x19a: {  	[spmem:s1] =	stream.indirect.scatter.add.f32 [tilespmem:s16], [sflag:$0x6], $0x80, s9, s14, $0xb8;
	[tilespmem:$0x1F880] =	vst v63  }
0x19b: {  	_ =	swait.ge [sflag:s21], $0x2800  }
0x19c: {  	s9 =	sld [smem:$0x7EF]  }
0x19d: {  	[sflag:s21] =	ssyncset.done $0x0  }
0x19e: {  	[sflag:s21] =	ssyncadd.s32 $0xFFFFD800  }
0x19f: {  	[spmem:s1] =	stream.indirect.scatter.add.f32 [tilespmem:s17], [sflag:$0x7], $0x80, s9, s14, $0xb8;
	[tilespmem:$0x1F880] =	vst v63  }
0x1a0: {  	_ =	swait.ge [sflag:s22], $0x2800  }
0x1a1: {  	s9 =	sld [smem:$0x7F0]  }
0x1a2: {  	[sflag:s22] =	ssyncset.done $0x0  }
0x1a3: {  	[sflag:s22] =	ssyncadd.s32 $0xFFFFD800  }
0x1a4: {  	[spmem:s1] =	stream.indirect.scatter.add.f32 [tilespmem:s18], [sflag:$0x8], $0x80, s9, s14, $0xb8;
	[tilespmem:$0x1F880] =	vst v63  }
0x1a5: {  	_ =	swait.ge [sflag:s23], $0x2800  }
0x1a6: {  	s9 =	sld [smem:$0x7F1]  }
0x1a7: {  	[sflag:s23] =	ssyncset.done $0x0  }
0x1a8: {  	[sflag:s23] =	ssyncadd.s32 $0xFFFFD800  }
0x1a9: {  	[tilespmem:s15], [sflag:$0x1] =	stream.indirect.gather [hbm4b:s3+s14], $0x80, s9, s14, $0xb8;
	[tilespmem:$0x1F880] =	vst v63  }
0x1aa: {  	_ =	swait.ge [sflag:s24], $0x2800  }
0x1ab: {  	s9 =	sld [smem:$0x7F2]  }
0x1ac: {  	[sflag:s24] =	ssyncset.done $0x0  }
0x1ad: {  	[sflag:s24] =	ssyncadd.s32 $0xFFFFD800  }
0x1ae: {  	[tilespmem:s16], [sflag:$0x2] =	stream.indirect.gather [hbm4b:s3+s14], $0x80, s9, s14, $0xb8;
	[tilespmem:$0x1F880] =	vst v63  }
0x1af: {  	_ =	swait.ge [sflag:s25], $0x2800  }
0x1b0: {  	s9 =	sld [smem:$0x7F3]  }
0x1b1: {  	[sflag:s25] =	ssyncset.done $0x0  }
0x1b2: {  	[sflag:s25] =	ssyncadd.s32 $0xFFFFD800  }
0x1b3: {  	[tilespmem:s17], [sflag:$0x3] =	stream.indirect.gather [hbm4b:s3+s14], $0x80, s9, s14, $0xb8;
	[tilespmem:$0x1F880] =	vst v63  }
0x1b4: {  	_ =	swait.ge [sflag:s26], $0x2800  }
0x1b5: {  	s9 =	sld [smem:$0x7F4]  }
0x1b6: {  	[sflag:s26] =	ssyncset.done $0x0  }
0x1b7: {  	[sflag:s26] =	ssyncadd.s32 $0xFFFFD800  }
0x1b8: {  	[tilespmem:s18], [sflag:$0x4] =	stream.indirect.gather [hbm4b:s3+s14], $0x80, s9, s14, $0xb8;
	[tilespmem:$0x1F880] =	vst v63  }
0x1b9: {  	_ =	swait.ge [sflag:s19], $0x2800  }
0x1ba: {  	s9 =	sld [smem:$0x7F5]  }
0x1bb: {  	[sflag:s19] =	ssyncset.done $0x0  }
0x1bc: {  	[sflag:s19] =	ssyncadd.s32 $0xFFFFD800  }
0x1bd: {  	[spmem:s1] =	stream.indirect.scatter.add.f32 [tilespmem:s15], [sflag:$0x5], $0x80, s9, s14, $0xb8;
	[tilespmem:$0x1F880] =	vst v63  }
0x1be: {  	_ =	swait.ge [sflag:s20], $0x2800  }
0x1bf: {  	s9 =	sld [smem:$0x7F6]  }
0x1c0: {  	[sflag:s20] =	ssyncset.done $0x0  }
0x1c1: {  	[sflag:s20] =	ssyncadd.s32 $0xFFFFD800  }
0x1c2: {  	[spmem:s1] =	stream.indirect.scatter.add.f32 [tilespmem:s16], [sflag:$0x6], $0x80, s9, s14, $0xb8;
	[tilespmem:$0x1F880] =	vst v63  }
0x1c3: {  	_ =	swait.ge [sflag:s21], $0x2800  }
0x1c4: {  	s9 =	sld [smem:$0x7F7]  }
0x1c5: {  	[sflag:s21] =	ssyncset.done $0x0  }
0x1c6: {  	[sflag:s21] =	ssyncadd.s32 $0xFFFFD800  }
0x1c7: {  	[spmem:s1] =	stream.indirect.scatter.add.f32 [tilespmem:s17], [sflag:$0x7], $0x80, s9, s14, $0xb8;
	[tilespmem:$0x1F880] =	vst v63  }
0x1c8: {  	_ =	swait.ge [sflag:s22], $0x2800  }
0x1c9: {  	s9 =	sld [smem:$0x7F8]  }
0x1ca: {  	[sflag:s22] =	ssyncset.done $0x0  }
0x1cb: {  	[sflag:s22] =	ssyncadd.s32 $0xFFFFD800  }
0x1cc: {  	[spmem:s1] =	stream.indirect.scatter.add.f32 [tilespmem:s18], [sflag:$0x8], $0x80, s9, s14, $0xb8;
	[tilespmem:$0x1F880] =	vst v63  }
0x1cd: {  	_ =	swait.ge [sflag:s23], $0x2800  }
0x1ce: {  	s9 =	sld [smem:$0x7F9]  }
0x1cf: {  	[sflag:s23] =	ssyncset.done $0x0  }
0x1d0: {  	[sflag:s23] =	ssyncadd.s32 $0xFFFFD800  }
0x1d1: {  	[tilespmem:s15], [sflag:$0x1] =	stream.indirect.gather [hbm4b:s3+s14], $0x80, s9, s14, $0xb8;
	[tilespmem:$0x1F880] =	vst v63  }
0x1d2: {  	_ =	swait.ge [sflag:s24], $0x2800  }
0x1d3: {  	[sflag:s24] =	ssyncset.done $0x0  }
0x1d4: {  	[sflag:s24] =	ssyncadd.s32 $0xFFFFD800  }
0x1d5: {  	[tilespmem:s16], [sflag:$0x2] =	stream.indirect.gather [hbm4b:s3+s14], $0x80, s28, s14, $0xb8;
	[tilespmem:$0x1F880] =	vst v63  }
0x1d6: {  	_ =	swait.ge [sflag:s25], $0x2800  }
0x1d7: {  	[sflag:s25] =	ssyncset.done $0x0  }
0x1d8: {  	[sflag:s25] =	ssyncadd.s32 $0xFFFFD800  }
0x1d9: {  	[tilespmem:s17], [sflag:$0x3] =	stream.indirect.gather [hbm4b:s3+s14], $0x80, s29, s14, $0xb8;
	[tilespmem:$0x1F880] =	vst v63  }
0x1da: {  	_ =	swait.ge [sflag:s26], $0x2800  }
0x1db: {  	[sflag:s26] =	ssyncset.done $0x0  }
0x1dc: {  	[sflag:s26] =	ssyncadd.s32 $0xFFFFD800  }
0x1dd: {  	[tilespmem:s18], [sflag:$0x4] =	stream.indirect.gather [hbm4b:s3+s14], $0x80, s30, s14, $0xb8;
	[tilespmem:$0x1F880] =	vst v63  }
0x1de: {  	_ =	swait.ge [sflag:s19], $0x2800  }
0x1df: {  	[sflag:s19] =	ssyncset.done $0x0  }
0x1e0: {  	[sflag:s19] =	ssyncadd.s32 $0xFFFFD800  }
0x1e1: {  	[spmem:s1] =	stream.indirect.scatter.add.f32 [tilespmem:s15], [sflag:$0x5], $0x80, s31, s14, $0xb8;
	[tilespmem:$0x1F880] =	vst v63  }
0x1e2: {  	_ =	swait.ge [sflag:s20], $0x2800  }
0x1e3: {  	[sflag:s20] =	ssyncset.done $0x0  }
0x1e4: {  	[sflag:s20] =	ssyncadd.s32 $0xFFFFD800  }
0x1e5: {  	[spmem:s1] =	stream.indirect.scatter.add.f32 [tilespmem:s16], [sflag:$0x6], $0x80, s0, s14, $0xb8;
	[tilespmem:$0x1F880] =	vst v63  }
0x1e6: {  	_ =	swait.ge [sflag:s21], $0x2800  }
0x1e7: {  	[sflag:s21] =	ssyncset.done $0x0  }
0x1e8: {  	[sflag:s21] =	ssyncadd.s32 $0xFFFFD800  }
0x1e9: {  	[spmem:s1] =	stream.indirect.scatter.add.f32 [tilespmem:s17], [sflag:$0x7], $0x80, s4, s14, $0xb8;
	[tilespmem:$0x1F880] =	vst v63  }
0x1ea: {  	_ =	swait.ge [sflag:s22], $0x2800  }
0x1eb: {  	[sflag:s22] =	ssyncset.done $0x0  }
0x1ec: {  	[sflag:s22] =	ssyncadd.s32 $0xFFFFD800  }
0x1ed: {  	[spmem:s1] =	stream.indirect.scatter.add.f32 [tilespmem:s18], [sflag:$0x8], $0x80, s6, s14, $0xb8;
	[tilespmem:$0x1F880] =	vst v63  }
0x1ee: {  	_ =	swait.ge [sflag:s23], $0x2800  }
0x1ef: {  	[sflag:s23] =	ssyncset.done $0x0  }
0x1f0: {  	[sflag:s23] =	ssyncadd.s32 $0xFFFFD800  }
0x1f1: {  	_ =	swait.ge [sflag:s24], $0x2800  }
0x1f2: {  	[sflag:s24] =	ssyncset.done $0x0  }
0x1f3: {  	[sflag:s24] =	ssyncadd.s32 $0xFFFFD800  }
0x1f4: {  	_ =	swait.ge [sflag:s25], $0x2800  }
0x1f5: {  	[sflag:s25] =	ssyncset.done $0x0  }
0x1f6: {  	[sflag:s25] =	ssyncadd.s32 $0xFFFFD800  }
0x1f7: {  	_ =	swait.ge [sflag:s26], $0x2800  }
0x1f8: {  	[sflag:s26] =	ssyncset.done $0x0  }
0x1f9: {  	[sflag:s26] =	ssyncadd.s32 $0xFFFFD800  }
0x1fa: {  	[tilespmem:s15], [sflag:$0x1] =	stream.indirect.gather [hbm4b:s3+s14], $0x80, s7, s14, $0xb8;
	[tilespmem:$0x1F880] =	vst v63  }
0x1fb: {  	p1 =	sne.s32 s12, $0x1200;
	_ =	swait.ge [sflag:s19], $0x2800  }
.Ltmp0:
0x1fc: {  	[sflag:s19] =	ssyncset.done $0x0;
	(pc) =	sbr.rel @p1 .LBB2_2-.Ltmp0, $4  }
0x1fd: {  	[sflag:s19] =	ssyncadd.s32 $0xFFFFD800  }
0x1fe: {  	[spmem:s1] =	stream.indirect.scatter.add.f32 [tilespmem:s15], [sflag:$0x5], $0x80, s8, s14, $0xb8;
	[tilespmem:$0x1F880] =	vst v63  }
0x1ff: {  	_ =	swait.ge [sflag:s23], $0x2800  }
0x200: {  	s12 =	sadd.s32 $0x200, s12;
	s5 =	rddreg [dreg:$0x4];
	[sflag:s23] =	ssyncset.done $0x0  }
0x201: {  	[sflag:s23] =	ssyncadd.s32 $0xFFFFD800;
	s5 =	sadd.s32 s10, s5  }
0x202: {  	[tilespmem:s2], [sflag:$0x9] =	stream.linear.gather [hbm4b:s5+s2], $0xC80, $0x38;
	[tilespmem:$0x1F880] =	vst v63  }
0x203: {  	_ =	swait.ge [sflag:s11], $0xC80  }
0x204: {  	s9 =	rddreg [dreg:$0x3];
	[sflag:s11] =	ssyncset.done $0x0  }
0x205: {  	[sflag:s11] =	ssyncadd.s32 $0xFFFFF380;
	s5 =	sadd.s32 s10, s9  }
0x206: {  	[tilespmem:s13], [sflag:$0x9] =	stream.linear.gather [hbm4b:s5+s2], $0xC80, $0x38;
	[tilespmem:$0x1F880] =	vst v63  }
0x207: {  	_ =	swait.ge [sflag:s11], $0xC80  }
0x208: {  	[sflag:s11] =	ssyncset.done $0x0  }
0x209: {  	[sflag:s11] =	ssyncadd.s32 $0xFFFFF380  }
0x20a: {  	[tilespmem:s15], [sflag:$0x1] =	stream.indirect.gather [hbm4b:s3+s14], $0x80, s2, s14, $0xb8;
	[tilespmem:$0x1F880] =	vst v63  }
0x20b: {  	s10 =	rddreg [dreg:$0x5]  }
0x20c: {  	[tilespmem:s16], [sflag:$0x2] =	stream.indirect.gather [hbm4b:s3+s14], $0x80, s10, s14, $0xb8;
	[tilespmem:$0x1F880] =	vst v63  }
0x20d: {  	s9 =	rddreg [dreg:$0x6]  }
0x20e: {  	[tilespmem:s17], [sflag:$0x3] =	stream.indirect.gather [hbm4b:s3+s14], $0x80, s9, s14, $0xb8;
	[tilespmem:$0x1F880] =	vst v63  }
0x20f: {  	s12 =	rddreg [dreg:$0x7]  }
0x210: {  	[tilespmem:s18], [sflag:$0x4] =	stream.indirect.gather [hbm4b:s3+s14], $0x80, s12, s14, $0xb8;
	[tilespmem:$0x1F880] =	vst v63  }
0x211: {  	_ =	swait.ge [sflag:s19], $0x2800  }
0x212: {  	[sflag:s19] =	ssyncset.done $0x0  }
0x213: {  	[sflag:s19] =	ssyncadd.s32 $0xFFFFD800  }
0x214: {  	[spmem:s1] =	stream.indirect.scatter.add.f32 [tilespmem:s15], [sflag:$0x5], $0x80, s13, s14, $0xb8;
	[tilespmem:$0x1F880] =	vst v63  }
0x215: {  	_ =	swait.ge [sflag:s20], $0x2800  }
0x216: {  	[sflag:s20] =	ssyncset.done $0x0  }
0x217: {  	s9 =	rddreg [dreg:$0x8];
	[sflag:s20] =	ssyncadd.s32 $0xFFFFD800  }
0x218: {  	[spmem:s1] =	stream.indirect.scatter.add.f32 [tilespmem:s16], [sflag:$0x6], $0x80, s9, s14, $0xb8;
	[tilespmem:$0x1F880] =	vst v63  }
0x219: {  	_ =	swait.ge [sflag:s21], $0x2800  }
0x21a: {  	[sflag:s21] =	ssyncset.done $0x0  }
0x21b: {  	s10 =	rddreg [dreg:$0x9];
	[sflag:s21] =	ssyncadd.s32 $0xFFFFD800  }
0x21c: {  	[spmem:s1] =	stream.indirect.scatter.add.f32 [tilespmem:s17], [sflag:$0x7], $0x80, s10, s14, $0xb8;
	[tilespmem:$0x1F880] =	vst v63  }
0x21d: {  	_ =	swait.ge [sflag:s22], $0x2800  }
0x21e: {  	[sflag:s22] =	ssyncset.done $0x0  }
0x21f: {  	s12 =	rddreg [dreg:$0xa];
	[sflag:s22] =	ssyncadd.s32 $0xFFFFD800  }
0x220: {  	[spmem:s1] =	stream.indirect.scatter.add.f32 [tilespmem:s18], [sflag:$0x8], $0x80, s12, s14, $0xb8;
	[tilespmem:$0x1F880] =	vst v63  }
0x221: {  	_ =	swait.ge [sflag:s23], $0x2800  }
0x222: {  	[sflag:s23] =	ssyncset.done $0x0  }
0x223: {  	s9 =	rddreg [dreg:$0xb];
	[sflag:s23] =	ssyncadd.s32 $0xFFFFD800  }
0x224: {  	[tilespmem:s15], [sflag:$0x1] =	stream.indirect.gather [hbm4b:s3+s14], $0x80, s9, s14, $0xb8;
	[tilespmem:$0x1F880] =	vst v63  }
0x225: {  	_ =	swait.ge [sflag:s24], $0x2800  }
0x226: {  	[sflag:s24] =	ssyncset.done $0x0  }
0x227: {  	s10 =	rddreg [dreg:$0xc];
	[sflag:s24] =	ssyncadd.s32 $0xFFFFD800  }
0x228: {  	[tilespmem:s16], [sflag:$0x2] =	stream.indirect.gather [hbm4b:s3+s14], $0x80, s10, s14, $0xb8;
	[tilespmem:$0x1F880] =	vst v63  }
0x229: {  	_ =	swait.ge [sflag:s25], $0x2800  }
0x22a: {  	[sflag:s25] =	ssyncset.done $0x0  }
0x22b: {  	s12 =	rddreg [dreg:$0xd];
	[sflag:s25] =	ssyncadd.s32 $0xFFFFD800  }
0x22c: {  	[tilespmem:s17], [sflag:$0x3] =	stream.indirect.gather [hbm4b:s3+s14], $0x80, s12, s14, $0xb8;
	[tilespmem:$0x1F880] =	vst v63  }
0x22d: {  	_ =	swait.ge [sflag:s26], $0x2800  }
0x22e: {  	[sflag:s26] =	ssyncset.done $0x0  }
0x22f: {  	s9 =	rddreg [dreg:$0xe];
	[sflag:s26] =	ssyncadd.s32 $0xFFFFD800  }
0x230: {  	[tilespmem:s18], [sflag:$0x4] =	stream.indirect.gather [hbm4b:s3+s14], $0x80, s9, s14, $0xb8;
	[tilespmem:$0x1F880] =	vst v63  }
0x231: {  	_ =	swait.ge [sflag:s19], $0x2800  }
0x232: {  	[sflag:s19] =	ssyncset.done $0x0  }
0x233: {  	s10 =	rddreg [dreg:$0xf];
	[sflag:s19] =	ssyncadd.s32 $0xFFFFD800  }
0x234: {  	[spmem:s1] =	stream.indirect.scatter.add.f32 [tilespmem:s15], [sflag:$0x5], $0x80, s10, s14, $0xb8;
	[tilespmem:$0x1F880] =	vst v63  }
0x235: {  	_ =	swait.ge [sflag:s20], $0x2800  }
0x236: {  	[sflag:s20] =	ssyncset.done $0x0  }
0x237: {  	s12 =	rddreg [dreg:$0x10];
	[sflag:s20] =	ssyncadd.s32 $0xFFFFD800  }
0x238: {  	[spmem:s1] =	stream.indirect.scatter.add.f32 [tilespmem:s16], [sflag:$0x6], $0x80, s12, s14, $0xb8;
	[tilespmem:$0x1F880] =	vst v63  }
0x239: {  	_ =	swait.ge [sflag:s21], $0x2800  }
0x23a: {  	[sflag:s21] =	ssyncset.done $0x0  }
0x23b: {  	s9 =	rddreg [dreg:$0x11];
	[sflag:s21] =	ssyncadd.s32 $0xFFFFD800  }
0x23c: {  	[spmem:s1] =	stream.indirect.scatter.add.f32 [tilespmem:s17], [sflag:$0x7], $0x80, s9, s14, $0xb8;
	[tilespmem:$0x1F880] =	vst v63  }
0x23d: {  	_ =	swait.ge [sflag:s22], $0x2800  }
0x23e: {  	[sflag:s22] =	ssyncset.done $0x0  }
0x23f: {  	s10 =	rddreg [dreg:$0x12];
	[sflag:s22] =	ssyncadd.s32 $0xFFFFD800  }
0x240: {  	[spmem:s1] =	stream.indirect.scatter.add.f32 [tilespmem:s18], [sflag:$0x8], $0x80, s10, s14, $0xb8;
	[tilespmem:$0x1F880] =	vst v63  }
0x241: {  	_ =	swait.ge [sflag:s23], $0x2800  }
0x242: {  	[sflag:s23] =	ssyncset.done $0x0  }
0x243: {  	s12 =	rddreg [dreg:$0x13];
	[sflag:s23] =	ssyncadd.s32 $0xFFFFD800  }
0x244: {  	[tilespmem:s15], [sflag:$0x1] =	stream.indirect.gather [hbm4b:s3+s14], $0x80, s12, s14, $0xb8;
	[tilespmem:$0x1F880] =	vst v63  }
0x245: {  	_ =	swait.ge [sflag:s24], $0x2800  }
0x246: {  	[sflag:s24] =	ssyncset.done $0x0  }
0x247: {  	s9 =	rddreg [dreg:$0x14];
	[sflag:s24] =	ssyncadd.s32 $0xFFFFD800  }
0x248: {  	[tilespmem:s16], [sflag:$0x2] =	stream.indirect.gather [hbm4b:s3+s14], $0x80, s9, s14, $0xb8;
	[tilespmem:$0x1F880] =	vst v63  }
0x249: {  	_ =	swait.ge [sflag:s25], $0x2800  }
0x24a: {  	[sflag:s25] =	ssyncset.done $0x0  }
0x24b: {  	s10 =	rddreg [dreg:$0x15];
	[sflag:s25] =	ssyncadd.s32 $0xFFFFD800  }
0x24c: {  	[tilespmem:s17], [sflag:$0x3] =	stream.indirect.gather [hbm4b:s3+s14], $0x80, s10, s14, $0xb8;
	[tilespmem:$0x1F880] =	vst v63  }
0x24d: {  	_ =	swait.ge [sflag:s26], $0x2800  }
0x24e: {  	[sflag:s26] =	ssyncset.done $0x0  }
0x24f: {  	s12 =	rddreg [dreg:$0x16];
	[sflag:s26] =	ssyncadd.s32 $0xFFFFD800  }
0x250: {  	[tilespmem:s18], [sflag:$0x4] =	stream.indirect.gather [hbm4b:s3+s14], $0x80, s12, s14, $0xb8;
	[tilespmem:$0x1F880] =	vst v63  }
0x251: {  	_ =	swait.ge [sflag:s19], $0x2800  }
0x252: {  	[sflag:s19] =	ssyncset.done $0x0  }
0x253: {  	s9 =	rddreg [dreg:$0x17];
	[sflag:s19] =	ssyncadd.s32 $0xFFFFD800  }
0x254: {  	[spmem:s1] =	stream.indirect.scatter.add.f32 [tilespmem:s15], [sflag:$0x5], $0x80, s9, s14, $0xb8;
	[tilespmem:$0x1F880] =	vst v63  }
0x255: {  	_ =	swait.ge [sflag:s20], $0x2800  }
0x256: {  	[sflag:s20] =	ssyncset.done $0x0  }
0x257: {  	s10 =	rddreg [dreg:$0x18];
	[sflag:s20] =	ssyncadd.s32 $0xFFFFD800  }
0x258: {  	[spmem:s1] =	stream.indirect.scatter.add.f32 [tilespmem:s16], [sflag:$0x6], $0x80, s10, s14, $0xb8;
	[tilespmem:$0x1F880] =	vst v63  }
0x259: {  	_ =	swait.ge [sflag:s21], $0x2800  }
0x25a: {  	[sflag:s21] =	ssyncset.done $0x0  }
0x25b: {  	s12 =	rddreg [dreg:$0x19];
	[sflag:s21] =	ssyncadd.s32 $0xFFFFD800  }
0x25c: {  	[spmem:s1] =	stream.indirect.scatter.add.f32 [tilespmem:s17], [sflag:$0x7], $0x80, s12, s14, $0xb8;
	[tilespmem:$0x1F880] =	vst v63  }
0x25d: {  	_ =	swait.ge [sflag:s22], $0x2800  }
0x25e: {  	[sflag:s22] =	ssyncset.done $0x0  }
0x25f: {  	s9 =	rddreg [dreg:$0x1a];
	[sflag:s22] =	ssyncadd.s32 $0xFFFFD800  }
0x260: {  	[spmem:s1] =	stream.indirect.scatter.add.f32 [tilespmem:s18], [sflag:$0x8], $0x80, s9, s14, $0xb8;
	[tilespmem:$0x1F880] =	vst v63  }
0x261: {  	_ =	swait.ge [sflag:s23], $0x2800  }
0x262: {  	[sflag:s23] =	ssyncset.done $0x0  }
0x263: {  	s10 =	rddreg [dreg:$0x1b];
	[sflag:s23] =	ssyncadd.s32 $0xFFFFD800  }
0x264: {  	[tilespmem:s15], [sflag:$0x1] =	stream.indirect.gather [hbm4b:s3+s14], $0x80, s10, s14, $0xb8;
	[tilespmem:$0x1F880] =	vst v63  }
0x265: {  	_ =	swait.ge [sflag:s24], $0x2800  }
0x266: {  	[sflag:s24] =	ssyncset.done $0x0  }
0x267: {  	s12 =	rddreg [dreg:$0x1c];
	[sflag:s24] =	ssyncadd.s32 $0xFFFFD800  }
0x268: {  	[tilespmem:s16], [sflag:$0x2] =	stream.indirect.gather [hbm4b:s3+s14], $0x80, s12, s14, $0xb8;
	[tilespmem:$0x1F880] =	vst v63  }
0x269: {  	_ =	swait.ge [sflag:s25], $0x2800  }
0x26a: {  	[sflag:s25] =	ssyncset.done $0x0  }
0x26b: {  	s9 =	rddreg [dreg:$0x1d];
	[sflag:s25] =	ssyncadd.s32 $0xFFFFD800  }
0x26c: {  	[tilespmem:s17], [sflag:$0x3] =	stream.indirect.gather [hbm4b:s3+s14], $0x80, s9, s14, $0xb8;
	[tilespmem:$0x1F880] =	vst v63  }
0x26d: {  	_ =	swait.ge [sflag:s26], $0x2800  }
0x26e: {  	[sflag:s26] =	ssyncset.done $0x0  }
0x26f: {  	s10 =	rddreg [dreg:$0x1e];
	[sflag:s26] =	ssyncadd.s32 $0xFFFFD800  }
0x270: {  	[tilespmem:s18], [sflag:$0x4] =	stream.indirect.gather [hbm4b:s3+s14], $0x80, s10, s14, $0xb8;
	[tilespmem:$0x1F880] =	vst v63  }
0x271: {  	_ =	swait.ge [sflag:s19], $0x2800  }
0x272: {  	[sflag:s19] =	ssyncset.done $0x0  }
0x273: {  	s12 =	rddreg [dreg:$0x1f];
	[sflag:s19] =	ssyncadd.s32 $0xFFFFD800  }
0x274: {  	[spmem:s1] =	stream.indirect.scatter.add.f32 [tilespmem:s15], [sflag:$0x5], $0x80, s12, s14, $0xb8;
	[tilespmem:$0x1F880] =	vst v63  }
0x275: {  	_ =	swait.ge [sflag:s20], $0x2800  }
0x276: {  	s9 =	sld [smem:$0x7EE]  }
0x277: {  	[sflag:s20] =	ssyncset.done $0x0  }
0x278: {  	[sflag:s20] =	ssyncadd.s32 $0xFFFFD800  }
0x279: {  	[spmem:s1] =	stream.indirect.scatter.add.f32 [tilespmem:s16], [sflag:$0x6], $0x80, s9, s14, $0xb8;
	[tilespmem:$0x1F880] =	vst v63  }
0x27a: {  	_ =	swait.ge [sflag:s21], $0x2800  }
0x27b: {  	s10 =	sld [smem:$0x7EF]  }
0x27c: {  	[sflag:s21] =	ssyncset.done $0x0  }
0x27d: {  	[sflag:s21] =	ssyncadd.s32 $0xFFFFD800  }
0x27e: {  	[spmem:s1] =	stream.indirect.scatter.add.f32 [tilespmem:s17], [sflag:$0x7], $0x80, s10, s14, $0xb8;
	[tilespmem:$0x1F880] =	vst v63  }
0x27f: {  	_ =	swait.ge [sflag:s22], $0x2800  }
0x280: {  	s12 =	sld [smem:$0x7F0]  }
0x281: {  	[sflag:s22] =	ssyncset.done $0x0  }
0x282: {  	[sflag:s22] =	ssyncadd.s32 $0xFFFFD800  }
0x283: {  	[spmem:s1] =	stream.indirect.scatter.add.f32 [tilespmem:s18], [sflag:$0x8], $0x80, s12, s14, $0xb8;
	[tilespmem:$0x1F880] =	vst v63  }
0x284: {  	_ =	swait.ge [sflag:s23], $0x2800  }
0x285: {  	s9 =	sld [smem:$0x7F1]  }
0x286: {  	[sflag:s23] =	ssyncset.done $0x0  }
0x287: {  	[sflag:s23] =	ssyncadd.s32 $0xFFFFD800  }
0x288: {  	[tilespmem:s15], [sflag:$0x1] =	stream.indirect.gather [hbm4b:s3+s14], $0x80, s9, s14, $0xb8;
	[tilespmem:$0x1F880] =	vst v63  }
0x289: {  	_ =	swait.ge [sflag:s24], $0x2800  }
0x28a: {  	s10 =	sld [smem:$0x7F2]  }
0x28b: {  	[sflag:s24] =	ssyncset.done $0x0  }
0x28c: {  	[sflag:s24] =	ssyncadd.s32 $0xFFFFD800  }
0x28d: {  	[tilespmem:s16], [sflag:$0x2] =	stream.indirect.gather [hbm4b:s3+s14], $0x80, s10, s14, $0xb8;
	[tilespmem:$0x1F880] =	vst v63  }
0x28e: {  	_ =	swait.ge [sflag:s25], $0x2800  }
0x28f: {  	s12 =	sld [smem:$0x7F3]  }
0x290: {  	[sflag:s25] =	ssyncset.done $0x0  }
0x291: {  	[sflag:s25] =	ssyncadd.s32 $0xFFFFD800  }
0x292: {  	[tilespmem:s17], [sflag:$0x3] =	stream.indirect.gather [hbm4b:s3+s14], $0x80, s12, s14, $0xb8;
	[tilespmem:$0x1F880] =	vst v63  }
0x293: {  	_ =	swait.ge [sflag:s26], $0x2800  }
0x294: {  	s9 =	sld [smem:$0x7F4]  }
0x295: {  	[sflag:s26] =	ssyncset.done $0x0  }
0x296: {  	[sflag:s26] =	ssyncadd.s32 $0xFFFFD800  }
0x297: {  	[tilespmem:s18], [sflag:$0x4] =	stream.indirect.gather [hbm4b:s3+s14], $0x80, s9, s14, $0xb8;
	[tilespmem:$0x1F880] =	vst v63  }
0x298: {  	_ =	swait.ge [sflag:s19], $0x2800  }
0x299: {  	s10 =	sld [smem:$0x7F5]  }
0x29a: {  	[sflag:s19] =	ssyncset.done $0x0  }
0x29b: {  	[sflag:s19] =	ssyncadd.s32 $0xFFFFD800  }
0x29c: {  	[spmem:s1] =	stream.indirect.scatter.add.f32 [tilespmem:s15], [sflag:$0x5], $0x80, s10, s14, $0xb8;
	[tilespmem:$0x1F880] =	vst v63  }
0x29d: {  	_ =	swait.ge [sflag:s20], $0x2800  }
0x29e: {  	s12 =	sld [smem:$0x7F6]  }
0x29f: {  	[sflag:s20] =	ssyncset.done $0x0  }
0x2a0: {  	[sflag:s20] =	ssyncadd.s32 $0xFFFFD800  }
0x2a1: {  	[spmem:s1] =	stream.indirect.scatter.add.f32 [tilespmem:s16], [sflag:$0x6], $0x80, s12, s14, $0xb8;
	[tilespmem:$0x1F880] =	vst v63  }
0x2a2: {  	_ =	swait.ge [sflag:s21], $0x2800  }
0x2a3: {  	s9 =	sld [smem:$0x7F7]  }
0x2a4: {  	[sflag:s21] =	ssyncset.done $0x0  }
0x2a5: {  	[sflag:s21] =	ssyncadd.s32 $0xFFFFD800  }
0x2a6: {  	[spmem:s1] =	stream.indirect.scatter.add.f32 [tilespmem:s17], [sflag:$0x7], $0x80, s9, s14, $0xb8;
	[tilespmem:$0x1F880] =	vst v63  }
0x2a7: {  	_ =	swait.ge [sflag:s22], $0x2800  }
0x2a8: {  	s10 =	sld [smem:$0x7F8]  }
0x2a9: {  	[sflag:s22] =	ssyncset.done $0x0  }
0x2aa: {  	[sflag:s22] =	ssyncadd.s32 $0xFFFFD800  }
0x2ab: {  	[spmem:s1] =	stream.indirect.scatter.add.f32 [tilespmem:s18], [sflag:$0x8], $0x80, s10, s14, $0xb8;
	[tilespmem:$0x1F880] =	vst v63  }
0x2ac: {  	_ =	swait.ge [sflag:s23], $0x2800  }
0x2ad: {  	s12 =	sld [smem:$0x7F9]  }
0x2ae: {  	[sflag:s23] =	ssyncset.done $0x0  }
0x2af: {  	[sflag:s23] =	ssyncadd.s32 $0xFFFFD800  }
0x2b0: {  	[tilespmem:s15], [sflag:$0x1] =	stream.indirect.gather [hbm4b:s3+s14], $0x80, s12, s14, $0xb8;
	[tilespmem:$0x1F880] =	vst v63  }
0x2b1: {  	_ =	swait.ge [sflag:s24], $0x2800  }
0x2b2: {  	[sflag:s24] =	ssyncset.done $0x0  }
0x2b3: {  	[sflag:s24] =	ssyncadd.s32 $0xFFFFD800  }
0x2b4: {  	[tilespmem:s16], [sflag:$0x2] =	stream.indirect.gather [hbm4b:s3+s14], $0x80, s28, s14, $0xb8;
	[tilespmem:$0x1F880] =	vst v63  }
0x2b5: {  	_ =	swait.ge [sflag:s25], $0x2800  }
0x2b6: {  	[sflag:s25] =	ssyncset.done $0x0  }
0x2b7: {  	[sflag:s25] =	ssyncadd.s32 $0xFFFFD800  }
0x2b8: {  	[tilespmem:s17], [sflag:$0x3] =	stream.indirect.gather [hbm4b:s3+s14], $0x80, s29, s14, $0xb8;
	[tilespmem:$0x1F880] =	vst v63  }
0x2b9: {  	_ =	swait.ge [sflag:s26], $0x2800  }
0x2ba: {  	[sflag:s26] =	ssyncset.done $0x0  }
0x2bb: {  	[sflag:s26] =	ssyncadd.s32 $0xFFFFD800  }
0x2bc: {  	[tilespmem:s18], [sflag:$0x4] =	stream.indirect.gather [hbm4b:s3+s14], $0x80, s30, s14, $0xb8;
	[tilespmem:$0x1F880] =	vst v63  }
0x2bd: {  	_ =	swait.ge [sflag:s19], $0x2800  }
0x2be: {  	[sflag:s19] =	ssyncset.done $0x0  }
0x2bf: {  	[sflag:s19] =	ssyncadd.s32 $0xFFFFD800  }
0x2c0: {  	[spmem:s1] =	stream.indirect.scatter.add.f32 [tilespmem:s15], [sflag:$0x5], $0x80, s31, s14, $0xb8;
	[tilespmem:$0x1F880] =	vst v63  }
0x2c1: {  	_ =	swait.ge [sflag:s20], $0x2800  }
0x2c2: {  	[sflag:s20] =	ssyncset.done $0x0  }
0x2c3: {  	[sflag:s20] =	ssyncadd.s32 $0xFFFFD800  }
0x2c4: {  	[spmem:s1] =	stream.indirect.scatter.add.f32 [tilespmem:s16], [sflag:$0x6], $0x80, s0, s14, $0xb8;
	[tilespmem:$0x1F880] =	vst v63  }
0x2c5: {  	_ =	swait.ge [sflag:s21], $0x2800  }
0x2c6: {  	[sflag:s21] =	ssyncset.done $0x0  }
0x2c7: {  	[sflag:s21] =	ssyncadd.s32 $0xFFFFD800  }
0x2c8: {  	[spmem:s1] =	stream.indirect.scatter.add.f32 [tilespmem:s17], [sflag:$0x7], $0x80, s4, s14, $0xb8;
	[tilespmem:$0x1F880] =	vst v63  }
0x2c9: {  	_ =	swait.ge [sflag:s22], $0x2800  }
0x2ca: {  	[sflag:s22] =	ssyncset.done $0x0  }
0x2cb: {  	[sflag:s22] =	ssyncadd.s32 $0xFFFFD800  }
0x2cc: {  	[spmem:s1] =	stream.indirect.scatter.add.f32 [tilespmem:s18], [sflag:$0x8], $0x80, s6, s14, $0xb8;
	[tilespmem:$0x1F880] =	vst v63  }
0x2cd: {  	_ =	swait.ge [sflag:s23], $0x2800  }
0x2ce: {  	[sflag:s23] =	ssyncset.done $0x0  }
0x2cf: {  	[sflag:s23] =	ssyncadd.s32 $0xFFFFD800  }
0x2d0: {  	_ =	swait.ge [sflag:s24], $0x2800  }
0x2d1: {  	[sflag:s24] =	ssyncset.done $0x0  }
0x2d2: {  	[sflag:s24] =	ssyncadd.s32 $0xFFFFD800  }
0x2d3: {  	_ =	swait.ge [sflag:s25], $0x2800  }
0x2d4: {  	[sflag:s25] =	ssyncset.done $0x0  }
0x2d5: {  	[sflag:s25] =	ssyncadd.s32 $0xFFFFD800  }
0x2d6: {  	_ =	swait.ge [sflag:s26], $0x2800  }
0x2d7: {  	[sflag:s26] =	ssyncset.done $0x0  }
0x2d8: {  	[sflag:s26] =	ssyncadd.s32 $0xFFFFD800  }
0x2d9: {  	[tilespmem:s15], [sflag:$0x1] =	stream.indirect.gather [hbm4b:s3+s14], $0x80, s7, s14, $0xb8;
	[tilespmem:$0x1F880] =	vst v63  }
0x2da: {  	_ =	swait.ge [sflag:s19], $0x2800  }
0x2db: {  	[sflag:s19] =	ssyncset.done $0x0  }
0x2dc: {  	[sflag:s19] =	ssyncadd.s32 $0xFFFFD800  }
0x2dd: {  	[spmem:s1] =	stream.indirect.scatter.add.f32 [tilespmem:s15], [sflag:$0x5], $0x80, s8, s14, $0xb8;
	[tilespmem:$0x1F880] =	vst v63  }
0x2de: {  	_ =	swait.ge [sflag:s23], $0x2800  }
0x2df: {  	[sflag:s23] =	ssyncset.done $0x0  }
0x2e0: {  	[sflag:s23] =	ssyncadd.s32 $0xFFFFD800  }
0x2e1: {  	[bflag:$0x0] =	sbarrier.arrive $0xFFFF  }
0x2e2: {  	s12 =	sld [smem:$0x7FB]  }
0x2e3: {  	s9 =	sld [smem:$0x7EB]  }
0x2e4: {  	s10 =	sld [smem:$0x7FC];
	_ =	sdelay $0x2  }
0x2e5: {  	[hbm:s9], [sflag:s12] =	dma.local [spmem:s10], $0x2700  }
0x2e6: {  	_ =	swait.ge [sflag:s11], $0x2700  }
0x2e7: {  	s5 =	sld [smem:$0x7EC]  }
0x2e8: {  	s10 =	sld [smem:$0x7FD]  }
0x2e9: {  	[sflag:s11] =	ssyncset.done $0x0  }
0x2ea: {  	s9 =	simm.s32 @!p0 $0x9;
	[sflag:s11] =	ssyncadd.s32 $0xFFFFD900  }
0x2eb: {  	[hbm:s5], [sflag:s12] =	dma.local @!p0 [spmem:s10], $0x100  }
0x2ec: {  	_ =	swait.ge @!p0 [sflag:s9], $0x100  }
0x2ed: {  	s5 =	sld [smem:$0x7FA]  }
0x2ee: {  	[sflag:s9] =	ssyncset.done @!p0 $0x0;
	s9 =	sld [smem:$0x7ED];
	_ =	sdelay $0x1  }
0x2ef: {  	s5 =	sadd.s32 $0x1, s5  }
0x2f0: {  	p1 =	sne.s32 s5, s9  }
.Ltmp1:
0x2f1: {  	_ = 	snop;
	(pc) =	sbr.rel @p1 .LBB2_1-.Ltmp1, $3  }
0x2f2: {  	_ =	sdelay $0x1  }
0x2f3: {  	[smem:$0x7FA] =	sst s5;
	s5 =	simm.s32 @!p0 $0x9  }
0x2f4: {  	s9 =	smov.u32 s10;
	s10 =	sld [smem:$0x7FC];
	[sflag:s5] =	ssyncadd.s32 @!p0 $0xFFFFFF00  }
0x2f5: {  	_ =	sfence.sel $0x180000  }
0x2f6: {  	[bflag:$0x0] =	sbarrier.arrive $0xFFFF  }
0x2f7: {  	_ =	strace $0x9000004A  }
0x2f8: {  	[bflag:$0x2] =	sbarrier.arrive $0xFFFF  }
0x2f9: {  	s0 =	rddreg [dreg:$0x2]  }
0x2fa: {  	s0 =	sadd.s32 @!p0 $0x100000, s0  }
0x2fb: {  	[sflag:s0] =	ssyncadd.tile.s32 @!p0 $0x1;
	_ =	shalt  }
.Lfunc_end2:
_tile_overlayer_lowered:
.L_overlay_start_2:
0x2fc: {  	(tag) =	ssettag $0x2  }
0x2fd: {  	s0 =	rddreg [dreg:$0x0];
	s2 =	stileid.u32  }
0x2fe: {  	s1 =	rddreg [dreg:$0x1];
	p0 =	sne.s32 s2, $0x0  }
0x2ff: {  	s3 =	rddreg [dreg:$0x2];
	[bflag:$0x3] =	sbarrier.arrive $0xFFFF;
	s2 =	simm.s32 @!p0 $0x1C09  }
0x300: {  	[timem:s3], [sflag:s2] =	dma.local @!p0 [hbm:s0], s1  }
0x301: {  	s0 =	simm.s32 @!p0 $0x9  }
0x302: {  	_ =	swait.ge @!p0 [sflag:s0], s1  }
0x303: {  	s1 =	ssub.s32 @!p0 $0x0, s1;
	[sflag:s0] =	ssyncset.done @!p0 $0x0  }
0x304: {  	[sflag:s0] =	ssyncadd.s32 @!p0 s1  }
0x305: {  	[bflag:$0x3] =	sbarrier.arrive $0xFFFF  }
0x306: {  	_ =	shalt  }

// kernel: kernel.16.cloned.1.call-start
scs
__scs_entry_jumppad:
0x0: {  	(pc) =	sbr.rel $0x88, $3  }
0x1: {  	(tag) =	ssettag $0x0;
	lr =	simm.s32 $0x1  }
0x2: {  	[smem:$0x3F91] =	sst lr;
	_ =	strace $0xD0000000  }
0x3: {  	_ = 	snop  }
0x4: {  	_ = 	snop  }
0x5: {  	_ = 	snop  }
0x6: {  	_ = 	snop  }
0x7: {  	_ = 	snop  }
__scs_overlays_trampoline_lowered:
0x8: {  	[smem:$0x3FA0] =	sst s0  }
0x9: {  	[smem:$0x3FA1] =	sst s1  }
0xa: {  	[smem:$0x3FA2] =	sst s2  }
0xb: {  	[smem:$0x3FA3] =	sst s3  }
0xc: {  	[smem:$0x3FA4] =	sst s4  }
0xd: {  	[smem:$0x3FA5] =	sst s5  }
0xe: {  	[smem:$0x3FA6] =	sst s6  }
0xf: {  	[smem:$0x3FA7] =	sst s7  }
0x10: {  	[smem:$0x3FA8] =	sst s8  }
0x11: {  	[smem:$0x3FA9] =	sst s9;
	s0 =	simm.s32 @!p0 $0x0  }
0x12: {  	s1 =	sld [smem:$0x3F8F];
	s0 =	simm.s32 @p0 $0x1  }
0x13: {  	[smem:$0x3FAA] =	sst s0;
	s0 =	simm.s32 @!p1 $0x0  }
0x14: {  	s2 =	sld [smem:$0x3F8E];
	s0 =	simm.s32 @p1 $0x1  }
0x15: {  	[smem:$0x3FAB] =	sst s0;
	s0 =	simm.s32 @!p2 $0x0  }
0x16: {  	s3 =	sld [smem:$0x3FDB];
	s0 =	simm.s32 @p2 $0x1  }
0x17: {  	s4 =	simm.s32 $0x1BF5;
	[smem:$0x3FAD] =	sst s0  }
0x18: {  	s0 =	sld [smem:$0x3F90];
	_ =	swait.ge [sflag:s4], $0x0  }
0x19: {  	s7 =	sld [smem:$0x3F91]  }
0x1a: {  	s8 =	sadd.s32 $0xFFFFE003, lr  }
0x1b: {  	s9 =	sadd.s32 $0xFFFFFEF7, lr;
	s5 =	simm.s32 $0xFFFFFFFF;
	p2 =	slt.u32 s8, $0xFFFFF086  }
0x1c: {  	p1 =	slt.u32 s9, $0xF7A;
	s5 =	simm.s32 @!p2 $0x0  }
0x1d: {  	s5 =	simm.s32 @p1 $0x1;
	p0 =	seq.s32 s7, s2  }
0x1e: {  	s7 =	smul.u32 @!p0 $0xF7A, s2;
	p2 =	seq.s32 @!p0 s5, $0x0  }
0x1f: {  	s9 =	smul.u32 $0xF7A, s1;
	s8 =	simm.s32 @!p0 $0x1BF5;
	p2 =	por !p2, p0  }
0x20: {  	[sflag:s8] =	ssyncset.s32 @!p0 $0xFFFFF086;
	s6 =	sadd.s32 @!p0 s3, s7;
	s7 =	simm.s32 @!p0 $0x108  }
0x21: {  	s3 =	sadd.s32 s3, s9;
	s6 =	sadd.s32 @!p0 $0x88, s6;
	s7 =	simm.s32 @p2 $0x1082  }
0x22: {  	[simem:s7], [sflag:s8] =	dma.local @!p0 [hbm:s6], $0xF7A  }
0x23: {  	s9 =	sor.u32 $0xD0000000, s2;
	s6 =	simm.s32 $0x108;
	_ =	swait.ge @!p0 [sflag:s8], $0x0  }
0x24: {  	s3 =	sadd.s32 $0x88, s3;
	s6 =	simm.s32 @!p1 $0x1082;
	[sflag:s4] =	ssyncset.s32 $0xFFFFF086  }
0x25: {  	[simem:s6], [sflag:s4] =	dma.local [hbm:s3], $0xF7A  }
0x26: {  	[smem:$0x3F91] =	sst s1;
	(tag) =	ssettag s2;
	_ =	strace s9  }
0x27: {  	s1 =	sld [smem:$0x3FA1]  }
0x28: {  	s2 =	sld [smem:$0x3FA2]  }
0x29: {  	s4 =	sld [smem:$0x3FA4]  }
0x2a: {  	p0 =	seq.s32 s5, $0x0;
	s5 =	sld [smem:$0x3FA5]  }
0x2b: {  	s6 =	sld [smem:$0x3FA6]  }
0x2c: {  	s7 =	sld [smem:$0x3FA7]  }
0x2d: {  	s3 =	simm.s32 $0x108;
	s8 =	sld [smem:$0x3FA8]  }
0x2e: {  	s3 =	simm.s32 @!p0 $0x1082;
	s9 =	sld [smem:$0x3FA9]  }
0x2f: {  	lr =	sadd.s32 s0, s3;
	s0 =	sld [smem:$0x3FA0]  }
0x30: {  	s3 =	sld [smem:$0x3FA3]  }
0x31: {  	[smem:$0x3FAC] =	sst s10  }
0x32: {  	s10 =	sld [smem:$0x3FAA];
	_ =	sdelay $0x3  }
0x33: {  	p0 =	seq.s32 s10, $0x1;
	s10 =	sld [smem:$0x3FAC];
	_ =	sdelay $0x3  }
0x34: {  	[smem:$0x3FAC] =	sst s10  }
0x35: {  	s10 =	sld [smem:$0x3FAB];
	_ =	sdelay $0x3  }
0x36: {  	p1 =	seq.s32 s10, $0x1;
	s10 =	sld [smem:$0x3FAC];
	_ =	sdelay $0x3  }
0x37: {  	[smem:$0x3FAC] =	sst s10  }
0x38: {  	s10 =	sld [smem:$0x3FAD]  }
0x39: {  	_ = 	snop;
	(pc) =	sbr.ind lr, $3  }
0x3a: {  	_ = 	snop  }
0x3b: {  	_ = 	snop  }
0x3c: {  	p2 =	seq.s32 s10, $0x1;
	s10 =	sld [smem:$0x3FAC]  }
0x3d: {  	_ =	shalt  }
0x3e: {  	_ =	shalt  }
0x3f: {  	_ =	shalt  }
0x40: {  	_ =	shalt  }
0x41: {  	_ =	shalt  }
0x42: {  	_ =	shalt  }
0x43: {  	_ =	shalt  }
0x44: {  	_ =	shalt  }
0x45: {  	_ =	shalt  }
0x46: {  	_ =	shalt  }
0x47: {  	_ =	shalt  }
0x48: {  	_ =	shalt  }
0x49: {  	_ =	shalt  }
0x4a: {  	_ =	shalt  }
0x4b: {  	_ =	shalt  }
0x4c: {  	_ =	shalt  }
0x4d: {  	_ =	shalt  }
0x4e: {  	_ =	shalt  }
0x4f: {  	_ =	shalt  }
0x50: {  	_ =	shalt  }
0x51: {  	_ =	shalt  }
0x52: {  	_ =	shalt  }
0x53: {  	_ =	shalt  }
0x54: {  	_ =	shalt  }
0x55: {  	_ =	shalt  }
0x56: {  	_ =	shalt  }
0x57: {  	_ =	shalt  }
0x58: {  	_ =	shalt  }
0x59: {  	_ =	shalt  }
0x5a: {  	_ =	shalt  }
0x5b: {  	_ =	shalt  }
0x5c: {  	_ =	shalt  }
0x5d: {  	_ =	shalt  }
0x5e: {  	_ =	shalt  }
0x5f: {  	_ =	shalt  }
0x60: {  	_ =	shalt  }
0x61: {  	_ =	shalt  }
0x62: {  	_ =	shalt  }
0x63: {  	_ =	shalt  }
0x64: {  	_ =	shalt  }
0x65: {  	_ =	shalt  }
0x66: {  	_ =	shalt  }
0x67: {  	_ =	shalt  }
0x68: {  	_ =	shalt  }
0x69: {  	_ =	shalt  }
0x6a: {  	_ =	shalt  }
0x6b: {  	_ =	shalt  }
0x6c: {  	_ =	shalt  }
0x6d: {  	_ =	shalt  }
0x6e: {  	_ =	shalt  }
0x6f: {  	_ =	shalt  }
0x70: {  	_ =	shalt  }
0x71: {  	_ =	shalt  }
0x72: {  	_ =	shalt  }
0x73: {  	_ =	shalt  }
0x74: {  	_ =	shalt  }
0x75: {  	_ =	shalt  }
0x76: {  	_ =	shalt  }
0x77: {  	_ =	shalt  }
0x78: {  	_ =	shalt  }
0x79: {  	_ =	shalt  }
0x7a: {  	_ =	shalt  }
0x7b: {  	_ =	shalt  }
0x7c: {  	_ =	shalt  }
0x7d: {  	_ =	shalt  }
0x7e: {  	_ =	shalt  }
0x7f: {  	_ =	shalt  }
0x80: {  	_ =	shalt  }
0x81: {  	_ =	shalt  }
0x82: {  	_ =	shalt  }
0x83: {  	_ =	shalt  }
0x84: {  	_ =	shalt  }
0x85: {  	_ =	shalt  }
0x86: {  	_ =	shalt  }
0x87: {  	_ =	shalt  }
.Lfunc_end0:
.L_simem_size_0:
called_computation.2_lowered:
.L_overlay_start_0:
0x88: {  	s2 =	sld [smem:$0x3FD9]  }
0x89: {  	s3 =	sld [smem:$0x3FFE];
	_ =	sdelay $0x1  }
0x8a: {  	s1 =	srdreg.scid  }
0x8b: {  	s0 =	sand.u32 $0x1, s1  }
0x8c: {  	s16 =	sshll.u32 s0, $0xA;
	s2 =	sadd.s32 s3, s2  }
0x8d: {  	s2 =	sadd.s32 s2, s16  }
0x8e: {  	[smem:$0x3FB8] =	sst s2  }
0x8f: {  	_ = 	snop  }
0x90: {  	(tm) =	ssettm $0x1  }
0x91: {  	s17 =	sld [smem:$0x3FFB];
	_ =	sdelay $0x3  }
0x92: {  	_ =	strace s17  }
0x93: {  	s2 =	sld [smem:$0x3FFC];
	_ =	sdelay $0x3  }
0x94: {  	_ =	strace s2  }
0x95: {  	s2 =	sld [smem:$0x3FFD];
	_ =	sdelay $0x3  }
0x96: {  	_ =	strace s2  }
0x97: {  	_ =	strace $0x8FFFFFFF  }
0x98: {  	s18 =	sld [smem:$0x3FDB];
	_ =	sdelay $0x1  }
0x99: {  	s19 =	simm.s32 $_scs_section_size  }
0x9a: {  	s4 =	simm.s32 $_size__tile_overlayer_lowered;
	s5 =	simm.s32 $_tile_overlayer_lowered  }
0x9b: {  	s22 =	simm.s32 $0x1BFF;
	s21 =	sshll.u32 s5, $0x1;
	s2 =	sadd.s32 s19, s18  }
0x9c: {  	s6 =	simm.s32 $0x0;
	s20 =	sshll.u32 s4, $0x1;
	s4 =	sadd.s32 s21, s2  }
0x9d: {  	[timem:s6], [sflag:s22] =	dma.local [hbm:s4], s20  }
0x9e: {  	_ =	swait.ge [sflag:s22], s20  }
0x9f: {  	s3 =	ssub.s32 $0x0, s20;
	[sflag:s22] =	ssyncset.done $0x0  }
0xa0: {  	[sflag:s22] =	ssyncadd.s32 s3;
	_ =	sdelay $0x1  }
0xa1: {  	s23 =	simm.s32 $0x1B8B  }
0xa2: {  	_ =	swait.ge [sflag:s23], $0x1  }
0xa3: {  	[sflag:s23] =	ssyncset.done $0x0  }
0xa4: {  	s25 =	simm.s32 $0x1B8E;
	s24 =	sld [smem:$0x3FFE];
	[sflag:s23] =	ssyncadd.s32 $0xFFFFFFFF  }
0xa5: {  	s26 =	simm.s32 $execute0_lowered;
	[smem:$0x3FD2] =	sst s25  }
0xa6: {  	s4 =	sshll.u32 s26, $0x1;
	_ =	strace $0x8000004C;
	[dreg:$0x1] =	wrdreg $0xFFFFFFFF  }
0xa7: {  	s28 =	simm.s32 $_size_execute0_lowered;
	s2 =	sadd.s32 s2, s4;
	[dreg:$0x0] =	wrdreg $0x0  }
0xa8: {  	s4 =	sshll.u32 s28, $0x1;
	[dreg:$0x2] =	wrdreg s2  }
0xa9: {  	[dreg:$0x3] =	wrdreg s4  }
0xaa: {  	[dreg:$0x4] =	wrdreg $0xC0  }
0xab: {  	_ =	task [dreg:s6], $0x5FFFF  }
0xac: {  	[dreg:$0x1] =	wrdreg $0xFFFFFFFF  }
0xad: {  	[dreg:$0x0] =	wrdreg $0x60  }
0xae: {  	[dreg:$0x2] =	wrdreg s24  }
0xaf: {  	[dreg:$0x3] =	wrdreg $0xC0000  }
0xb0: {  	[dreg:$0x4] =	wrdreg $0x9  }
0xb1: {  	_ =	task.clear_ibuf [dreg:s6], $0x5FFFF;
	_ =	strace $0x9000004C  }
0xb2: {  	s29 =	simm.s32 $0x9;
	_ =	strace $0x8000004E  }
0xb3: {  	_ =	swait.ge [sflag:s29], $0x1  }
0xb4: {  	[sflag:s29] =	ssyncadd.s32 $0xFFFFFFFF  }
0xb5: {  	_ =	strace $0x9000004E  }
0xb6: {  	_ =	sfence  }
0xb7: {  	s30 =	sld [smem:$0x0];
	_ =	sdelay $0x2  }
0xb8: {  	s31 =	sshll.u32 s1, $0xD;
	s1 =	sshrl.u32 s1, $0x2  }
0xb9: {  	s3 =	sand.u32 $0x4000, s31;
	s1 =	sadd.s32 s1, s30  }
0xba: {  	s0 =	sor.u32 s3, s0;
	s1 =	sshll.u32 s1, $0x11  }
0xbb: {  	s0 =	sor.u32 s1, s0  }
0xbc: {  	s0 =	sadd.s32 $0x8F2B, s0  }
0xbd: {  	[sflag:s0] =	ssyncadd.remote.s32 $0x1  }
0xbe: {  	_ =	sfence.sel $0xFFFF  }
0xbf: {  	[dreg:$0x0] =	wrdreg $0xFFFFFFFF;
	(pc) =	sbr.abs _section_cstart, $3  }
0xc0: {  	[dreg:$0x1] =	wrdreg $0xFFFFFFFF  }
0xc1: {  	_ =	task.clear_ibuf [dreg:s6], $0x2FFFF;
	_ =	strace $0x9FFFFFFF  }
0xc2: {  	(tm) =	ssettm $0x7FFFFFFF  }
0xc3: {  	_ =	shalt  }
tec
execute0_lowered:
.L_overlay_start_1:
0x0: {  	(tag) =	ssettag $0x1  }
0x1: {  	s4 =	rddreg [dreg:$0x0]  }
0x2: {  	s1 =	rddreg [dreg:$0x1];
	s2 =	simm.s32 $0x0  }
0x3: {  	s0 =	stileid.u32;
	s15 =	simm.s32 $0x80;
	[smem:$0x7FF] =	sst s2  }
0x4: {  	s16 =	simm.s32 $0x100;
	_ =	strace $0x8000004D;
	[dreg:$0x5] =	wrdreg s15  }
0x5: {  	s5 =	srdreg.scid;
	s17 =	simm.s32 $0x180;
	[dreg:$0x6] =	wrdreg s16  }
0x6: {  	s6 =	simm.s32 $0x4200;
	s18 =	simm.s32 $0x1080;
	[dreg:$0x7] =	wrdreg s17  }
0x7: {  	s20 =	simm.s32 $0x1100;
	s21 =	simm.s32 $0x1180;
	[dreg:$0x8] =	wrdreg s18  }
0x8: {  	s22 =	simm.s32 $0x200;
	s23 =	simm.s32 $0x280;
	[dreg:$0x9] =	wrdreg s20  }
0x9: {  	s25 =	simm.s32 $0x300;
	s11 =	simm.s32 $0x380;
	[dreg:$0xa] =	wrdreg s21  }
0xa: {  	s12 =	simm.s32 $0x1200;
	s13 =	simm.s32 $0x1280;
	[dreg:$0xb] =	wrdreg s22  }
0xb: {  	s14 =	simm.s32 $0x1300;
	s28 =	simm.s32 $0xA80;
	[dreg:$0xc] =	wrdreg s23  }
0xc: {  	s29 =	simm.s32 $0xB00;
	s30 =	simm.s32 $0xB80;
	[dreg:$0xd] =	wrdreg s25  }
0xd: {  	s31 =	simm.s32 $0x1A00;
	s3 =	smul.u32 $0x1400, s0;
	[dreg:$0xe] =	wrdreg s11  }
0xe: {  	s5 =	sand.u32 $0x1, s5;
	s9 =	smul.u32 $0x4E000, s0;
	[dreg:$0xf] =	wrdreg s12  }
0xf: {  	s10 =	smul.u32 $0x270, s0;
	p0 =	seq.s32 s5, $0x0;
	[dreg:$0x10] =	wrdreg s13  }
0x10: {  	s19 =	ssub.s32 $0x2, s5;
	[dreg:$0x11] =	wrdreg s14;
	s15 =	simm.s32 $0x1380  }
0x11: {  	s26 =	smul.u32 $0x2710, s5;
	s17 =	simm.s32 $0x400;
	[dreg:$0x12] =	wrdreg s15  }
0x12: {  	s18 =	sshll.u32 s0, $0x6;
	s20 =	simm.s32 $0x500;
	[dreg:$0x13] =	wrdreg s17  }
0x13: {  	s5 =	smul.u32 $0x138800, s5;
	s21 =	simm.s32 $0x580;
	[dreg:$0x15] =	wrdreg s20  }
0x14: {  	s22 =	simm.s32 $0x1400;
	s23 =	simm.s32 $0x1480;
	[dreg:$0x16] =	wrdreg s21  }
0x15: {  	s25 =	simm.s32 $0x1580;
	s14 =	simm.s32 $0x1600;
	[dreg:$0x17] =	wrdreg s22  }
0x16: {  	s3 =	sadd.s32 s3, s4;
	s6 =	simm.s32 @!p0 $0x18200;
	[dreg:$0x18] =	wrdreg s23  }
0x17: {  	s8 =	sshrl.u32 s19, $0x1;
	s24 =	sshrl.u32 s9, $0x2;
	[dreg:$0x1a] =	wrdreg s25  }
0x18: {  	s12 =	sor.u32 $0x1C09, s18;
	[dreg:$0x1f] =	wrdreg s14;
	s15 =	simm.s32 $0x1680  }
0x19: {  	p0 =	sne.s32 s0, $0x0;
	s17 =	simm.s32 $0x1780;
	[smem:$0x7EE] =	sst s15  }
0x1a: {  	s14 =	simm.s32 $0x50;
	s18 =	simm.s32 $0x800;
	[smem:$0x7F0] =	sst s17  }
0x1b: {  	s20 =	simm.s32 $0x900;
	s21 =	simm.s32 $0x980;
	[smem:$0x7F1] =	sst s18  }
0x1c: {  	s22 =	simm.s32 $0x1800;
	s23 =	simm.s32 $0x1880;
	[smem:$0x7F3] =	sst s20  }
0x1d: {  	s25 =	simm.s32 $0x1980;
	s0 =	simm.s32 $0x1A80;
	[smem:$0x7F4] =	sst s21  }
0x1e: {  	s7 =	sadd.s32 $0x2C200, s3;
	s3 =	sadd.s32 s6, s3;
	[smem:$0x7F5] =	sst s22  }
0x1f: {  	s9 =	sadd.s32 s10, s26;
	s10 =	sadd.s32 $0x138000, s1;
	[smem:$0x7F6] =	sst s23  }
0x20: {  	s5 =	sshrl.u32 s5, $0x3;
	s26 =	simm.s32 $0x600;
	[smem:$0x7F8] =	sst s25  }
0x21: {  	s6 =	simm.s32 $0x680;
	s15 =	simm.s32 $0x2000;
	[smem:$0x7FB] =	sst s12  }
0x22: {  	s17 =	simm.s32 $0x7000;
	s18 =	simm.s32 $0x9800;
	[dreg:$0x3] =	wrdreg s7  }
0x23: {  	s20 =	simm.s32 $0x2;
	s21 =	simm.s32 $0x3;
	[dreg:$0x4] =	wrdreg s3  }
0x24: {  	s22 =	simm.s32 $0x4;
	s3 =	sadd.s32 $0x8E400, s4;
	[dreg:$0x1b] =	wrdreg s26  }
0x25: {  	s7 =	ssub.s32 s19, s8;
	s19 =	simm.s32 $0x480;
	[dreg:$0x1c] =	wrdreg s6  }
0x26: {  	s8 =	sadd.s32 s24, s1;
	s24 =	simm.s32 $0x1500;
	[dreg:$0x14] =	wrdreg s19  }
0x27: {  	s9 =	sshll.u32 s9, $0x4;
	s26 =	simm.s32 $0xA00;
	[dreg:$0x19] =	wrdreg s24  }
0x28: {  	s5 =	sadd.s32 $0x27000, s5;
	s16 =	sadd.s32 s3, s9;
	[smem:$0x7F9] =	sst s26  }
0x29: {  	s4 =	sadd.s32 $0xDC600, s4;
	s11 =	sadd.s32 s3, s5;
	[smem:$0x7E9] =	sst s16  }
0x2a: {  	s23 =	simm.s32 $0x5;
	s9 =	sadd.s32 s4, s9;
	[smem:$0x7EA] =	sst s11  }
0x2b: {  	s25 =	simm.s32 $0x7;
	s4 =	sadd.s32 s4, s5;
	[smem:$0x7EB] =	sst s9  }
0x2c: {  	s6 =	simm.s32 $0x1B80;
	s7 =	smax.u32 s7, $0x1;
	[smem:$0x7EC] =	sst s4  }
0x2d: {  	s13 =	sshrl.u32 s8, $0x3;
	s19 =	simm.s32 $0x880;
	[smem:$0x7ED] =	sst s7  }
0x2e: {  	s24 =	simm.s32 $0x1900;
	s26 =	simm.s32 $0x8;
	[smem:$0x7F2] =	sst s19  }
0x2f: {  	s8 =	simm.s32 $0x1C00;
	s5 =	simm.s32 $0x0;
	[smem:$0x7F7] =	sst s24  }
0x30: {  	s9 =	simm.s32 $0x700;
	s11 =	simm.s32 $0x780;
	[smem:$0x7FA] =	sst s5  }
0x31: {  	s16 =	simm.s32 $0x1700;
	s19 =	simm.s32 $0x1;
	[dreg:$0x1d] =	wrdreg s9  }
0x32: {  	s24 =	simm.s32 $0x6;
	s4 =	simm.s32 $0x1B00;
	[dreg:$0x1e] =	wrdreg s11  }
0x33: {  	s9 =	sshrl.u32 @!p0 s10, $0x3;
	s10 =	smov.u32 s13;
	[smem:$0x7EF] =	sst s16  }
0x34: {  	s7 =	simm.s32 $0xC00;
	s11 =	simm.s32 $0x9;
	[smem:$0x7FC] =	sst s10  }
0x35: {  	s13 =	simm.s32 $0x1000;
	s16 =	simm.s32 $0x4800;
	[smem:$0x7FD] =	sst s9  }
.LBB2_1:
0x36: {  	s5 =	sld [smem:$0x7E9];
	_ =	sdelay $0x2  }
0x37: {  	[spmem:s10], [sflag:s12] =	dma.local [hbm:s5], $0x2700  }
0x38: {  	_ =	swait.ge [sflag:s11], $0x2700  }
0x39: {  	s5 =	sld [smem:$0x7EA]  }
0x3a: {  	[sflag:s11] =	ssyncset.done $0x0  }
0x3b: {  	[sflag:s11] =	ssyncadd.s32 $0xFFFFD900  }
0x3c: {  	[spmem:s9], [sflag:s12] =	dma.local @!p0 [hbm:s5], $0x100  }
0x3d: {  	s5 =	simm.s32 @!p0 $0x9  }
0x3e: {  	_ =	swait.ge @!p0 [sflag:s5], $0x100  }
0x3f: {  	[sflag:s5] =	ssyncset.done @!p0 $0x0  }
0x40: {  	[sflag:s5] =	ssyncadd.s32 @!p0 $0xFFFFFF00  }
0x41: {  	[bflag:$0x0] =	sbarrier.arrive $0xFFFF  }
0x42: {  	s9 =	rddreg [dreg:$0x4]  }
0x43: {  	s5 =	sadd.s32 $0x0, s9  }
0x44: {  	[tilespmem:s2], [sflag:$0x9] =	stream.linear.gather [hbm4b:s5+s2], $0xC80, $0x38;
	[tilespmem:$0x1F880] =	vst v63  }
0x45: {  	_ =	swait.ge [sflag:s11], $0xC80  }
0x46: {  	s10 =	rddreg [dreg:$0x3];
	[sflag:s11] =	ssyncset.done $0x0  }
0x47: {  	[sflag:s11] =	ssyncadd.s32 $0xFFFFF380;
	s5 =	sadd.s32 $0x0, s10  }
0x48: {  	[tilespmem:s13], [sflag:$0x9] =	stream.linear.gather [hbm4b:s5+s2], $0xC80, $0x38;
	[tilespmem:$0x1F880] =	vst v63  }
0x49: {  	_ =	swait.ge [sflag:s11], $0xC80  }
0x4a: {  	[sflag:s11] =	ssyncset.done $0x0  }
0x4b: {  	[sflag:s11] =	ssyncadd.s32 $0xFFFFF380  }
0x4c: {  	[tilespmem:s15], [sflag:$0x1] =	stream.indirect.gather [hbm4b:s3+s14], $0x80, s2, s14, $0xb8;
	[tilespmem:$0x1F880] =	vst v63  }
0x4d: {  	s12 =	rddreg [dreg:$0x5]  }
0x4e: {  	[tilespmem:s16], [sflag:$0x2] =	stream.indirect.gather [hbm4b:s3+s14], $0x80, s12, s14, $0xb8;
	[tilespmem:$0x1F880] =	vst v63  }
0x4f: {  	s9 =	rddreg [dreg:$0x6]  }
0x50: {  	[tilespmem:s17], [sflag:$0x3] =	stream.indirect.gather [hbm4b:s3+s14], $0x80, s9, s14, $0xb8;
	[tilespmem:$0x1F880] =	vst v63  }
0x51: {  	s12 =	rddreg [dreg:$0x7]  }
0x52: {  	[tilespmem:s18], [sflag:$0x4] =	stream.indirect.gather [hbm4b:s3+s14], $0x80, s12, s14, $0xb8;
	[tilespmem:$0x1F880] =	vst v63  }
0x53: {  	_ =	swait.ge [sflag:s19], $0x2800  }
0x54: {  	[sflag:s19] =	ssyncset.done $0x0  }
0x55: {  	[sflag:s19] =	ssyncadd.s32 $0xFFFFD800  }
0x56: {  	[spmem:s1] =	stream.indirect.scatter.add.f32 [tilespmem:s15], [sflag:$0x5], $0x80, s13, s14, $0xb8;
	[tilespmem:$0x1F880] =	vst v63  }
0x57: {  	_ =	swait.ge [sflag:s20], $0x2800  }
0x58: {  	[sflag:s20] =	ssyncset.done $0x0  }
0x59: {  	s9 =	rddreg [dreg:$0x8];
	[sflag:s20] =	ssyncadd.s32 $0xFFFFD800  }
0x5a: {  	[spmem:s1] =	stream.indirect.scatter.add.f32 [tilespmem:s16], [sflag:$0x6], $0x80, s9, s14, $0xb8;
	[tilespmem:$0x1F880] =	vst v63  }
0x5b: {  	_ =	swait.ge [sflag:s21], $0x2800  }
0x5c: {  	[sflag:s21] =	ssyncset.done $0x0  }
0x5d: {  	s10 =	rddreg [dreg:$0x9];
	[sflag:s21] =	ssyncadd.s32 $0xFFFFD800  }
0x5e: {  	[spmem:s1] =	stream.indirect.scatter.add.f32 [tilespmem:s17], [sflag:$0x7], $0x80, s10, s14, $0xb8;
	[tilespmem:$0x1F880] =	vst v63  }
0x5f: {  	_ =	swait.ge [sflag:s22], $0x2800  }
0x60: {  	[sflag:s22] =	ssyncset.done $0x0  }
0x61: {  	s12 =	rddreg [dreg:$0xa];
	[sflag:s22] =	ssyncadd.s32 $0xFFFFD800  }
0x62: {  	[spmem:s1] =	stream.indirect.scatter.add.f32 [tilespmem:s18], [sflag:$0x8], $0x80, s12, s14, $0xb8;
	[tilespmem:$0x1F880] =	vst v63  }
0x63: {  	_ =	swait.ge [sflag:s23], $0x2800  }
0x64: {  	[sflag:s23] =	ssyncset.done $0x0  }
0x65: {  	s9 =	rddreg [dreg:$0xb];
	[sflag:s23] =	ssyncadd.s32 $0xFFFFD800  }
0x66: {  	[tilespmem:s15], [sflag:$0x1] =	stream.indirect.gather [hbm4b:s3+s14], $0x80, s9, s14, $0xb8;
	[tilespmem:$0x1F880] =	vst v63  }
0x67: {  	_ =	swait.ge [sflag:s24], $0x2800  }
0x68: {  	[sflag:s24] =	ssyncset.done $0x0  }
0x69: {  	s10 =	rddreg [dreg:$0xc];
	[sflag:s24] =	ssyncadd.s32 $0xFFFFD800  }
0x6a: {  	[tilespmem:s16], [sflag:$0x2] =	stream.indirect.gather [hbm4b:s3+s14], $0x80, s10, s14, $0xb8;
	[tilespmem:$0x1F880] =	vst v63  }
0x6b: {  	_ =	swait.ge [sflag:s25], $0x2800  }
0x6c: {  	[sflag:s25] =	ssyncset.done $0x0  }
0x6d: {  	s12 =	rddreg [dreg:$0xd];
	[sflag:s25] =	ssyncadd.s32 $0xFFFFD800  }
0x6e: {  	[tilespmem:s17], [sflag:$0x3] =	stream.indirect.gather [hbm4b:s3+s14], $0x80, s12, s14, $0xb8;
	[tilespmem:$0x1F880] =	vst v63  }
0x6f: {  	_ =	swait.ge [sflag:s26], $0x2800  }
0x70: {  	[sflag:s26] =	ssyncset.done $0x0  }
0x71: {  	s9 =	rddreg [dreg:$0xe];
	[sflag:s26] =	ssyncadd.s32 $0xFFFFD800  }
0x72: {  	[tilespmem:s18], [sflag:$0x4] =	stream.indirect.gather [hbm4b:s3+s14], $0x80, s9, s14, $0xb8;
	[tilespmem:$0x1F880] =	vst v63  }
0x73: {  	_ =	swait.ge [sflag:s19], $0x2800  }
0x74: {  	[sflag:s19] =	ssyncset.done $0x0  }
0x75: {  	s10 =	rddreg [dreg:$0xf];
	[sflag:s19] =	ssyncadd.s32 $0xFFFFD800  }
0x76: {  	[spmem:s1] =	stream.indirect.scatter.add.f32 [tilespmem:s15], [sflag:$0x5], $0x80, s10, s14, $0xb8;
	[tilespmem:$0x1F880] =	vst v63  }
0x77: {  	_ =	swait.ge [sflag:s20], $0x2800  }
0x78: {  	[sflag:s20] =	ssyncset.done $0x0  }
0x79: {  	s12 =	rddreg [dreg:$0x10];
	[sflag:s20] =	ssyncadd.s32 $0xFFFFD800  }
0x7a: {  	[spmem:s1] =	stream.indirect.scatter.add.f32 [tilespmem:s16], [sflag:$0x6], $0x80, s12, s14, $0xb8;
	[tilespmem:$0x1F880] =	vst v63  }
0x7b: {  	_ =	swait.ge [sflag:s21], $0x2800  }
0x7c: {  	[sflag:s21] =	ssyncset.done $0x0  }
0x7d: {  	s9 =	rddreg [dreg:$0x11];
	[sflag:s21] =	ssyncadd.s32 $0xFFFFD800  }
0x7e: {  	[spmem:s1] =	stream.indirect.scatter.add.f32 [tilespmem:s17], [sflag:$0x7], $0x80, s9, s14, $0xb8;
	[tilespmem:$0x1F880] =	vst v63  }
0x7f: {  	_ =	swait.ge [sflag:s22], $0x2800  }
0x80: {  	[sflag:s22] =	ssyncset.done $0x0  }
0x81: {  	s10 =	rddreg [dreg:$0x12];
	[sflag:s22] =	ssyncadd.s32 $0xFFFFD800  }
0x82: {  	[spmem:s1] =	stream.indirect.scatter.add.f32 [tilespmem:s18], [sflag:$0x8], $0x80, s10, s14, $0xb8;
	[tilespmem:$0x1F880] =	vst v63  }
0x83: {  	_ =	swait.ge [sflag:s23], $0x2800  }
0x84: {  	[sflag:s23] =	ssyncset.done $0x0  }
0x85: {  	s12 =	rddreg [dreg:$0x13];
	[sflag:s23] =	ssyncadd.s32 $0xFFFFD800  }
0x86: {  	[tilespmem:s15], [sflag:$0x1] =	stream.indirect.gather [hbm4b:s3+s14], $0x80, s12, s14, $0xb8;
	[tilespmem:$0x1F880] =	vst v63  }
0x87: {  	_ =	swait.ge [sflag:s24], $0x2800  }
0x88: {  	[sflag:s24] =	ssyncset.done $0x0  }
0x89: {  	s9 =	rddreg [dreg:$0x14];
	[sflag:s24] =	ssyncadd.s32 $0xFFFFD800  }
0x8a: {  	[tilespmem:s16], [sflag:$0x2] =	stream.indirect.gather [hbm4b:s3+s14], $0x80, s9, s14, $0xb8;
	[tilespmem:$0x1F880] =	vst v63  }
0x8b: {  	_ =	swait.ge [sflag:s25], $0x2800  }
0x8c: {  	[sflag:s25] =	ssyncset.done $0x0  }
0x8d: {  	s10 =	rddreg [dreg:$0x15];
	[sflag:s25] =	ssyncadd.s32 $0xFFFFD800  }
0x8e: {  	[tilespmem:s17], [sflag:$0x3] =	stream.indirect.gather [hbm4b:s3+s14], $0x80, s10, s14, $0xb8;
	[tilespmem:$0x1F880] =	vst v63  }
0x8f: {  	_ =	swait.ge [sflag:s26], $0x2800  }
0x90: {  	[sflag:s26] =	ssyncset.done $0x0  }
0x91: {  	s12 =	rddreg [dreg:$0x16];
	[sflag:s26] =	ssyncadd.s32 $0xFFFFD800  }
0x92: {  	[tilespmem:s18], [sflag:$0x4] =	stream.indirect.gather [hbm4b:s3+s14], $0x80, s12, s14, $0xb8;
	[tilespmem:$0x1F880] =	vst v63  }
0x93: {  	_ =	swait.ge [sflag:s19], $0x2800  }
0x94: {  	[sflag:s19] =	ssyncset.done $0x0  }
0x95: {  	s9 =	rddreg [dreg:$0x17];
	[sflag:s19] =	ssyncadd.s32 $0xFFFFD800  }
0x96: {  	[spmem:s1] =	stream.indirect.scatter.add.f32 [tilespmem:s15], [sflag:$0x5], $0x80, s9, s14, $0xb8;
	[tilespmem:$0x1F880] =	vst v63  }
0x97: {  	_ =	swait.ge [sflag:s20], $0x2800  }
0x98: {  	[sflag:s20] =	ssyncset.done $0x0  }
0x99: {  	s10 =	rddreg [dreg:$0x18];
	[sflag:s20] =	ssyncadd.s32 $0xFFFFD800  }
0x9a: {  	[spmem:s1] =	stream.indirect.scatter.add.f32 [tilespmem:s16], [sflag:$0x6], $0x80, s10, s14, $0xb8;
	[tilespmem:$0x1F880] =	vst v63  }
0x9b: {  	_ =	swait.ge [sflag:s21], $0x2800  }
0x9c: {  	[sflag:s21] =	ssyncset.done $0x0  }
0x9d: {  	s12 =	rddreg [dreg:$0x19];
	[sflag:s21] =	ssyncadd.s32 $0xFFFFD800  }
0x9e: {  	[spmem:s1] =	stream.indirect.scatter.add.f32 [tilespmem:s17], [sflag:$0x7], $0x80, s12, s14, $0xb8;
	[tilespmem:$0x1F880] =	vst v63  }
0x9f: {  	_ =	swait.ge [sflag:s22], $0x2800  }
0xa0: {  	[sflag:s22] =	ssyncset.done $0x0  }
0xa1: {  	s9 =	rddreg [dreg:$0x1a];
	[sflag:s22] =	ssyncadd.s32 $0xFFFFD800  }
0xa2: {  	[spmem:s1] =	stream.indirect.scatter.add.f32 [tilespmem:s18], [sflag:$0x8], $0x80, s9, s14, $0xb8;
	[tilespmem:$0x1F880] =	vst v63  }
0xa3: {  	_ =	swait.ge [sflag:s23], $0x2800  }
0xa4: {  	[sflag:s23] =	ssyncset.done $0x0  }
0xa5: {  	s10 =	rddreg [dreg:$0x1b];
	[sflag:s23] =	ssyncadd.s32 $0xFFFFD800  }
0xa6: {  	[tilespmem:s15], [sflag:$0x1] =	stream.indirect.gather [hbm4b:s3+s14], $0x80, s10, s14, $0xb8;
	[tilespmem:$0x1F880] =	vst v63  }
0xa7: {  	_ =	swait.ge [sflag:s24], $0x2800  }
0xa8: {  	[sflag:s24] =	ssyncset.done $0x0  }
0xa9: {  	s12 =	rddreg [dreg:$0x1c];
	[sflag:s24] =	ssyncadd.s32 $0xFFFFD800  }
0xaa: {  	[tilespmem:s16], [sflag:$0x2] =	stream.indirect.gather [hbm4b:s3+s14], $0x80, s12, s14, $0xb8;
	[tilespmem:$0x1F880] =	vst v63  }
0xab: {  	_ =	swait.ge [sflag:s25], $0x2800  }
0xac: {  	[sflag:s25] =	ssyncset.done $0x0  }
0xad: {  	s9 =	rddreg [dreg:$0x1d];
	[sflag:s25] =	ssyncadd.s32 $0xFFFFD800  }
0xae: {  	[tilespmem:s17], [sflag:$0x3] =	stream.indirect.gather [hbm4b:s3+s14], $0x80, s9, s14, $0xb8;
	[tilespmem:$0x1F880] =	vst v63  }
0xaf: {  	_ =	swait.ge [sflag:s26], $0x2800  }
0xb0: {  	[sflag:s26] =	ssyncset.done $0x0  }
0xb1: {  	s10 =	rddreg [dreg:$0x1e];
	[sflag:s26] =	ssyncadd.s32 $0xFFFFD800  }
0xb2: {  	[tilespmem:s18], [sflag:$0x4] =	stream.indirect.gather [hbm4b:s3+s14], $0x80, s10, s14, $0xb8;
	[tilespmem:$0x1F880] =	vst v63  }
0xb3: {  	_ =	swait.ge [sflag:s19], $0x2800  }
0xb4: {  	[sflag:s19] =	ssyncset.done $0x0  }
0xb5: {  	s12 =	rddreg [dreg:$0x1f];
	[sflag:s19] =	ssyncadd.s32 $0xFFFFD800  }
0xb6: {  	[spmem:s1] =	stream.indirect.scatter.add.f32 [tilespmem:s15], [sflag:$0x5], $0x80, s12, s14, $0xb8;
	[tilespmem:$0x1F880] =	vst v63  }
0xb7: {  	_ =	swait.ge [sflag:s20], $0x2800  }
0xb8: {  	s9 =	sld [smem:$0x7EE]  }
0xb9: {  	[sflag:s20] =	ssyncset.done $0x0  }
0xba: {  	[sflag:s20] =	ssyncadd.s32 $0xFFFFD800  }
0xbb: {  	[spmem:s1] =	stream.indirect.scatter.add.f32 [tilespmem:s16], [sflag:$0x6], $0x80, s9, s14, $0xb8;
	[tilespmem:$0x1F880] =	vst v63  }
0xbc: {  	_ =	swait.ge [sflag:s21], $0x2800  }
0xbd: {  	s10 =	sld [smem:$0x7EF]  }
0xbe: {  	[sflag:s21] =	ssyncset.done $0x0  }
0xbf: {  	[sflag:s21] =	ssyncadd.s32 $0xFFFFD800  }
0xc0: {  	[spmem:s1] =	stream.indirect.scatter.add.f32 [tilespmem:s17], [sflag:$0x7], $0x80, s10, s14, $0xb8;
	[tilespmem:$0x1F880] =	vst v63  }
0xc1: {  	_ =	swait.ge [sflag:s22], $0x2800  }
0xc2: {  	s12 =	sld [smem:$0x7F0]  }
0xc3: {  	[sflag:s22] =	ssyncset.done $0x0  }
0xc4: {  	[sflag:s22] =	ssyncadd.s32 $0xFFFFD800  }
0xc5: {  	[spmem:s1] =	stream.indirect.scatter.add.f32 [tilespmem:s18], [sflag:$0x8], $0x80, s12, s14, $0xb8;
	[tilespmem:$0x1F880] =	vst v63  }
0xc6: {  	_ =	swait.ge [sflag:s23], $0x2800  }
0xc7: {  	s9 =	sld [smem:$0x7F1]  }
0xc8: {  	[sflag:s23] =	ssyncset.done $0x0  }
0xc9: {  	[sflag:s23] =	ssyncadd.s32 $0xFFFFD800  }
0xca: {  	[tilespmem:s15], [sflag:$0x1] =	stream.indirect.gather [hbm4b:s3+s14], $0x80, s9, s14, $0xb8;
	[tilespmem:$0x1F880] =	vst v63  }
0xcb: {  	_ =	swait.ge [sflag:s24], $0x2800  }
0xcc: {  	s10 =	sld [smem:$0x7F2]  }
0xcd: {  	[sflag:s24] =	ssyncset.done $0x0  }
0xce: {  	[sflag:s24] =	ssyncadd.s32 $0xFFFFD800  }
0xcf: {  	[tilespmem:s16], [sflag:$0x2] =	stream.indirect.gather [hbm4b:s3+s14], $0x80, s10, s14, $0xb8;
	[tilespmem:$0x1F880] =	vst v63  }
0xd0: {  	_ =	swait.ge [sflag:s25], $0x2800  }
0xd1: {  	s12 =	sld [smem:$0x7F3]  }
0xd2: {  	[sflag:s25] =	ssyncset.done $0x0  }
0xd3: {  	[sflag:s25] =	ssyncadd.s32 $0xFFFFD800  }
0xd4: {  	[tilespmem:s17], [sflag:$0x3] =	stream.indirect.gather [hbm4b:s3+s14], $0x80, s12, s14, $0xb8;
	[tilespmem:$0x1F880] =	vst v63  }
0xd5: {  	_ =	swait.ge [sflag:s26], $0x2800  }
0xd6: {  	s9 =	sld [smem:$0x7F4]  }
0xd7: {  	[sflag:s26] =	ssyncset.done $0x0  }
0xd8: {  	[sflag:s26] =	ssyncadd.s32 $0xFFFFD800  }
0xd9: {  	[tilespmem:s18], [sflag:$0x4] =	stream.indirect.gather [hbm4b:s3+s14], $0x80, s9, s14, $0xb8;
	[tilespmem:$0x1F880] =	vst v63  }
0xda: {  	_ =	swait.ge [sflag:s19], $0x2800  }
0xdb: {  	s10 =	sld [smem:$0x7F5]  }
0xdc: {  	[sflag:s19] =	ssyncset.done $0x0  }
0xdd: {  	[sflag:s19] =	ssyncadd.s32 $0xFFFFD800  }
0xde: {  	[spmem:s1] =	stream.indirect.scatter.add.f32 [tilespmem:s15], [sflag:$0x5], $0x80, s10, s14, $0xb8;
	[tilespmem:$0x1F880] =	vst v63  }
0xdf: {  	_ =	swait.ge [sflag:s20], $0x2800  }
0xe0: {  	s12 =	sld [smem:$0x7F6]  }
0xe1: {  	[sflag:s20] =	ssyncset.done $0x0  }
0xe2: {  	[sflag:s20] =	ssyncadd.s32 $0xFFFFD800  }
0xe3: {  	[spmem:s1] =	stream.indirect.scatter.add.f32 [tilespmem:s16], [sflag:$0x6], $0x80, s12, s14, $0xb8;
	[tilespmem:$0x1F880] =	vst v63  }
0xe4: {  	_ =	swait.ge [sflag:s21], $0x2800  }
0xe5: {  	s9 =	sld [smem:$0x7F7]  }
0xe6: {  	[sflag:s21] =	ssyncset.done $0x0  }
0xe7: {  	[sflag:s21] =	ssyncadd.s32 $0xFFFFD800  }
0xe8: {  	[spmem:s1] =	stream.indirect.scatter.add.f32 [tilespmem:s17], [sflag:$0x7], $0x80, s9, s14, $0xb8;
	[tilespmem:$0x1F880] =	vst v63  }
0xe9: {  	_ =	swait.ge [sflag:s22], $0x2800  }
0xea: {  	s10 =	sld [smem:$0x7F8]  }
0xeb: {  	[sflag:s22] =	ssyncset.done $0x0  }
0xec: {  	[sflag:s22] =	ssyncadd.s32 $0xFFFFD800  }
0xed: {  	[spmem:s1] =	stream.indirect.scatter.add.f32 [tilespmem:s18], [sflag:$0x8], $0x80, s10, s14, $0xb8;
	[tilespmem:$0x1F880] =	vst v63  }
0xee: {  	_ =	swait.ge [sflag:s23], $0x2800  }
0xef: {  	s12 =	sld [smem:$0x7F9]  }
0xf0: {  	[sflag:s23] =	ssyncset.done $0x0  }
0xf1: {  	[sflag:s23] =	ssyncadd.s32 $0xFFFFD800  }
0xf2: {  	[tilespmem:s15], [sflag:$0x1] =	stream.indirect.gather [hbm4b:s3+s14], $0x80, s12, s14, $0xb8;
	[tilespmem:$0x1F880] =	vst v63  }
0xf3: {  	_ =	swait.ge [sflag:s24], $0x2800  }
0xf4: {  	[sflag:s24] =	ssyncset.done $0x0  }
0xf5: {  	[sflag:s24] =	ssyncadd.s32 $0xFFFFD800  }
0xf6: {  	[tilespmem:s16], [sflag:$0x2] =	stream.indirect.gather [hbm4b:s3+s14], $0x80, s28, s14, $0xb8;
	[tilespmem:$0x1F880] =	vst v63  }
0xf7: {  	_ =	swait.ge [sflag:s25], $0x2800  }
0xf8: {  	[sflag:s25] =	ssyncset.done $0x0  }
0xf9: {  	[sflag:s25] =	ssyncadd.s32 $0xFFFFD800  }
0xfa: {  	[tilespmem:s17], [sflag:$0x3] =	stream.indirect.gather [hbm4b:s3+s14], $0x80, s29, s14, $0xb8;
	[tilespmem:$0x1F880] =	vst v63  }
0xfb: {  	_ =	swait.ge [sflag:s26], $0x2800  }
0xfc: {  	[sflag:s26] =	ssyncset.done $0x0  }
0xfd: {  	[sflag:s26] =	ssyncadd.s32 $0xFFFFD800  }
0xfe: {  	[tilespmem:s18], [sflag:$0x4] =	stream.indirect.gather [hbm4b:s3+s14], $0x80, s30, s14, $0xb8;
	[tilespmem:$0x1F880] =	vst v63  }
0xff: {  	_ =	swait.ge [sflag:s19], $0x2800  }
0x100: {  	[sflag:s19] =	ssyncset.done $0x0  }
0x101: {  	[sflag:s19] =	ssyncadd.s32 $0xFFFFD800  }
0x102: {  	[spmem:s1] =	stream.indirect.scatter.add.f32 [tilespmem:s15], [sflag:$0x5], $0x80, s31, s14, $0xb8;
	[tilespmem:$0x1F880] =	vst v63  }
0x103: {  	_ =	swait.ge [sflag:s20], $0x2800  }
0x104: {  	[sflag:s20] =	ssyncset.done $0x0  }
0x105: {  	[sflag:s20] =	ssyncadd.s32 $0xFFFFD800  }
0x106: {  	[spmem:s1] =	stream.indirect.scatter.add.f32 [tilespmem:s16], [sflag:$0x6], $0x80, s0, s14, $0xb8;
	[tilespmem:$0x1F880] =	vst v63  }
0x107: {  	_ =	swait.ge [sflag:s21], $0x2800  }
0x108: {  	[sflag:s21] =	ssyncset.done $0x0  }
0x109: {  	[sflag:s21] =	ssyncadd.s32 $0xFFFFD800  }
0x10a: {  	[spmem:s1] =	stream.indirect.scatter.add.f32 [tilespmem:s17], [sflag:$0x7], $0x80, s4, s14, $0xb8;
	[tilespmem:$0x1F880] =	vst v63  }
0x10b: {  	_ =	swait.ge [sflag:s22], $0x2800  }
0x10c: {  	[sflag:s22] =	ssyncset.done $0x0  }
0x10d: {  	[sflag:s22] =	ssyncadd.s32 $0xFFFFD800  }
0x10e: {  	[spmem:s1] =	stream.indirect.scatter.add.f32 [tilespmem:s18], [sflag:$0x8], $0x80, s6, s14, $0xb8;
	[tilespmem:$0x1F880] =	vst v63  }
0x10f: {  	_ =	swait.ge [sflag:s23], $0x2800  }
0x110: {  	[sflag:s23] =	ssyncset.done $0x0  }
0x111: {  	[sflag:s23] =	ssyncadd.s32 $0xFFFFD800  }
0x112: {  	_ =	swait.ge [sflag:s24], $0x2800  }
0x113: {  	[sflag:s24] =	ssyncset.done $0x0  }
0x114: {  	[sflag:s24] =	ssyncadd.s32 $0xFFFFD800  }
0x115: {  	_ =	swait.ge [sflag:s25], $0x2800  }
0x116: {  	[sflag:s25] =	ssyncset.done $0x0  }
0x117: {  	[sflag:s25] =	ssyncadd.s32 $0xFFFFD800  }
0x118: {  	_ =	swait.ge [sflag:s26], $0x2800  }
0x119: {  	[sflag:s26] =	ssyncset.done $0x0  }
0x11a: {  	[sflag:s26] =	ssyncadd.s32 $0xFFFFD800  }
0x11b: {  	[tilespmem:s15], [sflag:$0x1] =	stream.indirect.gather [hbm4b:s3+s14], $0x80, s7, s14, $0xb8;
	[tilespmem:$0x1F880] =	vst v63  }
0x11c: {  	_ =	swait.ge [sflag:s19], $0x2800  }
0x11d: {  	[sflag:s19] =	ssyncset.done $0x0  }
0x11e: {  	[sflag:s19] =	ssyncadd.s32 $0xFFFFD800  }
0x11f: {  	[spmem:s1] =	stream.indirect.scatter.add.f32 [tilespmem:s15], [sflag:$0x5], $0x80, s8, s14, $0xb8;
	[tilespmem:$0x1F880] =	vst v63  }
0x120: {  	s10 =	simm.s32 $0x200;
	_ =	swait.ge [sflag:s23], $0x2800  }
0x121: {  	s12 =	simm.s32 $0x400;
	s5 =	rddreg [dreg:$0x4];
	[sflag:s23] =	ssyncset.done $0x0  }
.LBB2_2:
0x122: {  	[sflag:s23] =	ssyncadd.s32 $0xFFFFD800;
	s5 =	sadd.s32 s10, s5  }
0x123: {  	[tilespmem:s2], [sflag:$0x9] =	stream.linear.gather [hbm4b:s5+s2], $0xC80, $0x38;
	[tilespmem:$0x1F880] =	vst v63  }
0x124: {  	_ =	swait.ge [sflag:s11], $0xC80  }
0x125: {  	s5 =	rddreg [dreg:$0x3];
	[sflag:s11] =	ssyncset.done $0x0  }
0x126: {  	[sflag:s11] =	ssyncadd.s32 $0xFFFFF380;
	s5 =	sadd.s32 s10, s5  }
0x127: {  	[tilespmem:s13], [sflag:$0x9] =	stream.linear.gather [hbm4b:s5+s2], $0xC80, $0x38;
	[tilespmem:$0x1F880] =	vst v63  }
0x128: {  	_ =	swait.ge [sflag:s11], $0xC80  }
0x129: {  	[sflag:s11] =	ssyncset.done $0x0  }
0x12a: {  	[sflag:s11] =	ssyncadd.s32 $0xFFFFF380  }
0x12b: {  	[tilespmem:s15], [sflag:$0x1] =	stream.indirect.gather [hbm4b:s3+s14], $0x80, s2, s14, $0xb8;
	[tilespmem:$0x1F880] =	vst v63  }
0x12c: {  	s9 =	smov.u32 s12;
	s5 =	rddreg [dreg:$0x5]  }
0x12d: {  	[tilespmem:s16], [sflag:$0x2] =	stream.indirect.gather [hbm4b:s3+s14], $0x80, s5, s14, $0xb8;
	[tilespmem:$0x1F880] =	vst v63  }
0x12e: {  	s10 =	smov.u32 s9;
	s9 =	rddreg [dreg:$0x6]  }
0x12f: {  	[tilespmem:s17], [sflag:$0x3] =	stream.indirect.gather [hbm4b:s3+s14], $0x80, s9, s14, $0xb8;
	[tilespmem:$0x1F880] =	vst v63  }
0x130: {  	s5 =	rddreg [dreg:$0x7]  }
0x131: {  	[tilespmem:s18], [sflag:$0x4] =	stream.indirect.gather [hbm4b:s3+s14], $0x80, s5, s14, $0xb8;
	[tilespmem:$0x1F880] =	vst v63  }
0x132: {  	_ =	swait.ge [sflag:s19], $0x2800  }
0x133: {  	[sflag:s19] =	ssyncset.done $0x0  }
0x134: {  	[sflag:s19] =	ssyncadd.s32 $0xFFFFD800  }
0x135: {  	[spmem:s1] =	stream.indirect.scatter.add.f32 [tilespmem:s15], [sflag:$0x5], $0x80, s13, s14, $0xb8;
	[tilespmem:$0x1F880] =	vst v63  }
0x136: {  	_ =	swait.ge [sflag:s20], $0x2800  }
0x137: {  	[sflag:s20] =	ssyncset.done $0x0  }
0x138: {  	s9 =	rddreg [dreg:$0x8];
	[sflag:s20] =	ssyncadd.s32 $0xFFFFD800  }
0x139: {  	[spmem:s1] =	stream.indirect.scatter.add.f32 [tilespmem:s16], [sflag:$0x6], $0x80, s9, s14, $0xb8;
	[tilespmem:$0x1F880] =	vst v63  }
0x13a: {  	_ =	swait.ge [sflag:s21], $0x2800  }
0x13b: {  	[sflag:s21] =	ssyncset.done $0x0  }
0x13c: {  	s9 =	rddreg [dreg:$0x9];
	[sflag:s21] =	ssyncadd.s32 $0xFFFFD800  }
0x13d: {  	[spmem:s1] =	stream.indirect.scatter.add.f32 [tilespmem:s17], [sflag:$0x7], $0x80, s9, s14, $0xb8;
	[tilespmem:$0x1F880] =	vst v63  }
0x13e: {  	_ =	swait.ge [sflag:s22], $0x2800  }
0x13f: {  	[sflag:s22] =	ssyncset.done $0x0  }
0x140: {  	s9 =	rddreg [dreg:$0xa];
	[sflag:s22] =	ssyncadd.s32 $0xFFFFD800  }
0x141: {  	[spmem:s1] =	stream.indirect.scatter.add.f32 [tilespmem:s18], [sflag:$0x8], $0x80, s9, s14, $0xb8;
	[tilespmem:$0x1F880] =	vst v63  }
0x142: {  	_ =	swait.ge [sflag:s23], $0x2800  }
0x143: {  	[sflag:s23] =	ssyncset.done $0x0  }
0x144: {  	s9 =	rddreg [dreg:$0xb];
	[sflag:s23] =	ssyncadd.s32 $0xFFFFD800  }
0x145: {  	[tilespmem:s15], [sflag:$0x1] =	stream.indirect.gather [hbm4b:s3+s14], $0x80, s9, s14, $0xb8;
	[tilespmem:$0x1F880] =	vst v63  }
0x146: {  	_ =	swait.ge [sflag:s24], $0x2800  }
0x147: {  	[sflag:s24] =	ssyncset.done $0x0  }
0x148: {  	s9 =	rddreg [dreg:$0xc];
	[sflag:s24] =	ssyncadd.s32 $0xFFFFD800  }
0x149: {  	[tilespmem:s16], [sflag:$0x2] =	stream.indirect.gather [hbm4b:s3+s14], $0x80, s9, s14, $0xb8;
	[tilespmem:$0x1F880] =	vst v63  }
0x14a: {  	_ =	swait.ge [sflag:s25], $0x2800  }
0x14b: {  	[sflag:s25] =	ssyncset.done $0x0  }
0x14c: {  	s9 =	rddreg [dreg:$0xd];
	[sflag:s25] =	ssyncadd.s32 $0xFFFFD800  }
0x14d: {  	[tilespmem:s17], [sflag:$0x3] =	stream.indirect.gather [hbm4b:s3+s14], $0x80, s9, s14, $0xb8;
	[tilespmem:$0x1F880] =	vst v63  }
0x14e: {  	_ =	swait.ge [sflag:s26], $0x2800  }
0x14f: {  	[sflag:s26] =	ssyncset.done $0x0  }
0x150: {  	s9 =	rddreg [dreg:$0xe];
	[sflag:s26] =	ssyncadd.s32 $0xFFFFD800  }
0x151: {  	[tilespmem:s18], [sflag:$0x4] =	stream.indirect.gather [hbm4b:s3+s14], $0x80, s9, s14, $0xb8;
	[tilespmem:$0x1F880] =	vst v63  }
0x152: {  	_ =	swait.ge [sflag:s19], $0x2800  }
0x153: {  	[sflag:s19] =	ssyncset.done $0x0  }
0x154: {  	s9 =	rddreg [dreg:$0xf];
	[sflag:s19] =	ssyncadd.s32 $0xFFFFD800  }
0x155: {  	[spmem:s1] =	stream.indirect.scatter.add.f32 [tilespmem:s15], [sflag:$0x5], $0x80, s9, s14, $0xb8;
	[tilespmem:$0x1F880] =	vst v63  }
0x156: {  	_ =	swait.ge [sflag:s20], $0x2800  }
0x157: {  	[sflag:s20] =	ssyncset.done $0x0  }
0x158: {  	s9 =	rddreg [dreg:$0x10];
	[sflag:s20] =	ssyncadd.s32 $0xFFFFD800  }
0x159: {  	[spmem:s1] =	stream.indirect.scatter.add.f32 [tilespmem:s16], [sflag:$0x6], $0x80, s9, s14, $0xb8;
	[tilespmem:$0x1F880] =	vst v63  }
0x15a: {  	_ =	swait.ge [sflag:s21], $0x2800  }
0x15b: {  	[sflag:s21] =	ssyncset.done $0x0  }
0x15c: {  	s9 =	rddreg [dreg:$0x11];
	[sflag:s21] =	ssyncadd.s32 $0xFFFFD800  }
0x15d: {  	[spmem:s1] =	stream.indirect.scatter.add.f32 [tilespmem:s17], [sflag:$0x7], $0x80, s9, s14, $0xb8;
	[tilespmem:$0x1F880] =	vst v63  }
0x15e: {  	_ =	swait.ge [sflag:s22], $0x2800  }
0x15f: {  	[sflag:s22] =	ssyncset.done $0x0  }
0x160: {  	s9 =	rddreg [dreg:$0x12];
	[sflag:s22] =	ssyncadd.s32 $0xFFFFD800  }
0x161: {  	[spmem:s1] =	stream.indirect.scatter.add.f32 [tilespmem:s18], [sflag:$0x8], $0x80, s9, s14, $0xb8;
	[tilespmem:$0x1F880] =	vst v63  }
0x162: {  	_ =	swait.ge [sflag:s23], $0x2800  }
0x163: {  	[sflag:s23] =	ssyncset.done $0x0  }
0x164: {  	s9 =	rddreg [dreg:$0x13];
	[sflag:s23] =	ssyncadd.s32 $0xFFFFD800  }
0x165: {  	[tilespmem:s15], [sflag:$0x1] =	stream.indirect.gather [hbm4b:s3+s14], $0x80, s9, s14, $0xb8;
	[tilespmem:$0x1F880] =	vst v63  }
0x166: {  	_ =	swait.ge [sflag:s24], $0x2800  }
0x167: {  	[sflag:s24] =	ssyncset.done $0x0  }
0x168: {  	s9 =	rddreg [dreg:$0x14];
	[sflag:s24] =	ssyncadd.s32 $0xFFFFD800  }
0x169: {  	[tilespmem:s16], [sflag:$0x2] =	stream.indirect.gather [hbm4b:s3+s14], $0x80, s9, s14, $0xb8;
	[tilespmem:$0x1F880] =	vst v63  }
0x16a: {  	_ =	swait.ge [sflag:s25], $0x2800  }
0x16b: {  	[sflag:s25] =	ssyncset.done $0x0  }
0x16c: {  	s9 =	rddreg [dreg:$0x15];
	[sflag:s25] =	ssyncadd.s32 $0xFFFFD800  }
0x16d: {  	[tilespmem:s17], [sflag:$0x3] =	stream.indirect.gather [hbm4b:s3+s14], $0x80, s9, s14, $0xb8;
	[tilespmem:$0x1F880] =	vst v63  }
0x16e: {  	_ =	swait.ge [sflag:s26], $0x2800  }
0x16f: {  	[sflag:s26] =	ssyncset.done $0x0  }
0x170: {  	s9 =	rddreg [dreg:$0x16];
	[sflag:s26] =	ssyncadd.s32 $0xFFFFD800  }
0x171: {  	[tilespmem:s18], [sflag:$0x4] =	stream.indirect.gather [hbm4b:s3+s14], $0x80, s9, s14, $0xb8;
	[tilespmem:$0x1F880] =	vst v63  }
0x172: {  	_ =	swait.ge [sflag:s19], $0x2800  }
0x173: {  	[sflag:s19] =	ssyncset.done $0x0  }
0x174: {  	s9 =	rddreg [dreg:$0x17];
	[sflag:s19] =	ssyncadd.s32 $0xFFFFD800  }
0x175: {  	[spmem:s1] =	stream.indirect.scatter.add.f32 [tilespmem:s15], [sflag:$0x5], $0x80, s9, s14, $0xb8;
	[tilespmem:$0x1F880] =	vst v63  }
0x176: {  	_ =	swait.ge [sflag:s20], $0x2800  }
0x177: {  	[sflag:s20] =	ssyncset.done $0x0  }
0x178: {  	s9 =	rddreg [dreg:$0x18];
	[sflag:s20] =	ssyncadd.s32 $0xFFFFD800  }
0x179: {  	[spmem:s1] =	stream.indirect.scatter.add.f32 [tilespmem:s16], [sflag:$0x6], $0x80, s9, s14, $0xb8;
	[tilespmem:$0x1F880] =	vst v63  }
0x17a: {  	_ =	swait.ge [sflag:s21], $0x2800  }
0x17b: {  	[sflag:s21] =	ssyncset.done $0x0  }
0x17c: {  	s9 =	rddreg [dreg:$0x19];
	[sflag:s21] =	ssyncadd.s32 $0xFFFFD800  }
0x17d: {  	[spmem:s1] =	stream.indirect.scatter.add.f32 [tilespmem:s17], [sflag:$0x7], $0x80, s9, s14, $0xb8;
	[tilespmem:$0x1F880] =	vst v63  }
0x17e: {  	_ =	swait.ge [sflag:s22], $0x2800  }
0x17f: {  	[sflag:s22] =	ssyncset.done $0x0  }
0x180: {  	s9 =	rddreg [dreg:$0x1a];
	[sflag:s22] =	ssyncadd.s32 $0xFFFFD800  }
0x181: {  	[spmem:s1] =	stream.indirect.scatter.add.f32 [tilespmem:s18], [sflag:$0x8], $0x80, s9, s14, $0xb8;
	[tilespmem:$0x1F880] =	vst v63  }
0x182: {  	_ =	swait.ge [sflag:s23], $0x2800  }
0x183: {  	[sflag:s23] =	ssyncset.done $0x0  }
0x184: {  	s9 =	rddreg [dreg:$0x1b];
	[sflag:s23] =	ssyncadd.s32 $0xFFFFD800  }
0x185: {  	[tilespmem:s15], [sflag:$0x1] =	stream.indirect.gather [hbm4b:s3+s14], $0x80, s9, s14, $0xb8;
	[tilespmem:$0x1F880] =	vst v63  }
0x186: {  	_ =	swait.ge [sflag:s24], $0x2800  }
0x187: {  	[sflag:s24] =	ssyncset.done $0x0  }
0x188: {  	s9 =	rddreg [dreg:$0x1c];
	[sflag:s24] =	ssyncadd.s32 $0xFFFFD800  }
0x189: {  	[tilespmem:s16], [sflag:$0x2] =	stream.indirect.gather [hbm4b:s3+s14], $0x80, s9, s14, $0xb8;
	[tilespmem:$0x1F880] =	vst v63  }
0x18a: {  	_ =	swait.ge [sflag:s25], $0x2800  }
0x18b: {  	[sflag:s25] =	ssyncset.done $0x0  }
0x18c: {  	s9 =	rddreg [dreg:$0x1d];
	[sflag:s25] =	ssyncadd.s32 $0xFFFFD800  }
0x18d: {  	[tilespmem:s17], [sflag:$0x3] =	stream.indirect.gather [hbm4b:s3+s14], $0x80, s9, s14, $0xb8;
	[tilespmem:$0x1F880] =	vst v63  }
0x18e: {  	_ =	swait.ge [sflag:s26], $0x2800  }
0x18f: {  	[sflag:s26] =	ssyncset.done $0x0  }
0x190: {  	s9 =	rddreg [dreg:$0x1e];
	[sflag:s26] =	ssyncadd.s32 $0xFFFFD800  }
0x191: {  	[tilespmem:s18], [sflag:$0x4] =	stream.indirect.gather [hbm4b:s3+s14], $0x80, s9, s14, $0xb8;
	[tilespmem:$0x1F880] =	vst v63  }
0x192: {  	_ =	swait.ge [sflag:s19], $0x2800  }
0x193: {  	[sflag:s19] =	ssyncset.done $0x0  }
0x194: {  	s9 =	rddreg [dreg:$0x1f];
	[sflag:s19] =	ssyncadd.s32 $0xFFFFD800  }
0x195: {  	[spmem:s1] =	stream.indirect.scatter.add.f32 [tilespmem:s15], [sflag:$0x5], $0x80, s9, s14, $0xb8;
	[tilespmem:$0x1F880] =	vst v63  }
0x196: {  	_ =	swait.ge [sflag:s20], $0x2800  }
0x197: {  	s9 =	sld [smem:$0x7EE]  }
0x198: {  	[sflag:s20] =	ssyncset.done $0x0  }
0x199: {  	[sflag:s20] =	ssyncadd.s32 $0xFFFFD800  }
0x19a: {  	[spmem:s1] =	stream.indirect.scatter.add.f32 [tilespmem:s16], [sflag:$0x6], $0x80, s9, s14, $0xb8;
	[tilespmem:$0x1F880] =	vst v63  }
0x19b: {  	_ =	swait.ge [sflag:s21], $0x2800  }
0x19c: {  	s9 =	sld [smem:$0x7EF]  }
0x19d: {  	[sflag:s21] =	ssyncset.done $0x0  }
0x19e: {  	[sflag:s21] =	ssyncadd.s32 $0xFFFFD800  }
0x19f: {  	[spmem:s1] =	stream.indirect.scatter.add.f32 [tilespmem:s17], [sflag:$0x7], $0x80, s9, s14, $0xb8;
	[tilespmem:$0x1F880] =	vst v63  }
0x1a0: {  	_ =	swait.ge [sflag:s22], $0x2800  }
0x1a1: {  	s9 =	sld [smem:$0x7F0]  }
0x1a2: {  	[sflag:s22] =	ssyncset.done $0x0  }
0x1a3: {  	[sflag:s22] =	ssyncadd.s32 $0xFFFFD800  }
0x1a4: {  	[spmem:s1] =	stream.indirect.scatter.add.f32 [tilespmem:s18], [sflag:$0x8], $0x80, s9, s14, $0xb8;
	[tilespmem:$0x1F880] =	vst v63  }
0x1a5: {  	_ =	swait.ge [sflag:s23], $0x2800  }
0x1a6: {  	s9 =	sld [smem:$0x7F1]  }
0x1a7: {  	[sflag:s23] =	ssyncset.done $0x0  }
0x1a8: {  	[sflag:s23] =	ssyncadd.s32 $0xFFFFD800  }
0x1a9: {  	[tilespmem:s15], [sflag:$0x1] =	stream.indirect.gather [hbm4b:s3+s14], $0x80, s9, s14, $0xb8;
	[tilespmem:$0x1F880] =	vst v63  }
0x1aa: {  	_ =	swait.ge [sflag:s24], $0x2800  }
0x1ab: {  	s9 =	sld [smem:$0x7F2]  }
0x1ac: {  	[sflag:s24] =	ssyncset.done $0x0  }
0x1ad: {  	[sflag:s24] =	ssyncadd.s32 $0xFFFFD800  }
0x1ae: {  	[tilespmem:s16], [sflag:$0x2] =	stream.indirect.gather [hbm4b:s3+s14], $0x80, s9, s14, $0xb8;
	[tilespmem:$0x1F880] =	vst v63  }
0x1af: {  	_ =	swait.ge [sflag:s25], $0x2800  }
0x1b0: {  	s9 =	sld [smem:$0x7F3]  }
0x1b1: {  	[sflag:s25] =	ssyncset.done $0x0  }
0x1b2: {  	[sflag:s25] =	ssyncadd.s32 $0xFFFFD800  }
0x1b3: {  	[tilespmem:s17], [sflag:$0x3] =	stream.indirect.gather [hbm4b:s3+s14], $0x80, s9, s14, $0xb8;
	[tilespmem:$0x1F880] =	vst v63  }
0x1b4: {  	_ =	swait.ge [sflag:s26], $0x2800  }
0x1b5: {  	s9 =	sld [smem:$0x7F4]  }
0x1b6: {  	[sflag:s26] =	ssyncset.done $0x0  }
0x1b7: {  	[sflag:s26] =	ssyncadd.s32 $0xFFFFD800  }
0x1b8: {  	[tilespmem:s18], [sflag:$0x4] =	stream.indirect.gather [hbm4b:s3+s14], $0x80, s9, s14, $0xb8;
	[tilespmem:$0x1F880] =	vst v63  }
0x1b9: {  	_ =	swait.ge [sflag:s19], $0x2800  }
0x1ba: {  	s9 =	sld [smem:$0x7F5]  }
0x1bb: {  	[sflag:s19] =	ssyncset.done $0x0  }
0x1bc: {  	[sflag:s19] =	ssyncadd.s32 $0xFFFFD800  }
0x1bd: {  	[spmem:s1] =	stream.indirect.scatter.add.f32 [tilespmem:s15], [sflag:$0x5], $0x80, s9, s14, $0xb8;
	[tilespmem:$0x1F880] =	vst v63  }
0x1be: {  	_ =	swait.ge [sflag:s20], $0x2800  }
0x1bf: {  	s9 =	sld [smem:$0x7F6]  }
0x1c0: {  	[sflag:s20] =	ssyncset.done $0x0  }
0x1c1: {  	[sflag:s20] =	ssyncadd.s32 $0xFFFFD800  }
0x1c2: {  	[spmem:s1] =	stream.indirect.scatter.add.f32 [tilespmem:s16], [sflag:$0x6], $0x80, s9, s14, $0xb8;
	[tilespmem:$0x1F880] =	vst v63  }
0x1c3: {  	_ =	swait.ge [sflag:s21], $0x2800  }
0x1c4: {  	s9 =	sld [smem:$0x7F7]  }
0x1c5: {  	[sflag:s21] =	ssyncset.done $0x0  }
0x1c6: {  	[sflag:s21] =	ssyncadd.s32 $0xFFFFD800  }
0x1c7: {  	[spmem:s1] =	stream.indirect.scatter.add.f32 [tilespmem:s17], [sflag:$0x7], $0x80, s9, s14, $0xb8;
	[tilespmem:$0x1F880] =	vst v63  }
0x1c8: {  	_ =	swait.ge [sflag:s22], $0x2800  }
0x1c9: {  	s9 =	sld [smem:$0x7F8]  }
0x1ca: {  	[sflag:s22] =	ssyncset.done $0x0  }
0x1cb: {  	[sflag:s22] =	ssyncadd.s32 $0xFFFFD800  }
0x1cc: {  	[spmem:s1] =	stream.indirect.scatter.add.f32 [tilespmem:s18], [sflag:$0x8], $0x80, s9, s14, $0xb8;
	[tilespmem:$0x1F880] =	vst v63  }
0x1cd: {  	_ =	swait.ge [sflag:s23], $0x2800  }
0x1ce: {  	s9 =	sld [smem:$0x7F9]  }
0x1cf: {  	[sflag:s23] =	ssyncset.done $0x0  }
0x1d0: {  	[sflag:s23] =	ssyncadd.s32 $0xFFFFD800  }
0x1d1: {  	[tilespmem:s15], [sflag:$0x1] =	stream.indirect.gather [hbm4b:s3+s14], $0x80, s9, s14, $0xb8;
	[tilespmem:$0x1F880] =	vst v63  }
0x1d2: {  	_ =	swait.ge [sflag:s24], $0x2800  }
0x1d3: {  	[sflag:s24] =	ssyncset.done $0x0  }
0x1d4: {  	[sflag:s24] =	ssyncadd.s32 $0xFFFFD800  }
0x1d5: {  	[tilespmem:s16], [sflag:$0x2] =	stream.indirect.gather [hbm4b:s3+s14], $0x80, s28, s14, $0xb8;
	[tilespmem:$0x1F880] =	vst v63  }
0x1d6: {  	_ =	swait.ge [sflag:s25], $0x2800  }
0x1d7: {  	[sflag:s25] =	ssyncset.done $0x0  }
0x1d8: {  	[sflag:s25] =	ssyncadd.s32 $0xFFFFD800  }
0x1d9: {  	[tilespmem:s17], [sflag:$0x3] =	stream.indirect.gather [hbm4b:s3+s14], $0x80, s29, s14, $0xb8;
	[tilespmem:$0x1F880] =	vst v63  }
0x1da: {  	_ =	swait.ge [sflag:s26], $0x2800  }
0x1db: {  	[sflag:s26] =	ssyncset.done $0x0  }
0x1dc: {  	[sflag:s26] =	ssyncadd.s32 $0xFFFFD800  }
0x1dd: {  	[tilespmem:s18], [sflag:$0x4] =	stream.indirect.gather [hbm4b:s3+s14], $0x80, s30, s14, $0xb8;
	[tilespmem:$0x1F880] =	vst v63  }
0x1de: {  	_ =	swait.ge [sflag:s19], $0x2800  }
0x1df: {  	[sflag:s19] =	ssyncset.done $0x0  }
0x1e0: {  	[sflag:s19] =	ssyncadd.s32 $0xFFFFD800  }
0x1e1: {  	[spmem:s1] =	stream.indirect.scatter.add.f32 [tilespmem:s15], [sflag:$0x5], $0x80, s31, s14, $0xb8;
	[tilespmem:$0x1F880] =	vst v63  }
0x1e2: {  	_ =	swait.ge [sflag:s20], $0x2800  }
0x1e3: {  	[sflag:s20] =	ssyncset.done $0x0  }
0x1e4: {  	[sflag:s20] =	ssyncadd.s32 $0xFFFFD800  }
0x1e5: {  	[spmem:s1] =	stream.indirect.scatter.add.f32 [tilespmem:s16], [sflag:$0x6], $0x80, s0, s14, $0xb8;
	[tilespmem:$0x1F880] =	vst v63  }
0x1e6: {  	_ =	swait.ge [sflag:s21], $0x2800  }
0x1e7: {  	[sflag:s21] =	ssyncset.done $0x0  }
0x1e8: {  	[sflag:s21] =	ssyncadd.s32 $0xFFFFD800  }
0x1e9: {  	[spmem:s1] =	stream.indirect.scatter.add.f32 [tilespmem:s17], [sflag:$0x7], $0x80, s4, s14, $0xb8;
	[tilespmem:$0x1F880] =	vst v63  }
0x1ea: {  	_ =	swait.ge [sflag:s22], $0x2800  }
0x1eb: {  	[sflag:s22] =	ssyncset.done $0x0  }
0x1ec: {  	[sflag:s22] =	ssyncadd.s32 $0xFFFFD800  }
0x1ed: {  	[spmem:s1] =	stream.indirect.scatter.add.f32 [tilespmem:s18], [sflag:$0x8], $0x80, s6, s14, $0xb8;
	[tilespmem:$0x1F880] =	vst v63  }
0x1ee: {  	_ =	swait.ge [sflag:s23], $0x2800  }
0x1ef: {  	[sflag:s23] =	ssyncset.done $0x0  }
0x1f0: {  	[sflag:s23] =	ssyncadd.s32 $0xFFFFD800  }
0x1f1: {  	_ =	swait.ge [sflag:s24], $0x2800  }
0x1f2: {  	[sflag:s24] =	ssyncset.done $0x0  }
0x1f3: {  	[sflag:s24] =	ssyncadd.s32 $0xFFFFD800  }
0x1f4: {  	_ =	swait.ge [sflag:s25], $0x2800  }
0x1f5: {  	[sflag:s25] =	ssyncset.done $0x0  }
0x1f6: {  	[sflag:s25] =	ssyncadd.s32 $0xFFFFD800  }
0x1f7: {  	_ =	swait.ge [sflag:s26], $0x2800  }
0x1f8: {  	[sflag:s26] =	ssyncset.done $0x0  }
0x1f9: {  	[sflag:s26] =	ssyncadd.s32 $0xFFFFD800  }
0x1fa: {  	[tilespmem:s15], [sflag:$0x1] =	stream.indirect.gather [hbm4b:s3+s14], $0x80, s7, s14, $0xb8;
	[tilespmem:$0x1F880] =	vst v63  }
0x1fb: {  	p1 =	sne.s32 s12, $0x1200;
	_ =	swait.ge [sflag:s19], $0x2800  }
.Ltmp0:
0x1fc: {  	[sflag:s19] =	ssyncset.done $0x0;
	(pc) =	sbr.rel @p1 .LBB2_2-.Ltmp0, $4  }
0x1fd: {  	[sflag:s19] =	ssyncadd.s32 $0xFFFFD800  }
0x1fe: {  	[spmem:s1] =	stream.indirect.scatter.add.f32 [tilespmem:s15], [sflag:$0x5], $0x80, s8, s14, $0xb8;
	[tilespmem:$0x1F880] =	vst v63  }
0x1ff: {  	_ =	swait.ge [sflag:s23], $0x2800  }
0x200: {  	s12 =	sadd.s32 $0x200, s12;
	s5 =	rddreg [dreg:$0x4];
	[sflag:s23] =	ssyncset.done $0x0  }
0x201: {  	[sflag:s23] =	ssyncadd.s32 $0xFFFFD800;
	s5 =	sadd.s32 s10, s5  }
0x202: {  	[tilespmem:s2], [sflag:$0x9] =	stream.linear.gather [hbm4b:s5+s2], $0xC80, $0x38;
	[tilespmem:$0x1F880] =	vst v63  }
0x203: {  	_ =	swait.ge [sflag:s11], $0xC80  }
0x204: {  	s9 =	rddreg [dreg:$0x3];
	[sflag:s11] =	ssyncset.done $0x0  }
0x205: {  	[sflag:s11] =	ssyncadd.s32 $0xFFFFF380;
	s5 =	sadd.s32 s10, s9  }
0x206: {  	[tilespmem:s13], [sflag:$0x9] =	stream.linear.gather [hbm4b:s5+s2], $0xC80, $0x38;
	[tilespmem:$0x1F880] =	vst v63  }
0x207: {  	_ =	swait.ge [sflag:s11], $0xC80  }
0x208: {  	[sflag:s11] =	ssyncset.done $0x0  }
0x209: {  	[sflag:s11] =	ssyncadd.s32 $0xFFFFF380  }
0x20a: {  	[tilespmem:s15], [sflag:$0x1] =	stream.indirect.gather [hbm4b:s3+s14], $0x80, s2, s14, $0xb8;
	[tilespmem:$0x1F880] =	vst v63  }
0x20b: {  	s10 =	rddreg [dreg:$0x5]  }
0x20c: {  	[tilespmem:s16], [sflag:$0x2] =	stream.indirect.gather [hbm4b:s3+s14], $0x80, s10, s14, $0xb8;
	[tilespmem:$0x1F880] =	vst v63  }
0x20d: {  	s9 =	rddreg [dreg:$0x6]  }
0x20e: {  	[tilespmem:s17], [sflag:$0x3] =	stream.indirect.gather [hbm4b:s3+s14], $0x80, s9, s14, $0xb8;
	[tilespmem:$0x1F880] =	vst v63  }
0x20f: {  	s12 =	rddreg [dreg:$0x7]  }
0x210: {  	[tilespmem:s18], [sflag:$0x4] =	stream.indirect.gather [hbm4b:s3+s14], $0x80, s12, s14, $0xb8;
	[tilespmem:$0x1F880] =	vst v63  }
0x211: {  	_ =	swait.ge [sflag:s19], $0x2800  }
0x212: {  	[sflag:s19] =	ssyncset.done $0x0  }
0x213: {  	[sflag:s19] =	ssyncadd.s32 $0xFFFFD800  }
0x214: {  	[spmem:s1] =	stream.indirect.scatter.add.f32 [tilespmem:s15], [sflag:$0x5], $0x80, s13, s14, $0xb8;
	[tilespmem:$0x1F880] =	vst v63  }
0x215: {  	_ =	swait.ge [sflag:s20], $0x2800  }
0x216: {  	[sflag:s20] =	ssyncset.done $0x0  }
0x217: {  	s9 =	rddreg [dreg:$0x8];
	[sflag:s20] =	ssyncadd.s32 $0xFFFFD800  }
0x218: {  	[spmem:s1] =	stream.indirect.scatter.add.f32 [tilespmem:s16], [sflag:$0x6], $0x80, s9, s14, $0xb8;
	[tilespmem:$0x1F880] =	vst v63  }
0x219: {  	_ =	swait.ge [sflag:s21], $0x2800  }
0x21a: {  	[sflag:s21] =	ssyncset.done $0x0  }
0x21b: {  	s10 =	rddreg [dreg:$0x9];
	[sflag:s21] =	ssyncadd.s32 $0xFFFFD800  }
0x21c: {  	[spmem:s1] =	stream.indirect.scatter.add.f32 [tilespmem:s17], [sflag:$0x7], $0x80, s10, s14, $0xb8;
	[tilespmem:$0x1F880] =	vst v63  }
0x21d: {  	_ =	swait.ge [sflag:s22], $0x2800  }
0x21e: {  	[sflag:s22] =	ssyncset.done $0x0  }
0x21f: {  	s12 =	rddreg [dreg:$0xa];
	[sflag:s22] =	ssyncadd.s32 $0xFFFFD800  }
0x220: {  	[spmem:s1] =	stream.indirect.scatter.add.f32 [tilespmem:s18], [sflag:$0x8], $0x80, s12, s14, $0xb8;
	[tilespmem:$0x1F880] =	vst v63  }
0x221: {  	_ =	swait.ge [sflag:s23], $0x2800  }
0x222: {  	[sflag:s23] =	ssyncset.done $0x0  }
0x223: {  	s9 =	rddreg [dreg:$0xb];
	[sflag:s23] =	ssyncadd.s32 $0xFFFFD800  }
0x224: {  	[tilespmem:s15], [sflag:$0x1] =	stream.indirect.gather [hbm4b:s3+s14], $0x80, s9, s14, $0xb8;
	[tilespmem:$0x1F880] =	vst v63  }
0x225: {  	_ =	swait.ge [sflag:s24], $0x2800  }
0x226: {  	[sflag:s24] =	ssyncset.done $0x0  }
0x227: {  	s10 =	rddreg [dreg:$0xc];
	[sflag:s24] =	ssyncadd.s32 $0xFFFFD800  }
0x228: {  	[tilespmem:s16], [sflag:$0x2] =	stream.indirect.gather [hbm4b:s3+s14], $0x80, s10, s14, $0xb8;
	[tilespmem:$0x1F880] =	vst v63  }
0x229: {  	_ =	swait.ge [sflag:s25], $0x2800  }
0x22a: {  	[sflag:s25] =	ssyncset.done $0x0  }
0x22b: {  	s12 =	rddreg [dreg:$0xd];
	[sflag:s25] =	ssyncadd.s32 $0xFFFFD800  }
0x22c: {  	[tilespmem:s17], [sflag:$0x3] =	stream.indirect.gather [hbm4b:s3+s14], $0x80, s12, s14, $0xb8;
	[tilespmem:$0x1F880] =	vst v63  }
0x22d: {  	_ =	swait.ge [sflag:s26], $0x2800  }
0x22e: {  	[sflag:s26] =	ssyncset.done $0x0  }
0x22f: {  	s9 =	rddreg [dreg:$0xe];
	[sflag:s26] =	ssyncadd.s32 $0xFFFFD800  }
0x230: {  	[tilespmem:s18], [sflag:$0x4] =	stream.indirect.gather [hbm4b:s3+s14], $0x80, s9, s14, $0xb8;
	[tilespmem:$0x1F880] =	vst v63  }
0x231: {  	_ =	swait.ge [sflag:s19], $0x2800  }
0x232: {  	[sflag:s19] =	ssyncset.done $0x0  }
0x233: {  	s10 =	rddreg [dreg:$0xf];
	[sflag:s19] =	ssyncadd.s32 $0xFFFFD800  }
0x234: {  	[spmem:s1] =	stream.indirect.scatter.add.f32 [tilespmem:s15], [sflag:$0x5], $0x80, s10, s14, $0xb8;
	[tilespmem:$0x1F880] =	vst v63  }
0x235: {  	_ =	swait.ge [sflag:s20], $0x2800  }
0x236: {  	[sflag:s20] =	ssyncset.done $0x0  }
0x237: {  	s12 =	rddreg [dreg:$0x10];
	[sflag:s20] =	ssyncadd.s32 $0xFFFFD800  }
0x238: {  	[spmem:s1] =	stream.indirect.scatter.add.f32 [tilespmem:s16], [sflag:$0x6], $0x80, s12, s14, $0xb8;
	[tilespmem:$0x1F880] =	vst v63  }
0x239: {  	_ =	swait.ge [sflag:s21], $0x2800  }
0x23a: {  	[sflag:s21] =	ssyncset.done $0x0  }
0x23b: {  	s9 =	rddreg [dreg:$0x11];
	[sflag:s21] =	ssyncadd.s32 $0xFFFFD800  }
0x23c: {  	[spmem:s1] =	stream.indirect.scatter.add.f32 [tilespmem:s17], [sflag:$0x7], $0x80, s9, s14, $0xb8;
	[tilespmem:$0x1F880] =	vst v63  }
0x23d: {  	_ =	swait.ge [sflag:s22], $0x2800  }
0x23e: {  	[sflag:s22] =	ssyncset.done $0x0  }
0x23f: {  	s10 =	rddreg [dreg:$0x12];
	[sflag:s22] =	ssyncadd.s32 $0xFFFFD800  }
0x240: {  	[spmem:s1] =	stream.indirect.scatter.add.f32 [tilespmem:s18], [sflag:$0x8], $0x80, s10, s14, $0xb8;
	[tilespmem:$0x1F880] =	vst v63  }
0x241: {  	_ =	swait.ge [sflag:s23], $0x2800  }
0x242: {  	[sflag:s23] =	ssyncset.done $0x0  }
0x243: {  	s12 =	rddreg [dreg:$0x13];
	[sflag:s23] =	ssyncadd.s32 $0xFFFFD800  }
0x244: {  	[tilespmem:s15], [sflag:$0x1] =	stream.indirect.gather [hbm4b:s3+s14], $0x80, s12, s14, $0xb8;
	[tilespmem:$0x1F880] =	vst v63  }
0x245: {  	_ =	swait.ge [sflag:s24], $0x2800  }
0x246: {  	[sflag:s24] =	ssyncset.done $0x0  }
0x247: {  	s9 =	rddreg [dreg:$0x14];
	[sflag:s24] =	ssyncadd.s32 $0xFFFFD800  }
0x248: {  	[tilespmem:s16], [sflag:$0x2] =	stream.indirect.gather [hbm4b:s3+s14], $0x80, s9, s14, $0xb8;
	[tilespmem:$0x1F880] =	vst v63  }
0x249: {  	_ =	swait.ge [sflag:s25], $0x2800  }
0x24a: {  	[sflag:s25] =	ssyncset.done $0x0  }
0x24b: {  	s10 =	rddreg [dreg:$0x15];
	[sflag:s25] =	ssyncadd.s32 $0xFFFFD800  }
0x24c: {  	[tilespmem:s17], [sflag:$0x3] =	stream.indirect.gather [hbm4b:s3+s14], $0x80, s10, s14, $0xb8;
	[tilespmem:$0x1F880] =	vst v63  }
0x24d: {  	_ =	swait.ge [sflag:s26], $0x2800  }
0x24e: {  	[sflag:s26] =	ssyncset.done $0x0  }
0x24f: {  	s12 =	rddreg [dreg:$0x16];
	[sflag:s26] =	ssyncadd.s32 $0xFFFFD800  }
0x250: {  	[tilespmem:s18], [sflag:$0x4] =	stream.indirect.gather [hbm4b:s3+s14], $0x80, s12, s14, $0xb8;
	[tilespmem:$0x1F880] =	vst v63  }
0x251: {  	_ =	swait.ge [sflag:s19], $0x2800  }
0x252: {  	[sflag:s19] =	ssyncset.done $0x0  }
0x253: {  	s9 =	rddreg [dreg:$0x17];
	[sflag:s19] =	ssyncadd.s32 $0xFFFFD800  }
0x254: {  	[spmem:s1] =	stream.indirect.scatter.add.f32 [tilespmem:s15], [sflag:$0x5], $0x80, s9, s14, $0xb8;
	[tilespmem:$0x1F880] =	vst v63  }
0x255: {  	_ =	swait.ge [sflag:s20], $0x2800  }
0x256: {  	[sflag:s20] =	ssyncset.done $0x0  }
0x257: {  	s10 =	rddreg [dreg:$0x18];
	[sflag:s20] =	ssyncadd.s32 $0xFFFFD800  }
0x258: {  	[spmem:s1] =	stream.indirect.scatter.add.f32 [tilespmem:s16], [sflag:$0x6], $0x80, s10, s14, $0xb8;
	[tilespmem:$0x1F880] =	vst v63  }
0x259: {  	_ =	swait.ge [sflag:s21], $0x2800  }
0x25a: {  	[sflag:s21] =	ssyncset.done $0x0  }
0x25b: {  	s12 =	rddreg [dreg:$0x19];
	[sflag:s21] =	ssyncadd.s32 $0xFFFFD800  }
0x25c: {  	[spmem:s1] =	stream.indirect.scatter.add.f32 [tilespmem:s17], [sflag:$0x7], $0x80, s12, s14, $0xb8;
	[tilespmem:$0x1F880] =	vst v63  }
0x25d: {  	_ =	swait.ge [sflag:s22], $0x2800  }
0x25e: {  	[sflag:s22] =	ssyncset.done $0x0  }
0x25f: {  	s9 =	rddreg [dreg:$0x1a];
	[sflag:s22] =	ssyncadd.s32 $0xFFFFD800  }
0x260: {  	[spmem:s1] =	stream.indirect.scatter.add.f32 [tilespmem:s18], [sflag:$0x8], $0x80, s9, s14, $0xb8;
	[tilespmem:$0x1F880] =	vst v63  }
0x261: {  	_ =	swait.ge [sflag:s23], $0x2800  }
0x262: {  	[sflag:s23] =	ssyncset.done $0x0  }
0x263: {  	s10 =	rddreg [dreg:$0x1b];
	[sflag:s23] =	ssyncadd.s32 $0xFFFFD800  }
0x264: {  	[tilespmem:s15], [sflag:$0x1] =	stream.indirect.gather [hbm4b:s3+s14], $0x80, s10, s14, $0xb8;
	[tilespmem:$0x1F880] =	vst v63  }
0x265: {  	_ =	swait.ge [sflag:s24], $0x2800  }
0x266: {  	[sflag:s24] =	ssyncset.done $0x0  }
0x267: {  	s12 =	rddreg [dreg:$0x1c];
	[sflag:s24] =	ssyncadd.s32 $0xFFFFD800  }
0x268: {  	[tilespmem:s16], [sflag:$0x2] =	stream.indirect.gather [hbm4b:s3+s14], $0x80, s12, s14, $0xb8;
	[tilespmem:$0x1F880] =	vst v63  }
0x269: {  	_ =	swait.ge [sflag:s25], $0x2800  }
0x26a: {  	[sflag:s25] =	ssyncset.done $0x0  }
0x26b: {  	s9 =	rddreg [dreg:$0x1d];
	[sflag:s25] =	ssyncadd.s32 $0xFFFFD800  }
0x26c: {  	[tilespmem:s17], [sflag:$0x3] =	stream.indirect.gather [hbm4b:s3+s14], $0x80, s9, s14, $0xb8;
	[tilespmem:$0x1F880] =	vst v63  }
0x26d: {  	_ =	swait.ge [sflag:s26], $0x2800  }
0x26e: {  	[sflag:s26] =	ssyncset.done $0x0  }
0x26f: {  	s10 =	rddreg [dreg:$0x1e];
	[sflag:s26] =	ssyncadd.s32 $0xFFFFD800  }
0x270: {  	[tilespmem:s18], [sflag:$0x4] =	stream.indirect.gather [hbm4b:s3+s14], $0x80, s10, s14, $0xb8;
	[tilespmem:$0x1F880] =	vst v63  }
0x271: {  	_ =	swait.ge [sflag:s19], $0x2800  }
0x272: {  	[sflag:s19] =	ssyncset.done $0x0  }
0x273: {  	s12 =	rddreg [dreg:$0x1f];
	[sflag:s19] =	ssyncadd.s32 $0xFFFFD800  }
0x274: {  	[spmem:s1] =	stream.indirect.scatter.add.f32 [tilespmem:s15], [sflag:$0x5], $0x80, s12, s14, $0xb8;
	[tilespmem:$0x1F880] =	vst v63  }
0x275: {  	_ =	swait.ge [sflag:s20], $0x2800  }
0x276: {  	s9 =	sld [smem:$0x7EE]  }
0x277: {  	[sflag:s20] =	ssyncset.done $0x0  }
0x278: {  	[sflag:s20] =	ssyncadd.s32 $0xFFFFD800  }
0x279: {  	[spmem:s1] =	stream.indirect.scatter.add.f32 [tilespmem:s16], [sflag:$0x6], $0x80, s9, s14, $0xb8;
	[tilespmem:$0x1F880] =	vst v63  }
0x27a: {  	_ =	swait.ge [sflag:s21], $0x2800  }
0x27b: {  	s10 =	sld [smem:$0x7EF]  }
0x27c: {  	[sflag:s21] =	ssyncset.done $0x0  }
0x27d: {  	[sflag:s21] =	ssyncadd.s32 $0xFFFFD800  }
0x27e: {  	[spmem:s1] =	stream.indirect.scatter.add.f32 [tilespmem:s17], [sflag:$0x7], $0x80, s10, s14, $0xb8;
	[tilespmem:$0x1F880] =	vst v63  }
0x27f: {  	_ =	swait.ge [sflag:s22], $0x2800  }
0x280: {  	s12 =	sld [smem:$0x7F0]  }
0x281: {  	[sflag:s22] =	ssyncset.done $0x0  }
0x282: {  	[sflag:s22] =	ssyncadd.s32 $0xFFFFD800  }
0x283: {  	[spmem:s1] =	stream.indirect.scatter.add.f32 [tilespmem:s18], [sflag:$0x8], $0x80, s12, s14, $0xb8;
	[tilespmem:$0x1F880] =	vst v63  }
0x284: {  	_ =	swait.ge [sflag:s23], $0x2800  }
0x285: {  	s9 =	sld [smem:$0x7F1]  }
0x286: {  	[sflag:s23] =	ssyncset.done $0x0  }
0x287: {  	[sflag:s23] =	ssyncadd.s32 $0xFFFFD800  }
0x288: {  	[tilespmem:s15], [sflag:$0x1] =	stream.indirect.gather [hbm4b:s3+s14], $0x80, s9, s14, $0xb8;
	[tilespmem:$0x1F880] =	vst v63  }
0x289: {  	_ =	swait.ge [sflag:s24], $0x2800  }
0x28a: {  	s10 =	sld [smem:$0x7F2]  }
0x28b: {  	[sflag:s24] =	ssyncset.done $0x0  }
0x28c: {  	[sflag:s24] =	ssyncadd.s32 $0xFFFFD800  }
0x28d: {  	[tilespmem:s16], [sflag:$0x2] =	stream.indirect.gather [hbm4b:s3+s14], $0x80, s10, s14, $0xb8;
	[tilespmem:$0x1F880] =	vst v63  }
0x28e: {  	_ =	swait.ge [sflag:s25], $0x2800  }
0x28f: {  	s12 =	sld [smem:$0x7F3]  }
0x290: {  	[sflag:s25] =	ssyncset.done $0x0  }
0x291: {  	[sflag:s25] =	ssyncadd.s32 $0xFFFFD800  }
0x292: {  	[tilespmem:s17], [sflag:$0x3] =	stream.indirect.gather [hbm4b:s3+s14], $0x80, s12, s14, $0xb8;
	[tilespmem:$0x1F880] =	vst v63  }
0x293: {  	_ =	swait.ge [sflag:s26], $0x2800  }
0x294: {  	s9 =	sld [smem:$0x7F4]  }
0x295: {  	[sflag:s26] =	ssyncset.done $0x0  }
0x296: {  	[sflag:s26] =	ssyncadd.s32 $0xFFFFD800  }
0x297: {  	[tilespmem:s18], [sflag:$0x4] =	stream.indirect.gather [hbm4b:s3+s14], $0x80, s9, s14, $0xb8;
	[tilespmem:$0x1F880] =	vst v63  }
0x298: {  	_ =	swait.ge [sflag:s19], $0x2800  }
0x299: {  	s10 =	sld [smem:$0x7F5]  }
0x29a: {  	[sflag:s19] =	ssyncset.done $0x0  }
0x29b: {  	[sflag:s19] =	ssyncadd.s32 $0xFFFFD800  }
0x29c: {  	[spmem:s1] =	stream.indirect.scatter.add.f32 [tilespmem:s15], [sflag:$0x5], $0x80, s10, s14, $0xb8;
	[tilespmem:$0x1F880] =	vst v63  }
0x29d: {  	_ =	swait.ge [sflag:s20], $0x2800  }
0x29e: {  	s12 =	sld [smem:$0x7F6]  }
0x29f: {  	[sflag:s20] =	ssyncset.done $0x0  }
0x2a0: {  	[sflag:s20] =	ssyncadd.s32 $0xFFFFD800  }
0x2a1: {  	[spmem:s1] =	stream.indirect.scatter.add.f32 [tilespmem:s16], [sflag:$0x6], $0x80, s12, s14, $0xb8;
	[tilespmem:$0x1F880] =	vst v63  }
0x2a2: {  	_ =	swait.ge [sflag:s21], $0x2800  }
0x2a3: {  	s9 =	sld [smem:$0x7F7]  }
0x2a4: {  	[sflag:s21] =	ssyncset.done $0x0  }
0x2a5: {  	[sflag:s21] =	ssyncadd.s32 $0xFFFFD800  }
0x2a6: {  	[spmem:s1] =	stream.indirect.scatter.add.f32 [tilespmem:s17], [sflag:$0x7], $0x80, s9, s14, $0xb8;
	[tilespmem:$0x1F880] =	vst v63  }
0x2a7: {  	_ =	swait.ge [sflag:s22], $0x2800  }
0x2a8: {  	s10 =	sld [smem:$0x7F8]  }
0x2a9: {  	[sflag:s22] =	ssyncset.done $0x0  }
0x2aa: {  	[sflag:s22] =	ssyncadd.s32 $0xFFFFD800  }
0x2ab: {  	[spmem:s1] =	stream.indirect.scatter.add.f32 [tilespmem:s18], [sflag:$0x8], $0x80, s10, s14, $0xb8;
	[tilespmem:$0x1F880] =	vst v63  }
0x2ac: {  	_ =	swait.ge [sflag:s23], $0x2800  }
0x2ad: {  	s12 =	sld [smem:$0x7F9]  }
0x2ae: {  	[sflag:s23] =	ssyncset.done $0x0  }
0x2af: {  	[sflag:s23] =	ssyncadd.s32 $0xFFFFD800  }
0x2b0: {  	[tilespmem:s15], [sflag:$0x1] =	stream.indirect.gather [hbm4b:s3+s14], $0x80, s12, s14, $0xb8;
	[tilespmem:$0x1F880] =	vst v63  }
0x2b1: {  	_ =	swait.ge [sflag:s24], $0x2800  }
0x2b2: {  	[sflag:s24] =	ssyncset.done $0x0  }
0x2b3: {  	[sflag:s24] =	ssyncadd.s32 $0xFFFFD800  }
0x2b4: {  	[tilespmem:s16], [sflag:$0x2] =	stream.indirect.gather [hbm4b:s3+s14], $0x80, s28, s14, $0xb8;
	[tilespmem:$0x1F880] =	vst v63  }
0x2b5: {  	_ =	swait.ge [sflag:s25], $0x2800  }
0x2b6: {  	[sflag:s25] =	ssyncset.done $0x0  }
0x2b7: {  	[sflag:s25] =	ssyncadd.s32 $0xFFFFD800  }
0x2b8: {  	[tilespmem:s17], [sflag:$0x3] =	stream.indirect.gather [hbm4b:s3+s14], $0x80, s29, s14, $0xb8;
	[tilespmem:$0x1F880] =	vst v63  }
0x2b9: {  	_ =	swait.ge [sflag:s26], $0x2800  }
0x2ba: {  	[sflag:s26] =	ssyncset.done $0x0  }
0x2bb: {  	[sflag:s26] =	ssyncadd.s32 $0xFFFFD800  }
0x2bc: {  	[tilespmem:s18], [sflag:$0x4] =	stream.indirect.gather [hbm4b:s3+s14], $0x80, s30, s14, $0xb8;
	[tilespmem:$0x1F880] =	vst v63  }
0x2bd: {  	_ =	swait.ge [sflag:s19], $0x2800  }
0x2be: {  	[sflag:s19] =	ssyncset.done $0x0  }
0x2bf: {  	[sflag:s19] =	ssyncadd.s32 $0xFFFFD800  }
0x2c0: {  	[spmem:s1] =	stream.indirect.scatter.add.f32 [tilespmem:s15], [sflag:$0x5], $0x80, s31, s14, $0xb8;
	[tilespmem:$0x1F880] =	vst v63  }
0x2c1: {  	_ =	swait.ge [sflag:s20], $0x2800  }
0x2c2: {  	[sflag:s20] =	ssyncset.done $0x0  }
0x2c3: {  	[sflag:s20] =	ssyncadd.s32 $0xFFFFD800  }
0x2c4: {  	[spmem:s1] =	stream.indirect.scatter.add.f32 [tilespmem:s16], [sflag:$0x6], $0x80, s0, s14, $0xb8;
	[tilespmem:$0x1F880] =	vst v63  }
0x2c5: {  	_ =	swait.ge [sflag:s21], $0x2800  }
0x2c6: {  	[sflag:s21] =	ssyncset.done $0x0  }
0x2c7: {  	[sflag:s21] =	ssyncadd.s32 $0xFFFFD800  }
0x2c8: {  	[spmem:s1] =	stream.indirect.scatter.add.f32 [tilespmem:s17], [sflag:$0x7], $0x80, s4, s14, $0xb8;
	[tilespmem:$0x1F880] =	vst v63  }
0x2c9: {  	_ =	swait.ge [sflag:s22], $0x2800  }
0x2ca: {  	[sflag:s22] =	ssyncset.done $0x0  }
0x2cb: {  	[sflag:s22] =	ssyncadd.s32 $0xFFFFD800  }
0x2cc: {  	[spmem:s1] =	stream.indirect.scatter.add.f32 [tilespmem:s18], [sflag:$0x8], $0x80, s6, s14, $0xb8;
	[tilespmem:$0x1F880] =	vst v63  }
0x2cd: {  	_ =	swait.ge [sflag:s23], $0x2800  }
0x2ce: {  	[sflag:s23] =	ssyncset.done $0x0  }
0x2cf: {  	[sflag:s23] =	ssyncadd.s32 $0xFFFFD800  }
0x2d0: {  	_ =	swait.ge [sflag:s24], $0x2800  }
0x2d1: {  	[sflag:s24] =	ssyncset.done $0x0  }
0x2d2: {  	[sflag:s24] =	ssyncadd.s32 $0xFFFFD800  }
0x2d3: {  	_ =	swait.ge [sflag:s25], $0x2800  }
0x2d4: {  	[sflag:s25] =	ssyncset.done $0x0  }
0x2d5: {  	[sflag:s25] =	ssyncadd.s32 $0xFFFFD800  }
0x2d6: {  	_ =	swait.ge [sflag:s26], $0x2800  }
0x2d7: {  	[sflag:s26] =	ssyncset.done $0x0  }
0x2d8: {  	[sflag:s26] =	ssyncadd.s32 $0xFFFFD800  }
0x2d9: {  	[tilespmem:s15], [sflag:$0x1] =	stream.indirect.gather [hbm4b:s3+s14], $0x80, s7, s14, $0xb8;
	[tilespmem:$0x1F880] =	vst v63  }
0x2da: {  	_ =	swait.ge [sflag:s19], $0x2800  }
0x2db: {  	[sflag:s19] =	ssyncset.done $0x0  }
0x2dc: {  	[sflag:s19] =	ssyncadd.s32 $0xFFFFD800  }
0x2dd: {  	[spmem:s1] =	stream.indirect.scatter.add.f32 [tilespmem:s15], [sflag:$0x5], $0x80, s8, s14, $0xb8;
	[tilespmem:$0x1F880] =	vst v63  }
0x2de: {  	_ =	swait.ge [sflag:s23], $0x2800  }
0x2df: {  	[sflag:s23] =	ssyncset.done $0x0  }
0x2e0: {  	[sflag:s23] =	ssyncadd.s32 $0xFFFFD800  }
0x2e1: {  	[bflag:$0x0] =	sbarrier.arrive $0xFFFF  }
0x2e2: {  	s12 =	sld [smem:$0x7FB]  }
0x2e3: {  	s9 =	sld [smem:$0x7EB]  }
0x2e4: {  	s10 =	sld [smem:$0x7FC];
	_ =	sdelay $0x2  }
0x2e5: {  	[hbm:s9], [sflag:s12] =	dma.local [spmem:s10], $0x2700  }
0x2e6: {  	_ =	swait.ge [sflag:s11], $0x2700  }
0x2e7: {  	s5 =	sld [smem:$0x7EC]  }
0x2e8: {  	s10 =	sld [smem:$0x7FD]  }
0x2e9: {  	[sflag:s11] =	ssyncset.done $0x0  }
0x2ea: {  	s9 =	simm.s32 @!p0 $0x9;
	[sflag:s11] =	ssyncadd.s32 $0xFFFFD900  }
0x2eb: {  	[hbm:s5], [sflag:s12] =	dma.local @!p0 [spmem:s10], $0x100  }
0x2ec: {  	_ =	swait.ge @!p0 [sflag:s9], $0x100  }
0x2ed: {  	s5 =	sld [smem:$0x7FA]  }
0x2ee: {  	[sflag:s9] =	ssyncset.done @!p0 $0x0;
	s9 =	sld [smem:$0x7ED];
	_ =	sdelay $0x1  }
0x2ef: {  	s5 =	sadd.s32 $0x1, s5  }
0x2f0: {  	p1 =	sne.s32 s5, s9  }
.Ltmp1:
0x2f1: {  	_ = 	snop;
	(pc) =	sbr.rel @p1 .LBB2_1-.Ltmp1, $3  }
0x2f2: {  	_ =	sdelay $0x1  }
0x2f3: {  	[smem:$0x7FA] =	sst s5;
	s5 =	simm.s32 @!p0 $0x9  }
0x2f4: {  	s9 =	smov.u32 s10;
	s10 =	sld [smem:$0x7FC];
	[sflag:s5] =	ssyncadd.s32 @!p0 $0xFFFFFF00  }
0x2f5: {  	_ =	sfence.sel $0x180000  }
0x2f6: {  	[bflag:$0x0] =	sbarrier.arrive $0xFFFF  }
0x2f7: {  	_ =	strace $0x9000004D  }
0x2f8: {  	[bflag:$0x2] =	sbarrier.arrive $0xFFFF  }
0x2f9: {  	s0 =	rddreg [dreg:$0x2]  }
0x2fa: {  	s0 =	sadd.s32 @!p0 $0x100000, s0  }
0x2fb: {  	[sflag:s0] =	ssyncadd.tile.s32 @!p0 $0x1;
	_ =	shalt  }
.Lfunc_end2:
_tile_overlayer_lowered:
.L_overlay_start_2:
0x2fc: {  	(tag) =	ssettag $0x2  }
0x2fd: {  	s0 =	rddreg [dreg:$0x0];
	s2 =	stileid.u32  }
0x2fe: {  	s1 =	rddreg [dreg:$0x1];
	p0 =	sne.s32 s2, $0x0  }
0x2ff: {  	s3 =	rddreg [dreg:$0x2];
	[bflag:$0x3] =	sbarrier.arrive $0xFFFF;
	s2 =	simm.s32 @!p0 $0x1C09  }
0x300: {  	[timem:s3], [sflag:s2] =	dma.local @!p0 [hbm:s0], s1  }
0x301: {  	s0 =	simm.s32 @!p0 $0x9  }
0x302: {  	_ =	swait.ge @!p0 [sflag:s0], s1  }
0x303: {  	s1 =	ssub.s32 @!p0 $0x0, s1;
	[sflag:s0] =	ssyncset.done @!p0 $0x0  }
0x304: {  	[sflag:s0] =	ssyncadd.s32 @!p0 s1  }
0x305: {  	[bflag:$0x3] =	sbarrier.arrive $0xFFFF  }
0x306: {  	_ =	shalt  }

</sc_bundles>
